<compile_context>
chip_gen: v7x
topology: tpu7x:2x2x1
jax: 0.10.2.dev20260603
libtpu: 0.0.44.dev20260713+nightly
codegen_flags: <defaults>
</compile_context>

<pallas_src>
import functools

import jax
import jax.numpy as jnp
from jax import lax
from jax.experimental import pallas as pl
from jax.experimental.pallas import tpu as pltpu
from jax.experimental.pallas import tpu_sc as plsc

N_NODES = 10000
D = 128
E = 320000
L = 16
NC = 2
NS = 16
NW = NC * NS
E_PER = 10080
E_PAD = NW * E_PER
K = 80
NCHUNK = E_PER // K
PAIRS = NCHUNK // 2
N_ACC = 10240
ROWS_PER_TILE = N_ACC // NS
ZROWS = 128


def _mm_body(x_ref, w_ref, o_ref):
    o_ref[...] = jnp.dot(x_ref[...], w_ref[...], preferred_element_type=jnp.float32)


def _matmul(x, W):
    M = x.shape[0]
    BM = 1000
    return pl.pallas_call(
        _mm_body,
        grid=(M // BM,),
        in_specs=[
            pl.BlockSpec((BM, D), lambda i: (i, 0)),
            pl.BlockSpec((D, D), lambda i: (0, 0)),
        ],
        out_specs=pl.BlockSpec((BM, D), lambda i: (i, 0)),
        out_shape=jax.ShapeDtypeStruct((M, D), jnp.float32),
    )(x, W)


def _fin_body(p_ref, a_ref, o_ref):
    s = p_ref[0] + p_ref[1]
    a = a_ref[0]
    o_ref[...] = jnp.where(s >= 0.0, s, a * s)


def _finish(partials, prelu_a):
    BM = 1000
    return pl.pallas_call(
        _fin_body,
        grid=(N_NODES // BM,),
        in_specs=[
            pl.BlockSpec((NC, BM, D), lambda i: (0, i, 0)),
            pl.BlockSpec(memory_space=pltpu.SMEM),
        ],
        out_specs=pl.BlockSpec((BM, D), lambda i: (i, 0)),
        out_shape=jax.ShapeDtypeStruct((N_NODES, D), jnp.float32),
    )(partials, prelu_a)


def _lane_splat(v, lane):
    return lax.gather(
        v,
        jnp.full((L, 1), lane, jnp.int32),
        dimension_numbers=lax.GatherDimensionNumbers(
            offset_dims=(), collapsed_slice_dims=(0,), start_index_map=(0,)),
        slice_sizes=(1,),
        mode=lax.GatherScatterMode.PROMISE_IN_BOUNDS,
    )


def _sc_spmm(h, row3, col1, vals1):
    mesh = plsc.VectorSubcoreMesh(core_axis_name="c", subcore_axis_name="s")

    @functools.partial(
        pl.kernel,
        mesh=mesh,
        out_type=jax.ShapeDtypeStruct((NC, N_ACC, D), jnp.float32),
        scratch_types=[
            pltpu.VMEM((E_PER,), jnp.int32),
            pltpu.VMEM((NCHUNK, K), jnp.int32),
            pltpu.VMEM((K,), jnp.float32),
            pltpu.VMEM((K,), jnp.float32),
            pltpu.VMEM((K, D), jnp.float32),
            pltpu.VMEM((K, D), jnp.float32),
            pltpu.VMEM_SHARED((N_ACC, D), jnp.float32),
            pltpu.SemaphoreType.DMA,
            pltpu.SemaphoreType.DMA,
        ],
    )
    def spmm(h_hbm, row_hbm, col_hbm, vals_hbm, out_hbm,
             col_v, row2_v, vbuf0, vbuf1, buf0, buf1, acc, sem0, sem1):
        c = lax.axis_index("c")
        s = lax.axis_index("s")
        wid = c * NS + s
        ebase = wid * E_PER

        pltpu.sync_copy(col_hbm.at[pl.ds(ebase, E_PER)], col_v)
        pltpu.sync_copy(row_hbm.at[wid], row2_v)

        zero16 = jnp.zeros((L,), jnp.float32)

        def zrow(i, carry):
            for j in range(D // L):
                buf0[i, pl.ds(j * L, L)] = zero16
            return carry

        lax.fori_loop(0, K, zrow, 0)
        for z in range(ROWS_PER_TILE // K):
            pltpu.sync_copy(
                buf0, acc.at[pl.ds(s * ROWS_PER_TILE + z * K, K)])
        plsc.subcore_barrier()

        def gather_start(ci, buf, vbuf, sem):
            pltpu.async_copy(h_hbm.at[col_v.at[pl.ds(ci * K, K)]], buf, sem)
            pltpu.async_copy(vals_hbm.at[pl.ds(ebase + ci * K, K)], vbuf, sem)

        def gather_wait(ci, buf, vbuf, sem):
            pltpu.make_async_copy(
                h_hbm.at[col_v.at[pl.ds(ci * K, K)]], buf, sem).wait()
            pltpu.make_async_copy(
                vals_hbm.at[pl.ds(ebase + ci * K, K)], vbuf, sem).wait()

        def scale(buf, vbuf):
            def grp(g, carry):
                vv = vbuf[pl.ds(g * L, L)]
                for lane in range(L):
                    sp = _lane_splat(vv, lane)
                    e = g * L + lane
                    for j in range(D // L):
                        buf[e, pl.ds(j * L, L)] = buf[e, pl.ds(j * L, L)] * sp
                return carry
            lax.fori_loop(0, K // L, grp, 0)

        def process(ci, buf, vbuf):
            scale(buf, vbuf)
            pltpu.sync_copy(buf, acc.at[row2_v.at[ci]], add=True)

        gather_start(0, buf0, vbuf0, sem0)

        def pair(p, carry):
            c0 = 2 * p
            gather_start(c0 + 1, buf1, vbuf1, sem1)
            gather_wait(c0, buf0, vbuf0, sem0)
            process(c0, buf0, vbuf0)

            @pl.when(p < PAIRS - 1)
            def _():
                gather_start(c0 + 2, buf0, vbuf0, sem0)

            gather_wait(c0 + 1, buf1, vbuf1, sem1)
            process(c0 + 1, buf1, vbuf1)
            return carry

        lax.fori_loop(0, PAIRS, pair, 0)

        plsc.subcore_barrier()
        for z in range(ROWS_PER_TILE // ZROWS):
            base = s * ROWS_PER_TILE + z * ZROWS
            pltpu.sync_copy(acc.at[pl.ds(base, ZROWS)],
                            out_hbm.at[c, pl.ds(base, ZROWS)])

    return spmm(h, row3, col1, vals1)


def kernel(x, edge_index, adj_vals, W, prelu_a):
    h = _matmul(x, W)
    row = edge_index[0].astype(jnp.int32)
    col = edge_index[1].astype(jnp.int32)
    pad = E_PAD - E
    row3 = jnp.pad(row, (0, pad)).reshape(NW, NCHUNK, K)
    col1 = jnp.pad(col, (0, pad))
    vals1 = jnp.pad(adj_vals, (0, pad))
    partials = _sc_spmm(h, row3, col1, vals1)[:, :N_NODES]
    a = jnp.reshape(prelu_a, (1,)).astype(jnp.float32)
    return _finish(partials, a)

# --- scband reference (transcript-rebuilt; emitter-appended) ---
"""Pipeline reference for scband-graph-conv-6648609374671 (READ-ONLY COPY).

The authoritative reference and input builder live on the scoring server;
editing this copy changes nothing except your own understanding.
"""

import jax, jax.numpy as jnp
import numpy as np

N_NODES = 10000
N_EDGES = 320000
D_IN = 128
D_OUT = 128


def setup_inputs(seed: int = 0) -> dict:
    key = jax.random.key(seed)
    kx, ke, kv, kw = (jax.random.fold_in(key, i) for i in range(4))
    x = jax.random.normal(kx, (N_NODES, D_IN), dtype=jnp.float32)
    edge_index = jax.random.randint(ke, (2, N_EDGES), 0, N_NODES, dtype=jnp.int64)
    adj_vals = jax.random.uniform(kv, (N_EDGES,), dtype=jnp.float32)
    # Xavier-style uniform init: stdv = 1/sqrt(output_dim)
    stdv = 1.0 / np.sqrt(D_OUT)
    W = jax.random.uniform(kw, (D_IN, D_OUT), dtype=jnp.float32, minval=-stdv, maxval=stdv)
    # PReLU learnable slope (single parameter, torch default init 0.25)
    prelu_a = jnp.asarray(0.25, dtype=jnp.float32)
    return {"x": x, "edge_index": edge_index, "adj_vals": adj_vals, "W": W, "prelu_a": prelu_a}


def reference(x, edge_index, adj_vals, W, prelu_a):
    # x_hidden = dropout(x @ W); gc_drop=0.0 -> identity
    x_hidden = jnp.dot(x, W)
    # spmm(adj, x_hidden): adj in COO with row=edge_index[0], col=edge_index[1]
    row = edge_index[0]
    col = edge_index[1]
    msgs = jnp.take(x_hidden, col, axis=0) * adj_vals[:, None]
    agg = jax.ops.segment_sum(msgs, row, num_segments=x.shape[0])
    # PReLU activation: max(0, x) + a * min(0, x)
    out = jnp.where(agg >= 0, agg, prelu_a * agg)
    return out

if __name__ == "__main__":
    import jax
    _d = setup_inputs()
    print(jax.jit(kernel)(*tuple(_d.values())))

</pallas_src>

<mosaic_0001>
#map = affine_map<(d0, d1) -> (0, 0)>
#map1 = affine_map<(d0, d1) -> (0, 0, 0)>
#map2 = affine_map<(d0, d1) -> (0)>
module attributes {stable_mosaic.version = 14 : i64} {
  func.func @spmm(%arg0: i32, %arg1: i32, %arg2: memref<10000x128xf32, #tpu.memory_space<hbm>>, %arg3: memref<32x126x80xi32, #tpu.memory_space<hbm>>, %arg4: memref<322560xi32, #tpu.memory_space<hbm>>, %arg5: memref<322560xf32, #tpu.memory_space<hbm>>, %arg6: memref<2x10240x128xf32, #tpu.memory_space<hbm>>, %arg7: memref<10080xi32, #tpu.memory_space<vmem>>, %arg8: memref<126x80xi32, #tpu.memory_space<vmem>>, %arg9: memref<80xf32, #tpu.memory_space<vmem>>, %arg10: memref<80xf32, #tpu.memory_space<vmem>>, %arg11: memref<80x128xf32, #tpu.memory_space<vmem>>, %arg12: memref<80x128xf32, #tpu.memory_space<vmem>>, %arg13: memref<10240x128xf32, #tpu.memory_space<vmem_shared>>, %arg14: memref<!tpu.dma_semaphore, #tpu.memory_space<semaphore_mem>>, %arg15: memref<!tpu.dma_semaphore, #tpu.memory_space<semaphore_mem>>) attributes {dimension_semantics = [#tpu.dimension_semantics<core_parallel>, #tpu.dimension_semantics<subcore_parallel>], iteration_bounds = array<i64: 2, 16>, scalar_prefetch = 0 : i64, scratch_operands = 9 : i64, tpu.core_type = #tpu.core_type<sc_vector_subcore>, window_params = [{transform_indices = #map}, {transform_indices = #map1}, {transform_indices = #map2}, {transform_indices = #map2}, {transform_indices = #map1}]} {
    %mul3A = arith.constant 16 : i32
    %mul3A_0 = arith.muli %arg0, %mul3A : i32
    %add3A = arith.addi %mul3A_0, %arg1 : i32
    %mul3A_1 = arith.constant 10080 : i32
    %mul3A_2 = arith.muli %add3A, %mul3A_1 : i32
    "tpu.region"() ({
      %run_scoped3A = tpu.sem_alloc : memref<!tpu.dma_semaphore, #tpu.memory_space<semaphore_mem>>
      %dma_start3A_76 = tpu.memref_slice %arg4[%mul3A_2] : memref<322560xi32, #tpu.memory_space<hbm>> -> memref<10080xi32, #tpu.memory_space<hbm>>
      %dma_start3A_77 = tpu.memref_slice %arg4[%mul3A_2] : memref<322560xi32, #tpu.memory_space<hbm>> -> memref<10080xi32, #tpu.memory_space<hbm>>
      tpu.enqueue_dma source(%dma_start3A_77 : memref<10080xi32, #tpu.memory_space<hbm>>) target(%arg7 : memref<10080xi32, #tpu.memory_space<vmem>>) target_semaphore(%run_scoped3A : memref<!tpu.dma_semaphore, #tpu.memory_space<semaphore_mem>>)
      %dma_wait3A = tpu.memref_slice %arg4[%mul3A_2] : memref<322560xi32, #tpu.memory_space<hbm>> -> memref<10080xi32, #tpu.memory_space<hbm>>
      %dma_wait3A_78 = tpu.memref_slice %arg4[%mul3A_2] : memref<322560xi32, #tpu.memory_space<hbm>> -> memref<10080xi32, #tpu.memory_space<hbm>>
      tpu.wait_dma2 semaphore(%run_scoped3A : memref<!tpu.dma_semaphore, #tpu.memory_space<semaphore_mem>>) src(%dma_wait3A_78 : memref<10080xi32, #tpu.memory_space<hbm>>) dst(%arg7 : memref<10080xi32, #tpu.memory_space<vmem>>)
      tpu.yield
    }) : () -> ()
    "tpu.region"() ({
      %run_scoped3A = tpu.sem_alloc : memref<!tpu.dma_semaphore, #tpu.memory_space<semaphore_mem>>
      %dma_start3A_76 = arith.constant 0 : i32
      %dma_start3A_77 = arith.constant 0 : i32
      %dma_start3A_78 = tpu.memref_slice %arg3[%add3A, %dma_start3A_76, %dma_start3A_77] : memref<32x126x80xi32, #tpu.memory_space<hbm>> -> memref<1x126x80xi32, #tpu.memory_space<hbm>>
      %dma_start3A_79 = tpu.memref_squeeze %dma_start3A_78 : memref<1x126x80xi32, #tpu.memory_space<hbm>> -> memref<126x80xi32, #tpu.memory_space<hbm>>
      %dma_start3A_80 = arith.constant 0 : i32
      %dma_start3A_81 = arith.constant 0 : i32
      %dma_start3A_82 = tpu.memref_slice %arg3[%add3A, %dma_start3A_80, %dma_start3A_81] : memref<32x126x80xi32, #tpu.memory_space<hbm>> -> memref<1x126x80xi32, #tpu.memory_space<hbm>>
      %dma_start3A_83 = tpu.memref_squeeze %dma_start3A_82 : memref<1x126x80xi32, #tpu.memory_space<hbm>> -> memref<126x80xi32, #tpu.memory_space<hbm>>
      tpu.enqueue_dma source(%dma_start3A_83 : memref<126x80xi32, #tpu.memory_space<hbm>>) target(%arg8 : memref<126x80xi32, #tpu.memory_space<vmem>>) target_semaphore(%run_scoped3A : memref<!tpu.dma_semaphore, #tpu.memory_space<semaphore_mem>>)
      %dma_wait3A = arith.constant 0 : i32
      %dma_wait3A_84 = arith.constant 0 : i32
      %dma_wait3A_85 = tpu.memref_slice %arg3[%add3A, %dma_wait3A, %dma_wait3A_84] : memref<32x126x80xi32, #tpu.memory_space<hbm>> -> memref<1x126x80xi32, #tpu.memory_space<hbm>>
      %dma_wait3A_86 = tpu.memref_squeeze %dma_wait3A_85 : memref<1x126x80xi32, #tpu.memory_space<hbm>> -> memref<126x80xi32, #tpu.memory_space<hbm>>
      %dma_wait3A_87 = arith.constant 0 : i32
      %dma_wait3A_88 = arith.constant 0 : i32
      %dma_wait3A_89 = tpu.memref_slice %arg3[%add3A, %dma_wait3A_87, %dma_wait3A_88] : memref<32x126x80xi32, #tpu.memory_space<hbm>> -> memref<1x126x80xi32, #tpu.memory_space<hbm>>
      %dma_wait3A_90 = tpu.memref_squeeze %dma_wait3A_89 : memref<1x126x80xi32, #tpu.memory_space<hbm>> -> memref<126x80xi32, #tpu.memory_space<hbm>>
      tpu.wait_dma2 semaphore(%run_scoped3A : memref<!tpu.dma_semaphore, #tpu.memory_space<semaphore_mem>>) src(%dma_wait3A_90 : memref<126x80xi32, #tpu.memory_space<hbm>>) dst(%arg8 : memref<126x80xi32, #tpu.memory_space<vmem>>)
      tpu.yield
    }) : () -> ()
    %broadcast_in_dim3A = arith.constant 0.000000e+00 : f32
    %broadcast_in_dim3A_3 = vector.broadcast %broadcast_in_dim3A : f32 to vector<16xf32>
    %scan3A = arith.constant 0 : i32
    %scan3A_4 = arith.constant 0 : i32
    %scan3A_5 = arith.constant 80 : i32
    %scan3A_6 = arith.addi %scan3A_4, %scan3A_5 : i32
    %scan3A_7 = arith.constant 1 : i32
    scf.for %scan3A_76 = %scan3A_4 to %scan3A_6 step %scan3A_7  : i32 {
      %swap3A = arith.index_cast %scan3A_76 : i32 to index
      %swap3A_77 = arith.constant 0 : index
      %swap3A_78 = tpu.vector_load %arg11[%swap3A, %swap3A_77] {strides = array<i32>} : memref<80x128xf32, #tpu.memory_space<vmem>>, vector<1x16xf32>,
      %swap3A_79 = vector.shape_cast %swap3A_78 : vector<1x16xf32> to vector<16xf32>
      %swap3A_80 = vector.shape_cast %broadcast_in_dim3A_3 : vector<16xf32> to vector<1x16xf32>
      tpu.vector_store %arg11[%swap3A, %swap3A_77], %swap3A_80 {strides = array<i32>} : memref<80x128xf32, #tpu.memory_space<vmem>>, vector<1x16xf32>,
      %swap3A_81 = arith.index_cast %scan3A_76 : i32 to index
      %swap3A_82 = arith.constant 16 : index
      %swap3A_83 = tpu.vector_load %arg11[%swap3A_81, %swap3A_82] {strides = array<i32>} : memref<80x128xf32, #tpu.memory_space<vmem>>, vector<1x16xf32>,
      %swap3A_84 = vector.shape_cast %swap3A_83 : vector<1x16xf32> to vector<16xf32>
      %swap3A_85 = vector.shape_cast %broadcast_in_dim3A_3 : vector<16xf32> to vector<1x16xf32>
      tpu.vector_store %arg11[%swap3A_81, %swap3A_82], %swap3A_85 {strides = array<i32>} : memref<80x128xf32, #tpu.memory_space<vmem>>, vector<1x16xf32>,
      %swap3A_86 = arith.index_cast %scan3A_76 : i32 to index
      %swap3A_87 = arith.constant 32 : index
      %swap3A_88 = tpu.vector_load %arg11[%swap3A_86, %swap3A_87] {strides = array<i32>} : memref<80x128xf32, #tpu.memory_space<vmem>>, vector<1x16xf32>,
      %swap3A_89 = vector.shape_cast %swap3A_88 : vector<1x16xf32> to vector<16xf32>
      %swap3A_90 = vector.shape_cast %broadcast_in_dim3A_3 : vector<16xf32> to vector<1x16xf32>
      tpu.vector_store %arg11[%swap3A_86, %swap3A_87], %swap3A_90 {strides = array<i32>} : memref<80x128xf32, #tpu.memory_space<vmem>>, vector<1x16xf32>,
      %swap3A_91 = arith.index_cast %scan3A_76 : i32 to index
      %swap3A_92 = arith.constant 48 : index
      %swap3A_93 = tpu.vector_load %arg11[%swap3A_91, %swap3A_92] {strides = array<i32>} : memref<80x128xf32, #tpu.memory_space<vmem>>, vector<1x16xf32>,
      %swap3A_94 = vector.shape_cast %swap3A_93 : vector<1x16xf32> to vector<16xf32>
      %swap3A_95 = vector.shape_cast %broadcast_in_dim3A_3 : vector<16xf32> to vector<1x16xf32>
      tpu.vector_store %arg11[%swap3A_91, %swap3A_92], %swap3A_95 {strides = array<i32>} : memref<80x128xf32, #tpu.memory_space<vmem>>, vector<1x16xf32>,
      %swap3A_96 = arith.index_cast %scan3A_76 : i32 to index
      %swap3A_97 = arith.constant 64 : index
      %swap3A_98 = tpu.vector_load %arg11[%swap3A_96, %swap3A_97] {strides = array<i32>} : memref<80x128xf32, #tpu.memory_space<vmem>>, vector<1x16xf32>,
      %swap3A_99 = vector.shape_cast %swap3A_98 : vector<1x16xf32> to vector<16xf32>
      %swap3A_100 = vector.shape_cast %broadcast_in_dim3A_3 : vector<16xf32> to vector<1x16xf32>
      tpu.vector_store %arg11[%swap3A_96, %swap3A_97], %swap3A_100 {strides = array<i32>} : memref<80x128xf32, #tpu.memory_space<vmem>>, vector<1x16xf32>,
      %swap3A_101 = arith.index_cast %scan3A_76 : i32 to index
      %swap3A_102 = arith.constant 80 : index
      %swap3A_103 = tpu.vector_load %arg11[%swap3A_101, %swap3A_102] {strides = array<i32>} : memref<80x128xf32, #tpu.memory_space<vmem>>, vector<1x16xf32>,
      %swap3A_104 = vector.shape_cast %swap3A_103 : vector<1x16xf32> to vector<16xf32>
      %swap3A_105 = vector.shape_cast %broadcast_in_dim3A_3 : vector<16xf32> to vector<1x16xf32>
      tpu.vector_store %arg11[%swap3A_101, %swap3A_102], %swap3A_105 {strides = array<i32>} : memref<80x128xf32, #tpu.memory_space<vmem>>, vector<1x16xf32>,
      %swap3A_106 = arith.index_cast %scan3A_76 : i32 to index
      %swap3A_107 = arith.constant 96 : index
      %swap3A_108 = tpu.vector_load %arg11[%swap3A_106, %swap3A_107] {strides = array<i32>} : memref<80x128xf32, #tpu.memory_space<vmem>>, vector<1x16xf32>,
      %swap3A_109 = vector.shape_cast %swap3A_108 : vector<1x16xf32> to vector<16xf32>
      %swap3A_110 = vector.shape_cast %broadcast_in_dim3A_3 : vector<16xf32> to vector<1x16xf32>
      tpu.vector_store %arg11[%swap3A_106, %swap3A_107], %swap3A_110 {strides = array<i32>} : memref<80x128xf32, #tpu.memory_space<vmem>>, vector<1x16xf32>,
      %swap3A_111 = arith.index_cast %scan3A_76 : i32 to index
      %swap3A_112 = arith.constant 112 : index
      %swap3A_113 = tpu.vector_load %arg11[%swap3A_111, %swap3A_112] {strides = array<i32>} : memref<80x128xf32, #tpu.memory_space<vmem>>, vector<1x16xf32>,
      %swap3A_114 = vector.shape_cast %swap3A_113 : vector<1x16xf32> to vector<16xf32>
      %swap3A_115 = vector.shape_cast %broadcast_in_dim3A_3 : vector<16xf32> to vector<1x16xf32>
      tpu.vector_store %arg11[%swap3A_111, %swap3A_112], %swap3A_115 {strides = array<i32>} : memref<80x128xf32, #tpu.memory_space<vmem>>, vector<1x16xf32>,
    }
    %scan3A_8 = arith.constant 80 : i32
    %mul3A_9 = arith.constant 640 : i32
    %mul3A_10 = arith.muli %arg1, %mul3A_9 : i32
    %add3A_11 = arith.constant 0 : i32
    %add3A_12 = arith.addi %mul3A_10, %add3A_11 : i32
    "tpu.region"() ({
      %run_scoped3A = tpu.sem_alloc : memref<!tpu.dma_semaphore, #tpu.memory_space<semaphore_mem>>
      %dma_start3A_76 = arith.constant 0 : i32
      %dma_start3A_77 = tpu.memref_slice %arg13[%add3A_12, %dma_start3A_76] : memref<10240x128xf32, #tpu.memory_space<vmem_shared>> -> memref<80x128xf32, #tpu.memory_space<vmem_shared>>
      %dma_start3A_78 = arith.constant 0 : i32
      %dma_start3A_79 = tpu.memref_slice %arg13[%add3A_12, %dma_start3A_78] : memref<10240x128xf32, #tpu.memory_space<vmem_shared>> -> memref<80x128xf32, #tpu.memory_space<vmem_shared>>
      tpu.enqueue_dma source(%arg11 : memref<80x128xf32, #tpu.memory_space<vmem>>) target(%dma_start3A_79 : memref<80x128xf32, #tpu.memory_space<vmem_shared>>) target_semaphore(%run_scoped3A : memref<!tpu.dma_semaphore, #tpu.memory_space<semaphore_mem>>)
      %dma_wait3A = arith.constant 0 : i32
      %dma_wait3A_80 = tpu.memref_slice %arg13[%add3A_12, %dma_wait3A] : memref<10240x128xf32, #tpu.memory_space<vmem_shared>> -> memref<80x128xf32, #tpu.memory_space<vmem_shared>>
      %dma_wait3A_81 = arith.constant 0 : i32
      %dma_wait3A_82 = tpu.memref_slice %arg13[%add3A_12, %dma_wait3A_81] : memref<10240x128xf32, #tpu.memory_space<vmem_shared>> -> memref<80x128xf32, #tpu.memory_space<vmem_shared>>
      tpu.wait_dma2 semaphore(%run_scoped3A : memref<!tpu.dma_semaphore, #tpu.memory_space<semaphore_mem>>) src(%arg11 : memref<80x128xf32, #tpu.memory_space<vmem>>) dst(%dma_wait3A_82 : memref<80x128xf32, #tpu.memory_space<vmem_shared>>)
      tpu.yield
    }) : () -> ()
    %mul3A_13 = arith.constant 640 : i32
    %mul3A_14 = arith.muli %arg1, %mul3A_13 : i32
    %add3A_15 = arith.constant 80 : i32
    %add3A_16 = arith.addi %mul3A_14, %add3A_15 : i32
    "tpu.region"() ({
      %run_scoped3A = tpu.sem_alloc : memref<!tpu.dma_semaphore, #tpu.memory_space<semaphore_mem>>
      %dma_start3A_76 = arith.constant 0 : i32
      %dma_start3A_77 = tpu.memref_slice %arg13[%add3A_16, %dma_start3A_76] : memref<10240x128xf32, #tpu.memory_space<vmem_shared>> -> memref<80x128xf32, #tpu.memory_space<vmem_shared>>
      %dma_start3A_78 = arith.constant 0 : i32
      %dma_start3A_79 = tpu.memref_slice %arg13[%add3A_16, %dma_start3A_78] : memref<10240x128xf32, #tpu.memory_space<vmem_shared>> -> memref<80x128xf32, #tpu.memory_space<vmem_shared>>
      tpu.enqueue_dma source(%arg11 : memref<80x128xf32, #tpu.memory_space<vmem>>) target(%dma_start3A_79 : memref<80x128xf32, #tpu.memory_space<vmem_shared>>) target_semaphore(%run_scoped3A : memref<!tpu.dma_semaphore, #tpu.memory_space<semaphore_mem>>)
      %dma_wait3A = arith.constant 0 : i32
      %dma_wait3A_80 = tpu.memref_slice %arg13[%add3A_16, %dma_wait3A] : memref<10240x128xf32, #tpu.memory_space<vmem_shared>> -> memref<80x128xf32, #tpu.memory_space<vmem_shared>>
      %dma_wait3A_81 = arith.constant 0 : i32
      %dma_wait3A_82 = tpu.memref_slice %arg13[%add3A_16, %dma_wait3A_81] : memref<10240x128xf32, #tpu.memory_space<vmem_shared>> -> memref<80x128xf32, #tpu.memory_space<vmem_shared>>
      tpu.wait_dma2 semaphore(%run_scoped3A : memref<!tpu.dma_semaphore, #tpu.memory_space<semaphore_mem>>) src(%arg11 : memref<80x128xf32, #tpu.memory_space<vmem>>) dst(%dma_wait3A_82 : memref<80x128xf32, #tpu.memory_space<vmem_shared>>)
      tpu.yield
    }) : () -> ()
    %mul3A_17 = arith.constant 640 : i32
    %mul3A_18 = arith.muli %arg1, %mul3A_17 : i32
    %add3A_19 = arith.constant 160 : i32
    %add3A_20 = arith.addi %mul3A_18, %add3A_19 : i32
    "tpu.region"() ({
      %run_scoped3A = tpu.sem_alloc : memref<!tpu.dma_semaphore, #tpu.memory_space<semaphore_mem>>
      %dma_start3A_76 = arith.constant 0 : i32
      %dma_start3A_77 = tpu.memref_slice %arg13[%add3A_20, %dma_start3A_76] : memref<10240x128xf32, #tpu.memory_space<vmem_shared>> -> memref<80x128xf32, #tpu.memory_space<vmem_shared>>
      %dma_start3A_78 = arith.constant 0 : i32
      %dma_start3A_79 = tpu.memref_slice %arg13[%add3A_20, %dma_start3A_78] : memref<10240x128xf32, #tpu.memory_space<vmem_shared>> -> memref<80x128xf32, #tpu.memory_space<vmem_shared>>
      tpu.enqueue_dma source(%arg11 : memref<80x128xf32, #tpu.memory_space<vmem>>) target(%dma_start3A_79 : memref<80x128xf32, #tpu.memory_space<vmem_shared>>) target_semaphore(%run_scoped3A : memref<!tpu.dma_semaphore, #tpu.memory_space<semaphore_mem>>)
      %dma_wait3A = arith.constant 0 : i32
      %dma_wait3A_80 = tpu.memref_slice %arg13[%add3A_20, %dma_wait3A] : memref<10240x128xf32, #tpu.memory_space<vmem_shared>> -> memref<80x128xf32, #tpu.memory_space<vmem_shared>>
      %dma_wait3A_81 = arith.constant 0 : i32
      %dma_wait3A_82 = tpu.memref_slice %arg13[%add3A_20, %dma_wait3A_81] : memref<10240x128xf32, #tpu.memory_space<vmem_shared>> -> memref<80x128xf32, #tpu.memory_space<vmem_shared>>
      tpu.wait_dma2 semaphore(%run_scoped3A : memref<!tpu.dma_semaphore, #tpu.memory_space<semaphore_mem>>) src(%arg11 : memref<80x128xf32, #tpu.memory_space<vmem>>) dst(%dma_wait3A_82 : memref<80x128xf32, #tpu.memory_space<vmem_shared>>)
      tpu.yield
    }) : () -> ()
    %mul3A_21 = arith.constant 640 : i32
    %mul3A_22 = arith.muli %arg1, %mul3A_21 : i32
    %add3A_23 = arith.constant 240 : i32
    %add3A_24 = arith.addi %mul3A_22, %add3A_23 : i32
    "tpu.region"() ({
      %run_scoped3A = tpu.sem_alloc : memref<!tpu.dma_semaphore, #tpu.memory_space<semaphore_mem>>
      %dma_start3A_76 = arith.constant 0 : i32
      %dma_start3A_77 = tpu.memref_slice %arg13[%add3A_24, %dma_start3A_76] : memref<10240x128xf32, #tpu.memory_space<vmem_shared>> -> memref<80x128xf32, #tpu.memory_space<vmem_shared>>
      %dma_start3A_78 = arith.constant 0 : i32
      %dma_start3A_79 = tpu.memref_slice %arg13[%add3A_24, %dma_start3A_78] : memref<10240x128xf32, #tpu.memory_space<vmem_shared>> -> memref<80x128xf32, #tpu.memory_space<vmem_shared>>
      tpu.enqueue_dma source(%arg11 : memref<80x128xf32, #tpu.memory_space<vmem>>) target(%dma_start3A_79 : memref<80x128xf32, #tpu.memory_space<vmem_shared>>) target_semaphore(%run_scoped3A : memref<!tpu.dma_semaphore, #tpu.memory_space<semaphore_mem>>)
      %dma_wait3A = arith.constant 0 : i32
      %dma_wait3A_80 = tpu.memref_slice %arg13[%add3A_24, %dma_wait3A] : memref<10240x128xf32, #tpu.memory_space<vmem_shared>> -> memref<80x128xf32, #tpu.memory_space<vmem_shared>>
      %dma_wait3A_81 = arith.constant 0 : i32
      %dma_wait3A_82 = tpu.memref_slice %arg13[%add3A_24, %dma_wait3A_81] : memref<10240x128xf32, #tpu.memory_space<vmem_shared>> -> memref<80x128xf32, #tpu.memory_space<vmem_shared>>
      tpu.wait_dma2 semaphore(%run_scoped3A : memref<!tpu.dma_semaphore, #tpu.memory_space<semaphore_mem>>) src(%arg11 : memref<80x128xf32, #tpu.memory_space<vmem>>) dst(%dma_wait3A_82 : memref<80x128xf32, #tpu.memory_space<vmem_shared>>)
      tpu.yield
    }) : () -> ()
    %mul3A_25 = arith.constant 640 : i32
    %mul3A_26 = arith.muli %arg1, %mul3A_25 : i32
    %add3A_27 = arith.constant 320 : i32
    %add3A_28 = arith.addi %mul3A_26, %add3A_27 : i32
    "tpu.region"() ({
      %run_scoped3A = tpu.sem_alloc : memref<!tpu.dma_semaphore, #tpu.memory_space<semaphore_mem>>
      %dma_start3A_76 = arith.constant 0 : i32
      %dma_start3A_77 = tpu.memref_slice %arg13[%add3A_28, %dma_start3A_76] : memref<10240x128xf32, #tpu.memory_space<vmem_shared>> -> memref<80x128xf32, #tpu.memory_space<vmem_shared>>
      %dma_start3A_78 = arith.constant 0 : i32
      %dma_start3A_79 = tpu.memref_slice %arg13[%add3A_28, %dma_start3A_78] : memref<10240x128xf32, #tpu.memory_space<vmem_shared>> -> memref<80x128xf32, #tpu.memory_space<vmem_shared>>
      tpu.enqueue_dma source(%arg11 : memref<80x128xf32, #tpu.memory_space<vmem>>) target(%dma_start3A_79 : memref<80x128xf32, #tpu.memory_space<vmem_shared>>) target_semaphore(%run_scoped3A : memref<!tpu.dma_semaphore, #tpu.memory_space<semaphore_mem>>)
      %dma_wait3A = arith.constant 0 : i32
      %dma_wait3A_80 = tpu.memref_slice %arg13[%add3A_28, %dma_wait3A] : memref<10240x128xf32, #tpu.memory_space<vmem_shared>> -> memref<80x128xf32, #tpu.memory_space<vmem_shared>>
      %dma_wait3A_81 = arith.constant 0 : i32
      %dma_wait3A_82 = tpu.memref_slice %arg13[%add3A_28, %dma_wait3A_81] : memref<10240x128xf32, #tpu.memory_space<vmem_shared>> -> memref<80x128xf32, #tpu.memory_space<vmem_shared>>
      tpu.wait_dma2 semaphore(%run_scoped3A : memref<!tpu.dma_semaphore, #tpu.memory_space<semaphore_mem>>) src(%arg11 : memref<80x128xf32, #tpu.memory_space<vmem>>) dst(%dma_wait3A_82 : memref<80x128xf32, #tpu.memory_space<vmem_shared>>)
      tpu.yield
    }) : () -> ()
    %mul3A_29 = arith.constant 640 : i32
    %mul3A_30 = arith.muli %arg1, %mul3A_29 : i32
    %add3A_31 = arith.constant 400 : i32
    %add3A_32 = arith.addi %mul3A_30, %add3A_31 : i32
    "tpu.region"() ({
      %run_scoped3A = tpu.sem_alloc : memref<!tpu.dma_semaphore, #tpu.memory_space<semaphore_mem>>
      %dma_start3A_76 = arith.constant 0 : i32
      %dma_start3A_77 = tpu.memref_slice %arg13[%add3A_32, %dma_start3A_76] : memref<10240x128xf32, #tpu.memory_space<vmem_shared>> -> memref<80x128xf32, #tpu.memory_space<vmem_shared>>
      %dma_start3A_78 = arith.constant 0 : i32
      %dma_start3A_79 = tpu.memref_slice %arg13[%add3A_32, %dma_start3A_78] : memref<10240x128xf32, #tpu.memory_space<vmem_shared>> -> memref<80x128xf32, #tpu.memory_space<vmem_shared>>
      tpu.enqueue_dma source(%arg11 : memref<80x128xf32, #tpu.memory_space<vmem>>) target(%dma_start3A_79 : memref<80x128xf32, #tpu.memory_space<vmem_shared>>) target_semaphore(%run_scoped3A : memref<!tpu.dma_semaphore, #tpu.memory_space<semaphore_mem>>)
      %dma_wait3A = arith.constant 0 : i32
      %dma_wait3A_80 = tpu.memref_slice %arg13[%add3A_32, %dma_wait3A] : memref<10240x128xf32, #tpu.memory_space<vmem_shared>> -> memref<80x128xf32, #tpu.memory_space<vmem_shared>>
      %dma_wait3A_81 = arith.constant 0 : i32
      %dma_wait3A_82 = tpu.memref_slice %arg13[%add3A_32, %dma_wait3A_81] : memref<10240x128xf32, #tpu.memory_space<vmem_shared>> -> memref<80x128xf32, #tpu.memory_space<vmem_shared>>
      tpu.wait_dma2 semaphore(%run_scoped3A : memref<!tpu.dma_semaphore, #tpu.memory_space<semaphore_mem>>) src(%arg11 : memref<80x128xf32, #tpu.memory_space<vmem>>) dst(%dma_wait3A_82 : memref<80x128xf32, #tpu.memory_space<vmem_shared>>)
      tpu.yield
    }) : () -> ()
    %mul3A_33 = arith.constant 640 : i32
    %mul3A_34 = arith.muli %arg1, %mul3A_33 : i32
    %add3A_35 = arith.constant 480 : i32
    %add3A_36 = arith.addi %mul3A_34, %add3A_35 : i32
    "tpu.region"() ({
      %run_scoped3A = tpu.sem_alloc : memref<!tpu.dma_semaphore, #tpu.memory_space<semaphore_mem>>
      %dma_start3A_76 = arith.constant 0 : i32
      %dma_start3A_77 = tpu.memref_slice %arg13[%add3A_36, %dma_start3A_76] : memref<10240x128xf32, #tpu.memory_space<vmem_shared>> -> memref<80x128xf32, #tpu.memory_space<vmem_shared>>
      %dma_start3A_78 = arith.constant 0 : i32
      %dma_start3A_79 = tpu.memref_slice %arg13[%add3A_36, %dma_start3A_78] : memref<10240x128xf32, #tpu.memory_space<vmem_shared>> -> memref<80x128xf32, #tpu.memory_space<vmem_shared>>
      tpu.enqueue_dma source(%arg11 : memref<80x128xf32, #tpu.memory_space<vmem>>) target(%dma_start3A_79 : memref<80x128xf32, #tpu.memory_space<vmem_shared>>) target_semaphore(%run_scoped3A : memref<!tpu.dma_semaphore, #tpu.memory_space<semaphore_mem>>)
      %dma_wait3A = arith.constant 0 : i32
      %dma_wait3A_80 = tpu.memref_slice %arg13[%add3A_36, %dma_wait3A] : memref<10240x128xf32, #tpu.memory_space<vmem_shared>> -> memref<80x128xf32, #tpu.memory_space<vmem_shared>>
      %dma_wait3A_81 = arith.constant 0 : i32
      %dma_wait3A_82 = tpu.memref_slice %arg13[%add3A_36, %dma_wait3A_81] : memref<10240x128xf32, #tpu.memory_space<vmem_shared>> -> memref<80x128xf32, #tpu.memory_space<vmem_shared>>
      tpu.wait_dma2 semaphore(%run_scoped3A : memref<!tpu.dma_semaphore, #tpu.memory_space<semaphore_mem>>) src(%arg11 : memref<80x128xf32, #tpu.memory_space<vmem>>) dst(%dma_wait3A_82 : memref<80x128xf32, #tpu.memory_space<vmem_shared>>)
      tpu.yield
    }) : () -> ()
    %mul3A_37 = arith.constant 640 : i32
    %mul3A_38 = arith.muli %arg1, %mul3A_37 : i32
    %add3A_39 = arith.constant 560 : i32
    %add3A_40 = arith.addi %mul3A_38, %add3A_39 : i32
    "tpu.region"() ({
      %run_scoped3A = tpu.sem_alloc : memref<!tpu.dma_semaphore, #tpu.memory_space<semaphore_mem>>
      %dma_start3A_76 = arith.constant 0 : i32
      %dma_start3A_77 = tpu.memref_slice %arg13[%add3A_40, %dma_start3A_76] : memref<10240x128xf32, #tpu.memory_space<vmem_shared>> -> memref<80x128xf32, #tpu.memory_space<vmem_shared>>
      %dma_start3A_78 = arith.constant 0 : i32
      %dma_start3A_79 = tpu.memref_slice %arg13[%add3A_40, %dma_start3A_78] : memref<10240x128xf32, #tpu.memory_space<vmem_shared>> -> memref<80x128xf32, #tpu.memory_space<vmem_shared>>
      tpu.enqueue_dma source(%arg11 : memref<80x128xf32, #tpu.memory_space<vmem>>) target(%dma_start3A_79 : memref<80x128xf32, #tpu.memory_space<vmem_shared>>) target_semaphore(%run_scoped3A : memref<!tpu.dma_semaphore, #tpu.memory_space<semaphore_mem>>)
      %dma_wait3A = arith.constant 0 : i32
      %dma_wait3A_80 = tpu.memref_slice %arg13[%add3A_40, %dma_wait3A] : memref<10240x128xf32, #tpu.memory_space<vmem_shared>> -> memref<80x128xf32, #tpu.memory_space<vmem_shared>>
      %dma_wait3A_81 = arith.constant 0 : i32
      %dma_wait3A_82 = tpu.memref_slice %arg13[%add3A_40, %dma_wait3A_81] : memref<10240x128xf32, #tpu.memory_space<vmem_shared>> -> memref<80x128xf32, #tpu.memory_space<vmem_shared>>
      tpu.wait_dma2 semaphore(%run_scoped3A : memref<!tpu.dma_semaphore, #tpu.memory_space<semaphore_mem>>) src(%arg11 : memref<80x128xf32, #tpu.memory_space<vmem>>) dst(%dma_wait3A_82 : memref<80x128xf32, #tpu.memory_space<vmem_shared>>)
      tpu.yield
    }) : () -> ()
    %barrier3A = arith.constant 0 : index
    tpu.barrier barrier_id(%barrier3A)
    %dma_start3A = arith.constant 0 : i32
    %dma_start3A_41 = tpu.memref_slice %arg7[%dma_start3A] : memref<10080xi32, #tpu.memory_space<vmem>> -> memref<80xi32, #tpu.memory_space<vmem>>
    %dma_start3A_42 = arith.constant 0 : i32
    %dma_start3A_43 = arith.constant 0 : i32
    %dma_start3A_44 = tpu.memref_slice %arg2[%dma_start3A_42, %dma_start3A_43] : memref<10000x128xf32, #tpu.memory_space<hbm>> -> memref<10000x128xf32, #tpu.memory_space<hbm>>
    tpu.enqueue_indirect_dma source(%dma_start3A_44 : memref<10000x128xf32, #tpu.memory_space<hbm>>) target(%arg11 : memref<80x128xf32, #tpu.memory_space<vmem>>) offsets(%dma_start3A_41 : memref<80xi32, #tpu.memory_space<vmem>>) semaphore(%arg14 : memref<!tpu.dma_semaphore, #tpu.memory_space<semaphore_mem>>)
    %add3A_45 = arith.constant 0 : i32
    %add3A_46 = arith.addi %mul3A_2, %add3A_45 : i32
    %dma_start3A_47 = tpu.memref_slice %arg5[%add3A_46] : memref<322560xf32, #tpu.memory_space<hbm>> -> memref<80xf32, #tpu.memory_space<hbm>>
    %dma_start3A_48 = tpu.memref_slice %arg5[%add3A_46] : memref<322560xf32, #tpu.memory_space<hbm>> -> memref<80xf32, #tpu.memory_space<hbm>>
    tpu.enqueue_dma source(%dma_start3A_48 : memref<80xf32, #tpu.memory_space<hbm>>) target(%arg9 : memref<80xf32, #tpu.memory_space<vmem>>) target_semaphore(%arg14 : memref<!tpu.dma_semaphore, #tpu.memory_space<semaphore_mem>>)
    %scan3A_49 = arith.constant 0 : i32
    %scan3A_50 = arith.constant 0 : i32
    %scan3A_51 = arith.constant 63 : i32
    %scan3A_52 = arith.addi %scan3A_50, %scan3A_51 : i32
    %scan3A_53 = arith.constant 1 : i32
    scf.for %scan3A_76 = %scan3A_50 to %scan3A_52 step %scan3A_53  : i32 {
      %mul3A_77 = arith.constant 2 : i32
      %mul3A_78 = arith.muli %mul3A_77, %scan3A_76 : i32
      %add3A_79 = arith.constant 1 : i32
      %add3A_80 = arith.addi %mul3A_78, %add3A_79 : i32
      %mul3A_81 = arith.constant 80 : i32
      %mul3A_82 = arith.muli %add3A_80, %mul3A_81 : i32
      %dma_start3A_83 = tpu.memref_slice %arg7[%mul3A_82] : memref<10080xi32, #tpu.memory_space<vmem>> -> memref<80xi32, #tpu.memory_space<vmem>>
      %dma_start3A_84 = arith.constant 0 : i32
      %dma_start3A_85 = arith.constant 0 : i32
      %dma_start3A_86 = tpu.memref_slice %arg2[%dma_start3A_84, %dma_start3A_85] : memref<10000x128xf32, #tpu.memory_space<hbm>> -> memref<10000x128xf32, #tpu.memory_space<hbm>>
      tpu.enqueue_indirect_dma source(%dma_start3A_86 : memref<10000x128xf32, #tpu.memory_space<hbm>>) target(%arg12 : memref<80x128xf32, #tpu.memory_space<vmem>>) offsets(%dma_start3A_83 : memref<80xi32, #tpu.memory_space<vmem>>) semaphore(%arg15 : memref<!tpu.dma_semaphore, #tpu.memory_space<semaphore_mem>>)
      %mul3A_87 = arith.constant 80 : i32
      %mul3A_88 = arith.muli %add3A_80, %mul3A_87 : i32
      %add3A_89 = arith.addi %mul3A_2, %mul3A_88 : i32
      %dma_start3A_90 = tpu.memref_slice %arg5[%add3A_89] : memref<322560xf32, #tpu.memory_space<hbm>> -> memref<80xf32, #tpu.memory_space<hbm>>
      %dma_start3A_91 = tpu.memref_slice %arg5[%add3A_89] : memref<322560xf32, #tpu.memory_space<hbm>> -> memref<80xf32, #tpu.memory_space<hbm>>
      tpu.enqueue_dma source(%dma_start3A_91 : memref<80xf32, #tpu.memory_space<hbm>>) target(%arg10 : memref<80xf32, #tpu.memory_space<vmem>>) target_semaphore(%arg15 : memref<!tpu.dma_semaphore, #tpu.memory_space<semaphore_mem>>)
      %mul3A_92 = arith.constant 80 : i32
      %mul3A_93 = arith.muli %mul3A_78, %mul3A_92 : i32
      %dma_wait3A = tpu.memref_slice %arg7[%mul3A_93] : memref<10080xi32, #tpu.memory_space<vmem>> -> memref<80xi32, #tpu.memory_space<vmem>>
      %dma_wait3A_94 = arith.constant 0 : i32
      %dma_wait3A_95 = arith.constant 0 : i32
      %dma_wait3A_96 = tpu.memref_slice %arg2[%dma_wait3A_94, %dma_wait3A_95] : memref<10000x128xf32, #tpu.memory_space<hbm>> -> memref<10000x128xf32, #tpu.memory_space<hbm>>
      tpu.wait_indirect_dma semaphore(%arg14 : memref<!tpu.dma_semaphore, #tpu.memory_space<semaphore_mem>>) src(%dma_wait3A_96 : memref<10000x128xf32, #tpu.memory_space<hbm>>) dst(%arg11 : memref<80x128xf32, #tpu.memory_space<vmem>>)
      %mul3A_97 = arith.constant 80 : i32
      %mul3A_98 = arith.muli %mul3A_78, %mul3A_97 : i32
      %add3A_99 = arith.addi %mul3A_2, %mul3A_98 : i32
      %dma_wait3A_100 = tpu.memref_slice %arg5[%add3A_99] : memref<322560xf32, #tpu.memory_space<hbm>> -> memref<80xf32, #tpu.memory_space<hbm>>
      %dma_wait3A_101 = tpu.memref_slice %arg5[%add3A_99] : memref<322560xf32, #tpu.memory_space<hbm>> -> memref<80xf32, #tpu.memory_space<hbm>>
      tpu.wait_dma2 semaphore(%arg14 : memref<!tpu.dma_semaphore, #tpu.memory_space<semaphore_mem>>) src(%dma_wait3A_101 : memref<80xf32, #tpu.memory_space<hbm>>) dst(%arg9 : memref<80xf32, #tpu.memory_space<vmem>>)
      %scan3A_102 = arith.constant 0 : i32
      %scan3A_103 = arith.constant 0 : i32
      %scan3A_104 = arith.constant 5 : i32
      %scan3A_105 = arith.addi %scan3A_103, %scan3A_104 : i32
      %scan3A_106 = arith.constant 1 : i32
      scf.for %scan3A_131 = %scan3A_103 to %scan3A_105 step %scan3A_106  : i32 {
        %mul3A_132 = arith.constant 16 : i32
        %mul3A_133 = arith.muli %scan3A_131, %mul3A_132 : i32
        %get3A = arith.index_cast %mul3A_133 : i32 to index
        %get3A_134 = tpu.vector_load %arg9[%get3A] {strides = array<i32>} : memref<80xf32, #tpu.memory_space<vmem>>, vector<16xf32>,
        %get3A_135 = vector.shape_cast %get3A_134 : vector<16xf32> to vector<16xf32>
        %broadcast_in_dim3A_136 = arith.constant 0 : i32
        %broadcast_in_dim3A_137 = vector.broadcast %broadcast_in_dim3A_136 : i32 to vector<16x1xi32>
        %gather3A = vector.shape_cast %broadcast_in_dim3A_137 : vector<16x1xi32> to vector<16xi32>
        %gather3A_138 = tpu.dynamic_gather %get3A_135[%gather3A] in [0] : vector<16xf32>, vector<16xi32> -> vector<16xf32>
        %mul3A_139 = arith.constant 16 : i32
        %mul3A_140 = arith.muli %scan3A_131, %mul3A_139 : i32
        %add3A_141 = arith.constant 0 : i32
        %add3A_142 = arith.addi %mul3A_140, %add3A_141 : i32
        %get3A_143 = arith.index_cast %add3A_142 : i32 to index
        %get3A_144 = arith.constant 0 : index
        %get3A_145 = tpu.vector_load %arg11[%get3A_143, %get3A_144] {strides = array<i32>} : memref<80x128xf32, #tpu.memory_space<vmem>>, vector<1x16xf32>,
        %get3A_146 = vector.shape_cast %get3A_145 : vector<1x16xf32> to vector<16xf32>
        %mul3A_147 = arith.mulf %get3A_146, %gather3A_138 : vector<16xf32>
        %swap3A = arith.index_cast %add3A_142 : i32 to index
        %swap3A_148 = arith.constant 0 : index
        %swap3A_149 = tpu.vector_load %arg11[%swap3A, %swap3A_148] {strides = array<i32>} : memref<80x128xf32, #tpu.memory_space<vmem>>, vector<1x16xf32>,
        %swap3A_150 = vector.shape_cast %swap3A_149 : vector<1x16xf32> to vector<16xf32>
        %swap3A_151 = vector.shape_cast %mul3A_147 : vector<16xf32> to vector<1x16xf32>
        tpu.vector_store %arg11[%swap3A, %swap3A_148], %swap3A_151 {strides = array<i32>} : memref<80x128xf32, #tpu.memory_space<vmem>>, vector<1x16xf32>,
        %get3A_152 = arith.index_cast %add3A_142 : i32 to index
        %get3A_153 = arith.constant 16 : index
        %get3A_154 = tpu.vector_load %arg11[%get3A_152, %get3A_153] {strides = array<i32>} : memref<80x128xf32, #tpu.memory_space<vmem>>, vector<1x16xf32>,
        %get3A_155 = vector.shape_cast %get3A_154 : vector<1x16xf32> to vector<16xf32>
        %mul3A_156 = arith.mulf %get3A_155, %gather3A_138 : vector<16xf32>
        %swap3A_157 = arith.index_cast %add3A_142 : i32 to index
        %swap3A_158 = arith.constant 16 : index
        %swap3A_159 = tpu.vector_load %arg11[%swap3A_157, %swap3A_158] {strides = array<i32>} : memref<80x128xf32, #tpu.memory_space<vmem>>, vector<1x16xf32>,
        %swap3A_160 = vector.shape_cast %swap3A_159 : vector<1x16xf32> to vector<16xf32>
        %swap3A_161 = vector.shape_cast %mul3A_156 : vector<16xf32> to vector<1x16xf32>
        tpu.vector_store %arg11[%swap3A_157, %swap3A_158], %swap3A_161 {strides = array<i32>} : memref<80x128xf32, #tpu.memory_space<vmem>>, vector<1x16xf32>,
        %get3A_162 = arith.index_cast %add3A_142 : i32 to index
        %get3A_163 = arith.constant 32 : index
        %get3A_164 = tpu.vector_load %arg11[%get3A_162, %get3A_163] {strides = array<i32>} : memref<80x128xf32, #tpu.memory_space<vmem>>, vector<1x16xf32>,
        %get3A_165 = vector.shape_cast %get3A_164 : vector<1x16xf32> to vector<16xf32>
        %mul3A_166 = arith.mulf %get3A_165, %gather3A_138 : vector<16xf32>
        %swap3A_167 = arith.index_cast %add3A_142 : i32 to index
        %swap3A_168 = arith.constant 32 : index
        %swap3A_169 = tpu.vector_load %arg11[%swap3A_167, %swap3A_168] {strides = array<i32>} : memref<80x128xf32, #tpu.memory_space<vmem>>, vector<1x16xf32>,
        %swap3A_170 = vector.shape_cast %swap3A_169 : vector<1x16xf32> to vector<16xf32>
        %swap3A_171 = vector.shape_cast %mul3A_166 : vector<16xf32> to vector<1x16xf32>
        tpu.vector_store %arg11[%swap3A_167, %swap3A_168], %swap3A_171 {strides = array<i32>} : memref<80x128xf32, #tpu.memory_space<vmem>>, vector<1x16xf32>,
        %get3A_172 = arith.index_cast %add3A_142 : i32 to index
        %get3A_173 = arith.constant 48 : index
        %get3A_174 = tpu.vector_load %arg11[%get3A_172, %get3A_173] {strides = array<i32>} : memref<80x128xf32, #tpu.memory_space<vmem>>, vector<1x16xf32>,
        %get3A_175 = vector.shape_cast %get3A_174 : vector<1x16xf32> to vector<16xf32>
        %mul3A_176 = arith.mulf %get3A_175, %gather3A_138 : vector<16xf32>
        %swap3A_177 = arith.index_cast %add3A_142 : i32 to index
        %swap3A_178 = arith.constant 48 : index
        %swap3A_179 = tpu.vector_load %arg11[%swap3A_177, %swap3A_178] {strides = array<i32>} : memref<80x128xf32, #tpu.memory_space<vmem>>, vector<1x16xf32>,
        %swap3A_180 = vector.shape_cast %swap3A_179 : vector<1x16xf32> to vector<16xf32>
        %swap3A_181 = vector.shape_cast %mul3A_176 : vector<16xf32> to vector<1x16xf32>
        tpu.vector_store %arg11[%swap3A_177, %swap3A_178], %swap3A_181 {strides = array<i32>} : memref<80x128xf32, #tpu.memory_space<vmem>>, vector<1x16xf32>,
        %get3A_182 = arith.index_cast %add3A_142 : i32 to index
        %get3A_183 = arith.constant 64 : index
        %get3A_184 = tpu.vector_load %arg11[%get3A_182, %get3A_183] {strides = array<i32>} : memref<80x128xf32, #tpu.memory_space<vmem>>, vector<1x16xf32>,
        %get3A_185 = vector.shape_cast %get3A_184 : vector<1x16xf32> to vector<16xf32>
        %mul3A_186 = arith.mulf %get3A_185, %gather3A_138 : vector<16xf32>
        %swap3A_187 = arith.index_cast %add3A_142 : i32 to index
        %swap3A_188 = arith.constant 64 : index
        %swap3A_189 = tpu.vector_load %arg11[%swap3A_187, %swap3A_188] {strides = array<i32>} : memref<80x128xf32, #tpu.memory_space<vmem>>, vector<1x16xf32>,
        %swap3A_190 = vector.shape_cast %swap3A_189 : vector<1x16xf32> to vector<16xf32>
        %swap3A_191 = vector.shape_cast %mul3A_186 : vector<16xf32> to vector<1x16xf32>
        tpu.vector_store %arg11[%swap3A_187, %swap3A_188], %swap3A_191 {strides = array<i32>} : memref<80x128xf32, #tpu.memory_space<vmem>>, vector<1x16xf32>,
        %get3A_192 = arith.index_cast %add3A_142 : i32 to index
        %get3A_193 = arith.constant 80 : index
        %get3A_194 = tpu.vector_load %arg11[%get3A_192, %get3A_193] {strides = array<i32>} : memref<80x128xf32, #tpu.memory_space<vmem>>, vector<1x16xf32>,
        %get3A_195 = vector.shape_cast %get3A_194 : vector<1x16xf32> to vector<16xf32>
        %mul3A_196 = arith.mulf %get3A_195, %gather3A_138 : vector<16xf32>
        %swap3A_197 = arith.index_cast %add3A_142 : i32 to index
        %swap3A_198 = arith.constant 80 : index
        %swap3A_199 = tpu.vector_load %arg11[%swap3A_197, %swap3A_198] {strides = array<i32>} : memref<80x128xf32, #tpu.memory_space<vmem>>, vector<1x16xf32>,
        %swap3A_200 = vector.shape_cast %swap3A_199 : vector<1x16xf32> to vector<16xf32>
        %swap3A_201 = vector.shape_cast %mul3A_196 : vector<16xf32> to vector<1x16xf32>
        tpu.vector_store %arg11[%swap3A_197, %swap3A_198], %swap3A_201 {strides = array<i32>} : memref<80x128xf32, #tpu.memory_space<vmem>>, vector<1x16xf32>,
        %get3A_202 = arith.index_cast %add3A_142 : i32 to index
        %get3A_203 = arith.constant 96 : index
        %get3A_204 = tpu.vector_load %arg11[%get3A_202, %get3A_203] {strides = array<i32>} : memref<80x128xf32, #tpu.memory_space<vmem>>, vector<1x16xf32>,
        %get3A_205 = vector.shape_cast %get3A_204 : vector<1x16xf32> to vector<16xf32>
        %mul3A_206 = arith.mulf %get3A_205, %gather3A_138 : vector<16xf32>
        %swap3A_207 = arith.index_cast %add3A_142 : i32 to index
        %swap3A_208 = arith.constant 96 : index
        %swap3A_209 = tpu.vector_load %arg11[%swap3A_207, %swap3A_208] {strides = array<i32>} : memref<80x128xf32, #tpu.memory_space<vmem>>, vector<1x16xf32>,
        %swap3A_210 = vector.shape_cast %swap3A_209 : vector<1x16xf32> to vector<16xf32>
        %swap3A_211 = vector.shape_cast %mul3A_206 : vector<16xf32> to vector<1x16xf32>
        tpu.vector_store %arg11[%swap3A_207, %swap3A_208], %swap3A_211 {strides = array<i32>} : memref<80x128xf32, #tpu.memory_space<vmem>>, vector<1x16xf32>,
        %get3A_212 = arith.index_cast %add3A_142 : i32 to index
        %get3A_213 = arith.constant 112 : index
        %get3A_214 = tpu.vector_load %arg11[%get3A_212, %get3A_213] {strides = array<i32>} : memref<80x128xf32, #tpu.memory_space<vmem>>, vector<1x16xf32>,
        %get3A_215 = vector.shape_cast %get3A_214 : vector<1x16xf32> to vector<16xf32>
        %mul3A_216 = arith.mulf %get3A_215, %gather3A_138 : vector<16xf32>
        %swap3A_217 = arith.index_cast %add3A_142 : i32 to index
        %swap3A_218 = arith.constant 112 : index
        %swap3A_219 = tpu.vector_load %arg11[%swap3A_217, %swap3A_218] {strides = array<i32>} : memref<80x128xf32, #tpu.memory_space<vmem>>, vector<1x16xf32>,
        %swap3A_220 = vector.shape_cast %swap3A_219 : vector<1x16xf32> to vector<16xf32>
        %swap3A_221 = vector.shape_cast %mul3A_216 : vector<16xf32> to vector<1x16xf32>
        tpu.vector_store %arg11[%swap3A_217, %swap3A_218], %swap3A_221 {strides = array<i32>} : memref<80x128xf32, #tpu.memory_space<vmem>>, vector<1x16xf32>,
        %broadcast_in_dim3A_222 = arith.constant 1 : i32
        %broadcast_in_dim3A_223 = vector.broadcast %broadcast_in_dim3A_222 : i32 to vector<16x1xi32>
        %gather3A_224 = vector.shape_cast %broadcast_in_dim3A_223 : vector<16x1xi32> to vector<16xi32>
        %gather3A_225 = tpu.dynamic_gather %get3A_135[%gather3A_224] in [0] : vector<16xf32>, vector<16xi32> -> vector<16xf32>
        %mul3A_226 = arith.constant 16 : i32
        %mul3A_227 = arith.muli %scan3A_131, %mul3A_226 : i32
        %add3A_228 = arith.constant 1 : i32
        %add3A_229 = arith.addi %mul3A_227, %add3A_228 : i32
        %get3A_230 = arith.index_cast %add3A_229 : i32 to index
        %get3A_231 = arith.constant 0 : index
        %get3A_232 = tpu.vector_load %arg11[%get3A_230, %get3A_231] {strides = array<i32>} : memref<80x128xf32, #tpu.memory_space<vmem>>, vector<1x16xf32>,
        %get3A_233 = vector.shape_cast %get3A_232 : vector<1x16xf32> to vector<16xf32>
        %mul3A_234 = arith.mulf %get3A_233, %gather3A_225 : vector<16xf32>
        %swap3A_235 = arith.index_cast %add3A_229 : i32 to index
        %swap3A_236 = arith.constant 0 : index
        %swap3A_237 = tpu.vector_load %arg11[%swap3A_235, %swap3A_236] {strides = array<i32>} : memref<80x128xf32, #tpu.memory_space<vmem>>, vector<1x16xf32>,
        %swap3A_238 = vector.shape_cast %swap3A_237 : vector<1x16xf32> to vector<16xf32>
        %swap3A_239 = vector.shape_cast %mul3A_234 : vector<16xf32> to vector<1x16xf32>
        tpu.vector_store %arg11[%swap3A_235, %swap3A_236], %swap3A_239 {strides = array<i32>} : memref<80x128xf32, #tpu.memory_space<vmem>>, vector<1x16xf32>,
        %get3A_240 = arith.index_cast %add3A_229 : i32 to index
        %get3A_241 = arith.constant 16 : index
        %get3A_242 = tpu.vector_load %arg11[%get3A_240, %get3A_241] {strides = array<i32>} : memref<80x128xf32, #tpu.memory_space<vmem>>, vector<1x16xf32>,
        %get3A_243 = vector.shape_cast %get3A_242 : vector<1x16xf32> to vector<16xf32>
        %mul3A_244 = arith.mulf %get3A_243, %gather3A_225 : vector<16xf32>
        %swap3A_245 = arith.index_cast %add3A_229 : i32 to index
        %swap3A_246 = arith.constant 16 : index
        %swap3A_247 = tpu.vector_load %arg11[%swap3A_245, %swap3A_246] {strides = array<i32>} : memref<80x128xf32, #tpu.memory_space<vmem>>, vector<1x16xf32>,
        %swap3A_248 = vector.shape_cast %swap3A_247 : vector<1x16xf32> to vector<16xf32>
        %swap3A_249 = vector.shape_cast %mul3A_244 : vector<16xf32> to vector<1x16xf32>
        tpu.vector_store %arg11[%swap3A_245, %swap3A_246], %swap3A_249 {strides = array<i32>} : memref<80x128xf32, #tpu.memory_space<vmem>>, vector<1x16xf32>,
        %get3A_250 = arith.index_cast %add3A_229 : i32 to index
        %get3A_251 = arith.constant 32 : index
        %get3A_252 = tpu.vector_load %arg11[%get3A_250, %get3A_251] {strides = array<i32>} : memref<80x128xf32, #tpu.memory_space<vmem>>, vector<1x16xf32>,
        %get3A_253 = vector.shape_cast %get3A_252 : vector<1x16xf32> to vector<16xf32>
        %mul3A_254 = arith.mulf %get3A_253, %gather3A_225 : vector<16xf32>
        %swap3A_255 = arith.index_cast %add3A_229 : i32 to index
        %swap3A_256 = arith.constant 32 : index
        %swap3A_257 = tpu.vector_load %arg11[%swap3A_255, %swap3A_256] {strides = array<i32>} : memref<80x128xf32, #tpu.memory_space<vmem>>, vector<1x16xf32>,
        %swap3A_258 = vector.shape_cast %swap3A_257 : vector<1x16xf32> to vector<16xf32>
        %swap3A_259 = vector.shape_cast %mul3A_254 : vector<16xf32> to vector<1x16xf32>
        tpu.vector_store %arg11[%swap3A_255, %swap3A_256], %swap3A_259 {strides = array<i32>} : memref<80x128xf32, #tpu.memory_space<vmem>>, vector<1x16xf32>,
        %get3A_260 = arith.index_cast %add3A_229 : i32 to index
        %get3A_261 = arith.constant 48 : index
        %get3A_262 = tpu.vector_load %arg11[%get3A_260, %get3A_261] {strides = array<i32>} : memref<80x128xf32, #tpu.memory_space<vmem>>, vector<1x16xf32>,
        %get3A_263 = vector.shape_cast %get3A_262 : vector<1x16xf32> to vector<16xf32>
        %mul3A_264 = arith.mulf %get3A_263, %gather3A_225 : vector<16xf32>
        %swap3A_265 = arith.index_cast %add3A_229 : i32 to index
        %swap3A_266 = arith.constant 48 : index
        %swap3A_267 = tpu.vector_load %arg11[%swap3A_265, %swap3A_266] {strides = array<i32>} : memref<80x128xf32, #tpu.memory_space<vmem>>, vector<1x16xf32>,
        %swap3A_268 = vector.shape_cast %swap3A_267 : vector<1x16xf32> to vector<16xf32>
        %swap3A_269 = vector.shape_cast %mul3A_264 : vector<16xf32> to vector<1x16xf32>
        tpu.vector_store %arg11[%swap3A_265, %swap3A_266], %swap3A_269 {strides = array<i32>} : memref<80x128xf32, #tpu.memory_space<vmem>>, vector<1x16xf32>,
        %get3A_270 = arith.index_cast %add3A_229 : i32 to index
        %get3A_271 = arith.constant 64 : index
        %get3A_272 = tpu.vector_load %arg11[%get3A_270, %get3A_271] {strides = array<i32>} : memref<80x128xf32, #tpu.memory_space<vmem>>, vector<1x16xf32>,
        %get3A_273 = vector.shape_cast %get3A_272 : vector<1x16xf32> to vector<16xf32>
        %mul3A_274 = arith.mulf %get3A_273, %gather3A_225 : vector<16xf32>
        %swap3A_275 = arith.index_cast %add3A_229 : i32 to index
        %swap3A_276 = arith.constant 64 : index
        %swap3A_277 = tpu.vector_load %arg11[%swap3A_275, %swap3A_276] {strides = array<i32>} : memref<80x128xf32, #tpu.memory_space<vmem>>, vector<1x16xf32>,
        %swap3A_278 = vector.shape_cast %swap3A_277 : vector<1x16xf32> to vector<16xf32>
        %swap3A_279 = vector.shape_cast %mul3A_274 : vector<16xf32> to vector<1x16xf32>
        tpu.vector_store %arg11[%swap3A_275, %swap3A_276], %swap3A_279 {strides = array<i32>} : memref<80x128xf32, #tpu.memory_space<vmem>>, vector<1x16xf32>,
        %get3A_280 = arith.index_cast %add3A_229 : i32 to index
        %get3A_281 = arith.constant 80 : index
        %get3A_282 = tpu.vector_load %arg11[%get3A_280, %get3A_281] {strides = array<i32>} : memref<80x128xf32, #tpu.memory_space<vmem>>, vector<1x16xf32>,
        %get3A_283 = vector.shape_cast %get3A_282 : vector<1x16xf32> to vector<16xf32>
        %mul3A_284 = arith.mulf %get3A_283, %gather3A_225 : vector<16xf32>
        %swap3A_285 = arith.index_cast %add3A_229 : i32 to index
        %swap3A_286 = arith.constant 80 : index
        %swap3A_287 = tpu.vector_load %arg11[%swap3A_285, %swap3A_286] {strides = array<i32>} : memref<80x128xf32, #tpu.memory_space<vmem>>, vector<1x16xf32>,
        %swap3A_288 = vector.shape_cast %swap3A_287 : vector<1x16xf32> to vector<16xf32>
        %swap3A_289 = vector.shape_cast %mul3A_284 : vector<16xf32> to vector<1x16xf32>
        tpu.vector_store %arg11[%swap3A_285, %swap3A_286], %swap3A_289 {strides = array<i32>} : memref<80x128xf32, #tpu.memory_space<vmem>>, vector<1x16xf32>,
        %get3A_290 = arith.index_cast %add3A_229 : i32 to index
        %get3A_291 = arith.constant 96 : index
        %get3A_292 = tpu.vector_load %arg11[%get3A_290, %get3A_291] {strides = array<i32>} : memref<80x128xf32, #tpu.memory_space<vmem>>, vector<1x16xf32>,
        %get3A_293 = vector.shape_cast %get3A_292 : vector<1x16xf32> to vector<16xf32>
        %mul3A_294 = arith.mulf %get3A_293, %gather3A_225 : vector<16xf32>
        %swap3A_295 = arith.index_cast %add3A_229 : i32 to index
        %swap3A_296 = arith.constant 96 : index
        %swap3A_297 = tpu.vector_load %arg11[%swap3A_295, %swap3A_296] {strides = array<i32>} : memref<80x128xf32, #tpu.memory_space<vmem>>, vector<1x16xf32>,
        %swap3A_298 = vector.shape_cast %swap3A_297 : vector<1x16xf32> to vector<16xf32>
        %swap3A_299 = vector.shape_cast %mul3A_294 : vector<16xf32> to vector<1x16xf32>
        tpu.vector_store %arg11[%swap3A_295, %swap3A_296], %swap3A_299 {strides = array<i32>} : memref<80x128xf32, #tpu.memory_space<vmem>>, vector<1x16xf32>,
        %get3A_300 = arith.index_cast %add3A_229 : i32 to index
        %get3A_301 = arith.constant 112 : index
        %get3A_302 = tpu.vector_load %arg11[%get3A_300, %get3A_301] {strides = array<i32>} : memref<80x128xf32, #tpu.memory_space<vmem>>, vector<1x16xf32>,
        %get3A_303 = vector.shape_cast %get3A_302 : vector<1x16xf32> to vector<16xf32>
        %mul3A_304 = arith.mulf %get3A_303, %gather3A_225 : vector<16xf32>
        %swap3A_305 = arith.index_cast %add3A_229 : i32 to index
        %swap3A_306 = arith.constant 112 : index
        %swap3A_307 = tpu.vector_load %arg11[%swap3A_305, %swap3A_306] {strides = array<i32>} : memref<80x128xf32, #tpu.memory_space<vmem>>, vector<1x16xf32>,
        %swap3A_308 = vector.shape_cast %swap3A_307 : vector<1x16xf32> to vector<16xf32>
        %swap3A_309 = vector.shape_cast %mul3A_304 : vector<16xf32> to vector<1x16xf32>
        tpu.vector_store %arg11[%swap3A_305, %swap3A_306], %swap3A_309 {strides = array<i32>} : memref<80x128xf32, #tpu.memory_space<vmem>>, vector<1x16xf32>,
        %broadcast_in_dim3A_310 = arith.constant 2 : i32
        %broadcast_in_dim3A_311 = vector.broadcast %broadcast_in_dim3A_310 : i32 to vector<16x1xi32>
        %gather3A_312 = vector.shape_cast %broadcast_in_dim3A_311 : vector<16x1xi32> to vector<16xi32>
        %gather3A_313 = tpu.dynamic_gather %get3A_135[%gather3A_312] in [0] : vector<16xf32>, vector<16xi32> -> vector<16xf32>
        %mul3A_314 = arith.constant 16 : i32
        %mul3A_315 = arith.muli %scan3A_131, %mul3A_314 : i32
        %add3A_316 = arith.constant 2 : i32
        %add3A_317 = arith.addi %mul3A_315, %add3A_316 : i32
        %get3A_318 = arith.index_cast %add3A_317 : i32 to index
        %get3A_319 = arith.constant 0 : index
        %get3A_320 = tpu.vector_load %arg11[%get3A_318, %get3A_319] {strides = array<i32>} : memref<80x128xf32, #tpu.memory_space<vmem>>, vector<1x16xf32>,
        %get3A_321 = vector.shape_cast %get3A_320 : vector<1x16xf32> to vector<16xf32>
        %mul3A_322 = arith.mulf %get3A_321, %gather3A_313 : vector<16xf32>
        %swap3A_323 = arith.index_cast %add3A_317 : i32 to index
        %swap3A_324 = arith.constant 0 : index
        %swap3A_325 = tpu.vector_load %arg11[%swap3A_323, %swap3A_324] {strides = array<i32>} : memref<80x128xf32, #tpu.memory_space<vmem>>, vector<1x16xf32>,
        %swap3A_326 = vector.shape_cast %swap3A_325 : vector<1x16xf32> to vector<16xf32>
        %swap3A_327 = vector.shape_cast %mul3A_322 : vector<16xf32> to vector<1x16xf32>
        tpu.vector_store %arg11[%swap3A_323, %swap3A_324], %swap3A_327 {strides = array<i32>} : memref<80x128xf32, #tpu.memory_space<vmem>>, vector<1x16xf32>,
        %get3A_328 = arith.index_cast %add3A_317 : i32 to index
        %get3A_329 = arith.constant 16 : index
        %get3A_330 = tpu.vector_load %arg11[%get3A_328, %get3A_329] {strides = array<i32>} : memref<80x128xf32, #tpu.memory_space<vmem>>, vector<1x16xf32>,
        %get3A_331 = vector.shape_cast %get3A_330 : vector<1x16xf32> to vector<16xf32>
        %mul3A_332 = arith.mulf %get3A_331, %gather3A_313 : vector<16xf32>
        %swap3A_333 = arith.index_cast %add3A_317 : i32 to index
        %swap3A_334 = arith.constant 16 : index
        %swap3A_335 = tpu.vector_load %arg11[%swap3A_333, %swap3A_334] {strides = array<i32>} : memref<80x128xf32, #tpu.memory_space<vmem>>, vector<1x16xf32>,
        %swap3A_336 = vector.shape_cast %swap3A_335 : vector<1x16xf32> to vector<16xf32>
        %swap3A_337 = vector.shape_cast %mul3A_332 : vector<16xf32> to vector<1x16xf32>
        tpu.vector_store %arg11[%swap3A_333, %swap3A_334], %swap3A_337 {strides = array<i32>} : memref<80x128xf32, #tpu.memory_space<vmem>>, vector<1x16xf32>,
        %get3A_338 = arith.index_cast %add3A_317 : i32 to index
        %get3A_339 = arith.constant 32 : index
        %get3A_340 = tpu.vector_load %arg11[%get3A_338, %get3A_339] {strides = array<i32>} : memref<80x128xf32, #tpu.memory_space<vmem>>, vector<1x16xf32>,
        %get3A_341 = vector.shape_cast %get3A_340 : vector<1x16xf32> to vector<16xf32>
        %mul3A_342 = arith.mulf %get3A_341, %gather3A_313 : vector<16xf32>
        %swap3A_343 = arith.index_cast %add3A_317 : i32 to index
        %swap3A_344 = arith.constant 32 : index
        %swap3A_345 = tpu.vector_load %arg11[%swap3A_343, %swap3A_344] {strides = array<i32>} : memref<80x128xf32, #tpu.memory_space<vmem>>, vector<1x16xf32>,
        %swap3A_346 = vector.shape_cast %swap3A_345 : vector<1x16xf32> to vector<16xf32>
        %swap3A_347 = vector.shape_cast %mul3A_342 : vector<16xf32> to vector<1x16xf32>
        tpu.vector_store %arg11[%swap3A_343, %swap3A_344], %swap3A_347 {strides = array<i32>} : memref<80x128xf32, #tpu.memory_space<vmem>>, vector<1x16xf32>,
        %get3A_348 = arith.index_cast %add3A_317 : i32 to index
        %get3A_349 = arith.constant 48 : index
        %get3A_350 = tpu.vector_load %arg11[%get3A_348, %get3A_349] {strides = array<i32>} : memref<80x128xf32, #tpu.memory_space<vmem>>, vector<1x16xf32>,
        %get3A_351 = vector.shape_cast %get3A_350 : vector<1x16xf32> to vector<16xf32>
        %mul3A_352 = arith.mulf %get3A_351, %gather3A_313 : vector<16xf32>
        %swap3A_353 = arith.index_cast %add3A_317 : i32 to index
        %swap3A_354 = arith.constant 48 : index
        %swap3A_355 = tpu.vector_load %arg11[%swap3A_353, %swap3A_354] {strides = array<i32>} : memref<80x128xf32, #tpu.memory_space<vmem>>, vector<1x16xf32>,
        %swap3A_356 = vector.shape_cast %swap3A_355 : vector<1x16xf32> to vector<16xf32>
        %swap3A_357 = vector.shape_cast %mul3A_352 : vector<16xf32> to vector<1x16xf32>
        tpu.vector_store %arg11[%swap3A_353, %swap3A_354], %swap3A_357 {strides = array<i32>} : memref<80x128xf32, #tpu.memory_space<vmem>>, vector<1x16xf32>,
        %get3A_358 = arith.index_cast %add3A_317 : i32 to index
        %get3A_359 = arith.constant 64 : index
        %get3A_360 = tpu.vector_load %arg11[%get3A_358, %get3A_359] {strides = array<i32>} : memref<80x128xf32, #tpu.memory_space<vmem>>, vector<1x16xf32>,
        %get3A_361 = vector.shape_cast %get3A_360 : vector<1x16xf32> to vector<16xf32>
        %mul3A_362 = arith.mulf %get3A_361, %gather3A_313 : vector<16xf32>
        %swap3A_363 = arith.index_cast %add3A_317 : i32 to index
        %swap3A_364 = arith.constant 64 : index
        %swap3A_365 = tpu.vector_load %arg11[%swap3A_363, %swap3A_364] {strides = array<i32>} : memref<80x128xf32, #tpu.memory_space<vmem>>, vector<1x16xf32>,
        %swap3A_366 = vector.shape_cast %swap3A_365 : vector<1x16xf32> to vector<16xf32>
        %swap3A_367 = vector.shape_cast %mul3A_362 : vector<16xf32> to vector<1x16xf32>
        tpu.vector_store %arg11[%swap3A_363, %swap3A_364], %swap3A_367 {strides = array<i32>} : memref<80x128xf32, #tpu.memory_space<vmem>>, vector<1x16xf32>,
        %get3A_368 = arith.index_cast %add3A_317 : i32 to index
        %get3A_369 = arith.constant 80 : index
        %get3A_370 = tpu.vector_load %arg11[%get3A_368, %get3A_369] {strides = array<i32>} : memref<80x128xf32, #tpu.memory_space<vmem>>, vector<1x16xf32>,
        %get3A_371 = vector.shape_cast %get3A_370 : vector<1x16xf32> to vector<16xf32>
        %mul3A_372 = arith.mulf %get3A_371, %gather3A_313 : vector<16xf32>
        %swap3A_373 = arith.index_cast %add3A_317 : i32 to index
        %swap3A_374 = arith.constant 80 : index
        %swap3A_375 = tpu.vector_load %arg11[%swap3A_373, %swap3A_374] {strides = array<i32>} : memref<80x128xf32, #tpu.memory_space<vmem>>, vector<1x16xf32>,
        %swap3A_376 = vector.shape_cast %swap3A_375 : vector<1x16xf32> to vector<16xf32>
        %swap3A_377 = vector.shape_cast %mul3A_372 : vector<16xf32> to vector<1x16xf32>
        tpu.vector_store %arg11[%swap3A_373, %swap3A_374], %swap3A_377 {strides = array<i32>} : memref<80x128xf32, #tpu.memory_space<vmem>>, vector<1x16xf32>,
        %get3A_378 = arith.index_cast %add3A_317 : i32 to index
        %get3A_379 = arith.constant 96 : index
        %get3A_380 = tpu.vector_load %arg11[%get3A_378, %get3A_379] {strides = array<i32>} : memref<80x128xf32, #tpu.memory_space<vmem>>, vector<1x16xf32>,
        %get3A_381 = vector.shape_cast %get3A_380 : vector<1x16xf32> to vector<16xf32>
        %mul3A_382 = arith.mulf %get3A_381, %gather3A_313 : vector<16xf32>
        %swap3A_383 = arith.index_cast %add3A_317 : i32 to index
        %swap3A_384 = arith.constant 96 : index
        %swap3A_385 = tpu.vector_load %arg11[%swap3A_383, %swap3A_384] {strides = array<i32>} : memref<80x128xf32, #tpu.memory_space<vmem>>, vector<1x16xf32>,
        %swap3A_386 = vector.shape_cast %swap3A_385 : vector<1x16xf32> to vector<16xf32>
        %swap3A_387 = vector.shape_cast %mul3A_382 : vector<16xf32> to vector<1x16xf32>
        tpu.vector_store %arg11[%swap3A_383, %swap3A_384], %swap3A_387 {strides = array<i32>} : memref<80x128xf32, #tpu.memory_space<vmem>>, vector<1x16xf32>,
        %get3A_388 = arith.index_cast %add3A_317 : i32 to index
        %get3A_389 = arith.constant 112 : index
        %get3A_390 = tpu.vector_load %arg11[%get3A_388, %get3A_389] {strides = array<i32>} : memref<80x128xf32, #tpu.memory_space<vmem>>, vector<1x16xf32>,
        %get3A_391 = vector.shape_cast %get3A_390 : vector<1x16xf32> to vector<16xf32>
        %mul3A_392 = arith.mulf %get3A_391, %gather3A_313 : vector<16xf32>
        %swap3A_393 = arith.index_cast %add3A_317 : i32 to index
        %swap3A_394 = arith.constant 112 : index
        %swap3A_395 = tpu.vector_load %arg11[%swap3A_393, %swap3A_394] {strides = array<i32>} : memref<80x128xf32, #tpu.memory_space<vmem>>, vector<1x16xf32>,
        %swap3A_396 = vector.shape_cast %swap3A_395 : vector<1x16xf32> to vector<16xf32>
        %swap3A_397 = vector.shape_cast %mul3A_392 : vector<16xf32> to vector<1x16xf32>
        tpu.vector_store %arg11[%swap3A_393, %swap3A_394], %swap3A_397 {strides = array<i32>} : memref<80x128xf32, #tpu.memory_space<vmem>>, vector<1x16xf32>,
        %broadcast_in_dim3A_398 = arith.constant 3 : i32
        %broadcast_in_dim3A_399 = vector.broadcast %broadcast_in_dim3A_398 : i32 to vector<16x1xi32>
        %gather3A_400 = vector.shape_cast %broadcast_in_dim3A_399 : vector<16x1xi32> to vector<16xi32>
        %gather3A_401 = tpu.dynamic_gather %get3A_135[%gather3A_400] in [0] : vector<16xf32>, vector<16xi32> -> vector<16xf32>
        %mul3A_402 = arith.constant 16 : i32
        %mul3A_403 = arith.muli %scan3A_131, %mul3A_402 : i32
        %add3A_404 = arith.constant 3 : i32
        %add3A_405 = arith.addi %mul3A_403, %add3A_404 : i32
        %get3A_406 = arith.index_cast %add3A_405 : i32 to index
        %get3A_407 = arith.constant 0 : index
        %get3A_408 = tpu.vector_load %arg11[%get3A_406, %get3A_407] {strides = array<i32>} : memref<80x128xf32, #tpu.memory_space<vmem>>, vector<1x16xf32>,
        %get3A_409 = vector.shape_cast %get3A_408 : vector<1x16xf32> to vector<16xf32>
        %mul3A_410 = arith.mulf %get3A_409, %gather3A_401 : vector<16xf32>
        %swap3A_411 = arith.index_cast %add3A_405 : i32 to index
        %swap3A_412 = arith.constant 0 : index
        %swap3A_413 = tpu.vector_load %arg11[%swap3A_411, %swap3A_412] {strides = array<i32>} : memref<80x128xf32, #tpu.memory_space<vmem>>, vector<1x16xf32>,
        %swap3A_414 = vector.shape_cast %swap3A_413 : vector<1x16xf32> to vector<16xf32>
        %swap3A_415 = vector.shape_cast %mul3A_410 : vector<16xf32> to vector<1x16xf32>
        tpu.vector_store %arg11[%swap3A_411, %swap3A_412], %swap3A_415 {strides = array<i32>} : memref<80x128xf32, #tpu.memory_space<vmem>>, vector<1x16xf32>,
        %get3A_416 = arith.index_cast %add3A_405 : i32 to index
        %get3A_417 = arith.constant 16 : index
        %get3A_418 = tpu.vector_load %arg11[%get3A_416, %get3A_417] {strides = array<i32>} : memref<80x128xf32, #tpu.memory_space<vmem>>, vector<1x16xf32>,
        %get3A_419 = vector.shape_cast %get3A_418 : vector<1x16xf32> to vector<16xf32>
        %mul3A_420 = arith.mulf %get3A_419, %gather3A_401 : vector<16xf32>
        %swap3A_421 = arith.index_cast %add3A_405 : i32 to index
        %swap3A_422 = arith.constant 16 : index
        %swap3A_423 = tpu.vector_load %arg11[%swap3A_421, %swap3A_422] {strides = array<i32>} : memref<80x128xf32, #tpu.memory_space<vmem>>, vector<1x16xf32>,
        %swap3A_424 = vector.shape_cast %swap3A_423 : vector<1x16xf32> to vector<16xf32>
        %swap3A_425 = vector.shape_cast %mul3A_420 : vector<16xf32> to vector<1x16xf32>
        tpu.vector_store %arg11[%swap3A_421, %swap3A_422], %swap3A_425 {strides = array<i32>} : memref<80x128xf32, #tpu.memory_space<vmem>>, vector<1x16xf32>,
        %get3A_426 = arith.index_cast %add3A_405 : i32 to index
        %get3A_427 = arith.constant 32 : index
        %get3A_428 = tpu.vector_load %arg11[%get3A_426, %get3A_427] {strides = array<i32>} : memref<80x128xf32, #tpu.memory_space<vmem>>, vector<1x16xf32>,
        %get3A_429 = vector.shape_cast %get3A_428 : vector<1x16xf32> to vector<16xf32>
        %mul3A_430 = arith.mulf %get3A_429, %gather3A_401 : vector<16xf32>
        %swap3A_431 = arith.index_cast %add3A_405 : i32 to index
        %swap3A_432 = arith.constant 32 : index
        %swap3A_433 = tpu.vector_load %arg11[%swap3A_431, %swap3A_432] {strides = array<i32>} : memref<80x128xf32, #tpu.memory_space<vmem>>, vector<1x16xf32>,
        %swap3A_434 = vector.shape_cast %swap3A_433 : vector<1x16xf32> to vector<16xf32>
        %swap3A_435 = vector.shape_cast %mul3A_430 : vector<16xf32> to vector<1x16xf32>
        tpu.vector_store %arg11[%swap3A_431, %swap3A_432], %swap3A_435 {strides = array<i32>} : memref<80x128xf32, #tpu.memory_space<vmem>>, vector<1x16xf32>,
        %get3A_436 = arith.index_cast %add3A_405 : i32 to index
        %get3A_437 = arith.constant 48 : index
        %get3A_438 = tpu.vector_load %arg11[%get3A_436, %get3A_437] {strides = array<i32>} : memref<80x128xf32, #tpu.memory_space<vmem>>, vector<1x16xf32>,
        %get3A_439 = vector.shape_cast %get3A_438 : vector<1x16xf32> to vector<16xf32>
        %mul3A_440 = arith.mulf %get3A_439, %gather3A_401 : vector<16xf32>
        %swap3A_441 = arith.index_cast %add3A_405 : i32 to index
        %swap3A_442 = arith.constant 48 : index
        %swap3A_443 = tpu.vector_load %arg11[%swap3A_441, %swap3A_442] {strides = array<i32>} : memref<80x128xf32, #tpu.memory_space<vmem>>, vector<1x16xf32>,
        %swap3A_444 = vector.shape_cast %swap3A_443 : vector<1x16xf32> to vector<16xf32>
        %swap3A_445 = vector.shape_cast %mul3A_440 : vector<16xf32> to vector<1x16xf32>
        tpu.vector_store %arg11[%swap3A_441, %swap3A_442], %swap3A_445 {strides = array<i32>} : memref<80x128xf32, #tpu.memory_space<vmem>>, vector<1x16xf32>,
        %get3A_446 = arith.index_cast %add3A_405 : i32 to index
        %get3A_447 = arith.constant 64 : index
        %get3A_448 = tpu.vector_load %arg11[%get3A_446, %get3A_447] {strides = array<i32>} : memref<80x128xf32, #tpu.memory_space<vmem>>, vector<1x16xf32>,
        %get3A_449 = vector.shape_cast %get3A_448 : vector<1x16xf32> to vector<16xf32>
        %mul3A_450 = arith.mulf %get3A_449, %gather3A_401 : vector<16xf32>
        %swap3A_451 = arith.index_cast %add3A_405 : i32 to index
        %swap3A_452 = arith.constant 64 : index
        %swap3A_453 = tpu.vector_load %arg11[%swap3A_451, %swap3A_452] {strides = array<i32>} : memref<80x128xf32, #tpu.memory_space<vmem>>, vector<1x16xf32>,
        %swap3A_454 = vector.shape_cast %swap3A_453 : vector<1x16xf32> to vector<16xf32>
        %swap3A_455 = vector.shape_cast %mul3A_450 : vector<16xf32> to vector<1x16xf32>
        tpu.vector_store %arg11[%swap3A_451, %swap3A_452], %swap3A_455 {strides = array<i32>} : memref<80x128xf32, #tpu.memory_space<vmem>>, vector<1x16xf32>,
        %get3A_456 = arith.index_cast %add3A_405 : i32 to index
        %get3A_457 = arith.constant 80 : index
        %get3A_458 = tpu.vector_load %arg11[%get3A_456, %get3A_457] {strides = array<i32>} : memref<80x128xf32, #tpu.memory_space<vmem>>, vector<1x16xf32>,
        %get3A_459 = vector.shape_cast %get3A_458 : vector<1x16xf32> to vector<16xf32>
        %mul3A_460 = arith.mulf %get3A_459, %gather3A_401 : vector<16xf32>
        %swap3A_461 = arith.index_cast %add3A_405 : i32 to index
        %swap3A_462 = arith.constant 80 : index
        %swap3A_463 = tpu.vector_load %arg11[%swap3A_461, %swap3A_462] {strides = array<i32>} : memref<80x128xf32, #tpu.memory_space<vmem>>, vector<1x16xf32>,
        %swap3A_464 = vector.shape_cast %swap3A_463 : vector<1x16xf32> to vector<16xf32>
        %swap3A_465 = vector.shape_cast %mul3A_460 : vector<16xf32> to vector<1x16xf32>
        tpu.vector_store %arg11[%swap3A_461, %swap3A_462], %swap3A_465 {strides = array<i32>} : memref<80x128xf32, #tpu.memory_space<vmem>>, vector<1x16xf32>,
        %get3A_466 = arith.index_cast %add3A_405 : i32 to index
        %get3A_467 = arith.constant 96 : index
        %get3A_468 = tpu.vector_load %arg11[%get3A_466, %get3A_467] {strides = array<i32>} : memref<80x128xf32, #tpu.memory_space<vmem>>, vector<1x16xf32>,
        %get3A_469 = vector.shape_cast %get3A_468 : vector<1x16xf32> to vector<16xf32>
        %mul3A_470 = arith.mulf %get3A_469, %gather3A_401 : vector<16xf32>
        %swap3A_471 = arith.index_cast %add3A_405 : i32 to index
        %swap3A_472 = arith.constant 96 : index
        %swap3A_473 = tpu.vector_load %arg11[%swap3A_471, %swap3A_472] {strides = array<i32>} : memref<80x128xf32, #tpu.memory_space<vmem>>, vector<1x16xf32>,
        %swap3A_474 = vector.shape_cast %swap3A_473 : vector<1x16xf32> to vector<16xf32>
        %swap3A_475 = vector.shape_cast %mul3A_470 : vector<16xf32> to vector<1x16xf32>
        tpu.vector_store %arg11[%swap3A_471, %swap3A_472], %swap3A_475 {strides = array<i32>} : memref<80x128xf32, #tpu.memory_space<vmem>>, vector<1x16xf32>,
        %get3A_476 = arith.index_cast %add3A_405 : i32 to index
        %get3A_477 = arith.constant 112 : index
        %get3A_478 = tpu.vector_load %arg11[%get3A_476, %get3A_477] {strides = array<i32>} : memref<80x128xf32, #tpu.memory_space<vmem>>, vector<1x16xf32>,
        %get3A_479 = vector.shape_cast %get3A_478 : vector<1x16xf32> to vector<16xf32>
        %mul3A_480 = arith.mulf %get3A_479, %gather3A_401 : vector<16xf32>
        %swap3A_481 = arith.index_cast %add3A_405 : i32 to index
        %swap3A_482 = arith.constant 112 : index
        %swap3A_483 = tpu.vector_load %arg11[%swap3A_481, %swap3A_482] {strides = array<i32>} : memref<80x128xf32, #tpu.memory_space<vmem>>, vector<1x16xf32>,
        %swap3A_484 = vector.shape_cast %swap3A_483 : vector<1x16xf32> to vector<16xf32>
        %swap3A_485 = vector.shape_cast %mul3A_480 : vector<16xf32> to vector<1x16xf32>
        tpu.vector_store %arg11[%swap3A_481, %swap3A_482], %swap3A_485 {strides = array<i32>} : memref<80x128xf32, #tpu.memory_space<vmem>>, vector<1x16xf32>,
        %broadcast_in_dim3A_486 = arith.constant 4 : i32
        %broadcast_in_dim3A_487 = vector.broadcast %broadcast_in_dim3A_486 : i32 to vector<16x1xi32>
        %gather3A_488 = vector.shape_cast %broadcast_in_dim3A_487 : vector<16x1xi32> to vector<16xi32>
        %gather3A_489 = tpu.dynamic_gather %get3A_135[%gather3A_488] in [0] : vector<16xf32>, vector<16xi32> -> vector<16xf32>
        %mul3A_490 = arith.constant 16 : i32
        %mul3A_491 = arith.muli %scan3A_131, %mul3A_490 : i32
        %add3A_492 = arith.constant 4 : i32
        %add3A_493 = arith.addi %mul3A_491, %add3A_492 : i32
        %get3A_494 = arith.index_cast %add3A_493 : i32 to index
        %get3A_495 = arith.constant 0 : index
        %get3A_496 = tpu.vector_load %arg11[%get3A_494, %get3A_495] {strides = array<i32>} : memref<80x128xf32, #tpu.memory_space<vmem>>, vector<1x16xf32>,
        %get3A_497 = vector.shape_cast %get3A_496 : vector<1x16xf32> to vector<16xf32>
        %mul3A_498 = arith.mulf %get3A_497, %gather3A_489 : vector<16xf32>
        %swap3A_499 = arith.index_cast %add3A_493 : i32 to index
        %swap3A_500 = arith.constant 0 : index
        %swap3A_501 = tpu.vector_load %arg11[%swap3A_499, %swap3A_500] {strides = array<i32>} : memref<80x128xf32, #tpu.memory_space<vmem>>, vector<1x16xf32>,
        %swap3A_502 = vector.shape_cast %swap3A_501 : vector<1x16xf32> to vector<16xf32>
        %swap3A_503 = vector.shape_cast %mul3A_498 : vector<16xf32> to vector<1x16xf32>
        tpu.vector_store %arg11[%swap3A_499, %swap3A_500], %swap3A_503 {strides = array<i32>} : memref<80x128xf32, #tpu.memory_space<vmem>>, vector<1x16xf32>,
        %get3A_504 = arith.index_cast %add3A_493 : i32 to index
        %get3A_505 = arith.constant 16 : index
        %get3A_506 = tpu.vector_load %arg11[%get3A_504, %get3A_505] {strides = array<i32>} : memref<80x128xf32, #tpu.memory_space<vmem>>, vector<1x16xf32>,
        %get3A_507 = vector.shape_cast %get3A_506 : vector<1x16xf32> to vector<16xf32>
        %mul3A_508 = arith.mulf %get3A_507, %gather3A_489 : vector<16xf32>
        %swap3A_509 = arith.index_cast %add3A_493 : i32 to index
        %swap3A_510 = arith.constant 16 : index
        %swap3A_511 = tpu.vector_load %arg11[%swap3A_509, %swap3A_510] {strides = array<i32>} : memref<80x128xf32, #tpu.memory_space<vmem>>, vector<1x16xf32>,
        %swap3A_512 = vector.shape_cast %swap3A_511 : vector<1x16xf32> to vector<16xf32>
        %swap3A_513 = vector.shape_cast %mul3A_508 : vector<16xf32> to vector<1x16xf32>
        tpu.vector_store %arg11[%swap3A_509, %swap3A_510], %swap3A_513 {strides = array<i32>} : memref<80x128xf32, #tpu.memory_space<vmem>>, vector<1x16xf32>,
        %get3A_514 = arith.index_cast %add3A_493 : i32 to index
        %get3A_515 = arith.constant 32 : index
        %get3A_516 = tpu.vector_load %arg11[%get3A_514, %get3A_515] {strides = array<i32>} : memref<80x128xf32, #tpu.memory_space<vmem>>, vector<1x16xf32>,
        %get3A_517 = vector.shape_cast %get3A_516 : vector<1x16xf32> to vector<16xf32>
        %mul3A_518 = arith.mulf %get3A_517, %gather3A_489 : vector<16xf32>
        %swap3A_519 = arith.index_cast %add3A_493 : i32 to index
        %swap3A_520 = arith.constant 32 : index
        %swap3A_521 = tpu.vector_load %arg11[%swap3A_519, %swap3A_520] {strides = array<i32>} : memref<80x128xf32, #tpu.memory_space<vmem>>, vector<1x16xf32>,
        %swap3A_522 = vector.shape_cast %swap3A_521 : vector<1x16xf32> to vector<16xf32>
        %swap3A_523 = vector.shape_cast %mul3A_518 : vector<16xf32> to vector<1x16xf32>
        tpu.vector_store %arg11[%swap3A_519, %swap3A_520], %swap3A_523 {strides = array<i32>} : memref<80x128xf32, #tpu.memory_space<vmem>>, vector<1x16xf32>,
        %get3A_524 = arith.index_cast %add3A_493 : i32 to index
        %get3A_525 = arith.constant 48 : index
        %get3A_526 = tpu.vector_load %arg11[%get3A_524, %get3A_525] {strides = array<i32>} : memref<80x128xf32, #tpu.memory_space<vmem>>, vector<1x16xf32>,
        %get3A_527 = vector.shape_cast %get3A_526 : vector<1x16xf32> to vector<16xf32>
        %mul3A_528 = arith.mulf %get3A_527, %gather3A_489 : vector<16xf32>
        %swap3A_529 = arith.index_cast %add3A_493 : i32 to index
        %swap3A_530 = arith.constant 48 : index
        %swap3A_531 = tpu.vector_load %arg11[%swap3A_529, %swap3A_530] {strides = array<i32>} : memref<80x128xf32, #tpu.memory_space<vmem>>, vector<1x16xf32>,
        %swap3A_532 = vector.shape_cast %swap3A_531 : vector<1x16xf32> to vector<16xf32>
        %swap3A_533 = vector.shape_cast %mul3A_528 : vector<16xf32> to vector<1x16xf32>
        tpu.vector_store %arg11[%swap3A_529, %swap3A_530], %swap3A_533 {strides = array<i32>} : memref<80x128xf32, #tpu.memory_space<vmem>>, vector<1x16xf32>,
        %get3A_534 = arith.index_cast %add3A_493 : i32 to index
        %get3A_535 = arith.constant 64 : index
        %get3A_536 = tpu.vector_load %arg11[%get3A_534, %get3A_535] {strides = array<i32>} : memref<80x128xf32, #tpu.memory_space<vmem>>, vector<1x16xf32>,
        %get3A_537 = vector.shape_cast %get3A_536 : vector<1x16xf32> to vector<16xf32>
        %mul3A_538 = arith.mulf %get3A_537, %gather3A_489 : vector<16xf32>
        %swap3A_539 = arith.index_cast %add3A_493 : i32 to index
        %swap3A_540 = arith.constant 64 : index
        %swap3A_541 = tpu.vector_load %arg11[%swap3A_539, %swap3A_540] {strides = array<i32>} : memref<80x128xf32, #tpu.memory_space<vmem>>, vector<1x16xf32>,
        %swap3A_542 = vector.shape_cast %swap3A_541 : vector<1x16xf32> to vector<16xf32>
        %swap3A_543 = vector.shape_cast %mul3A_538 : vector<16xf32> to vector<1x16xf32>
        tpu.vector_store %arg11[%swap3A_539, %swap3A_540], %swap3A_543 {strides = array<i32>} : memref<80x128xf32, #tpu.memory_space<vmem>>, vector<1x16xf32>,
        %get3A_544 = arith.index_cast %add3A_493 : i32 to index
        %get3A_545 = arith.constant 80 : index
        %get3A_546 = tpu.vector_load %arg11[%get3A_544, %get3A_545] {strides = array<i32>} : memref<80x128xf32, #tpu.memory_space<vmem>>, vector<1x16xf32>,
        %get3A_547 = vector.shape_cast %get3A_546 : vector<1x16xf32> to vector<16xf32>
        %mul3A_548 = arith.mulf %get3A_547, %gather3A_489 : vector<16xf32>
        %swap3A_549 = arith.index_cast %add3A_493 : i32 to index
        %swap3A_550 = arith.constant 80 : index
        %swap3A_551 = tpu.vector_load %arg11[%swap3A_549, %swap3A_550] {strides = array<i32>} : memref<80x128xf32, #tpu.memory_space<vmem>>, vector<1x16xf32>,
        %swap3A_552 = vector.shape_cast %swap3A_551 : vector<1x16xf32> to vector<16xf32>
        %swap3A_553 = vector.shape_cast %mul3A_548 : vector<16xf32> to vector<1x16xf32>
        tpu.vector_store %arg11[%swap3A_549, %swap3A_550], %swap3A_553 {strides = array<i32>} : memref<80x128xf32, #tpu.memory_space<vmem>>, vector<1x16xf32>,
        %get3A_554 = arith.index_cast %add3A_493 : i32 to index
        %get3A_555 = arith.constant 96 : index
        %get3A_556 = tpu.vector_load %arg11[%get3A_554, %get3A_555] {strides = array<i32>} : memref<80x128xf32, #tpu.memory_space<vmem>>, vector<1x16xf32>,
        %get3A_557 = vector.shape_cast %get3A_556 : vector<1x16xf32> to vector<16xf32>
        %mul3A_558 = arith.mulf %get3A_557, %gather3A_489 : vector<16xf32>
        %swap3A_559 = arith.index_cast %add3A_493 : i32 to index
        %swap3A_560 = arith.constant 96 : index
        %swap3A_561 = tpu.vector_load %arg11[%swap3A_559, %swap3A_560] {strides = array<i32>} : memref<80x128xf32, #tpu.memory_space<vmem>>, vector<1x16xf32>,
        %swap3A_562 = vector.shape_cast %swap3A_561 : vector<1x16xf32> to vector<16xf32>
        %swap3A_563 = vector.shape_cast %mul3A_558 : vector<16xf32> to vector<1x16xf32>
        tpu.vector_store %arg11[%swap3A_559, %swap3A_560], %swap3A_563 {strides = array<i32>} : memref<80x128xf32, #tpu.memory_space<vmem>>, vector<1x16xf32>,
        %get3A_564 = arith.index_cast %add3A_493 : i32 to index
        %get3A_565 = arith.constant 112 : index
        %get3A_566 = tpu.vector_load %arg11[%get3A_564, %get3A_565] {strides = array<i32>} : memref<80x128xf32, #tpu.memory_space<vmem>>, vector<1x16xf32>,
        %get3A_567 = vector.shape_cast %get3A_566 : vector<1x16xf32> to vector<16xf32>
        %mul3A_568 = arith.mulf %get3A_567, %gather3A_489 : vector<16xf32>
        %swap3A_569 = arith.index_cast %add3A_493 : i32 to index
        %swap3A_570 = arith.constant 112 : index
        %swap3A_571 = tpu.vector_load %arg11[%swap3A_569, %swap3A_570] {strides = array<i32>} : memref<80x128xf32, #tpu.memory_space<vmem>>, vector<1x16xf32>,
        %swap3A_572 = vector.shape_cast %swap3A_571 : vector<1x16xf32> to vector<16xf32>
        %swap3A_573 = vector.shape_cast %mul3A_568 : vector<16xf32> to vector<1x16xf32>
        tpu.vector_store %arg11[%swap3A_569, %swap3A_570], %swap3A_573 {strides = array<i32>} : memref<80x128xf32, #tpu.memory_space<vmem>>, vector<1x16xf32>,
        %broadcast_in_dim3A_574 = arith.constant 5 : i32
        %broadcast_in_dim3A_575 = vector.broadcast %broadcast_in_dim3A_574 : i32 to vector<16x1xi32>
        %gather3A_576 = vector.shape_cast %broadcast_in_dim3A_575 : vector<16x1xi32> to vector<16xi32>
        %gather3A_577 = tpu.dynamic_gather %get3A_135[%gather3A_576] in [0] : vector<16xf32>, vector<16xi32> -> vector<16xf32>
        %mul3A_578 = arith.constant 16 : i32
        %mul3A_579 = arith.muli %scan3A_131, %mul3A_578 : i32
        %add3A_580 = arith.constant 5 : i32
        %add3A_581 = arith.addi %mul3A_579, %add3A_580 : i32
        %get3A_582 = arith.index_cast %add3A_581 : i32 to index
        %get3A_583 = arith.constant 0 : index
        %get3A_584 = tpu.vector_load %arg11[%get3A_582, %get3A_583] {strides = array<i32>} : memref<80x128xf32, #tpu.memory_space<vmem>>, vector<1x16xf32>,
        %get3A_585 = vector.shape_cast %get3A_584 : vector<1x16xf32> to vector<16xf32>
        %mul3A_586 = arith.mulf %get3A_585, %gather3A_577 : vector<16xf32>
        %swap3A_587 = arith.index_cast %add3A_581 : i32 to index
        %swap3A_588 = arith.constant 0 : index
        %swap3A_589 = tpu.vector_load %arg11[%swap3A_587, %swap3A_588] {strides = array<i32>} : memref<80x128xf32, #tpu.memory_space<vmem>>, vector<1x16xf32>,
        %swap3A_590 = vector.shape_cast %swap3A_589 : vector<1x16xf32> to vector<16xf32>
        %swap3A_591 = vector.shape_cast %mul3A_586 : vector<16xf32> to vector<1x16xf32>
        tpu.vector_store %arg11[%swap3A_587, %swap3A_588], %swap3A_591 {strides = array<i32>} : memref<80x128xf32, #tpu.memory_space<vmem>>, vector<1x16xf32>,
        %get3A_592 = arith.index_cast %add3A_581 : i32 to index
        %get3A_593 = arith.constant 16 : index
        %get3A_594 = tpu.vector_load %arg11[%get3A_592, %get3A_593] {strides = array<i32>} : memref<80x128xf32, #tpu.memory_space<vmem>>, vector<1x16xf32>,
        %get3A_595 = vector.shape_cast %get3A_594 : vector<1x16xf32> to vector<16xf32>
        %mul3A_596 = arith.mulf %get3A_595, %gather3A_577 : vector<16xf32>
        %swap3A_597 = arith.index_cast %add3A_581 : i32 to index
        %swap3A_598 = arith.constant 16 : index
        %swap3A_599 = tpu.vector_load %arg11[%swap3A_597, %swap3A_598] {strides = array<i32>} : memref<80x128xf32, #tpu.memory_space<vmem>>, vector<1x16xf32>,
        %swap3A_600 = vector.shape_cast %swap3A_599 : vector<1x16xf32> to vector<16xf32>
        %swap3A_601 = vector.shape_cast %mul3A_596 : vector<16xf32> to vector<1x16xf32>
        tpu.vector_store %arg11[%swap3A_597, %swap3A_598], %swap3A_601 {strides = array<i32>} : memref<80x128xf32, #tpu.memory_space<vmem>>, vector<1x16xf32>,
        %get3A_602 = arith.index_cast %add3A_581 : i32 to index
        %get3A_603 = arith.constant 32 : index
        %get3A_604 = tpu.vector_load %arg11[%get3A_602, %get3A_603] {strides = array<i32>} : memref<80x128xf32, #tpu.memory_space<vmem>>, vector<1x16xf32>,
        %get3A_605 = vector.shape_cast %get3A_604 : vector<1x16xf32> to vector<16xf32>
        %mul3A_606 = arith.mulf %get3A_605, %gather3A_577 : vector<16xf32>
        %swap3A_607 = arith.index_cast %add3A_581 : i32 to index
        %swap3A_608 = arith.constant 32 : index
        %swap3A_609 = tpu.vector_load %arg11[%swap3A_607, %swap3A_608] {strides = array<i32>} : memref<80x128xf32, #tpu.memory_space<vmem>>, vector<1x16xf32>,
        %swap3A_610 = vector.shape_cast %swap3A_609 : vector<1x16xf32> to vector<16xf32>
        %swap3A_611 = vector.shape_cast %mul3A_606 : vector<16xf32> to vector<1x16xf32>
        tpu.vector_store %arg11[%swap3A_607, %swap3A_608], %swap3A_611 {strides = array<i32>} : memref<80x128xf32, #tpu.memory_space<vmem>>, vector<1x16xf32>,
        %get3A_612 = arith.index_cast %add3A_581 : i32 to index
        %get3A_613 = arith.constant 48 : index
        %get3A_614 = tpu.vector_load %arg11[%get3A_612, %get3A_613] {strides = array<i32>} : memref<80x128xf32, #tpu.memory_space<vmem>>, vector<1x16xf32>,
        %get3A_615 = vector.shape_cast %get3A_614 : vector<1x16xf32> to vector<16xf32>
        %mul3A_616 = arith.mulf %get3A_615, %gather3A_577 : vector<16xf32>
        %swap3A_617 = arith.index_cast %add3A_581 : i32 to index
        %swap3A_618 = arith.constant 48 : index
        %swap3A_619 = tpu.vector_load %arg11[%swap3A_617, %swap3A_618] {strides = array<i32>} : memref<80x128xf32, #tpu.memory_space<vmem>>, vector<1x16xf32>,
        %swap3A_620 = vector.shape_cast %swap3A_619 : vector<1x16xf32> to vector<16xf32>
        %swap3A_621 = vector.shape_cast %mul3A_616 : vector<16xf32> to vector<1x16xf32>
        tpu.vector_store %arg11[%swap3A_617, %swap3A_618], %swap3A_621 {strides = array<i32>} : memref<80x128xf32, #tpu.memory_space<vmem>>, vector<1x16xf32>,
        %get3A_622 = arith.index_cast %add3A_581 : i32 to index
        %get3A_623 = arith.constant 64 : index
        %get3A_624 = tpu.vector_load %arg11[%get3A_622, %get3A_623] {strides = array<i32>} : memref<80x128xf32, #tpu.memory_space<vmem>>, vector<1x16xf32>,
        %get3A_625 = vector.shape_cast %get3A_624 : vector<1x16xf32> to vector<16xf32>
        %mul3A_626 = arith.mulf %get3A_625, %gather3A_577 : vector<16xf32>
        %swap3A_627 = arith.index_cast %add3A_581 : i32 to index
        %swap3A_628 = arith.constant 64 : index
        %swap3A_629 = tpu.vector_load %arg11[%swap3A_627, %swap3A_628] {strides = array<i32>} : memref<80x128xf32, #tpu.memory_space<vmem>>, vector<1x16xf32>,
        %swap3A_630 = vector.shape_cast %swap3A_629 : vector<1x16xf32> to vector<16xf32>
        %swap3A_631 = vector.shape_cast %mul3A_626 : vector<16xf32> to vector<1x16xf32>
        tpu.vector_store %arg11[%swap3A_627, %swap3A_628], %swap3A_631 {strides = array<i32>} : memref<80x128xf32, #tpu.memory_space<vmem>>, vector<1x16xf32>,
        %get3A_632 = arith.index_cast %add3A_581 : i32 to index
        %get3A_633 = arith.constant 80 : index
        %get3A_634 = tpu.vector_load %arg11[%get3A_632, %get3A_633] {strides = array<i32>} : memref<80x128xf32, #tpu.memory_space<vmem>>, vector<1x16xf32>,
        %get3A_635 = vector.shape_cast %get3A_634 : vector<1x16xf32> to vector<16xf32>
        %mul3A_636 = arith.mulf %get3A_635, %gather3A_577 : vector<16xf32>
        %swap3A_637 = arith.index_cast %add3A_581 : i32 to index
        %swap3A_638 = arith.constant 80 : index
        %swap3A_639 = tpu.vector_load %arg11[%swap3A_637, %swap3A_638] {strides = array<i32>} : memref<80x128xf32, #tpu.memory_space<vmem>>, vector<1x16xf32>,
        %swap3A_640 = vector.shape_cast %swap3A_639 : vector<1x16xf32> to vector<16xf32>
        %swap3A_641 = vector.shape_cast %mul3A_636 : vector<16xf32> to vector<1x16xf32>
        tpu.vector_store %arg11[%swap3A_637, %swap3A_638], %swap3A_641 {strides = array<i32>} : memref<80x128xf32, #tpu.memory_space<vmem>>, vector<1x16xf32>,
        %get3A_642 = arith.index_cast %add3A_581 : i32 to index
        %get3A_643 = arith.constant 96 : index
        %get3A_644 = tpu.vector_load %arg11[%get3A_642, %get3A_643] {strides = array<i32>} : memref<80x128xf32, #tpu.memory_space<vmem>>, vector<1x16xf32>,
        %get3A_645 = vector.shape_cast %get3A_644 : vector<1x16xf32> to vector<16xf32>
        %mul3A_646 = arith.mulf %get3A_645, %gather3A_577 : vector<16xf32>
        %swap3A_647 = arith.index_cast %add3A_581 : i32 to index
        %swap3A_648 = arith.constant 96 : index
        %swap3A_649 = tpu.vector_load %arg11[%swap3A_647, %swap3A_648] {strides = array<i32>} : memref<80x128xf32, #tpu.memory_space<vmem>>, vector<1x16xf32>,
        %swap3A_650 = vector.shape_cast %swap3A_649 : vector<1x16xf32> to vector<16xf32>
        %swap3A_651 = vector.shape_cast %mul3A_646 : vector<16xf32> to vector<1x16xf32>
        tpu.vector_store %arg11[%swap3A_647, %swap3A_648], %swap3A_651 {strides = array<i32>} : memref<80x128xf32, #tpu.memory_space<vmem>>, vector<1x16xf32>,
        %get3A_652 = arith.index_cast %add3A_581 : i32 to index
        %get3A_653 = arith.constant 112 : index
        %get3A_654 = tpu.vector_load %arg11[%get3A_652, %get3A_653] {strides = array<i32>} : memref<80x128xf32, #tpu.memory_space<vmem>>, vector<1x16xf32>,
        %get3A_655 = vector.shape_cast %get3A_654 : vector<1x16xf32> to vector<16xf32>
        %mul3A_656 = arith.mulf %get3A_655, %gather3A_577 : vector<16xf32>
        %swap3A_657 = arith.index_cast %add3A_581 : i32 to index
        %swap3A_658 = arith.constant 112 : index
        %swap3A_659 = tpu.vector_load %arg11[%swap3A_657, %swap3A_658] {strides = array<i32>} : memref<80x128xf32, #tpu.memory_space<vmem>>, vector<1x16xf32>,
        %swap3A_660 = vector.shape_cast %swap3A_659 : vector<1x16xf32> to vector<16xf32>
        %swap3A_661 = vector.shape_cast %mul3A_656 : vector<16xf32> to vector<1x16xf32>
        tpu.vector_store %arg11[%swap3A_657, %swap3A_658], %swap3A_661 {strides = array<i32>} : memref<80x128xf32, #tpu.memory_space<vmem>>, vector<1x16xf32>,
        %broadcast_in_dim3A_662 = arith.constant 6 : i32
        %broadcast_in_dim3A_663 = vector.broadcast %broadcast_in_dim3A_662 : i32 to vector<16x1xi32>
        %gather3A_664 = vector.shape_cast %broadcast_in_dim3A_663 : vector<16x1xi32> to vector<16xi32>
        %gather3A_665 = tpu.dynamic_gather %get3A_135[%gather3A_664] in [0] : vector<16xf32>, vector<16xi32> -> vector<16xf32>
        %mul3A_666 = arith.constant 16 : i32
        %mul3A_667 = arith.muli %scan3A_131, %mul3A_666 : i32
        %add3A_668 = arith.constant 6 : i32
        %add3A_669 = arith.addi %mul3A_667, %add3A_668 : i32
        %get3A_670 = arith.index_cast %add3A_669 : i32 to index
        %get3A_671 = arith.constant 0 : index
        %get3A_672 = tpu.vector_load %arg11[%get3A_670, %get3A_671] {strides = array<i32>} : memref<80x128xf32, #tpu.memory_space<vmem>>, vector<1x16xf32>,
        %get3A_673 = vector.shape_cast %get3A_672 : vector<1x16xf32> to vector<16xf32>
        %mul3A_674 = arith.mulf %get3A_673, %gather3A_665 : vector<16xf32>
        %swap3A_675 = arith.index_cast %add3A_669 : i32 to index
        %swap3A_676 = arith.constant 0 : index
        %swap3A_677 = tpu.vector_load %arg11[%swap3A_675, %swap3A_676] {strides = array<i32>} : memref<80x128xf32, #tpu.memory_space<vmem>>, vector<1x16xf32>,
        %swap3A_678 = vector.shape_cast %swap3A_677 : vector<1x16xf32> to vector<16xf32>
        %swap3A_679 = vector.shape_cast %mul3A_674 : vector<16xf32> to vector<1x16xf32>
        tpu.vector_store %arg11[%swap3A_675, %swap3A_676], %swap3A_679 {strides = array<i32>} : memref<80x128xf32, #tpu.memory_space<vmem>>, vector<1x16xf32>,
        %get3A_680 = arith.index_cast %add3A_669 : i32 to index
        %get3A_681 = arith.constant 16 : index
        %get3A_682 = tpu.vector_load %arg11[%get3A_680, %get3A_681] {strides = array<i32>} : memref<80x128xf32, #tpu.memory_space<vmem>>, vector<1x16xf32>,
        %get3A_683 = vector.shape_cast %get3A_682 : vector<1x16xf32> to vector<16xf32>
        %mul3A_684 = arith.mulf %get3A_683, %gather3A_665 : vector<16xf32>
        %swap3A_685 = arith.index_cast %add3A_669 : i32 to index
        %swap3A_686 = arith.constant 16 : index
        %swap3A_687 = tpu.vector_load %arg11[%swap3A_685, %swap3A_686] {strides = array<i32>} : memref<80x128xf32, #tpu.memory_space<vmem>>, vector<1x16xf32>,
        %swap3A_688 = vector.shape_cast %swap3A_687 : vector<1x16xf32> to vector<16xf32>
        %swap3A_689 = vector.shape_cast %mul3A_684 : vector<16xf32> to vector<1x16xf32>
        tpu.vector_store %arg11[%swap3A_685, %swap3A_686], %swap3A_689 {strides = array<i32>} : memref<80x128xf32, #tpu.memory_space<vmem>>, vector<1x16xf32>,
        %get3A_690 = arith.index_cast %add3A_669 : i32 to index
        %get3A_691 = arith.constant 32 : index
        %get3A_692 = tpu.vector_load %arg11[%get3A_690, %get3A_691] {strides = array<i32>} : memref<80x128xf32, #tpu.memory_space<vmem>>, vector<1x16xf32>,
        %get3A_693 = vector.shape_cast %get3A_692 : vector<1x16xf32> to vector<16xf32>
        %mul3A_694 = arith.mulf %get3A_693, %gather3A_665 : vector<16xf32>
        %swap3A_695 = arith.index_cast %add3A_669 : i32 to index
        %swap3A_696 = arith.constant 32 : index
        %swap3A_697 = tpu.vector_load %arg11[%swap3A_695, %swap3A_696] {strides = array<i32>} : memref<80x128xf32, #tpu.memory_space<vmem>>, vector<1x16xf32>,
        %swap3A_698 = vector.shape_cast %swap3A_697 : vector<1x16xf32> to vector<16xf32>
        %swap3A_699 = vector.shape_cast %mul3A_694 : vector<16xf32> to vector<1x16xf32>
        tpu.vector_store %arg11[%swap3A_695, %swap3A_696], %swap3A_699 {strides = array<i32>} : memref<80x128xf32, #tpu.memory_space<vmem>>, vector<1x16xf32>,
        %get3A_700 = arith.index_cast %add3A_669 : i32 to index
        %get3A_701 = arith.constant 48 : index
        %get3A_702 = tpu.vector_load %arg11[%get3A_700, %get3A_701] {strides = array<i32>} : memref<80x128xf32, #tpu.memory_space<vmem>>, vector<1x16xf32>,
        %get3A_703 = vector.shape_cast %get3A_702 : vector<1x16xf32> to vector<16xf32>
        %mul3A_704 = arith.mulf %get3A_703, %gather3A_665 : vector<16xf32>
        %swap3A_705 = arith.index_cast %add3A_669 : i32 to index
        %swap3A_706 = arith.constant 48 : index
        %swap3A_707 = tpu.vector_load %arg11[%swap3A_705, %swap3A_706] {strides = array<i32>} : memref<80x128xf32, #tpu.memory_space<vmem>>, vector<1x16xf32>,
        %swap3A_708 = vector.shape_cast %swap3A_707 : vector<1x16xf32> to vector<16xf32>
        %swap3A_709 = vector.shape_cast %mul3A_704 : vector<16xf32> to vector<1x16xf32>
        tpu.vector_store %arg11[%swap3A_705, %swap3A_706], %swap3A_709 {strides = array<i32>} : memref<80x128xf32, #tpu.memory_space<vmem>>, vector<1x16xf32>,
        %get3A_710 = arith.index_cast %add3A_669 : i32 to index
        %get3A_711 = arith.constant 64 : index
        %get3A_712 = tpu.vector_load %arg11[%get3A_710, %get3A_711] {strides = array<i32>} : memref<80x128xf32, #tpu.memory_space<vmem>>, vector<1x16xf32>,
        %get3A_713 = vector.shape_cast %get3A_712 : vector<1x16xf32> to vector<16xf32>
        %mul3A_714 = arith.mulf %get3A_713, %gather3A_665 : vector<16xf32>
        %swap3A_715 = arith.index_cast %add3A_669 : i32 to index
        %swap3A_716 = arith.constant 64 : index
        %swap3A_717 = tpu.vector_load %arg11[%swap3A_715, %swap3A_716] {strides = array<i32>} : memref<80x128xf32, #tpu.memory_space<vmem>>, vector<1x16xf32>,
        %swap3A_718 = vector.shape_cast %swap3A_717 : vector<1x16xf32> to vector<16xf32>
        %swap3A_719 = vector.shape_cast %mul3A_714 : vector<16xf32> to vector<1x16xf32>
        tpu.vector_store %arg11[%swap3A_715, %swap3A_716], %swap3A_719 {strides = array<i32>} : memref<80x128xf32, #tpu.memory_space<vmem>>, vector<1x16xf32>,
        %get3A_720 = arith.index_cast %add3A_669 : i32 to index
        %get3A_721 = arith.constant 80 : index
        %get3A_722 = tpu.vector_load %arg11[%get3A_720, %get3A_721] {strides = array<i32>} : memref<80x128xf32, #tpu.memory_space<vmem>>, vector<1x16xf32>,
        %get3A_723 = vector.shape_cast %get3A_722 : vector<1x16xf32> to vector<16xf32>
        %mul3A_724 = arith.mulf %get3A_723, %gather3A_665 : vector<16xf32>
        %swap3A_725 = arith.index_cast %add3A_669 : i32 to index
        %swap3A_726 = arith.constant 80 : index
        %swap3A_727 = tpu.vector_load %arg11[%swap3A_725, %swap3A_726] {strides = array<i32>} : memref<80x128xf32, #tpu.memory_space<vmem>>, vector<1x16xf32>,
        %swap3A_728 = vector.shape_cast %swap3A_727 : vector<1x16xf32> to vector<16xf32>
        %swap3A_729 = vector.shape_cast %mul3A_724 : vector<16xf32> to vector<1x16xf32>
        tpu.vector_store %arg11[%swap3A_725, %swap3A_726], %swap3A_729 {strides = array<i32>} : memref<80x128xf32, #tpu.memory_space<vmem>>, vector<1x16xf32>,
        %get3A_730 = arith.index_cast %add3A_669 : i32 to index
        %get3A_731 = arith.constant 96 : index
        %get3A_732 = tpu.vector_load %arg11[%get3A_730, %get3A_731] {strides = array<i32>} : memref<80x128xf32, #tpu.memory_space<vmem>>, vector<1x16xf32>,
        %get3A_733 = vector.shape_cast %get3A_732 : vector<1x16xf32> to vector<16xf32>
        %mul3A_734 = arith.mulf %get3A_733, %gather3A_665 : vector<16xf32>
        %swap3A_735 = arith.index_cast %add3A_669 : i32 to index
        %swap3A_736 = arith.constant 96 : index
        %swap3A_737 = tpu.vector_load %arg11[%swap3A_735, %swap3A_736] {strides = array<i32>} : memref<80x128xf32, #tpu.memory_space<vmem>>, vector<1x16xf32>,
        %swap3A_738 = vector.shape_cast %swap3A_737 : vector<1x16xf32> to vector<16xf32>
        %swap3A_739 = vector.shape_cast %mul3A_734 : vector<16xf32> to vector<1x16xf32>
        tpu.vector_store %arg11[%swap3A_735, %swap3A_736], %swap3A_739 {strides = array<i32>} : memref<80x128xf32, #tpu.memory_space<vmem>>, vector<1x16xf32>,
        %get3A_740 = arith.index_cast %add3A_669 : i32 to index
        %get3A_741 = arith.constant 112 : index
        %get3A_742 = tpu.vector_load %arg11[%get3A_740, %get3A_741] {strides = array<i32>} : memref<80x128xf32, #tpu.memory_space<vmem>>, vector<1x16xf32>,
        %get3A_743 = vector.shape_cast %get3A_742 : vector<1x16xf32> to vector<16xf32>
        %mul3A_744 = arith.mulf %get3A_743, %gather3A_665 : vector<16xf32>
        %swap3A_745 = arith.index_cast %add3A_669 : i32 to index
        %swap3A_746 = arith.constant 112 : index
        %swap3A_747 = tpu.vector_load %arg11[%swap3A_745, %swap3A_746] {strides = array<i32>} : memref<80x128xf32, #tpu.memory_space<vmem>>, vector<1x16xf32>,
        %swap3A_748 = vector.shape_cast %swap3A_747 : vector<1x16xf32> to vector<16xf32>
        %swap3A_749 = vector.shape_cast %mul3A_744 : vector<16xf32> to vector<1x16xf32>
        tpu.vector_store %arg11[%swap3A_745, %swap3A_746], %swap3A_749 {strides = array<i32>} : memref<80x128xf32, #tpu.memory_space<vmem>>, vector<1x16xf32>,
        %broadcast_in_dim3A_750 = arith.constant 7 : i32
        %broadcast_in_dim3A_751 = vector.broadcast %broadcast_in_dim3A_750 : i32 to vector<16x1xi32>
        %gather3A_752 = vector.shape_cast %broadcast_in_dim3A_751 : vector<16x1xi32> to vector<16xi32>
        %gather3A_753 = tpu.dynamic_gather %get3A_135[%gather3A_752] in [0] : vector<16xf32>, vector<16xi32> -> vector<16xf32>
        %mul3A_754 = arith.constant 16 : i32
        %mul3A_755 = arith.muli %scan3A_131, %mul3A_754 : i32
        %add3A_756 = arith.constant 7 : i32
        %add3A_757 = arith.addi %mul3A_755, %add3A_756 : i32
        %get3A_758 = arith.index_cast %add3A_757 : i32 to index
        %get3A_759 = arith.constant 0 : index
        %get3A_760 = tpu.vector_load %arg11[%get3A_758, %get3A_759] {strides = array<i32>} : memref<80x128xf32, #tpu.memory_space<vmem>>, vector<1x16xf32>,
        %get3A_761 = vector.shape_cast %get3A_760 : vector<1x16xf32> to vector<16xf32>
        %mul3A_762 = arith.mulf %get3A_761, %gather3A_753 : vector<16xf32>
        %swap3A_763 = arith.index_cast %add3A_757 : i32 to index
        %swap3A_764 = arith.constant 0 : index
        %swap3A_765 = tpu.vector_load %arg11[%swap3A_763, %swap3A_764] {strides = array<i32>} : memref<80x128xf32, #tpu.memory_space<vmem>>, vector<1x16xf32>,
        %swap3A_766 = vector.shape_cast %swap3A_765 : vector<1x16xf32> to vector<16xf32>
        %swap3A_767 = vector.shape_cast %mul3A_762 : vector<16xf32> to vector<1x16xf32>
        tpu.vector_store %arg11[%swap3A_763, %swap3A_764], %swap3A_767 {strides = array<i32>} : memref<80x128xf32, #tpu.memory_space<vmem>>, vector<1x16xf32>,
        %get3A_768 = arith.index_cast %add3A_757 : i32 to index
        %get3A_769 = arith.constant 16 : index
        %get3A_770 = tpu.vector_load %arg11[%get3A_768, %get3A_769] {strides = array<i32>} : memref<80x128xf32, #tpu.memory_space<vmem>>, vector<1x16xf32>,
        %get3A_771 = vector.shape_cast %get3A_770 : vector<1x16xf32> to vector<16xf32>
        %mul3A_772 = arith.mulf %get3A_771, %gather3A_753 : vector<16xf32>
        %swap3A_773 = arith.index_cast %add3A_757 : i32 to index
        %swap3A_774 = arith.constant 16 : index
        %swap3A_775 = tpu.vector_load %arg11[%swap3A_773, %swap3A_774] {strides = array<i32>} : memref<80x128xf32, #tpu.memory_space<vmem>>, vector<1x16xf32>,
        %swap3A_776 = vector.shape_cast %swap3A_775 : vector<1x16xf32> to vector<16xf32>
        %swap3A_777 = vector.shape_cast %mul3A_772 : vector<16xf32> to vector<1x16xf32>
        tpu.vector_store %arg11[%swap3A_773, %swap3A_774], %swap3A_777 {strides = array<i32>} : memref<80x128xf32, #tpu.memory_space<vmem>>, vector<1x16xf32>,
        %get3A_778 = arith.index_cast %add3A_757 : i32 to index
        %get3A_779 = arith.constant 32 : index
        %get3A_780 = tpu.vector_load %arg11[%get3A_778, %get3A_779] {strides = array<i32>} : memref<80x128xf32, #tpu.memory_space<vmem>>, vector<1x16xf32>,
        %get3A_781 = vector.shape_cast %get3A_780 : vector<1x16xf32> to vector<16xf32>
        %mul3A_782 = arith.mulf %get3A_781, %gather3A_753 : vector<16xf32>
        %swap3A_783 = arith.index_cast %add3A_757 : i32 to index
        %swap3A_784 = arith.constant 32 : index
        %swap3A_785 = tpu.vector_load %arg11[%swap3A_783, %swap3A_784] {strides = array<i32>} : memref<80x128xf32, #tpu.memory_space<vmem>>, vector<1x16xf32>,
        %swap3A_786 = vector.shape_cast %swap3A_785 : vector<1x16xf32> to vector<16xf32>
        %swap3A_787 = vector.shape_cast %mul3A_782 : vector<16xf32> to vector<1x16xf32>
        tpu.vector_store %arg11[%swap3A_783, %swap3A_784], %swap3A_787 {strides = array<i32>} : memref<80x128xf32, #tpu.memory_space<vmem>>, vector<1x16xf32>,
        %get3A_788 = arith.index_cast %add3A_757 : i32 to index
        %get3A_789 = arith.constant 48 : index
        %get3A_790 = tpu.vector_load %arg11[%get3A_788, %get3A_789] {strides = array<i32>} : memref<80x128xf32, #tpu.memory_space<vmem>>, vector<1x16xf32>,
        %get3A_791 = vector.shape_cast %get3A_790 : vector<1x16xf32> to vector<16xf32>
        %mul3A_792 = arith.mulf %get3A_791, %gather3A_753 : vector<16xf32>
        %swap3A_793 = arith.index_cast %add3A_757 : i32 to index
        %swap3A_794 = arith.constant 48 : index
        %swap3A_795 = tpu.vector_load %arg11[%swap3A_793, %swap3A_794] {strides = array<i32>} : memref<80x128xf32, #tpu.memory_space<vmem>>, vector<1x16xf32>,
        %swap3A_796 = vector.shape_cast %swap3A_795 : vector<1x16xf32> to vector<16xf32>
        %swap3A_797 = vector.shape_cast %mul3A_792 : vector<16xf32> to vector<1x16xf32>
        tpu.vector_store %arg11[%swap3A_793, %swap3A_794], %swap3A_797 {strides = array<i32>} : memref<80x128xf32, #tpu.memory_space<vmem>>, vector<1x16xf32>,
        %get3A_798 = arith.index_cast %add3A_757 : i32 to index
        %get3A_799 = arith.constant 64 : index
        %get3A_800 = tpu.vector_load %arg11[%get3A_798, %get3A_799] {strides = array<i32>} : memref<80x128xf32, #tpu.memory_space<vmem>>, vector<1x16xf32>,
        %get3A_801 = vector.shape_cast %get3A_800 : vector<1x16xf32> to vector<16xf32>
        %mul3A_802 = arith.mulf %get3A_801, %gather3A_753 : vector<16xf32>
        %swap3A_803 = arith.index_cast %add3A_757 : i32 to index
        %swap3A_804 = arith.constant 64 : index
        %swap3A_805 = tpu.vector_load %arg11[%swap3A_803, %swap3A_804] {strides = array<i32>} : memref<80x128xf32, #tpu.memory_space<vmem>>, vector<1x16xf32>,
        %swap3A_806 = vector.shape_cast %swap3A_805 : vector<1x16xf32> to vector<16xf32>
        %swap3A_807 = vector.shape_cast %mul3A_802 : vector<16xf32> to vector<1x16xf32>
        tpu.vector_store %arg11[%swap3A_803, %swap3A_804], %swap3A_807 {strides = array<i32>} : memref<80x128xf32, #tpu.memory_space<vmem>>, vector<1x16xf32>,
        %get3A_808 = arith.index_cast %add3A_757 : i32 to index
        %get3A_809 = arith.constant 80 : index
        %get3A_810 = tpu.vector_load %arg11[%get3A_808, %get3A_809] {strides = array<i32>} : memref<80x128xf32, #tpu.memory_space<vmem>>, vector<1x16xf32>,
        %get3A_811 = vector.shape_cast %get3A_810 : vector<1x16xf32> to vector<16xf32>
        %mul3A_812 = arith.mulf %get3A_811, %gather3A_753 : vector<16xf32>
        %swap3A_813 = arith.index_cast %add3A_757 : i32 to index
        %swap3A_814 = arith.constant 80 : index
        %swap3A_815 = tpu.vector_load %arg11[%swap3A_813, %swap3A_814] {strides = array<i32>} : memref<80x128xf32, #tpu.memory_space<vmem>>, vector<1x16xf32>,
        %swap3A_816 = vector.shape_cast %swap3A_815 : vector<1x16xf32> to vector<16xf32>
        %swap3A_817 = vector.shape_cast %mul3A_812 : vector<16xf32> to vector<1x16xf32>
        tpu.vector_store %arg11[%swap3A_813, %swap3A_814], %swap3A_817 {strides = array<i32>} : memref<80x128xf32, #tpu.memory_space<vmem>>, vector<1x16xf32>,
        %get3A_818 = arith.index_cast %add3A_757 : i32 to index
        %get3A_819 = arith.constant 96 : index
        %get3A_820 = tpu.vector_load %arg11[%get3A_818, %get3A_819] {strides = array<i32>} : memref<80x128xf32, #tpu.memory_space<vmem>>, vector<1x16xf32>,
        %get3A_821 = vector.shape_cast %get3A_820 : vector<1x16xf32> to vector<16xf32>
        %mul3A_822 = arith.mulf %get3A_821, %gather3A_753 : vector<16xf32>
        %swap3A_823 = arith.index_cast %add3A_757 : i32 to index
        %swap3A_824 = arith.constant 96 : index
        %swap3A_825 = tpu.vector_load %arg11[%swap3A_823, %swap3A_824] {strides = array<i32>} : memref<80x128xf32, #tpu.memory_space<vmem>>, vector<1x16xf32>,
        %swap3A_826 = vector.shape_cast %swap3A_825 : vector<1x16xf32> to vector<16xf32>
        %swap3A_827 = vector.shape_cast %mul3A_822 : vector<16xf32> to vector<1x16xf32>
        tpu.vector_store %arg11[%swap3A_823, %swap3A_824], %swap3A_827 {strides = array<i32>} : memref<80x128xf32, #tpu.memory_space<vmem>>, vector<1x16xf32>,
        %get3A_828 = arith.index_cast %add3A_757 : i32 to index
        %get3A_829 = arith.constant 112 : index
        %get3A_830 = tpu.vector_load %arg11[%get3A_828, %get3A_829] {strides = array<i32>} : memref<80x128xf32, #tpu.memory_space<vmem>>, vector<1x16xf32>,
        %get3A_831 = vector.shape_cast %get3A_830 : vector<1x16xf32> to vector<16xf32>
        %mul3A_832 = arith.mulf %get3A_831, %gather3A_753 : vector<16xf32>
        %swap3A_833 = arith.index_cast %add3A_757 : i32 to index
        %swap3A_834 = arith.constant 112 : index
        %swap3A_835 = tpu.vector_load %arg11[%swap3A_833, %swap3A_834] {strides = array<i32>} : memref<80x128xf32, #tpu.memory_space<vmem>>, vector<1x16xf32>,
        %swap3A_836 = vector.shape_cast %swap3A_835 : vector<1x16xf32> to vector<16xf32>
        %swap3A_837 = vector.shape_cast %mul3A_832 : vector<16xf32> to vector<1x16xf32>
        tpu.vector_store %arg11[%swap3A_833, %swap3A_834], %swap3A_837 {strides = array<i32>} : memref<80x128xf32, #tpu.memory_space<vmem>>, vector<1x16xf32>,
        %broadcast_in_dim3A_838 = arith.constant 8 : i32
        %broadcast_in_dim3A_839 = vector.broadcast %broadcast_in_dim3A_838 : i32 to vector<16x1xi32>
        %gather3A_840 = vector.shape_cast %broadcast_in_dim3A_839 : vector<16x1xi32> to vector<16xi32>
        %gather3A_841 = tpu.dynamic_gather %get3A_135[%gather3A_840] in [0] : vector<16xf32>, vector<16xi32> -> vector<16xf32>
        %mul3A_842 = arith.constant 16 : i32
        %mul3A_843 = arith.muli %scan3A_131, %mul3A_842 : i32
        %add3A_844 = arith.constant 8 : i32
        %add3A_845 = arith.addi %mul3A_843, %add3A_844 : i32
        %get3A_846 = arith.index_cast %add3A_845 : i32 to index
        %get3A_847 = arith.constant 0 : index
        %get3A_848 = tpu.vector_load %arg11[%get3A_846, %get3A_847] {strides = array<i32>} : memref<80x128xf32, #tpu.memory_space<vmem>>, vector<1x16xf32>,
        %get3A_849 = vector.shape_cast %get3A_848 : vector<1x16xf32> to vector<16xf32>
        %mul3A_850 = arith.mulf %get3A_849, %gather3A_841 : vector<16xf32>
        %swap3A_851 = arith.index_cast %add3A_845 : i32 to index
        %swap3A_852 = arith.constant 0 : index
        %swap3A_853 = tpu.vector_load %arg11[%swap3A_851, %swap3A_852] {strides = array<i32>} : memref<80x128xf32, #tpu.memory_space<vmem>>, vector<1x16xf32>,
        %swap3A_854 = vector.shape_cast %swap3A_853 : vector<1x16xf32> to vector<16xf32>
        %swap3A_855 = vector.shape_cast %mul3A_850 : vector<16xf32> to vector<1x16xf32>
        tpu.vector_store %arg11[%swap3A_851, %swap3A_852], %swap3A_855 {strides = array<i32>} : memref<80x128xf32, #tpu.memory_space<vmem>>, vector<1x16xf32>,
        %get3A_856 = arith.index_cast %add3A_845 : i32 to index
        %get3A_857 = arith.constant 16 : index
        %get3A_858 = tpu.vector_load %arg11[%get3A_856, %get3A_857] {strides = array<i32>} : memref<80x128xf32, #tpu.memory_space<vmem>>, vector<1x16xf32>,
        %get3A_859 = vector.shape_cast %get3A_858 : vector<1x16xf32> to vector<16xf32>
        %mul3A_860 = arith.mulf %get3A_859, %gather3A_841 : vector<16xf32>
        %swap3A_861 = arith.index_cast %add3A_845 : i32 to index
        %swap3A_862 = arith.constant 16 : index
        %swap3A_863 = tpu.vector_load %arg11[%swap3A_861, %swap3A_862] {strides = array<i32>} : memref<80x128xf32, #tpu.memory_space<vmem>>, vector<1x16xf32>,
        %swap3A_864 = vector.shape_cast %swap3A_863 : vector<1x16xf32> to vector<16xf32>
        %swap3A_865 = vector.shape_cast %mul3A_860 : vector<16xf32> to vector<1x16xf32>
        tpu.vector_store %arg11[%swap3A_861, %swap3A_862], %swap3A_865 {strides = array<i32>} : memref<80x128xf32, #tpu.memory_space<vmem>>, vector<1x16xf32>,
        %get3A_866 = arith.index_cast %add3A_845 : i32 to index
        %get3A_867 = arith.constant 32 : index
        %get3A_868 = tpu.vector_load %arg11[%get3A_866, %get3A_867] {strides = array<i32>} : memref<80x128xf32, #tpu.memory_space<vmem>>, vector<1x16xf32>,
        %get3A_869 = vector.shape_cast %get3A_868 : vector<1x16xf32> to vector<16xf32>
        %mul3A_870 = arith.mulf %get3A_869, %gather3A_841 : vector<16xf32>
        %swap3A_871 = arith.index_cast %add3A_845 : i32 to index
        %swap3A_872 = arith.constant 32 : index
        %swap3A_873 = tpu.vector_load %arg11[%swap3A_871, %swap3A_872] {strides = array<i32>} : memref<80x128xf32, #tpu.memory_space<vmem>>, vector<1x16xf32>,
        %swap3A_874 = vector.shape_cast %swap3A_873 : vector<1x16xf32> to vector<16xf32>
        %swap3A_875 = vector.shape_cast %mul3A_870 : vector<16xf32> to vector<1x16xf32>
        tpu.vector_store %arg11[%swap3A_871, %swap3A_872], %swap3A_875 {strides = array<i32>} : memref<80x128xf32, #tpu.memory_space<vmem>>, vector<1x16xf32>,
        %get3A_876 = arith.index_cast %add3A_845 : i32 to index
        %get3A_877 = arith.constant 48 : index
        %get3A_878 = tpu.vector_load %arg11[%get3A_876, %get3A_877] {strides = array<i32>} : memref<80x128xf32, #tpu.memory_space<vmem>>, vector<1x16xf32>,
        %get3A_879 = vector.shape_cast %get3A_878 : vector<1x16xf32> to vector<16xf32>
        %mul3A_880 = arith.mulf %get3A_879, %gather3A_841 : vector<16xf32>
        %swap3A_881 = arith.index_cast %add3A_845 : i32 to index
        %swap3A_882 = arith.constant 48 : index
        %swap3A_883 = tpu.vector_load %arg11[%swap3A_881, %swap3A_882] {strides = array<i32>} : memref<80x128xf32, #tpu.memory_space<vmem>>, vector<1x16xf32>,
        %swap3A_884 = vector.shape_cast %swap3A_883 : vector<1x16xf32> to vector<16xf32>
        %swap3A_885 = vector.shape_cast %mul3A_880 : vector<16xf32> to vector<1x16xf32>
        tpu.vector_store %arg11[%swap3A_881, %swap3A_882], %swap3A_885 {strides = array<i32>} : memref<80x128xf32, #tpu.memory_space<vmem>>, vector<1x16xf32>,
        %get3A_886 = arith.index_cast %add3A_845 : i32 to index
        %get3A_887 = arith.constant 64 : index
        %get3A_888 = tpu.vector_load %arg11[%get3A_886, %get3A_887] {strides = array<i32>} : memref<80x128xf32, #tpu.memory_space<vmem>>, vector<1x16xf32>,
        %get3A_889 = vector.shape_cast %get3A_888 : vector<1x16xf32> to vector<16xf32>
        %mul3A_890 = arith.mulf %get3A_889, %gather3A_841 : vector<16xf32>
        %swap3A_891 = arith.index_cast %add3A_845 : i32 to index
        %swap3A_892 = arith.constant 64 : index
        %swap3A_893 = tpu.vector_load %arg11[%swap3A_891, %swap3A_892] {strides = array<i32>} : memref<80x128xf32, #tpu.memory_space<vmem>>, vector<1x16xf32>,
        %swap3A_894 = vector.shape_cast %swap3A_893 : vector<1x16xf32> to vector<16xf32>
        %swap3A_895 = vector.shape_cast %mul3A_890 : vector<16xf32> to vector<1x16xf32>
        tpu.vector_store %arg11[%swap3A_891, %swap3A_892], %swap3A_895 {strides = array<i32>} : memref<80x128xf32, #tpu.memory_space<vmem>>, vector<1x16xf32>,
        %get3A_896 = arith.index_cast %add3A_845 : i32 to index
        %get3A_897 = arith.constant 80 : index
        %get3A_898 = tpu.vector_load %arg11[%get3A_896, %get3A_897] {strides = array<i32>} : memref<80x128xf32, #tpu.memory_space<vmem>>, vector<1x16xf32>,
        %get3A_899 = vector.shape_cast %get3A_898 : vector<1x16xf32> to vector<16xf32>
        %mul3A_900 = arith.mulf %get3A_899, %gather3A_841 : vector<16xf32>
        %swap3A_901 = arith.index_cast %add3A_845 : i32 to index
        %swap3A_902 = arith.constant 80 : index
        %swap3A_903 = tpu.vector_load %arg11[%swap3A_901, %swap3A_902] {strides = array<i32>} : memref<80x128xf32, #tpu.memory_space<vmem>>, vector<1x16xf32>,
        %swap3A_904 = vector.shape_cast %swap3A_903 : vector<1x16xf32> to vector<16xf32>
        %swap3A_905 = vector.shape_cast %mul3A_900 : vector<16xf32> to vector<1x16xf32>
        tpu.vector_store %arg11[%swap3A_901, %swap3A_902], %swap3A_905 {strides = array<i32>} : memref<80x128xf32, #tpu.memory_space<vmem>>, vector<1x16xf32>,
        %get3A_906 = arith.index_cast %add3A_845 : i32 to index
        %get3A_907 = arith.constant 96 : index
        %get3A_908 = tpu.vector_load %arg11[%get3A_906, %get3A_907] {strides = array<i32>} : memref<80x128xf32, #tpu.memory_space<vmem>>, vector<1x16xf32>,
        %get3A_909 = vector.shape_cast %get3A_908 : vector<1x16xf32> to vector<16xf32>
        %mul3A_910 = arith.mulf %get3A_909, %gather3A_841 : vector<16xf32>
        %swap3A_911 = arith.index_cast %add3A_845 : i32 to index
        %swap3A_912 = arith.constant 96 : index
        %swap3A_913 = tpu.vector_load %arg11[%swap3A_911, %swap3A_912] {strides = array<i32>} : memref<80x128xf32, #tpu.memory_space<vmem>>, vector<1x16xf32>,
        %swap3A_914 = vector.shape_cast %swap3A_913 : vector<1x16xf32> to vector<16xf32>
        %swap3A_915 = vector.shape_cast %mul3A_910 : vector<16xf32> to vector<1x16xf32>
        tpu.vector_store %arg11[%swap3A_911, %swap3A_912], %swap3A_915 {strides = array<i32>} : memref<80x128xf32, #tpu.memory_space<vmem>>, vector<1x16xf32>,
        %get3A_916 = arith.index_cast %add3A_845 : i32 to index
        %get3A_917 = arith.constant 112 : index
        %get3A_918 = tpu.vector_load %arg11[%get3A_916, %get3A_917] {strides = array<i32>} : memref<80x128xf32, #tpu.memory_space<vmem>>, vector<1x16xf32>,
        %get3A_919 = vector.shape_cast %get3A_918 : vector<1x16xf32> to vector<16xf32>
        %mul3A_920 = arith.mulf %get3A_919, %gather3A_841 : vector<16xf32>
        %swap3A_921 = arith.index_cast %add3A_845 : i32 to index
        %swap3A_922 = arith.constant 112 : index
        %swap3A_923 = tpu.vector_load %arg11[%swap3A_921, %swap3A_922] {strides = array<i32>} : memref<80x128xf32, #tpu.memory_space<vmem>>, vector<1x16xf32>,
        %swap3A_924 = vector.shape_cast %swap3A_923 : vector<1x16xf32> to vector<16xf32>
        %swap3A_925 = vector.shape_cast %mul3A_920 : vector<16xf32> to vector<1x16xf32>
        tpu.vector_store %arg11[%swap3A_921, %swap3A_922], %swap3A_925 {strides = array<i32>} : memref<80x128xf32, #tpu.memory_space<vmem>>, vector<1x16xf32>,
        %broadcast_in_dim3A_926 = arith.constant 9 : i32
        %broadcast_in_dim3A_927 = vector.broadcast %broadcast_in_dim3A_926 : i32 to vector<16x1xi32>
        %gather3A_928 = vector.shape_cast %broadcast_in_dim3A_927 : vector<16x1xi32> to vector<16xi32>
        %gather3A_929 = tpu.dynamic_gather %get3A_135[%gather3A_928] in [0] : vector<16xf32>, vector<16xi32> -> vector<16xf32>
        %mul3A_930 = arith.constant 16 : i32
        %mul3A_931 = arith.muli %scan3A_131, %mul3A_930 : i32
        %add3A_932 = arith.constant 9 : i32
        %add3A_933 = arith.addi %mul3A_931, %add3A_932 : i32
        %get3A_934 = arith.index_cast %add3A_933 : i32 to index
        %get3A_935 = arith.constant 0 : index
        %get3A_936 = tpu.vector_load %arg11[%get3A_934, %get3A_935] {strides = array<i32>} : memref<80x128xf32, #tpu.memory_space<vmem>>, vector<1x16xf32>,
        %get3A_937 = vector.shape_cast %get3A_936 : vector<1x16xf32> to vector<16xf32>
        %mul3A_938 = arith.mulf %get3A_937, %gather3A_929 : vector<16xf32>
        %swap3A_939 = arith.index_cast %add3A_933 : i32 to index
        %swap3A_940 = arith.constant 0 : index
        %swap3A_941 = tpu.vector_load %arg11[%swap3A_939, %swap3A_940] {strides = array<i32>} : memref<80x128xf32, #tpu.memory_space<vmem>>, vector<1x16xf32>,
        %swap3A_942 = vector.shape_cast %swap3A_941 : vector<1x16xf32> to vector<16xf32>
        %swap3A_943 = vector.shape_cast %mul3A_938 : vector<16xf32> to vector<1x16xf32>
        tpu.vector_store %arg11[%swap3A_939, %swap3A_940], %swap3A_943 {strides = array<i32>} : memref<80x128xf32, #tpu.memory_space<vmem>>, vector<1x16xf32>,
        %get3A_944 = arith.index_cast %add3A_933 : i32 to index
        %get3A_945 = arith.constant 16 : index
        %get3A_946 = tpu.vector_load %arg11[%get3A_944, %get3A_945] {strides = array<i32>} : memref<80x128xf32, #tpu.memory_space<vmem>>, vector<1x16xf32>,
        %get3A_947 = vector.shape_cast %get3A_946 : vector<1x16xf32> to vector<16xf32>
        %mul3A_948 = arith.mulf %get3A_947, %gather3A_929 : vector<16xf32>
        %swap3A_949 = arith.index_cast %add3A_933 : i32 to index
        %swap3A_950 = arith.constant 16 : index
        %swap3A_951 = tpu.vector_load %arg11[%swap3A_949, %swap3A_950] {strides = array<i32>} : memref<80x128xf32, #tpu.memory_space<vmem>>, vector<1x16xf32>,
        %swap3A_952 = vector.shape_cast %swap3A_951 : vector<1x16xf32> to vector<16xf32>
        %swap3A_953 = vector.shape_cast %mul3A_948 : vector<16xf32> to vector<1x16xf32>
        tpu.vector_store %arg11[%swap3A_949, %swap3A_950], %swap3A_953 {strides = array<i32>} : memref<80x128xf32, #tpu.memory_space<vmem>>, vector<1x16xf32>,
        %get3A_954 = arith.index_cast %add3A_933 : i32 to index
        %get3A_955 = arith.constant 32 : index
        %get3A_956 = tpu.vector_load %arg11[%get3A_954, %get3A_955] {strides = array<i32>} : memref<80x128xf32, #tpu.memory_space<vmem>>, vector<1x16xf32>,
        %get3A_957 = vector.shape_cast %get3A_956 : vector<1x16xf32> to vector<16xf32>
        %mul3A_958 = arith.mulf %get3A_957, %gather3A_929 : vector<16xf32>
        %swap3A_959 = arith.index_cast %add3A_933 : i32 to index
        %swap3A_960 = arith.constant 32 : index
        %swap3A_961 = tpu.vector_load %arg11[%swap3A_959, %swap3A_960] {strides = array<i32>} : memref<80x128xf32, #tpu.memory_space<vmem>>, vector<1x16xf32>,
        %swap3A_962 = vector.shape_cast %swap3A_961 : vector<1x16xf32> to vector<16xf32>
        %swap3A_963 = vector.shape_cast %mul3A_958 : vector<16xf32> to vector<1x16xf32>
        tpu.vector_store %arg11[%swap3A_959, %swap3A_960], %swap3A_963 {strides = array<i32>} : memref<80x128xf32, #tpu.memory_space<vmem>>, vector<1x16xf32>,
        %get3A_964 = arith.index_cast %add3A_933 : i32 to index
        %get3A_965 = arith.constant 48 : index
        %get3A_966 = tpu.vector_load %arg11[%get3A_964, %get3A_965] {strides = array<i32>} : memref<80x128xf32, #tpu.memory_space<vmem>>, vector<1x16xf32>,
        %get3A_967 = vector.shape_cast %get3A_966 : vector<1x16xf32> to vector<16xf32>
        %mul3A_968 = arith.mulf %get3A_967, %gather3A_929 : vector<16xf32>
        %swap3A_969 = arith.index_cast %add3A_933 : i32 to index
        %swap3A_970 = arith.constant 48 : index
        %swap3A_971 = tpu.vector_load %arg11[%swap3A_969, %swap3A_970] {strides = array<i32>} : memref<80x128xf32, #tpu.memory_space<vmem>>, vector<1x16xf32>,
        %swap3A_972 = vector.shape_cast %swap3A_971 : vector<1x16xf32> to vector<16xf32>
        %swap3A_973 = vector.shape_cast %mul3A_968 : vector<16xf32> to vector<1x16xf32>
        tpu.vector_store %arg11[%swap3A_969, %swap3A_970], %swap3A_973 {strides = array<i32>} : memref<80x128xf32, #tpu.memory_space<vmem>>, vector<1x16xf32>,
        %get3A_974 = arith.index_cast %add3A_933 : i32 to index
        %get3A_975 = arith.constant 64 : index
        %get3A_976 = tpu.vector_load %arg11[%get3A_974, %get3A_975] {strides = array<i32>} : memref<80x128xf32, #tpu.memory_space<vmem>>, vector<1x16xf32>,
        %get3A_977 = vector.shape_cast %get3A_976 : vector<1x16xf32> to vector<16xf32>
        %mul3A_978 = arith.mulf %get3A_977, %gather3A_929 : vector<16xf32>
        %swap3A_979 = arith.index_cast %add3A_933 : i32 to index
        %swap3A_980 = arith.constant 64 : index
        %swap3A_981 = tpu.vector_load %arg11[%swap3A_979, %swap3A_980] {strides = array<i32>} : memref<80x128xf32, #tpu.memory_space<vmem>>, vector<1x16xf32>,
        %swap3A_982 = vector.shape_cast %swap3A_981 : vector<1x16xf32> to vector<16xf32>
        %swap3A_983 = vector.shape_cast %mul3A_978 : vector<16xf32> to vector<1x16xf32>
        tpu.vector_store %arg11[%swap3A_979, %swap3A_980], %swap3A_983 {strides = array<i32>} : memref<80x128xf32, #tpu.memory_space<vmem>>, vector<1x16xf32>,
        %get3A_984 = arith.index_cast %add3A_933 : i32 to index
        %get3A_985 = arith.constant 80 : index
        %get3A_986 = tpu.vector_load %arg11[%get3A_984, %get3A_985] {strides = array<i32>} : memref<80x128xf32, #tpu.memory_space<vmem>>, vector<1x16xf32>,
        %get3A_987 = vector.shape_cast %get3A_986 : vector<1x16xf32> to vector<16xf32>
        %mul3A_988 = arith.mulf %get3A_987, %gather3A_929 : vector<16xf32>
        %swap3A_989 = arith.index_cast %add3A_933 : i32 to index
        %swap3A_990 = arith.constant 80 : index
        %swap3A_991 = tpu.vector_load %arg11[%swap3A_989, %swap3A_990] {strides = array<i32>} : memref<80x128xf32, #tpu.memory_space<vmem>>, vector<1x16xf32>,
        %swap3A_992 = vector.shape_cast %swap3A_991 : vector<1x16xf32> to vector<16xf32>
        %swap3A_993 = vector.shape_cast %mul3A_988 : vector<16xf32> to vector<1x16xf32>
        tpu.vector_store %arg11[%swap3A_989, %swap3A_990], %swap3A_993 {strides = array<i32>} : memref<80x128xf32, #tpu.memory_space<vmem>>, vector<1x16xf32>,
        %get3A_994 = arith.index_cast %add3A_933 : i32 to index
        %get3A_995 = arith.constant 96 : index
        %get3A_996 = tpu.vector_load %arg11[%get3A_994, %get3A_995] {strides = array<i32>} : memref<80x128xf32, #tpu.memory_space<vmem>>, vector<1x16xf32>,
        %get3A_997 = vector.shape_cast %get3A_996 : vector<1x16xf32> to vector<16xf32>
        %mul3A_998 = arith.mulf %get3A_997, %gather3A_929 : vector<16xf32>
        %swap3A_999 = arith.index_cast %add3A_933 : i32 to index
        %swap3A_1000 = arith.constant 96 : index
        %swap3A_1001 = tpu.vector_load %arg11[%swap3A_999, %swap3A_1000] {strides = array<i32>} : memref<80x128xf32, #tpu.memory_space<vmem>>, vector<1x16xf32>,
        %swap3A_1002 = vector.shape_cast %swap3A_1001 : vector<1x16xf32> to vector<16xf32>
        %swap3A_1003 = vector.shape_cast %mul3A_998 : vector<16xf32> to vector<1x16xf32>
        tpu.vector_store %arg11[%swap3A_999, %swap3A_1000], %swap3A_1003 {strides = array<i32>} : memref<80x128xf32, #tpu.memory_space<vmem>>, vector<1x16xf32>,
        %get3A_1004 = arith.index_cast %add3A_933 : i32 to index
        %get3A_1005 = arith.constant 112 : index
        %get3A_1006 = tpu.vector_load %arg11[%get3A_1004, %get3A_1005] {strides = array<i32>} : memref<80x128xf32, #tpu.memory_space<vmem>>, vector<1x16xf32>,
        %get3A_1007 = vector.shape_cast %get3A_1006 : vector<1x16xf32> to vector<16xf32>
        %mul3A_1008 = arith.mulf %get3A_1007, %gather3A_929 : vector<16xf32>
        %swap3A_1009 = arith.index_cast %add3A_933 : i32 to index
        %swap3A_1010 = arith.constant 112 : index
        %swap3A_1011 = tpu.vector_load %arg11[%swap3A_1009, %swap3A_1010] {strides = array<i32>} : memref<80x128xf32, #tpu.memory_space<vmem>>, vector<1x16xf32>,
        %swap3A_1012 = vector.shape_cast %swap3A_1011 : vector<1x16xf32> to vector<16xf32>
        %swap3A_1013 = vector.shape_cast %mul3A_1008 : vector<16xf32> to vector<1x16xf32>
        tpu.vector_store %arg11[%swap3A_1009, %swap3A_1010], %swap3A_1013 {strides = array<i32>} : memref<80x128xf32, #tpu.memory_space<vmem>>, vector<1x16xf32>,
        %broadcast_in_dim3A_1014 = arith.constant 10 : i32
        %broadcast_in_dim3A_1015 = vector.broadcast %broadcast_in_dim3A_1014 : i32 to vector<16x1xi32>
        %gather3A_1016 = vector.shape_cast %broadcast_in_dim3A_1015 : vector<16x1xi32> to vector<16xi32>
        %gather3A_1017 = tpu.dynamic_gather %get3A_135[%gather3A_1016] in [0] : vector<16xf32>, vector<16xi32> -> vector<16xf32>
        %mul3A_1018 = arith.constant 16 : i32
        %mul3A_1019 = arith.muli %scan3A_131, %mul3A_1018 : i32
        %add3A_1020 = arith.constant 10 : i32
        %add3A_1021 = arith.addi %mul3A_1019, %add3A_1020 : i32
        %get3A_1022 = arith.index_cast %add3A_1021 : i32 to index
        %get3A_1023 = arith.constant 0 : index
        %get3A_1024 = tpu.vector_load %arg11[%get3A_1022, %get3A_1023] {strides = array<i32>} : memref<80x128xf32, #tpu.memory_space<vmem>>, vector<1x16xf32>,
        %get3A_1025 = vector.shape_cast %get3A_1024 : vector<1x16xf32> to vector<16xf32>
        %mul3A_1026 = arith.mulf %get3A_1025, %gather3A_1017 : vector<16xf32>
        %swap3A_1027 = arith.index_cast %add3A_1021 : i32 to index
        %swap3A_1028 = arith.constant 0 : index
        %swap3A_1029 = tpu.vector_load %arg11[%swap3A_1027, %swap3A_1028] {strides = array<i32>} : memref<80x128xf32, #tpu.memory_space<vmem>>, vector<1x16xf32>,
        %swap3A_1030 = vector.shape_cast %swap3A_1029 : vector<1x16xf32> to vector<16xf32>
        %swap3A_1031 = vector.shape_cast %mul3A_1026 : vector<16xf32> to vector<1x16xf32>
        tpu.vector_store %arg11[%swap3A_1027, %swap3A_1028], %swap3A_1031 {strides = array<i32>} : memref<80x128xf32, #tpu.memory_space<vmem>>, vector<1x16xf32>,
        %get3A_1032 = arith.index_cast %add3A_1021 : i32 to index
        %get3A_1033 = arith.constant 16 : index
        %get3A_1034 = tpu.vector_load %arg11[%get3A_1032, %get3A_1033] {strides = array<i32>} : memref<80x128xf32, #tpu.memory_space<vmem>>, vector<1x16xf32>,
        %get3A_1035 = vector.shape_cast %get3A_1034 : vector<1x16xf32> to vector<16xf32>
        %mul3A_1036 = arith.mulf %get3A_1035, %gather3A_1017 : vector<16xf32>
        %swap3A_1037 = arith.index_cast %add3A_1021 : i32 to index
        %swap3A_1038 = arith.constant 16 : index
        %swap3A_1039 = tpu.vector_load %arg11[%swap3A_1037, %swap3A_1038] {strides = array<i32>} : memref<80x128xf32, #tpu.memory_space<vmem>>, vector<1x16xf32>,
        %swap3A_1040 = vector.shape_cast %swap3A_1039 : vector<1x16xf32> to vector<16xf32>
        %swap3A_1041 = vector.shape_cast %mul3A_1036 : vector<16xf32> to vector<1x16xf32>
        tpu.vector_store %arg11[%swap3A_1037, %swap3A_1038], %swap3A_1041 {strides = array<i32>} : memref<80x128xf32, #tpu.memory_space<vmem>>, vector<1x16xf32>,
        %get3A_1042 = arith.index_cast %add3A_1021 : i32 to index
        %get3A_1043 = arith.constant 32 : index
        %get3A_1044 = tpu.vector_load %arg11[%get3A_1042, %get3A_1043] {strides = array<i32>} : memref<80x128xf32, #tpu.memory_space<vmem>>, vector<1x16xf32>,
        %get3A_1045 = vector.shape_cast %get3A_1044 : vector<1x16xf32> to vector<16xf32>
        %mul3A_1046 = arith.mulf %get3A_1045, %gather3A_1017 : vector<16xf32>
        %swap3A_1047 = arith.index_cast %add3A_1021 : i32 to index
        %swap3A_1048 = arith.constant 32 : index
        %swap3A_1049 = tpu.vector_load %arg11[%swap3A_1047, %swap3A_1048] {strides = array<i32>} : memref<80x128xf32, #tpu.memory_space<vmem>>, vector<1x16xf32>,
        %swap3A_1050 = vector.shape_cast %swap3A_1049 : vector<1x16xf32> to vector<16xf32>
        %swap3A_1051 = vector.shape_cast %mul3A_1046 : vector<16xf32> to vector<1x16xf32>
        tpu.vector_store %arg11[%swap3A_1047, %swap3A_1048], %swap3A_1051 {strides = array<i32>} : memref<80x128xf32, #tpu.memory_space<vmem>>, vector<1x16xf32>,
        %get3A_1052 = arith.index_cast %add3A_1021 : i32 to index
        %get3A_1053 = arith.constant 48 : index
        %get3A_1054 = tpu.vector_load %arg11[%get3A_1052, %get3A_1053] {strides = array<i32>} : memref<80x128xf32, #tpu.memory_space<vmem>>, vector<1x16xf32>,
        %get3A_1055 = vector.shape_cast %get3A_1054 : vector<1x16xf32> to vector<16xf32>
        %mul3A_1056 = arith.mulf %get3A_1055, %gather3A_1017 : vector<16xf32>
        %swap3A_1057 = arith.index_cast %add3A_1021 : i32 to index
        %swap3A_1058 = arith.constant 48 : index
        %swap3A_1059 = tpu.vector_load %arg11[%swap3A_1057, %swap3A_1058] {strides = array<i32>} : memref<80x128xf32, #tpu.memory_space<vmem>>, vector<1x16xf32>,
        %swap3A_1060 = vector.shape_cast %swap3A_1059 : vector<1x16xf32> to vector<16xf32>
        %swap3A_1061 = vector.shape_cast %mul3A_1056 : vector<16xf32> to vector<1x16xf32>
        tpu.vector_store %arg11[%swap3A_1057, %swap3A_1058], %swap3A_1061 {strides = array<i32>} : memref<80x128xf32, #tpu.memory_space<vmem>>, vector<1x16xf32>,
        %get3A_1062 = arith.index_cast %add3A_1021 : i32 to index
        %get3A_1063 = arith.constant 64 : index
        %get3A_1064 = tpu.vector_load %arg11[%get3A_1062, %get3A_1063] {strides = array<i32>} : memref<80x128xf32, #tpu.memory_space<vmem>>, vector<1x16xf32>,
        %get3A_1065 = vector.shape_cast %get3A_1064 : vector<1x16xf32> to vector<16xf32>
        %mul3A_1066 = arith.mulf %get3A_1065, %gather3A_1017 : vector<16xf32>
        %swap3A_1067 = arith.index_cast %add3A_1021 : i32 to index
        %swap3A_1068 = arith.constant 64 : index
        %swap3A_1069 = tpu.vector_load %arg11[%swap3A_1067, %swap3A_1068] {strides = array<i32>} : memref<80x128xf32, #tpu.memory_space<vmem>>, vector<1x16xf32>,
        %swap3A_1070 = vector.shape_cast %swap3A_1069 : vector<1x16xf32> to vector<16xf32>
        %swap3A_1071 = vector.shape_cast %mul3A_1066 : vector<16xf32> to vector<1x16xf32>
        tpu.vector_store %arg11[%swap3A_1067, %swap3A_1068], %swap3A_1071 {strides = array<i32>} : memref<80x128xf32, #tpu.memory_space<vmem>>, vector<1x16xf32>,
        %get3A_1072 = arith.index_cast %add3A_1021 : i32 to index
        %get3A_1073 = arith.constant 80 : index
        %get3A_1074 = tpu.vector_load %arg11[%get3A_1072, %get3A_1073] {strides = array<i32>} : memref<80x128xf32, #tpu.memory_space<vmem>>, vector<1x16xf32>,
        %get3A_1075 = vector.shape_cast %get3A_1074 : vector<1x16xf32> to vector<16xf32>
        %mul3A_1076 = arith.mulf %get3A_1075, %gather3A_1017 : vector<16xf32>
        %swap3A_1077 = arith.index_cast %add3A_1021 : i32 to index
        %swap3A_1078 = arith.constant 80 : index
        %swap3A_1079 = tpu.vector_load %arg11[%swap3A_1077, %swap3A_1078] {strides = array<i32>} : memref<80x128xf32, #tpu.memory_space<vmem>>, vector<1x16xf32>,
        %swap3A_1080 = vector.shape_cast %swap3A_1079 : vector<1x16xf32> to vector<16xf32>
        %swap3A_1081 = vector.shape_cast %mul3A_1076 : vector<16xf32> to vector<1x16xf32>
        tpu.vector_store %arg11[%swap3A_1077, %swap3A_1078], %swap3A_1081 {strides = array<i32>} : memref<80x128xf32, #tpu.memory_space<vmem>>, vector<1x16xf32>,
        %get3A_1082 = arith.index_cast %add3A_1021 : i32 to index
        %get3A_1083 = arith.constant 96 : index
        %get3A_1084 = tpu.vector_load %arg11[%get3A_1082, %get3A_1083] {strides = array<i32>} : memref<80x128xf32, #tpu.memory_space<vmem>>, vector<1x16xf32>,
        %get3A_1085 = vector.shape_cast %get3A_1084 : vector<1x16xf32> to vector<16xf32>
        %mul3A_1086 = arith.mulf %get3A_1085, %gather3A_1017 : vector<16xf32>
        %swap3A_1087 = arith.index_cast %add3A_1021 : i32 to index
        %swap3A_1088 = arith.constant 96 : index
        %swap3A_1089 = tpu.vector_load %arg11[%swap3A_1087, %swap3A_1088] {strides = array<i32>} : memref<80x128xf32, #tpu.memory_space<vmem>>, vector<1x16xf32>,
        %swap3A_1090 = vector.shape_cast %swap3A_1089 : vector<1x16xf32> to vector<16xf32>
        %swap3A_1091 = vector.shape_cast %mul3A_1086 : vector<16xf32> to vector<1x16xf32>
        tpu.vector_store %arg11[%swap3A_1087, %swap3A_1088], %swap3A_1091 {strides = array<i32>} : memref<80x128xf32, #tpu.memory_space<vmem>>, vector<1x16xf32>,
        %get3A_1092 = arith.index_cast %add3A_1021 : i32 to index
        %get3A_1093 = arith.constant 112 : index
        %get3A_1094 = tpu.vector_load %arg11[%get3A_1092, %get3A_1093] {strides = array<i32>} : memref<80x128xf32, #tpu.memory_space<vmem>>, vector<1x16xf32>,
        %get3A_1095 = vector.shape_cast %get3A_1094 : vector<1x16xf32> to vector<16xf32>
        %mul3A_1096 = arith.mulf %get3A_1095, %gather3A_1017 : vector<16xf32>
        %swap3A_1097 = arith.index_cast %add3A_1021 : i32 to index
        %swap3A_1098 = arith.constant 112 : index
        %swap3A_1099 = tpu.vector_load %arg11[%swap3A_1097, %swap3A_1098] {strides = array<i32>} : memref<80x128xf32, #tpu.memory_space<vmem>>, vector<1x16xf32>,
        %swap3A_1100 = vector.shape_cast %swap3A_1099 : vector<1x16xf32> to vector<16xf32>
        %swap3A_1101 = vector.shape_cast %mul3A_1096 : vector<16xf32> to vector<1x16xf32>
        tpu.vector_store %arg11[%swap3A_1097, %swap3A_1098], %swap3A_1101 {strides = array<i32>} : memref<80x128xf32, #tpu.memory_space<vmem>>, vector<1x16xf32>,
        %broadcast_in_dim3A_1102 = arith.constant 11 : i32
        %broadcast_in_dim3A_1103 = vector.broadcast %broadcast_in_dim3A_1102 : i32 to vector<16x1xi32>
        %gather3A_1104 = vector.shape_cast %broadcast_in_dim3A_1103 : vector<16x1xi32> to vector<16xi32>
        %gather3A_1105 = tpu.dynamic_gather %get3A_135[%gather3A_1104] in [0] : vector<16xf32>, vector<16xi32> -> vector<16xf32>
        %mul3A_1106 = arith.constant 16 : i32
        %mul3A_1107 = arith.muli %scan3A_131, %mul3A_1106 : i32
        %add3A_1108 = arith.constant 11 : i32
        %add3A_1109 = arith.addi %mul3A_1107, %add3A_1108 : i32
        %get3A_1110 = arith.index_cast %add3A_1109 : i32 to index
        %get3A_1111 = arith.constant 0 : index
        %get3A_1112 = tpu.vector_load %arg11[%get3A_1110, %get3A_1111] {strides = array<i32>} : memref<80x128xf32, #tpu.memory_space<vmem>>, vector<1x16xf32>,
        %get3A_1113 = vector.shape_cast %get3A_1112 : vector<1x16xf32> to vector<16xf32>
        %mul3A_1114 = arith.mulf %get3A_1113, %gather3A_1105 : vector<16xf32>
        %swap3A_1115 = arith.index_cast %add3A_1109 : i32 to index
        %swap3A_1116 = arith.constant 0 : index
        %swap3A_1117 = tpu.vector_load %arg11[%swap3A_1115, %swap3A_1116] {strides = array<i32>} : memref<80x128xf32, #tpu.memory_space<vmem>>, vector<1x16xf32>,
        %swap3A_1118 = vector.shape_cast %swap3A_1117 : vector<1x16xf32> to vector<16xf32>
        %swap3A_1119 = vector.shape_cast %mul3A_1114 : vector<16xf32> to vector<1x16xf32>
        tpu.vector_store %arg11[%swap3A_1115, %swap3A_1116], %swap3A_1119 {strides = array<i32>} : memref<80x128xf32, #tpu.memory_space<vmem>>, vector<1x16xf32>,
        %get3A_1120 = arith.index_cast %add3A_1109 : i32 to index
        %get3A_1121 = arith.constant 16 : index
        %get3A_1122 = tpu.vector_load %arg11[%get3A_1120, %get3A_1121] {strides = array<i32>} : memref<80x128xf32, #tpu.memory_space<vmem>>, vector<1x16xf32>,
        %get3A_1123 = vector.shape_cast %get3A_1122 : vector<1x16xf32> to vector<16xf32>
        %mul3A_1124 = arith.mulf %get3A_1123, %gather3A_1105 : vector<16xf32>
        %swap3A_1125 = arith.index_cast %add3A_1109 : i32 to index
        %swap3A_1126 = arith.constant 16 : index
        %swap3A_1127 = tpu.vector_load %arg11[%swap3A_1125, %swap3A_1126] {strides = array<i32>} : memref<80x128xf32, #tpu.memory_space<vmem>>, vector<1x16xf32>,
        %swap3A_1128 = vector.shape_cast %swap3A_1127 : vector<1x16xf32> to vector<16xf32>
        %swap3A_1129 = vector.shape_cast %mul3A_1124 : vector<16xf32> to vector<1x16xf32>
        tpu.vector_store %arg11[%swap3A_1125, %swap3A_1126], %swap3A_1129 {strides = array<i32>} : memref<80x128xf32, #tpu.memory_space<vmem>>, vector<1x16xf32>,
        %get3A_1130 = arith.index_cast %add3A_1109 : i32 to index
        %get3A_1131 = arith.constant 32 : index
        %get3A_1132 = tpu.vector_load %arg11[%get3A_1130, %get3A_1131] {strides = array<i32>} : memref<80x128xf32, #tpu.memory_space<vmem>>, vector<1x16xf32>,
        %get3A_1133 = vector.shape_cast %get3A_1132 : vector<1x16xf32> to vector<16xf32>
        %mul3A_1134 = arith.mulf %get3A_1133, %gather3A_1105 : vector<16xf32>
        %swap3A_1135 = arith.index_cast %add3A_1109 : i32 to index
        %swap3A_1136 = arith.constant 32 : index
        %swap3A_1137 = tpu.vector_load %arg11[%swap3A_1135, %swap3A_1136] {strides = array<i32>} : memref<80x128xf32, #tpu.memory_space<vmem>>, vector<1x16xf32>,
        %swap3A_1138 = vector.shape_cast %swap3A_1137 : vector<1x16xf32> to vector<16xf32>
        %swap3A_1139 = vector.shape_cast %mul3A_1134 : vector<16xf32> to vector<1x16xf32>
        tpu.vector_store %arg11[%swap3A_1135, %swap3A_1136], %swap3A_1139 {strides = array<i32>} : memref<80x128xf32, #tpu.memory_space<vmem>>, vector<1x16xf32>,
        %get3A_1140 = arith.index_cast %add3A_1109 : i32 to index
        %get3A_1141 = arith.constant 48 : index
        %get3A_1142 = tpu.vector_load %arg11[%get3A_1140, %get3A_1141] {strides = array<i32>} : memref<80x128xf32, #tpu.memory_space<vmem>>, vector<1x16xf32>,
        %get3A_1143 = vector.shape_cast %get3A_1142 : vector<1x16xf32> to vector<16xf32>
        %mul3A_1144 = arith.mulf %get3A_1143, %gather3A_1105 : vector<16xf32>
        %swap3A_1145 = arith.index_cast %add3A_1109 : i32 to index
        %swap3A_1146 = arith.constant 48 : index
        %swap3A_1147 = tpu.vector_load %arg11[%swap3A_1145, %swap3A_1146] {strides = array<i32>} : memref<80x128xf32, #tpu.memory_space<vmem>>, vector<1x16xf32>,
        %swap3A_1148 = vector.shape_cast %swap3A_1147 : vector<1x16xf32> to vector<16xf32>
        %swap3A_1149 = vector.shape_cast %mul3A_1144 : vector<16xf32> to vector<1x16xf32>
        tpu.vector_store %arg11[%swap3A_1145, %swap3A_1146], %swap3A_1149 {strides = array<i32>} : memref<80x128xf32, #tpu.memory_space<vmem>>, vector<1x16xf32>,
        %get3A_1150 = arith.index_cast %add3A_1109 : i32 to index
        %get3A_1151 = arith.constant 64 : index
        %get3A_1152 = tpu.vector_load %arg11[%get3A_1150, %get3A_1151] {strides = array<i32>} : memref<80x128xf32, #tpu.memory_space<vmem>>, vector<1x16xf32>,
        %get3A_1153 = vector.shape_cast %get3A_1152 : vector<1x16xf32> to vector<16xf32>
        %mul3A_1154 = arith.mulf %get3A_1153, %gather3A_1105 : vector<16xf32>
        %swap3A_1155 = arith.index_cast %add3A_1109 : i32 to index
        %swap3A_1156 = arith.constant 64 : index
        %swap3A_1157 = tpu.vector_load %arg11[%swap3A_1155, %swap3A_1156] {strides = array<i32>} : memref<80x128xf32, #tpu.memory_space<vmem>>, vector<1x16xf32>,
        %swap3A_1158 = vector.shape_cast %swap3A_1157 : vector<1x16xf32> to vector<16xf32>
        %swap3A_1159 = vector.shape_cast %mul3A_1154 : vector<16xf32> to vector<1x16xf32>
        tpu.vector_store %arg11[%swap3A_1155, %swap3A_1156], %swap3A_1159 {strides = array<i32>} : memref<80x128xf32, #tpu.memory_space<vmem>>, vector<1x16xf32>,
        %get3A_1160 = arith.index_cast %add3A_1109 : i32 to index
        %get3A_1161 = arith.constant 80 : index
        %get3A_1162 = tpu.vector_load %arg11[%get3A_1160, %get3A_1161] {strides = array<i32>} : memref<80x128xf32, #tpu.memory_space<vmem>>, vector<1x16xf32>,
        %get3A_1163 = vector.shape_cast %get3A_1162 : vector<1x16xf32> to vector<16xf32>
        %mul3A_1164 = arith.mulf %get3A_1163, %gather3A_1105 : vector<16xf32>
        %swap3A_1165 = arith.index_cast %add3A_1109 : i32 to index
        %swap3A_1166 = arith.constant 80 : index
        %swap3A_1167 = tpu.vector_load %arg11[%swap3A_1165, %swap3A_1166] {strides = array<i32>} : memref<80x128xf32, #tpu.memory_space<vmem>>, vector<1x16xf32>,
        %swap3A_1168 = vector.shape_cast %swap3A_1167 : vector<1x16xf32> to vector<16xf32>
        %swap3A_1169 = vector.shape_cast %mul3A_1164 : vector<16xf32> to vector<1x16xf32>
        tpu.vector_store %arg11[%swap3A_1165, %swap3A_1166], %swap3A_1169 {strides = array<i32>} : memref<80x128xf32, #tpu.memory_space<vmem>>, vector<1x16xf32>,
        %get3A_1170 = arith.index_cast %add3A_1109 : i32 to index
        %get3A_1171 = arith.constant 96 : index
        %get3A_1172 = tpu.vector_load %arg11[%get3A_1170, %get3A_1171] {strides = array<i32>} : memref<80x128xf32, #tpu.memory_space<vmem>>, vector<1x16xf32>,
        %get3A_1173 = vector.shape_cast %get3A_1172 : vector<1x16xf32> to vector<16xf32>
        %mul3A_1174 = arith.mulf %get3A_1173, %gather3A_1105 : vector<16xf32>
        %swap3A_1175 = arith.index_cast %add3A_1109 : i32 to index
        %swap3A_1176 = arith.constant 96 : index
        %swap3A_1177 = tpu.vector_load %arg11[%swap3A_1175, %swap3A_1176] {strides = array<i32>} : memref<80x128xf32, #tpu.memory_space<vmem>>, vector<1x16xf32>,
        %swap3A_1178 = vector.shape_cast %swap3A_1177 : vector<1x16xf32> to vector<16xf32>
        %swap3A_1179 = vector.shape_cast %mul3A_1174 : vector<16xf32> to vector<1x16xf32>
        tpu.vector_store %arg11[%swap3A_1175, %swap3A_1176], %swap3A_1179 {strides = array<i32>} : memref<80x128xf32, #tpu.memory_space<vmem>>, vector<1x16xf32>,
        %get3A_1180 = arith.index_cast %add3A_1109 : i32 to index
        %get3A_1181 = arith.constant 112 : index
        %get3A_1182 = tpu.vector_load %arg11[%get3A_1180, %get3A_1181] {strides = array<i32>} : memref<80x128xf32, #tpu.memory_space<vmem>>, vector<1x16xf32>,
        %get3A_1183 = vector.shape_cast %get3A_1182 : vector<1x16xf32> to vector<16xf32>
        %mul3A_1184 = arith.mulf %get3A_1183, %gather3A_1105 : vector<16xf32>
        %swap3A_1185 = arith.index_cast %add3A_1109 : i32 to index
        %swap3A_1186 = arith.constant 112 : index
        %swap3A_1187 = tpu.vector_load %arg11[%swap3A_1185, %swap3A_1186] {strides = array<i32>} : memref<80x128xf32, #tpu.memory_space<vmem>>, vector<1x16xf32>,
        %swap3A_1188 = vector.shape_cast %swap3A_1187 : vector<1x16xf32> to vector<16xf32>
        %swap3A_1189 = vector.shape_cast %mul3A_1184 : vector<16xf32> to vector<1x16xf32>
        tpu.vector_store %arg11[%swap3A_1185, %swap3A_1186], %swap3A_1189 {strides = array<i32>} : memref<80x128xf32, #tpu.memory_space<vmem>>, vector<1x16xf32>,
        %broadcast_in_dim3A_1190 = arith.constant 12 : i32
        %broadcast_in_dim3A_1191 = vector.broadcast %broadcast_in_dim3A_1190 : i32 to vector<16x1xi32>
        %gather3A_1192 = vector.shape_cast %broadcast_in_dim3A_1191 : vector<16x1xi32> to vector<16xi32>
        %gather3A_1193 = tpu.dynamic_gather %get3A_135[%gather3A_1192] in [0] : vector<16xf32>, vector<16xi32> -> vector<16xf32>
        %mul3A_1194 = arith.constant 16 : i32
        %mul3A_1195 = arith.muli %scan3A_131, %mul3A_1194 : i32
        %add3A_1196 = arith.constant 12 : i32
        %add3A_1197 = arith.addi %mul3A_1195, %add3A_1196 : i32
        %get3A_1198 = arith.index_cast %add3A_1197 : i32 to index
        %get3A_1199 = arith.constant 0 : index
        %get3A_1200 = tpu.vector_load %arg11[%get3A_1198, %get3A_1199] {strides = array<i32>} : memref<80x128xf32, #tpu.memory_space<vmem>>, vector<1x16xf32>,
        %get3A_1201 = vector.shape_cast %get3A_1200 : vector<1x16xf32> to vector<16xf32>
        %mul3A_1202 = arith.mulf %get3A_1201, %gather3A_1193 : vector<16xf32>
        %swap3A_1203 = arith.index_cast %add3A_1197 : i32 to index
        %swap3A_1204 = arith.constant 0 : index
        %swap3A_1205 = tpu.vector_load %arg11[%swap3A_1203, %swap3A_1204] {strides = array<i32>} : memref<80x128xf32, #tpu.memory_space<vmem>>, vector<1x16xf32>,
        %swap3A_1206 = vector.shape_cast %swap3A_1205 : vector<1x16xf32> to vector<16xf32>
        %swap3A_1207 = vector.shape_cast %mul3A_1202 : vector<16xf32> to vector<1x16xf32>
        tpu.vector_store %arg11[%swap3A_1203, %swap3A_1204], %swap3A_1207 {strides = array<i32>} : memref<80x128xf32, #tpu.memory_space<vmem>>, vector<1x16xf32>,
        %get3A_1208 = arith.index_cast %add3A_1197 : i32 to index
        %get3A_1209 = arith.constant 16 : index
        %get3A_1210 = tpu.vector_load %arg11[%get3A_1208, %get3A_1209] {strides = array<i32>} : memref<80x128xf32, #tpu.memory_space<vmem>>, vector<1x16xf32>,
        %get3A_1211 = vector.shape_cast %get3A_1210 : vector<1x16xf32> to vector<16xf32>
        %mul3A_1212 = arith.mulf %get3A_1211, %gather3A_1193 : vector<16xf32>
        %swap3A_1213 = arith.index_cast %add3A_1197 : i32 to index
        %swap3A_1214 = arith.constant 16 : index
        %swap3A_1215 = tpu.vector_load %arg11[%swap3A_1213, %swap3A_1214] {strides = array<i32>} : memref<80x128xf32, #tpu.memory_space<vmem>>, vector<1x16xf32>,
        %swap3A_1216 = vector.shape_cast %swap3A_1215 : vector<1x16xf32> to vector<16xf32>
        %swap3A_1217 = vector.shape_cast %mul3A_1212 : vector<16xf32> to vector<1x16xf32>
        tpu.vector_store %arg11[%swap3A_1213, %swap3A_1214], %swap3A_1217 {strides = array<i32>} : memref<80x128xf32, #tpu.memory_space<vmem>>, vector<1x16xf32>,
        %get3A_1218 = arith.index_cast %add3A_1197 : i32 to index
        %get3A_1219 = arith.constant 32 : index
        %get3A_1220 = tpu.vector_load %arg11[%get3A_1218, %get3A_1219] {strides = array<i32>} : memref<80x128xf32, #tpu.memory_space<vmem>>, vector<1x16xf32>,
        %get3A_1221 = vector.shape_cast %get3A_1220 : vector<1x16xf32> to vector<16xf32>
        %mul3A_1222 = arith.mulf %get3A_1221, %gather3A_1193 : vector<16xf32>
        %swap3A_1223 = arith.index_cast %add3A_1197 : i32 to index
        %swap3A_1224 = arith.constant 32 : index
        %swap3A_1225 = tpu.vector_load %arg11[%swap3A_1223, %swap3A_1224] {strides = array<i32>} : memref<80x128xf32, #tpu.memory_space<vmem>>, vector<1x16xf32>,
        %swap3A_1226 = vector.shape_cast %swap3A_1225 : vector<1x16xf32> to vector<16xf32>
        %swap3A_1227 = vector.shape_cast %mul3A_1222 : vector<16xf32> to vector<1x16xf32>
        tpu.vector_store %arg11[%swap3A_1223, %swap3A_1224], %swap3A_1227 {strides = array<i32>} : memref<80x128xf32, #tpu.memory_space<vmem>>, vector<1x16xf32>,
        %get3A_1228 = arith.index_cast %add3A_1197 : i32 to index
        %get3A_1229 = arith.constant 48 : index
        %get3A_1230 = tpu.vector_load %arg11[%get3A_1228, %get3A_1229] {strides = array<i32>} : memref<80x128xf32, #tpu.memory_space<vmem>>, vector<1x16xf32>,
        %get3A_1231 = vector.shape_cast %get3A_1230 : vector<1x16xf32> to vector<16xf32>
        %mul3A_1232 = arith.mulf %get3A_1231, %gather3A_1193 : vector<16xf32>
        %swap3A_1233 = arith.index_cast %add3A_1197 : i32 to index
        %swap3A_1234 = arith.constant 48 : index
        %swap3A_1235 = tpu.vector_load %arg11[%swap3A_1233, %swap3A_1234] {strides = array<i32>} : memref<80x128xf32, #tpu.memory_space<vmem>>, vector<1x16xf32>,
        %swap3A_1236 = vector.shape_cast %swap3A_1235 : vector<1x16xf32> to vector<16xf32>
        %swap3A_1237 = vector.shape_cast %mul3A_1232 : vector<16xf32> to vector<1x16xf32>
        tpu.vector_store %arg11[%swap3A_1233, %swap3A_1234], %swap3A_1237 {strides = array<i32>} : memref<80x128xf32, #tpu.memory_space<vmem>>, vector<1x16xf32>,
        %get3A_1238 = arith.index_cast %add3A_1197 : i32 to index
        %get3A_1239 = arith.constant 64 : index
        %get3A_1240 = tpu.vector_load %arg11[%get3A_1238, %get3A_1239] {strides = array<i32>} : memref<80x128xf32, #tpu.memory_space<vmem>>, vector<1x16xf32>,
        %get3A_1241 = vector.shape_cast %get3A_1240 : vector<1x16xf32> to vector<16xf32>
        %mul3A_1242 = arith.mulf %get3A_1241, %gather3A_1193 : vector<16xf32>
        %swap3A_1243 = arith.index_cast %add3A_1197 : i32 to index
        %swap3A_1244 = arith.constant 64 : index
        %swap3A_1245 = tpu.vector_load %arg11[%swap3A_1243, %swap3A_1244] {strides = array<i32>} : memref<80x128xf32, #tpu.memory_space<vmem>>, vector<1x16xf32>,
        %swap3A_1246 = vector.shape_cast %swap3A_1245 : vector<1x16xf32> to vector<16xf32>
        %swap3A_1247 = vector.shape_cast %mul3A_1242 : vector<16xf32> to vector<1x16xf32>
        tpu.vector_store %arg11[%swap3A_1243, %swap3A_1244], %swap3A_1247 {strides = array<i32>} : memref<80x128xf32, #tpu.memory_space<vmem>>, vector<1x16xf32>,
        %get3A_1248 = arith.index_cast %add3A_1197 : i32 to index
        %get3A_1249 = arith.constant 80 : index
        %get3A_1250 = tpu.vector_load %arg11[%get3A_1248, %get3A_1249] {strides = array<i32>} : memref<80x128xf32, #tpu.memory_space<vmem>>, vector<1x16xf32>,
        %get3A_1251 = vector.shape_cast %get3A_1250 : vector<1x16xf32> to vector<16xf32>
        %mul3A_1252 = arith.mulf %get3A_1251, %gather3A_1193 : vector<16xf32>
        %swap3A_1253 = arith.index_cast %add3A_1197 : i32 to index
        %swap3A_1254 = arith.constant 80 : index
        %swap3A_1255 = tpu.vector_load %arg11[%swap3A_1253, %swap3A_1254] {strides = array<i32>} : memref<80x128xf32, #tpu.memory_space<vmem>>, vector<1x16xf32>,
        %swap3A_1256 = vector.shape_cast %swap3A_1255 : vector<1x16xf32> to vector<16xf32>
        %swap3A_1257 = vector.shape_cast %mul3A_1252 : vector<16xf32> to vector<1x16xf32>
        tpu.vector_store %arg11[%swap3A_1253, %swap3A_1254], %swap3A_1257 {strides = array<i32>} : memref<80x128xf32, #tpu.memory_space<vmem>>, vector<1x16xf32>,
        %get3A_1258 = arith.index_cast %add3A_1197 : i32 to index
        %get3A_1259 = arith.constant 96 : index
        %get3A_1260 = tpu.vector_load %arg11[%get3A_1258, %get3A_1259] {strides = array<i32>} : memref<80x128xf32, #tpu.memory_space<vmem>>, vector<1x16xf32>,
        %get3A_1261 = vector.shape_cast %get3A_1260 : vector<1x16xf32> to vector<16xf32>
        %mul3A_1262 = arith.mulf %get3A_1261, %gather3A_1193 : vector<16xf32>
        %swap3A_1263 = arith.index_cast %add3A_1197 : i32 to index
        %swap3A_1264 = arith.constant 96 : index
        %swap3A_1265 = tpu.vector_load %arg11[%swap3A_1263, %swap3A_1264] {strides = array<i32>} : memref<80x128xf32, #tpu.memory_space<vmem>>, vector<1x16xf32>,
        %swap3A_1266 = vector.shape_cast %swap3A_1265 : vector<1x16xf32> to vector<16xf32>
        %swap3A_1267 = vector.shape_cast %mul3A_1262 : vector<16xf32> to vector<1x16xf32>
        tpu.vector_store %arg11[%swap3A_1263, %swap3A_1264], %swap3A_1267 {strides = array<i32>} : memref<80x128xf32, #tpu.memory_space<vmem>>, vector<1x16xf32>,
        %get3A_1268 = arith.index_cast %add3A_1197 : i32 to index
        %get3A_1269 = arith.constant 112 : index
        %get3A_1270 = tpu.vector_load %arg11[%get3A_1268, %get3A_1269] {strides = array<i32>} : memref<80x128xf32, #tpu.memory_space<vmem>>, vector<1x16xf32>,
        %get3A_1271 = vector.shape_cast %get3A_1270 : vector<1x16xf32> to vector<16xf32>
        %mul3A_1272 = arith.mulf %get3A_1271, %gather3A_1193 : vector<16xf32>
        %swap3A_1273 = arith.index_cast %add3A_1197 : i32 to index
        %swap3A_1274 = arith.constant 112 : index
        %swap3A_1275 = tpu.vector_load %arg11[%swap3A_1273, %swap3A_1274] {strides = array<i32>} : memref<80x128xf32, #tpu.memory_space<vmem>>, vector<1x16xf32>,
        %swap3A_1276 = vector.shape_cast %swap3A_1275 : vector<1x16xf32> to vector<16xf32>
        %swap3A_1277 = vector.shape_cast %mul3A_1272 : vector<16xf32> to vector<1x16xf32>
        tpu.vector_store %arg11[%swap3A_1273, %swap3A_1274], %swap3A_1277 {strides = array<i32>} : memref<80x128xf32, #tpu.memory_space<vmem>>, vector<1x16xf32>,
        %broadcast_in_dim3A_1278 = arith.constant 13 : i32
        %broadcast_in_dim3A_1279 = vector.broadcast %broadcast_in_dim3A_1278 : i32 to vector<16x1xi32>
        %gather3A_1280 = vector.shape_cast %broadcast_in_dim3A_1279 : vector<16x1xi32> to vector<16xi32>
        %gather3A_1281 = tpu.dynamic_gather %get3A_135[%gather3A_1280] in [0] : vector<16xf32>, vector<16xi32> -> vector<16xf32>
        %mul3A_1282 = arith.constant 16 : i32
        %mul3A_1283 = arith.muli %scan3A_131, %mul3A_1282 : i32
        %add3A_1284 = arith.constant 13 : i32
        %add3A_1285 = arith.addi %mul3A_1283, %add3A_1284 : i32
        %get3A_1286 = arith.index_cast %add3A_1285 : i32 to index
        %get3A_1287 = arith.constant 0 : index
        %get3A_1288 = tpu.vector_load %arg11[%get3A_1286, %get3A_1287] {strides = array<i32>} : memref<80x128xf32, #tpu.memory_space<vmem>>, vector<1x16xf32>,
        %get3A_1289 = vector.shape_cast %get3A_1288 : vector<1x16xf32> to vector<16xf32>
        %mul3A_1290 = arith.mulf %get3A_1289, %gather3A_1281 : vector<16xf32>
        %swap3A_1291 = arith.index_cast %add3A_1285 : i32 to index
        %swap3A_1292 = arith.constant 0 : index
        %swap3A_1293 = tpu.vector_load %arg11[%swap3A_1291, %swap3A_1292] {strides = array<i32>} : memref<80x128xf32, #tpu.memory_space<vmem>>, vector<1x16xf32>,
        %swap3A_1294 = vector.shape_cast %swap3A_1293 : vector<1x16xf32> to vector<16xf32>
        %swap3A_1295 = vector.shape_cast %mul3A_1290 : vector<16xf32> to vector<1x16xf32>
        tpu.vector_store %arg11[%swap3A_1291, %swap3A_1292], %swap3A_1295 {strides = array<i32>} : memref<80x128xf32, #tpu.memory_space<vmem>>, vector<1x16xf32>,
        %get3A_1296 = arith.index_cast %add3A_1285 : i32 to index
        %get3A_1297 = arith.constant 16 : index
        %get3A_1298 = tpu.vector_load %arg11[%get3A_1296, %get3A_1297] {strides = array<i32>} : memref<80x128xf32, #tpu.memory_space<vmem>>, vector<1x16xf32>,
        %get3A_1299 = vector.shape_cast %get3A_1298 : vector<1x16xf32> to vector<16xf32>
        %mul3A_1300 = arith.mulf %get3A_1299, %gather3A_1281 : vector<16xf32>
        %swap3A_1301 = arith.index_cast %add3A_1285 : i32 to index
        %swap3A_1302 = arith.constant 16 : index
        %swap3A_1303 = tpu.vector_load %arg11[%swap3A_1301, %swap3A_1302] {strides = array<i32>} : memref<80x128xf32, #tpu.memory_space<vmem>>, vector<1x16xf32>,
        %swap3A_1304 = vector.shape_cast %swap3A_1303 : vector<1x16xf32> to vector<16xf32>
        %swap3A_1305 = vector.shape_cast %mul3A_1300 : vector<16xf32> to vector<1x16xf32>
        tpu.vector_store %arg11[%swap3A_1301, %swap3A_1302], %swap3A_1305 {strides = array<i32>} : memref<80x128xf32, #tpu.memory_space<vmem>>, vector<1x16xf32>,
        %get3A_1306 = arith.index_cast %add3A_1285 : i32 to index
        %get3A_1307 = arith.constant 32 : index
        %get3A_1308 = tpu.vector_load %arg11[%get3A_1306, %get3A_1307] {strides = array<i32>} : memref<80x128xf32, #tpu.memory_space<vmem>>, vector<1x16xf32>,
        %get3A_1309 = vector.shape_cast %get3A_1308 : vector<1x16xf32> to vector<16xf32>
        %mul3A_1310 = arith.mulf %get3A_1309, %gather3A_1281 : vector<16xf32>
        %swap3A_1311 = arith.index_cast %add3A_1285 : i32 to index
        %swap3A_1312 = arith.constant 32 : index
        %swap3A_1313 = tpu.vector_load %arg11[%swap3A_1311, %swap3A_1312] {strides = array<i32>} : memref<80x128xf32, #tpu.memory_space<vmem>>, vector<1x16xf32>,
        %swap3A_1314 = vector.shape_cast %swap3A_1313 : vector<1x16xf32> to vector<16xf32>
        %swap3A_1315 = vector.shape_cast %mul3A_1310 : vector<16xf32> to vector<1x16xf32>
        tpu.vector_store %arg11[%swap3A_1311, %swap3A_1312], %swap3A_1315 {strides = array<i32>} : memref<80x128xf32, #tpu.memory_space<vmem>>, vector<1x16xf32>,
        %get3A_1316 = arith.index_cast %add3A_1285 : i32 to index
        %get3A_1317 = arith.constant 48 : index
        %get3A_1318 = tpu.vector_load %arg11[%get3A_1316, %get3A_1317] {strides = array<i32>} : memref<80x128xf32, #tpu.memory_space<vmem>>, vector<1x16xf32>,
        %get3A_1319 = vector.shape_cast %get3A_1318 : vector<1x16xf32> to vector<16xf32>
        %mul3A_1320 = arith.mulf %get3A_1319, %gather3A_1281 : vector<16xf32>
        %swap3A_1321 = arith.index_cast %add3A_1285 : i32 to index
        %swap3A_1322 = arith.constant 48 : index
        %swap3A_1323 = tpu.vector_load %arg11[%swap3A_1321, %swap3A_1322] {strides = array<i32>} : memref<80x128xf32, #tpu.memory_space<vmem>>, vector<1x16xf32>,
        %swap3A_1324 = vector.shape_cast %swap3A_1323 : vector<1x16xf32> to vector<16xf32>
        %swap3A_1325 = vector.shape_cast %mul3A_1320 : vector<16xf32> to vector<1x16xf32>
        tpu.vector_store %arg11[%swap3A_1321, %swap3A_1322], %swap3A_1325 {strides = array<i32>} : memref<80x128xf32, #tpu.memory_space<vmem>>, vector<1x16xf32>,
        %get3A_1326 = arith.index_cast %add3A_1285 : i32 to index
        %get3A_1327 = arith.constant 64 : index
        %get3A_1328 = tpu.vector_load %arg11[%get3A_1326, %get3A_1327] {strides = array<i32>} : memref<80x128xf32, #tpu.memory_space<vmem>>, vector<1x16xf32>,
        %get3A_1329 = vector.shape_cast %get3A_1328 : vector<1x16xf32> to vector<16xf32>
        %mul3A_1330 = arith.mulf %get3A_1329, %gather3A_1281 : vector<16xf32>
        %swap3A_1331 = arith.index_cast %add3A_1285 : i32 to index
        %swap3A_1332 = arith.constant 64 : index
        %swap3A_1333 = tpu.vector_load %arg11[%swap3A_1331, %swap3A_1332] {strides = array<i32>} : memref<80x128xf32, #tpu.memory_space<vmem>>, vector<1x16xf32>,
        %swap3A_1334 = vector.shape_cast %swap3A_1333 : vector<1x16xf32> to vector<16xf32>
        %swap3A_1335 = vector.shape_cast %mul3A_1330 : vector<16xf32> to vector<1x16xf32>
        tpu.vector_store %arg11[%swap3A_1331, %swap3A_1332], %swap3A_1335 {strides = array<i32>} : memref<80x128xf32, #tpu.memory_space<vmem>>, vector<1x16xf32>,
        %get3A_1336 = arith.index_cast %add3A_1285 : i32 to index
        %get3A_1337 = arith.constant 80 : index
        %get3A_1338 = tpu.vector_load %arg11[%get3A_1336, %get3A_1337] {strides = array<i32>} : memref<80x128xf32, #tpu.memory_space<vmem>>, vector<1x16xf32>,
        %get3A_1339 = vector.shape_cast %get3A_1338 : vector<1x16xf32> to vector<16xf32>
        %mul3A_1340 = arith.mulf %get3A_1339, %gather3A_1281 : vector<16xf32>
        %swap3A_1341 = arith.index_cast %add3A_1285 : i32 to index
        %swap3A_1342 = arith.constant 80 : index
        %swap3A_1343 = tpu.vector_load %arg11[%swap3A_1341, %swap3A_1342] {strides = array<i32>} : memref<80x128xf32, #tpu.memory_space<vmem>>, vector<1x16xf32>,
        %swap3A_1344 = vector.shape_cast %swap3A_1343 : vector<1x16xf32> to vector<16xf32>
        %swap3A_1345 = vector.shape_cast %mul3A_1340 : vector<16xf32> to vector<1x16xf32>
        tpu.vector_store %arg11[%swap3A_1341, %swap3A_1342], %swap3A_1345 {strides = array<i32>} : memref<80x128xf32, #tpu.memory_space<vmem>>, vector<1x16xf32>,
        %get3A_1346 = arith.index_cast %add3A_1285 : i32 to index
        %get3A_1347 = arith.constant 96 : index
        %get3A_1348 = tpu.vector_load %arg11[%get3A_1346, %get3A_1347] {strides = array<i32>} : memref<80x128xf32, #tpu.memory_space<vmem>>, vector<1x16xf32>,
        %get3A_1349 = vector.shape_cast %get3A_1348 : vector<1x16xf32> to vector<16xf32>
        %mul3A_1350 = arith.mulf %get3A_1349, %gather3A_1281 : vector<16xf32>
        %swap3A_1351 = arith.index_cast %add3A_1285 : i32 to index
        %swap3A_1352 = arith.constant 96 : index
        %swap3A_1353 = tpu.vector_load %arg11[%swap3A_1351, %swap3A_1352] {strides = array<i32>} : memref<80x128xf32, #tpu.memory_space<vmem>>, vector<1x16xf32>,
        %swap3A_1354 = vector.shape_cast %swap3A_1353 : vector<1x16xf32> to vector<16xf32>
        %swap3A_1355 = vector.shape_cast %mul3A_1350 : vector<16xf32> to vector<1x16xf32>
        tpu.vector_store %arg11[%swap3A_1351, %swap3A_1352], %swap3A_1355 {strides = array<i32>} : memref<80x128xf32, #tpu.memory_space<vmem>>, vector<1x16xf32>,
        %get3A_1356 = arith.index_cast %add3A_1285 : i32 to index
        %get3A_1357 = arith.constant 112 : index
        %get3A_1358 = tpu.vector_load %arg11[%get3A_1356, %get3A_1357] {strides = array<i32>} : memref<80x128xf32, #tpu.memory_space<vmem>>, vector<1x16xf32>,
        %get3A_1359 = vector.shape_cast %get3A_1358 : vector<1x16xf32> to vector<16xf32>
        %mul3A_1360 = arith.mulf %get3A_1359, %gather3A_1281 : vector<16xf32>
        %swap3A_1361 = arith.index_cast %add3A_1285 : i32 to index
        %swap3A_1362 = arith.constant 112 : index
        %swap3A_1363 = tpu.vector_load %arg11[%swap3A_1361, %swap3A_1362] {strides = array<i32>} : memref<80x128xf32, #tpu.memory_space<vmem>>, vector<1x16xf32>,
        %swap3A_1364 = vector.shape_cast %swap3A_1363 : vector<1x16xf32> to vector<16xf32>
        %swap3A_1365 = vector.shape_cast %mul3A_1360 : vector<16xf32> to vector<1x16xf32>
        tpu.vector_store %arg11[%swap3A_1361, %swap3A_1362], %swap3A_1365 {strides = array<i32>} : memref<80x128xf32, #tpu.memory_space<vmem>>, vector<1x16xf32>,
        %broadcast_in_dim3A_1366 = arith.constant 14 : i32
        %broadcast_in_dim3A_1367 = vector.broadcast %broadcast_in_dim3A_1366 : i32 to vector<16x1xi32>
        %gather3A_1368 = vector.shape_cast %broadcast_in_dim3A_1367 : vector<16x1xi32> to vector<16xi32>
        %gather3A_1369 = tpu.dynamic_gather %get3A_135[%gather3A_1368] in [0] : vector<16xf32>, vector<16xi32> -> vector<16xf32>
        %mul3A_1370 = arith.constant 16 : i32
        %mul3A_1371 = arith.muli %scan3A_131, %mul3A_1370 : i32
        %add3A_1372 = arith.constant 14 : i32
        %add3A_1373 = arith.addi %mul3A_1371, %add3A_1372 : i32
        %get3A_1374 = arith.index_cast %add3A_1373 : i32 to index
        %get3A_1375 = arith.constant 0 : index
        %get3A_1376 = tpu.vector_load %arg11[%get3A_1374, %get3A_1375] {strides = array<i32>} : memref<80x128xf32, #tpu.memory_space<vmem>>, vector<1x16xf32>,
        %get3A_1377 = vector.shape_cast %get3A_1376 : vector<1x16xf32> to vector<16xf32>
        %mul3A_1378 = arith.mulf %get3A_1377, %gather3A_1369 : vector<16xf32>
        %swap3A_1379 = arith.index_cast %add3A_1373 : i32 to index
        %swap3A_1380 = arith.constant 0 : index
        %swap3A_1381 = tpu.vector_load %arg11[%swap3A_1379, %swap3A_1380] {strides = array<i32>} : memref<80x128xf32, #tpu.memory_space<vmem>>, vector<1x16xf32>,
        %swap3A_1382 = vector.shape_cast %swap3A_1381 : vector<1x16xf32> to vector<16xf32>
        %swap3A_1383 = vector.shape_cast %mul3A_1378 : vector<16xf32> to vector<1x16xf32>
        tpu.vector_store %arg11[%swap3A_1379, %swap3A_1380], %swap3A_1383 {strides = array<i32>} : memref<80x128xf32, #tpu.memory_space<vmem>>, vector<1x16xf32>,
        %get3A_1384 = arith.index_cast %add3A_1373 : i32 to index
        %get3A_1385 = arith.constant 16 : index
        %get3A_1386 = tpu.vector_load %arg11[%get3A_1384, %get3A_1385] {strides = array<i32>} : memref<80x128xf32, #tpu.memory_space<vmem>>, vector<1x16xf32>,
        %get3A_1387 = vector.shape_cast %get3A_1386 : vector<1x16xf32> to vector<16xf32>
        %mul3A_1388 = arith.mulf %get3A_1387, %gather3A_1369 : vector<16xf32>
        %swap3A_1389 = arith.index_cast %add3A_1373 : i32 to index
        %swap3A_1390 = arith.constant 16 : index
        %swap3A_1391 = tpu.vector_load %arg11[%swap3A_1389, %swap3A_1390] {strides = array<i32>} : memref<80x128xf32, #tpu.memory_space<vmem>>, vector<1x16xf32>,
        %swap3A_1392 = vector.shape_cast %swap3A_1391 : vector<1x16xf32> to vector<16xf32>
        %swap3A_1393 = vector.shape_cast %mul3A_1388 : vector<16xf32> to vector<1x16xf32>
        tpu.vector_store %arg11[%swap3A_1389, %swap3A_1390], %swap3A_1393 {strides = array<i32>} : memref<80x128xf32, #tpu.memory_space<vmem>>, vector<1x16xf32>,
        %get3A_1394 = arith.index_cast %add3A_1373 : i32 to index
        %get3A_1395 = arith.constant 32 : index
        %get3A_1396 = tpu.vector_load %arg11[%get3A_1394, %get3A_1395] {strides = array<i32>} : memref<80x128xf32, #tpu.memory_space<vmem>>, vector<1x16xf32>,
        %get3A_1397 = vector.shape_cast %get3A_1396 : vector<1x16xf32> to vector<16xf32>
        %mul3A_1398 = arith.mulf %get3A_1397, %gather3A_1369 : vector<16xf32>
        %swap3A_1399 = arith.index_cast %add3A_1373 : i32 to index
        %swap3A_1400 = arith.constant 32 : index
        %swap3A_1401 = tpu.vector_load %arg11[%swap3A_1399, %swap3A_1400] {strides = array<i32>} : memref<80x128xf32, #tpu.memory_space<vmem>>, vector<1x16xf32>,
        %swap3A_1402 = vector.shape_cast %swap3A_1401 : vector<1x16xf32> to vector<16xf32>
        %swap3A_1403 = vector.shape_cast %mul3A_1398 : vector<16xf32> to vector<1x16xf32>
        tpu.vector_store %arg11[%swap3A_1399, %swap3A_1400], %swap3A_1403 {strides = array<i32>} : memref<80x128xf32, #tpu.memory_space<vmem>>, vector<1x16xf32>,
        %get3A_1404 = arith.index_cast %add3A_1373 : i32 to index
        %get3A_1405 = arith.constant 48 : index
        %get3A_1406 = tpu.vector_load %arg11[%get3A_1404, %get3A_1405] {strides = array<i32>} : memref<80x128xf32, #tpu.memory_space<vmem>>, vector<1x16xf32>,
        %get3A_1407 = vector.shape_cast %get3A_1406 : vector<1x16xf32> to vector<16xf32>
        %mul3A_1408 = arith.mulf %get3A_1407, %gather3A_1369 : vector<16xf32>
        %swap3A_1409 = arith.index_cast %add3A_1373 : i32 to index
        %swap3A_1410 = arith.constant 48 : index
        %swap3A_1411 = tpu.vector_load %arg11[%swap3A_1409, %swap3A_1410] {strides = array<i32>} : memref<80x128xf32, #tpu.memory_space<vmem>>, vector<1x16xf32>,
        %swap3A_1412 = vector.shape_cast %swap3A_1411 : vector<1x16xf32> to vector<16xf32>
        %swap3A_1413 = vector.shape_cast %mul3A_1408 : vector<16xf32> to vector<1x16xf32>
        tpu.vector_store %arg11[%swap3A_1409, %swap3A_1410], %swap3A_1413 {strides = array<i32>} : memref<80x128xf32, #tpu.memory_space<vmem>>, vector<1x16xf32>,
        %get3A_1414 = arith.index_cast %add3A_1373 : i32 to index
        %get3A_1415 = arith.constant 64 : index
        %get3A_1416 = tpu.vector_load %arg11[%get3A_1414, %get3A_1415] {strides = array<i32>} : memref<80x128xf32, #tpu.memory_space<vmem>>, vector<1x16xf32>,
        %get3A_1417 = vector.shape_cast %get3A_1416 : vector<1x16xf32> to vector<16xf32>
        %mul3A_1418 = arith.mulf %get3A_1417, %gather3A_1369 : vector<16xf32>
        %swap3A_1419 = arith.index_cast %add3A_1373 : i32 to index
        %swap3A_1420 = arith.constant 64 : index
        %swap3A_1421 = tpu.vector_load %arg11[%swap3A_1419, %swap3A_1420] {strides = array<i32>} : memref<80x128xf32, #tpu.memory_space<vmem>>, vector<1x16xf32>,
        %swap3A_1422 = vector.shape_cast %swap3A_1421 : vector<1x16xf32> to vector<16xf32>
        %swap3A_1423 = vector.shape_cast %mul3A_1418 : vector<16xf32> to vector<1x16xf32>
        tpu.vector_store %arg11[%swap3A_1419, %swap3A_1420], %swap3A_1423 {strides = array<i32>} : memref<80x128xf32, #tpu.memory_space<vmem>>, vector<1x16xf32>,
        %get3A_1424 = arith.index_cast %add3A_1373 : i32 to index
        %get3A_1425 = arith.constant 80 : index
        %get3A_1426 = tpu.vector_load %arg11[%get3A_1424, %get3A_1425] {strides = array<i32>} : memref<80x128xf32, #tpu.memory_space<vmem>>, vector<1x16xf32>,
        %get3A_1427 = vector.shape_cast %get3A_1426 : vector<1x16xf32> to vector<16xf32>
        %mul3A_1428 = arith.mulf %get3A_1427, %gather3A_1369 : vector<16xf32>
        %swap3A_1429 = arith.index_cast %add3A_1373 : i32 to index
        %swap3A_1430 = arith.constant 80 : index
        %swap3A_1431 = tpu.vector_load %arg11[%swap3A_1429, %swap3A_1430] {strides = array<i32>} : memref<80x128xf32, #tpu.memory_space<vmem>>, vector<1x16xf32>,
        %swap3A_1432 = vector.shape_cast %swap3A_1431 : vector<1x16xf32> to vector<16xf32>
        %swap3A_1433 = vector.shape_cast %mul3A_1428 : vector<16xf32> to vector<1x16xf32>
        tpu.vector_store %arg11[%swap3A_1429, %swap3A_1430], %swap3A_1433 {strides = array<i32>} : memref<80x128xf32, #tpu.memory_space<vmem>>, vector<1x16xf32>,
        %get3A_1434 = arith.index_cast %add3A_1373 : i32 to index
        %get3A_1435 = arith.constant 96 : index
        %get3A_1436 = tpu.vector_load %arg11[%get3A_1434, %get3A_1435] {strides = array<i32>} : memref<80x128xf32, #tpu.memory_space<vmem>>, vector<1x16xf32>,
        %get3A_1437 = vector.shape_cast %get3A_1436 : vector<1x16xf32> to vector<16xf32>
        %mul3A_1438 = arith.mulf %get3A_1437, %gather3A_1369 : vector<16xf32>
        %swap3A_1439 = arith.index_cast %add3A_1373 : i32 to index
        %swap3A_1440 = arith.constant 96 : index
        %swap3A_1441 = tpu.vector_load %arg11[%swap3A_1439, %swap3A_1440] {strides = array<i32>} : memref<80x128xf32, #tpu.memory_space<vmem>>, vector<1x16xf32>,
        %swap3A_1442 = vector.shape_cast %swap3A_1441 : vector<1x16xf32> to vector<16xf32>
        %swap3A_1443 = vector.shape_cast %mul3A_1438 : vector<16xf32> to vector<1x16xf32>
        tpu.vector_store %arg11[%swap3A_1439, %swap3A_1440], %swap3A_1443 {strides = array<i32>} : memref<80x128xf32, #tpu.memory_space<vmem>>, vector<1x16xf32>,
        %get3A_1444 = arith.index_cast %add3A_1373 : i32 to index
        %get3A_1445 = arith.constant 112 : index
        %get3A_1446 = tpu.vector_load %arg11[%get3A_1444, %get3A_1445] {strides = array<i32>} : memref<80x128xf32, #tpu.memory_space<vmem>>, vector<1x16xf32>,
        %get3A_1447 = vector.shape_cast %get3A_1446 : vector<1x16xf32> to vector<16xf32>
        %mul3A_1448 = arith.mulf %get3A_1447, %gather3A_1369 : vector<16xf32>
        %swap3A_1449 = arith.index_cast %add3A_1373 : i32 to index
        %swap3A_1450 = arith.constant 112 : index
        %swap3A_1451 = tpu.vector_load %arg11[%swap3A_1449, %swap3A_1450] {strides = array<i32>} : memref<80x128xf32, #tpu.memory_space<vmem>>, vector<1x16xf32>,
        %swap3A_1452 = vector.shape_cast %swap3A_1451 : vector<1x16xf32> to vector<16xf32>
        %swap3A_1453 = vector.shape_cast %mul3A_1448 : vector<16xf32> to vector<1x16xf32>
        tpu.vector_store %arg11[%swap3A_1449, %swap3A_1450], %swap3A_1453 {strides = array<i32>} : memref<80x128xf32, #tpu.memory_space<vmem>>, vector<1x16xf32>,
        %broadcast_in_dim3A_1454 = arith.constant 15 : i32
        %broadcast_in_dim3A_1455 = vector.broadcast %broadcast_in_dim3A_1454 : i32 to vector<16x1xi32>
        %gather3A_1456 = vector.shape_cast %broadcast_in_dim3A_1455 : vector<16x1xi32> to vector<16xi32>
        %gather3A_1457 = tpu.dynamic_gather %get3A_135[%gather3A_1456] in [0] : vector<16xf32>, vector<16xi32> -> vector<16xf32>
        %mul3A_1458 = arith.constant 16 : i32
        %mul3A_1459 = arith.muli %scan3A_131, %mul3A_1458 : i32
        %add3A_1460 = arith.constant 15 : i32
        %add3A_1461 = arith.addi %mul3A_1459, %add3A_1460 : i32
        %get3A_1462 = arith.index_cast %add3A_1461 : i32 to index
        %get3A_1463 = arith.constant 0 : index
        %get3A_1464 = tpu.vector_load %arg11[%get3A_1462, %get3A_1463] {strides = array<i32>} : memref<80x128xf32, #tpu.memory_space<vmem>>, vector<1x16xf32>,
        %get3A_1465 = vector.shape_cast %get3A_1464 : vector<1x16xf32> to vector<16xf32>
        %mul3A_1466 = arith.mulf %get3A_1465, %gather3A_1457 : vector<16xf32>
        %swap3A_1467 = arith.index_cast %add3A_1461 : i32 to index
        %swap3A_1468 = arith.constant 0 : index
        %swap3A_1469 = tpu.vector_load %arg11[%swap3A_1467, %swap3A_1468] {strides = array<i32>} : memref<80x128xf32, #tpu.memory_space<vmem>>, vector<1x16xf32>,
        %swap3A_1470 = vector.shape_cast %swap3A_1469 : vector<1x16xf32> to vector<16xf32>
        %swap3A_1471 = vector.shape_cast %mul3A_1466 : vector<16xf32> to vector<1x16xf32>
        tpu.vector_store %arg11[%swap3A_1467, %swap3A_1468], %swap3A_1471 {strides = array<i32>} : memref<80x128xf32, #tpu.memory_space<vmem>>, vector<1x16xf32>,
        %get3A_1472 = arith.index_cast %add3A_1461 : i32 to index
        %get3A_1473 = arith.constant 16 : index
        %get3A_1474 = tpu.vector_load %arg11[%get3A_1472, %get3A_1473] {strides = array<i32>} : memref<80x128xf32, #tpu.memory_space<vmem>>, vector<1x16xf32>,
        %get3A_1475 = vector.shape_cast %get3A_1474 : vector<1x16xf32> to vector<16xf32>
        %mul3A_1476 = arith.mulf %get3A_1475, %gather3A_1457 : vector<16xf32>
        %swap3A_1477 = arith.index_cast %add3A_1461 : i32 to index
        %swap3A_1478 = arith.constant 16 : index
        %swap3A_1479 = tpu.vector_load %arg11[%swap3A_1477, %swap3A_1478] {strides = array<i32>} : memref<80x128xf32, #tpu.memory_space<vmem>>, vector<1x16xf32>,
        %swap3A_1480 = vector.shape_cast %swap3A_1479 : vector<1x16xf32> to vector<16xf32>
        %swap3A_1481 = vector.shape_cast %mul3A_1476 : vector<16xf32> to vector<1x16xf32>
        tpu.vector_store %arg11[%swap3A_1477, %swap3A_1478], %swap3A_1481 {strides = array<i32>} : memref<80x128xf32, #tpu.memory_space<vmem>>, vector<1x16xf32>,
        %get3A_1482 = arith.index_cast %add3A_1461 : i32 to index
        %get3A_1483 = arith.constant 32 : index
        %get3A_1484 = tpu.vector_load %arg11[%get3A_1482, %get3A_1483] {strides = array<i32>} : memref<80x128xf32, #tpu.memory_space<vmem>>, vector<1x16xf32>,
        %get3A_1485 = vector.shape_cast %get3A_1484 : vector<1x16xf32> to vector<16xf32>
        %mul3A_1486 = arith.mulf %get3A_1485, %gather3A_1457 : vector<16xf32>
        %swap3A_1487 = arith.index_cast %add3A_1461 : i32 to index
        %swap3A_1488 = arith.constant 32 : index
        %swap3A_1489 = tpu.vector_load %arg11[%swap3A_1487, %swap3A_1488] {strides = array<i32>} : memref<80x128xf32, #tpu.memory_space<vmem>>, vector<1x16xf32>,
        %swap3A_1490 = vector.shape_cast %swap3A_1489 : vector<1x16xf32> to vector<16xf32>
        %swap3A_1491 = vector.shape_cast %mul3A_1486 : vector<16xf32> to vector<1x16xf32>
        tpu.vector_store %arg11[%swap3A_1487, %swap3A_1488], %swap3A_1491 {strides = array<i32>} : memref<80x128xf32, #tpu.memory_space<vmem>>, vector<1x16xf32>,
        %get3A_1492 = arith.index_cast %add3A_1461 : i32 to index
        %get3A_1493 = arith.constant 48 : index
        %get3A_1494 = tpu.vector_load %arg11[%get3A_1492, %get3A_1493] {strides = array<i32>} : memref<80x128xf32, #tpu.memory_space<vmem>>, vector<1x16xf32>,
        %get3A_1495 = vector.shape_cast %get3A_1494 : vector<1x16xf32> to vector<16xf32>
        %mul3A_1496 = arith.mulf %get3A_1495, %gather3A_1457 : vector<16xf32>
        %swap3A_1497 = arith.index_cast %add3A_1461 : i32 to index
        %swap3A_1498 = arith.constant 48 : index
        %swap3A_1499 = tpu.vector_load %arg11[%swap3A_1497, %swap3A_1498] {strides = array<i32>} : memref<80x128xf32, #tpu.memory_space<vmem>>, vector<1x16xf32>,
        %swap3A_1500 = vector.shape_cast %swap3A_1499 : vector<1x16xf32> to vector<16xf32>
        %swap3A_1501 = vector.shape_cast %mul3A_1496 : vector<16xf32> to vector<1x16xf32>
        tpu.vector_store %arg11[%swap3A_1497, %swap3A_1498], %swap3A_1501 {strides = array<i32>} : memref<80x128xf32, #tpu.memory_space<vmem>>, vector<1x16xf32>,
        %get3A_1502 = arith.index_cast %add3A_1461 : i32 to index
        %get3A_1503 = arith.constant 64 : index
        %get3A_1504 = tpu.vector_load %arg11[%get3A_1502, %get3A_1503] {strides = array<i32>} : memref<80x128xf32, #tpu.memory_space<vmem>>, vector<1x16xf32>,
        %get3A_1505 = vector.shape_cast %get3A_1504 : vector<1x16xf32> to vector<16xf32>
        %mul3A_1506 = arith.mulf %get3A_1505, %gather3A_1457 : vector<16xf32>
        %swap3A_1507 = arith.index_cast %add3A_1461 : i32 to index
        %swap3A_1508 = arith.constant 64 : index
        %swap3A_1509 = tpu.vector_load %arg11[%swap3A_1507, %swap3A_1508] {strides = array<i32>} : memref<80x128xf32, #tpu.memory_space<vmem>>, vector<1x16xf32>,
        %swap3A_1510 = vector.shape_cast %swap3A_1509 : vector<1x16xf32> to vector<16xf32>
        %swap3A_1511 = vector.shape_cast %mul3A_1506 : vector<16xf32> to vector<1x16xf32>
        tpu.vector_store %arg11[%swap3A_1507, %swap3A_1508], %swap3A_1511 {strides = array<i32>} : memref<80x128xf32, #tpu.memory_space<vmem>>, vector<1x16xf32>,
        %get3A_1512 = arith.index_cast %add3A_1461 : i32 to index
        %get3A_1513 = arith.constant 80 : index
        %get3A_1514 = tpu.vector_load %arg11[%get3A_1512, %get3A_1513] {strides = array<i32>} : memref<80x128xf32, #tpu.memory_space<vmem>>, vector<1x16xf32>,
        %get3A_1515 = vector.shape_cast %get3A_1514 : vector<1x16xf32> to vector<16xf32>
        %mul3A_1516 = arith.mulf %get3A_1515, %gather3A_1457 : vector<16xf32>
        %swap3A_1517 = arith.index_cast %add3A_1461 : i32 to index
        %swap3A_1518 = arith.constant 80 : index
        %swap3A_1519 = tpu.vector_load %arg11[%swap3A_1517, %swap3A_1518] {strides = array<i32>} : memref<80x128xf32, #tpu.memory_space<vmem>>, vector<1x16xf32>,
        %swap3A_1520 = vector.shape_cast %swap3A_1519 : vector<1x16xf32> to vector<16xf32>
        %swap3A_1521 = vector.shape_cast %mul3A_1516 : vector<16xf32> to vector<1x16xf32>
        tpu.vector_store %arg11[%swap3A_1517, %swap3A_1518], %swap3A_1521 {strides = array<i32>} : memref<80x128xf32, #tpu.memory_space<vmem>>, vector<1x16xf32>,
        %get3A_1522 = arith.index_cast %add3A_1461 : i32 to index
        %get3A_1523 = arith.constant 96 : index
        %get3A_1524 = tpu.vector_load %arg11[%get3A_1522, %get3A_1523] {strides = array<i32>} : memref<80x128xf32, #tpu.memory_space<vmem>>, vector<1x16xf32>,
        %get3A_1525 = vector.shape_cast %get3A_1524 : vector<1x16xf32> to vector<16xf32>
        %mul3A_1526 = arith.mulf %get3A_1525, %gather3A_1457 : vector<16xf32>
        %swap3A_1527 = arith.index_cast %add3A_1461 : i32 to index
        %swap3A_1528 = arith.constant 96 : index
        %swap3A_1529 = tpu.vector_load %arg11[%swap3A_1527, %swap3A_1528] {strides = array<i32>} : memref<80x128xf32, #tpu.memory_space<vmem>>, vector<1x16xf32>,
        %swap3A_1530 = vector.shape_cast %swap3A_1529 : vector<1x16xf32> to vector<16xf32>
        %swap3A_1531 = vector.shape_cast %mul3A_1526 : vector<16xf32> to vector<1x16xf32>
        tpu.vector_store %arg11[%swap3A_1527, %swap3A_1528], %swap3A_1531 {strides = array<i32>} : memref<80x128xf32, #tpu.memory_space<vmem>>, vector<1x16xf32>,
        %get3A_1532 = arith.index_cast %add3A_1461 : i32 to index
        %get3A_1533 = arith.constant 112 : index
        %get3A_1534 = tpu.vector_load %arg11[%get3A_1532, %get3A_1533] {strides = array<i32>} : memref<80x128xf32, #tpu.memory_space<vmem>>, vector<1x16xf32>,
        %get3A_1535 = vector.shape_cast %get3A_1534 : vector<1x16xf32> to vector<16xf32>
        %mul3A_1536 = arith.mulf %get3A_1535, %gather3A_1457 : vector<16xf32>
        %swap3A_1537 = arith.index_cast %add3A_1461 : i32 to index
        %swap3A_1538 = arith.constant 112 : index
        %swap3A_1539 = tpu.vector_load %arg11[%swap3A_1537, %swap3A_1538] {strides = array<i32>} : memref<80x128xf32, #tpu.memory_space<vmem>>, vector<1x16xf32>,
        %swap3A_1540 = vector.shape_cast %swap3A_1539 : vector<1x16xf32> to vector<16xf32>
        %swap3A_1541 = vector.shape_cast %mul3A_1536 : vector<16xf32> to vector<1x16xf32>
        tpu.vector_store %arg11[%swap3A_1537, %swap3A_1538], %swap3A_1541 {strides = array<i32>} : memref<80x128xf32, #tpu.memory_space<vmem>>, vector<1x16xf32>,
      }
      %scan3A_107 = arith.constant 5 : i32
      "tpu.region"() ({
        %run_scoped3A = tpu.sem_alloc : memref<!tpu.dma_semaphore, #tpu.memory_space<semaphore_mem>>
        %dma_start3A_131 = arith.constant 0 : i32
        %dma_start3A_132 = tpu.memref_slice %arg8[%mul3A_78, %dma_start3A_131] : memref<126x80xi32, #tpu.memory_space<vmem>> -> memref<1x80xi32, #tpu.memory_space<vmem>>
        %dma_start3A_133 = tpu.memref_squeeze %dma_start3A_132 : memref<1x80xi32, #tpu.memory_space<vmem>> -> memref<80xi32, #tpu.memory_space<vmem>>
        %dma_start3A_134 = arith.constant 0 : i32
        %dma_start3A_135 = arith.constant 0 : i32
        %dma_start3A_136 = tpu.memref_slice %arg13[%dma_start3A_134, %dma_start3A_135] : memref<10240x128xf32, #tpu.memory_space<vmem_shared>> -> memref<10240x128xf32, #tpu.memory_space<vmem_shared>>
        tpu.enqueue_indirect_dma source(%arg11 : memref<80x128xf32, #tpu.memory_space<vmem>>) target(%dma_start3A_136 : memref<10240x128xf32, #tpu.memory_space<vmem_shared>>) offsets(%dma_start3A_133 : memref<80xi32, #tpu.memory_space<vmem>>) semaphore(%run_scoped3A : memref<!tpu.dma_semaphore, #tpu.memory_space<semaphore_mem>>) {add = true}
        %dma_wait3A_137 = arith.constant 0 : i32
        %dma_wait3A_138 = tpu.memref_slice %arg8[%mul3A_78, %dma_wait3A_137] : memref<126x80xi32, #tpu.memory_space<vmem>> -> memref<1x80xi32, #tpu.memory_space<vmem>>
        %dma_wait3A_139 = tpu.memref_squeeze %dma_wait3A_138 : memref<1x80xi32, #tpu.memory_space<vmem>> -> memref<80xi32, #tpu.memory_space<vmem>>
        %dma_wait3A_140 = arith.constant 0 : i32
        %dma_wait3A_141 = arith.constant 0 : i32
        %dma_wait3A_142 = tpu.memref_slice %arg13[%dma_wait3A_140, %dma_wait3A_141] : memref<10240x128xf32, #tpu.memory_space<vmem_shared>> -> memref<10240x128xf32, #tpu.memory_space<vmem_shared>>
        tpu.wait_indirect_dma semaphore(%run_scoped3A : memref<!tpu.dma_semaphore, #tpu.memory_space<semaphore_mem>>) src(%arg11 : memref<80x128xf32, #tpu.memory_space<vmem>>) dst(%dma_wait3A_142 : memref<10240x128xf32, #tpu.memory_space<vmem_shared>>)
        tpu.yield
      }) : () -> ()
      %lt3A = arith.constant 62 : i32
      %lt3A_108 = arith.cmpi slt, %scan3A_76, %lt3A : i32
      %convert_element_type3A = arith.extui %lt3A_108 : i1 to i32
      %cond3A = arith.constant 0 : i32
      %cond3A_109 = arith.cmpi ne, %convert_element_type3A, %cond3A : i32
      scf.if %cond3A_109 {
        %add3A_131 = arith.constant 2 : i32
        %add3A_132 = arith.addi %mul3A_78, %add3A_131 : i32
        %mul3A_133 = arith.constant 80 : i32
        %mul3A_134 = arith.muli %add3A_132, %mul3A_133 : i32
        %dma_start3A_135 = tpu.memref_slice %arg7[%mul3A_134] : memref<10080xi32, #tpu.memory_space<vmem>> -> memref<80xi32, #tpu.memory_space<vmem>>
        %dma_start3A_136 = arith.constant 0 : i32
        %dma_start3A_137 = arith.constant 0 : i32
        %dma_start3A_138 = tpu.memref_slice %arg2[%dma_start3A_136, %dma_start3A_137] : memref<10000x128xf32, #tpu.memory_space<hbm>> -> memref<10000x128xf32, #tpu.memory_space<hbm>>
        tpu.enqueue_indirect_dma source(%dma_start3A_138 : memref<10000x128xf32, #tpu.memory_space<hbm>>) target(%arg11 : memref<80x128xf32, #tpu.memory_space<vmem>>) offsets(%dma_start3A_135 : memref<80xi32, #tpu.memory_space<vmem>>) semaphore(%arg14 : memref<!tpu.dma_semaphore, #tpu.memory_space<semaphore_mem>>)
        %mul3A_139 = arith.constant 80 : i32
        %mul3A_140 = arith.muli %add3A_132, %mul3A_139 : i32
        %add3A_141 = arith.addi %mul3A_2, %mul3A_140 : i32
        %dma_start3A_142 = tpu.memref_slice %arg5[%add3A_141] : memref<322560xf32, #tpu.memory_space<hbm>> -> memref<80xf32, #tpu.memory_space<hbm>>
        %dma_start3A_143 = tpu.memref_slice %arg5[%add3A_141] : memref<322560xf32, #tpu.memory_space<hbm>> -> memref<80xf32, #tpu.memory_space<hbm>>
        tpu.enqueue_dma source(%dma_start3A_143 : memref<80xf32, #tpu.memory_space<hbm>>) target(%arg9 : memref<80xf32, #tpu.memory_space<vmem>>) target_semaphore(%arg14 : memref<!tpu.dma_semaphore, #tpu.memory_space<semaphore_mem>>)
      } else {
      }
      %add3A_110 = arith.constant 1 : i32
      %add3A_111 = arith.addi %mul3A_78, %add3A_110 : i32
      %mul3A_112 = arith.constant 80 : i32
      %mul3A_113 = arith.muli %add3A_111, %mul3A_112 : i32
      %dma_wait3A_114 = tpu.memref_slice %arg7[%mul3A_113] : memref<10080xi32, #tpu.memory_space<vmem>> -> memref<80xi32, #tpu.memory_space<vmem>>
      %dma_wait3A_115 = arith.constant 0 : i32
      %dma_wait3A_116 = arith.constant 0 : i32
      %dma_wait3A_117 = tpu.memref_slice %arg2[%dma_wait3A_115, %dma_wait3A_116] : memref<10000x128xf32, #tpu.memory_space<hbm>> -> memref<10000x128xf32, #tpu.memory_space<hbm>>
      tpu.wait_indirect_dma semaphore(%arg15 : memref<!tpu.dma_semaphore, #tpu.memory_space<semaphore_mem>>) src(%dma_wait3A_117 : memref<10000x128xf32, #tpu.memory_space<hbm>>) dst(%arg12 : memref<80x128xf32, #tpu.memory_space<vmem>>)
      %mul3A_118 = arith.constant 80 : i32
      %mul3A_119 = arith.muli %add3A_111, %mul3A_118 : i32
      %add3A_120 = arith.addi %mul3A_2, %mul3A_119 : i32
      %dma_wait3A_121 = tpu.memref_slice %arg5[%add3A_120] : memref<322560xf32, #tpu.memory_space<hbm>> -> memref<80xf32, #tpu.memory_space<hbm>>
      %dma_wait3A_122 = tpu.memref_slice %arg5[%add3A_120] : memref<322560xf32, #tpu.memory_space<hbm>> -> memref<80xf32, #tpu.memory_space<hbm>>
      tpu.wait_dma2 semaphore(%arg15 : memref<!tpu.dma_semaphore, #tpu.memory_space<semaphore_mem>>) src(%dma_wait3A_122 : memref<80xf32, #tpu.memory_space<hbm>>) dst(%arg10 : memref<80xf32, #tpu.memory_space<vmem>>)
      %add3A_123 = arith.constant 1 : i32
      %add3A_124 = arith.addi %mul3A_78, %add3A_123 : i32
      %scan3A_125 = arith.constant 0 : i32
      %scan3A_126 = arith.constant 0 : i32
      %scan3A_127 = arith.constant 5 : i32
      %scan3A_128 = arith.addi %scan3A_126, %scan3A_127 : i32
      %scan3A_129 = arith.constant 1 : i32
      scf.for %scan3A_131 = %scan3A_126 to %scan3A_128 step %scan3A_129  : i32 {
        %mul3A_132 = arith.constant 16 : i32
        %mul3A_133 = arith.muli %scan3A_131, %mul3A_132 : i32
        %get3A = arith.index_cast %mul3A_133 : i32 to index
        %get3A_134 = tpu.vector_load %arg10[%get3A] {strides = array<i32>} : memref<80xf32, #tpu.memory_space<vmem>>, vector<16xf32>,
        %get3A_135 = vector.shape_cast %get3A_134 : vector<16xf32> to vector<16xf32>
        %broadcast_in_dim3A_136 = arith.constant 0 : i32
        %broadcast_in_dim3A_137 = vector.broadcast %broadcast_in_dim3A_136 : i32 to vector<16x1xi32>
        %gather3A = vector.shape_cast %broadcast_in_dim3A_137 : vector<16x1xi32> to vector<16xi32>
        %gather3A_138 = tpu.dynamic_gather %get3A_135[%gather3A] in [0] : vector<16xf32>, vector<16xi32> -> vector<16xf32>
        %mul3A_139 = arith.constant 16 : i32
        %mul3A_140 = arith.muli %scan3A_131, %mul3A_139 : i32
        %add3A_141 = arith.constant 0 : i32
        %add3A_142 = arith.addi %mul3A_140, %add3A_141 : i32
        %get3A_143 = arith.index_cast %add3A_142 : i32 to index
        %get3A_144 = arith.constant 0 : index
        %get3A_145 = tpu.vector_load %arg12[%get3A_143, %get3A_144] {strides = array<i32>} : memref<80x128xf32, #tpu.memory_space<vmem>>, vector<1x16xf32>,
        %get3A_146 = vector.shape_cast %get3A_145 : vector<1x16xf32> to vector<16xf32>
        %mul3A_147 = arith.mulf %get3A_146, %gather3A_138 : vector<16xf32>
        %swap3A = arith.index_cast %add3A_142 : i32 to index
        %swap3A_148 = arith.constant 0 : index
        %swap3A_149 = tpu.vector_load %arg12[%swap3A, %swap3A_148] {strides = array<i32>} : memref<80x128xf32, #tpu.memory_space<vmem>>, vector<1x16xf32>,
        %swap3A_150 = vector.shape_cast %swap3A_149 : vector<1x16xf32> to vector<16xf32>
        %swap3A_151 = vector.shape_cast %mul3A_147 : vector<16xf32> to vector<1x16xf32>
        tpu.vector_store %arg12[%swap3A, %swap3A_148], %swap3A_151 {strides = array<i32>} : memref<80x128xf32, #tpu.memory_space<vmem>>, vector<1x16xf32>,
        %get3A_152 = arith.index_cast %add3A_142 : i32 to index
        %get3A_153 = arith.constant 16 : index
        %get3A_154 = tpu.vector_load %arg12[%get3A_152, %get3A_153] {strides = array<i32>} : memref<80x128xf32, #tpu.memory_space<vmem>>, vector<1x16xf32>,
        %get3A_155 = vector.shape_cast %get3A_154 : vector<1x16xf32> to vector<16xf32>
        %mul3A_156 = arith.mulf %get3A_155, %gather3A_138 : vector<16xf32>
        %swap3A_157 = arith.index_cast %add3A_142 : i32 to index
        %swap3A_158 = arith.constant 16 : index
        %swap3A_159 = tpu.vector_load %arg12[%swap3A_157, %swap3A_158] {strides = array<i32>} : memref<80x128xf32, #tpu.memory_space<vmem>>, vector<1x16xf32>,
        %swap3A_160 = vector.shape_cast %swap3A_159 : vector<1x16xf32> to vector<16xf32>
        %swap3A_161 = vector.shape_cast %mul3A_156 : vector<16xf32> to vector<1x16xf32>
        tpu.vector_store %arg12[%swap3A_157, %swap3A_158], %swap3A_161 {strides = array<i32>} : memref<80x128xf32, #tpu.memory_space<vmem>>, vector<1x16xf32>,
        %get3A_162 = arith.index_cast %add3A_142 : i32 to index
        %get3A_163 = arith.constant 32 : index
        %get3A_164 = tpu.vector_load %arg12[%get3A_162, %get3A_163] {strides = array<i32>} : memref<80x128xf32, #tpu.memory_space<vmem>>, vector<1x16xf32>,
        %get3A_165 = vector.shape_cast %get3A_164 : vector<1x16xf32> to vector<16xf32>
        %mul3A_166 = arith.mulf %get3A_165, %gather3A_138 : vector<16xf32>
        %swap3A_167 = arith.index_cast %add3A_142 : i32 to index
        %swap3A_168 = arith.constant 32 : index
        %swap3A_169 = tpu.vector_load %arg12[%swap3A_167, %swap3A_168] {strides = array<i32>} : memref<80x128xf32, #tpu.memory_space<vmem>>, vector<1x16xf32>,
        %swap3A_170 = vector.shape_cast %swap3A_169 : vector<1x16xf32> to vector<16xf32>
        %swap3A_171 = vector.shape_cast %mul3A_166 : vector<16xf32> to vector<1x16xf32>
        tpu.vector_store %arg12[%swap3A_167, %swap3A_168], %swap3A_171 {strides = array<i32>} : memref<80x128xf32, #tpu.memory_space<vmem>>, vector<1x16xf32>,
        %get3A_172 = arith.index_cast %add3A_142 : i32 to index
        %get3A_173 = arith.constant 48 : index
        %get3A_174 = tpu.vector_load %arg12[%get3A_172, %get3A_173] {strides = array<i32>} : memref<80x128xf32, #tpu.memory_space<vmem>>, vector<1x16xf32>,
        %get3A_175 = vector.shape_cast %get3A_174 : vector<1x16xf32> to vector<16xf32>
        %mul3A_176 = arith.mulf %get3A_175, %gather3A_138 : vector<16xf32>
        %swap3A_177 = arith.index_cast %add3A_142 : i32 to index
        %swap3A_178 = arith.constant 48 : index
        %swap3A_179 = tpu.vector_load %arg12[%swap3A_177, %swap3A_178] {strides = array<i32>} : memref<80x128xf32, #tpu.memory_space<vmem>>, vector<1x16xf32>,
        %swap3A_180 = vector.shape_cast %swap3A_179 : vector<1x16xf32> to vector<16xf32>
        %swap3A_181 = vector.shape_cast %mul3A_176 : vector<16xf32> to vector<1x16xf32>
        tpu.vector_store %arg12[%swap3A_177, %swap3A_178], %swap3A_181 {strides = array<i32>} : memref<80x128xf32, #tpu.memory_space<vmem>>, vector<1x16xf32>,
        %get3A_182 = arith.index_cast %add3A_142 : i32 to index
        %get3A_183 = arith.constant 64 : index
        %get3A_184 = tpu.vector_load %arg12[%get3A_182, %get3A_183] {strides = array<i32>} : memref<80x128xf32, #tpu.memory_space<vmem>>, vector<1x16xf32>,
        %get3A_185 = vector.shape_cast %get3A_184 : vector<1x16xf32> to vector<16xf32>
        %mul3A_186 = arith.mulf %get3A_185, %gather3A_138 : vector<16xf32>
        %swap3A_187 = arith.index_cast %add3A_142 : i32 to index
        %swap3A_188 = arith.constant 64 : index
        %swap3A_189 = tpu.vector_load %arg12[%swap3A_187, %swap3A_188] {strides = array<i32>} : memref<80x128xf32, #tpu.memory_space<vmem>>, vector<1x16xf32>,
        %swap3A_190 = vector.shape_cast %swap3A_189 : vector<1x16xf32> to vector<16xf32>
        %swap3A_191 = vector.shape_cast %mul3A_186 : vector<16xf32> to vector<1x16xf32>
        tpu.vector_store %arg12[%swap3A_187, %swap3A_188], %swap3A_191 {strides = array<i32>} : memref<80x128xf32, #tpu.memory_space<vmem>>, vector<1x16xf32>,
        %get3A_192 = arith.index_cast %add3A_142 : i32 to index
        %get3A_193 = arith.constant 80 : index
        %get3A_194 = tpu.vector_load %arg12[%get3A_192, %get3A_193] {strides = array<i32>} : memref<80x128xf32, #tpu.memory_space<vmem>>, vector<1x16xf32>,
        %get3A_195 = vector.shape_cast %get3A_194 : vector<1x16xf32> to vector<16xf32>
        %mul3A_196 = arith.mulf %get3A_195, %gather3A_138 : vector<16xf32>
        %swap3A_197 = arith.index_cast %add3A_142 : i32 to index
        %swap3A_198 = arith.constant 80 : index
        %swap3A_199 = tpu.vector_load %arg12[%swap3A_197, %swap3A_198] {strides = array<i32>} : memref<80x128xf32, #tpu.memory_space<vmem>>, vector<1x16xf32>,
        %swap3A_200 = vector.shape_cast %swap3A_199 : vector<1x16xf32> to vector<16xf32>
        %swap3A_201 = vector.shape_cast %mul3A_196 : vector<16xf32> to vector<1x16xf32>
        tpu.vector_store %arg12[%swap3A_197, %swap3A_198], %swap3A_201 {strides = array<i32>} : memref<80x128xf32, #tpu.memory_space<vmem>>, vector<1x16xf32>,
        %get3A_202 = arith.index_cast %add3A_142 : i32 to index
        %get3A_203 = arith.constant 96 : index
        %get3A_204 = tpu.vector_load %arg12[%get3A_202, %get3A_203] {strides = array<i32>} : memref<80x128xf32, #tpu.memory_space<vmem>>, vector<1x16xf32>,
        %get3A_205 = vector.shape_cast %get3A_204 : vector<1x16xf32> to vector<16xf32>
        %mul3A_206 = arith.mulf %get3A_205, %gather3A_138 : vector<16xf32>
        %swap3A_207 = arith.index_cast %add3A_142 : i32 to index
        %swap3A_208 = arith.constant 96 : index
        %swap3A_209 = tpu.vector_load %arg12[%swap3A_207, %swap3A_208] {strides = array<i32>} : memref<80x128xf32, #tpu.memory_space<vmem>>, vector<1x16xf32>,
        %swap3A_210 = vector.shape_cast %swap3A_209 : vector<1x16xf32> to vector<16xf32>
        %swap3A_211 = vector.shape_cast %mul3A_206 : vector<16xf32> to vector<1x16xf32>
        tpu.vector_store %arg12[%swap3A_207, %swap3A_208], %swap3A_211 {strides = array<i32>} : memref<80x128xf32, #tpu.memory_space<vmem>>, vector<1x16xf32>,
        %get3A_212 = arith.index_cast %add3A_142 : i32 to index
        %get3A_213 = arith.constant 112 : index
        %get3A_214 = tpu.vector_load %arg12[%get3A_212, %get3A_213] {strides = array<i32>} : memref<80x128xf32, #tpu.memory_space<vmem>>, vector<1x16xf32>,
        %get3A_215 = vector.shape_cast %get3A_214 : vector<1x16xf32> to vector<16xf32>
        %mul3A_216 = arith.mulf %get3A_215, %gather3A_138 : vector<16xf32>
        %swap3A_217 = arith.index_cast %add3A_142 : i32 to index
        %swap3A_218 = arith.constant 112 : index
        %swap3A_219 = tpu.vector_load %arg12[%swap3A_217, %swap3A_218] {strides = array<i32>} : memref<80x128xf32, #tpu.memory_space<vmem>>, vector<1x16xf32>,
        %swap3A_220 = vector.shape_cast %swap3A_219 : vector<1x16xf32> to vector<16xf32>
        %swap3A_221 = vector.shape_cast %mul3A_216 : vector<16xf32> to vector<1x16xf32>
        tpu.vector_store %arg12[%swap3A_217, %swap3A_218], %swap3A_221 {strides = array<i32>} : memref<80x128xf32, #tpu.memory_space<vmem>>, vector<1x16xf32>,
        %broadcast_in_dim3A_222 = arith.constant 1 : i32
        %broadcast_in_dim3A_223 = vector.broadcast %broadcast_in_dim3A_222 : i32 to vector<16x1xi32>
        %gather3A_224 = vector.shape_cast %broadcast_in_dim3A_223 : vector<16x1xi32> to vector<16xi32>
        %gather3A_225 = tpu.dynamic_gather %get3A_135[%gather3A_224] in [0] : vector<16xf32>, vector<16xi32> -> vector<16xf32>
        %mul3A_226 = arith.constant 16 : i32
        %mul3A_227 = arith.muli %scan3A_131, %mul3A_226 : i32
        %add3A_228 = arith.constant 1 : i32
        %add3A_229 = arith.addi %mul3A_227, %add3A_228 : i32
        %get3A_230 = arith.index_cast %add3A_229 : i32 to index
        %get3A_231 = arith.constant 0 : index
        %get3A_232 = tpu.vector_load %arg12[%get3A_230, %get3A_231] {strides = array<i32>} : memref<80x128xf32, #tpu.memory_space<vmem>>, vector<1x16xf32>,
        %get3A_233 = vector.shape_cast %get3A_232 : vector<1x16xf32> to vector<16xf32>
        %mul3A_234 = arith.mulf %get3A_233, %gather3A_225 : vector<16xf32>
        %swap3A_235 = arith.index_cast %add3A_229 : i32 to index
        %swap3A_236 = arith.constant 0 : index
        %swap3A_237 = tpu.vector_load %arg12[%swap3A_235, %swap3A_236] {strides = array<i32>} : memref<80x128xf32, #tpu.memory_space<vmem>>, vector<1x16xf32>,
        %swap3A_238 = vector.shape_cast %swap3A_237 : vector<1x16xf32> to vector<16xf32>
        %swap3A_239 = vector.shape_cast %mul3A_234 : vector<16xf32> to vector<1x16xf32>
        tpu.vector_store %arg12[%swap3A_235, %swap3A_236], %swap3A_239 {strides = array<i32>} : memref<80x128xf32, #tpu.memory_space<vmem>>, vector<1x16xf32>,
        %get3A_240 = arith.index_cast %add3A_229 : i32 to index
        %get3A_241 = arith.constant 16 : index
        %get3A_242 = tpu.vector_load %arg12[%get3A_240, %get3A_241] {strides = array<i32>} : memref<80x128xf32, #tpu.memory_space<vmem>>, vector<1x16xf32>,
        %get3A_243 = vector.shape_cast %get3A_242 : vector<1x16xf32> to vector<16xf32>
        %mul3A_244 = arith.mulf %get3A_243, %gather3A_225 : vector<16xf32>
        %swap3A_245 = arith.index_cast %add3A_229 : i32 to index
        %swap3A_246 = arith.constant 16 : index
        %swap3A_247 = tpu.vector_load %arg12[%swap3A_245, %swap3A_246] {strides = array<i32>} : memref<80x128xf32, #tpu.memory_space<vmem>>, vector<1x16xf32>,
        %swap3A_248 = vector.shape_cast %swap3A_247 : vector<1x16xf32> to vector<16xf32>
        %swap3A_249 = vector.shape_cast %mul3A_244 : vector<16xf32> to vector<1x16xf32>
        tpu.vector_store %arg12[%swap3A_245, %swap3A_246], %swap3A_249 {strides = array<i32>} : memref<80x128xf32, #tpu.memory_space<vmem>>, vector<1x16xf32>,
        %get3A_250 = arith.index_cast %add3A_229 : i32 to index
        %get3A_251 = arith.constant 32 : index
        %get3A_252 = tpu.vector_load %arg12[%get3A_250, %get3A_251] {strides = array<i32>} : memref<80x128xf32, #tpu.memory_space<vmem>>, vector<1x16xf32>,
        %get3A_253 = vector.shape_cast %get3A_252 : vector<1x16xf32> to vector<16xf32>
        %mul3A_254 = arith.mulf %get3A_253, %gather3A_225 : vector<16xf32>
        %swap3A_255 = arith.index_cast %add3A_229 : i32 to index
        %swap3A_256 = arith.constant 32 : index
        %swap3A_257 = tpu.vector_load %arg12[%swap3A_255, %swap3A_256] {strides = array<i32>} : memref<80x128xf32, #tpu.memory_space<vmem>>, vector<1x16xf32>,
        %swap3A_258 = vector.shape_cast %swap3A_257 : vector<1x16xf32> to vector<16xf32>
        %swap3A_259 = vector.shape_cast %mul3A_254 : vector<16xf32> to vector<1x16xf32>
        tpu.vector_store %arg12[%swap3A_255, %swap3A_256], %swap3A_259 {strides = array<i32>} : memref<80x128xf32, #tpu.memory_space<vmem>>, vector<1x16xf32>,
        %get3A_260 = arith.index_cast %add3A_229 : i32 to index
        %get3A_261 = arith.constant 48 : index
        %get3A_262 = tpu.vector_load %arg12[%get3A_260, %get3A_261] {strides = array<i32>} : memref<80x128xf32, #tpu.memory_space<vmem>>, vector<1x16xf32>,
        %get3A_263 = vector.shape_cast %get3A_262 : vector<1x16xf32> to vector<16xf32>
        %mul3A_264 = arith.mulf %get3A_263, %gather3A_225 : vector<16xf32>
        %swap3A_265 = arith.index_cast %add3A_229 : i32 to index
        %swap3A_266 = arith.constant 48 : index
        %swap3A_267 = tpu.vector_load %arg12[%swap3A_265, %swap3A_266] {strides = array<i32>} : memref<80x128xf32, #tpu.memory_space<vmem>>, vector<1x16xf32>,
        %swap3A_268 = vector.shape_cast %swap3A_267 : vector<1x16xf32> to vector<16xf32>
        %swap3A_269 = vector.shape_cast %mul3A_264 : vector<16xf32> to vector<1x16xf32>
        tpu.vector_store %arg12[%swap3A_265, %swap3A_266], %swap3A_269 {strides = array<i32>} : memref<80x128xf32, #tpu.memory_space<vmem>>, vector<1x16xf32>,
        %get3A_270 = arith.index_cast %add3A_229 : i32 to index
        %get3A_271 = arith.constant 64 : index
        %get3A_272 = tpu.vector_load %arg12[%get3A_270, %get3A_271] {strides = array<i32>} : memref<80x128xf32, #tpu.memory_space<vmem>>, vector<1x16xf32>,
        %get3A_273 = vector.shape_cast %get3A_272 : vector<1x16xf32> to vector<16xf32>
        %mul3A_274 = arith.mulf %get3A_273, %gather3A_225 : vector<16xf32>
        %swap3A_275 = arith.index_cast %add3A_229 : i32 to index
        %swap3A_276 = arith.constant 64 : index
        %swap3A_277 = tpu.vector_load %arg12[%swap3A_275, %swap3A_276] {strides = array<i32>} : memref<80x128xf32, #tpu.memory_space<vmem>>, vector<1x16xf32>,
        %swap3A_278 = vector.shape_cast %swap3A_277 : vector<1x16xf32> to vector<16xf32>
        %swap3A_279 = vector.shape_cast %mul3A_274 : vector<16xf32> to vector<1x16xf32>
        tpu.vector_store %arg12[%swap3A_275, %swap3A_276], %swap3A_279 {strides = array<i32>} : memref<80x128xf32, #tpu.memory_space<vmem>>, vector<1x16xf32>,
        %get3A_280 = arith.index_cast %add3A_229 : i32 to index
        %get3A_281 = arith.constant 80 : index
        %get3A_282 = tpu.vector_load %arg12[%get3A_280, %get3A_281] {strides = array<i32>} : memref<80x128xf32, #tpu.memory_space<vmem>>, vector<1x16xf32>,
        %get3A_283 = vector.shape_cast %get3A_282 : vector<1x16xf32> to vector<16xf32>
        %mul3A_284 = arith.mulf %get3A_283, %gather3A_225 : vector<16xf32>
        %swap3A_285 = arith.index_cast %add3A_229 : i32 to index
        %swap3A_286 = arith.constant 80 : index
        %swap3A_287 = tpu.vector_load %arg12[%swap3A_285, %swap3A_286] {strides = array<i32>} : memref<80x128xf32, #tpu.memory_space<vmem>>, vector<1x16xf32>,
        %swap3A_288 = vector.shape_cast %swap3A_287 : vector<1x16xf32> to vector<16xf32>
        %swap3A_289 = vector.shape_cast %mul3A_284 : vector<16xf32> to vector<1x16xf32>
        tpu.vector_store %arg12[%swap3A_285, %swap3A_286], %swap3A_289 {strides = array<i32>} : memref<80x128xf32, #tpu.memory_space<vmem>>, vector<1x16xf32>,
        %get3A_290 = arith.index_cast %add3A_229 : i32 to index
        %get3A_291 = arith.constant 96 : index
        %get3A_292 = tpu.vector_load %arg12[%get3A_290, %get3A_291] {strides = array<i32>} : memref<80x128xf32, #tpu.memory_space<vmem>>, vector<1x16xf32>,
        %get3A_293 = vector.shape_cast %get3A_292 : vector<1x16xf32> to vector<16xf32>
        %mul3A_294 = arith.mulf %get3A_293, %gather3A_225 : vector<16xf32>
        %swap3A_295 = arith.index_cast %add3A_229 : i32 to index
        %swap3A_296 = arith.constant 96 : index
        %swap3A_297 = tpu.vector_load %arg12[%swap3A_295, %swap3A_296] {strides = array<i32>} : memref<80x128xf32, #tpu.memory_space<vmem>>, vector<1x16xf32>,
        %swap3A_298 = vector.shape_cast %swap3A_297 : vector<1x16xf32> to vector<16xf32>
        %swap3A_299 = vector.shape_cast %mul3A_294 : vector<16xf32> to vector<1x16xf32>
        tpu.vector_store %arg12[%swap3A_295, %swap3A_296], %swap3A_299 {strides = array<i32>} : memref<80x128xf32, #tpu.memory_space<vmem>>, vector<1x16xf32>,
        %get3A_300 = arith.index_cast %add3A_229 : i32 to index
        %get3A_301 = arith.constant 112 : index
        %get3A_302 = tpu.vector_load %arg12[%get3A_300, %get3A_301] {strides = array<i32>} : memref<80x128xf32, #tpu.memory_space<vmem>>, vector<1x16xf32>,
        %get3A_303 = vector.shape_cast %get3A_302 : vector<1x16xf32> to vector<16xf32>
        %mul3A_304 = arith.mulf %get3A_303, %gather3A_225 : vector<16xf32>
        %swap3A_305 = arith.index_cast %add3A_229 : i32 to index
        %swap3A_306 = arith.constant 112 : index
        %swap3A_307 = tpu.vector_load %arg12[%swap3A_305, %swap3A_306] {strides = array<i32>} : memref<80x128xf32, #tpu.memory_space<vmem>>, vector<1x16xf32>,
        %swap3A_308 = vector.shape_cast %swap3A_307 : vector<1x16xf32> to vector<16xf32>
        %swap3A_309 = vector.shape_cast %mul3A_304 : vector<16xf32> to vector<1x16xf32>
        tpu.vector_store %arg12[%swap3A_305, %swap3A_306], %swap3A_309 {strides = array<i32>} : memref<80x128xf32, #tpu.memory_space<vmem>>, vector<1x16xf32>,
        %broadcast_in_dim3A_310 = arith.constant 2 : i32
        %broadcast_in_dim3A_311 = vector.broadcast %broadcast_in_dim3A_310 : i32 to vector<16x1xi32>
        %gather3A_312 = vector.shape_cast %broadcast_in_dim3A_311 : vector<16x1xi32> to vector<16xi32>
        %gather3A_313 = tpu.dynamic_gather %get3A_135[%gather3A_312] in [0] : vector<16xf32>, vector<16xi32> -> vector<16xf32>
        %mul3A_314 = arith.constant 16 : i32
        %mul3A_315 = arith.muli %scan3A_131, %mul3A_314 : i32
        %add3A_316 = arith.constant 2 : i32
        %add3A_317 = arith.addi %mul3A_315, %add3A_316 : i32
        %get3A_318 = arith.index_cast %add3A_317 : i32 to index
        %get3A_319 = arith.constant 0 : index
        %get3A_320 = tpu.vector_load %arg12[%get3A_318, %get3A_319] {strides = array<i32>} : memref<80x128xf32, #tpu.memory_space<vmem>>, vector<1x16xf32>,
        %get3A_321 = vector.shape_cast %get3A_320 : vector<1x16xf32> to vector<16xf32>
        %mul3A_322 = arith.mulf %get3A_321, %gather3A_313 : vector<16xf32>
        %swap3A_323 = arith.index_cast %add3A_317 : i32 to index
        %swap3A_324 = arith.constant 0 : index
        %swap3A_325 = tpu.vector_load %arg12[%swap3A_323, %swap3A_324] {strides = array<i32>} : memref<80x128xf32, #tpu.memory_space<vmem>>, vector<1x16xf32>,
        %swap3A_326 = vector.shape_cast %swap3A_325 : vector<1x16xf32> to vector<16xf32>
        %swap3A_327 = vector.shape_cast %mul3A_322 : vector<16xf32> to vector<1x16xf32>
        tpu.vector_store %arg12[%swap3A_323, %swap3A_324], %swap3A_327 {strides = array<i32>} : memref<80x128xf32, #tpu.memory_space<vmem>>, vector<1x16xf32>,
        %get3A_328 = arith.index_cast %add3A_317 : i32 to index
        %get3A_329 = arith.constant 16 : index
        %get3A_330 = tpu.vector_load %arg12[%get3A_328, %get3A_329] {strides = array<i32>} : memref<80x128xf32, #tpu.memory_space<vmem>>, vector<1x16xf32>,
        %get3A_331 = vector.shape_cast %get3A_330 : vector<1x16xf32> to vector<16xf32>
        %mul3A_332 = arith.mulf %get3A_331, %gather3A_313 : vector<16xf32>
        %swap3A_333 = arith.index_cast %add3A_317 : i32 to index
        %swap3A_334 = arith.constant 16 : index
        %swap3A_335 = tpu.vector_load %arg12[%swap3A_333, %swap3A_334] {strides = array<i32>} : memref<80x128xf32, #tpu.memory_space<vmem>>, vector<1x16xf32>,
        %swap3A_336 = vector.shape_cast %swap3A_335 : vector<1x16xf32> to vector<16xf32>
        %swap3A_337 = vector.shape_cast %mul3A_332 : vector<16xf32> to vector<1x16xf32>
        tpu.vector_store %arg12[%swap3A_333, %swap3A_334], %swap3A_337 {strides = array<i32>} : memref<80x128xf32, #tpu.memory_space<vmem>>, vector<1x16xf32>,
        %get3A_338 = arith.index_cast %add3A_317 : i32 to index
        %get3A_339 = arith.constant 32 : index
        %get3A_340 = tpu.vector_load %arg12[%get3A_338, %get3A_339] {strides = array<i32>} : memref<80x128xf32, #tpu.memory_space<vmem>>, vector<1x16xf32>,
        %get3A_341 = vector.shape_cast %get3A_340 : vector<1x16xf32> to vector<16xf32>
        %mul3A_342 = arith.mulf %get3A_341, %gather3A_313 : vector<16xf32>
        %swap3A_343 = arith.index_cast %add3A_317 : i32 to index
        %swap3A_344 = arith.constant 32 : index
        %swap3A_345 = tpu.vector_load %arg12[%swap3A_343, %swap3A_344] {strides = array<i32>} : memref<80x128xf32, #tpu.memory_space<vmem>>, vector<1x16xf32>,
        %swap3A_346 = vector.shape_cast %swap3A_345 : vector<1x16xf32> to vector<16xf32>
        %swap3A_347 = vector.shape_cast %mul3A_342 : vector<16xf32> to vector<1x16xf32>
        tpu.vector_store %arg12[%swap3A_343, %swap3A_344], %swap3A_347 {strides = array<i32>} : memref<80x128xf32, #tpu.memory_space<vmem>>, vector<1x16xf32>,
        %get3A_348 = arith.index_cast %add3A_317 : i32 to index
        %get3A_349 = arith.constant 48 : index
        %get3A_350 = tpu.vector_load %arg12[%get3A_348, %get3A_349] {strides = array<i32>} : memref<80x128xf32, #tpu.memory_space<vmem>>, vector<1x16xf32>,
        %get3A_351 = vector.shape_cast %get3A_350 : vector<1x16xf32> to vector<16xf32>
        %mul3A_352 = arith.mulf %get3A_351, %gather3A_313 : vector<16xf32>
        %swap3A_353 = arith.index_cast %add3A_317 : i32 to index
        %swap3A_354 = arith.constant 48 : index
        %swap3A_355 = tpu.vector_load %arg12[%swap3A_353, %swap3A_354] {strides = array<i32>} : memref<80x128xf32, #tpu.memory_space<vmem>>, vector<1x16xf32>,
        %swap3A_356 = vector.shape_cast %swap3A_355 : vector<1x16xf32> to vector<16xf32>
        %swap3A_357 = vector.shape_cast %mul3A_352 : vector<16xf32> to vector<1x16xf32>
        tpu.vector_store %arg12[%swap3A_353, %swap3A_354], %swap3A_357 {strides = array<i32>} : memref<80x128xf32, #tpu.memory_space<vmem>>, vector<1x16xf32>,
        %get3A_358 = arith.index_cast %add3A_317 : i32 to index
        %get3A_359 = arith.constant 64 : index
        %get3A_360 = tpu.vector_load %arg12[%get3A_358, %get3A_359] {strides = array<i32>} : memref<80x128xf32, #tpu.memory_space<vmem>>, vector<1x16xf32>,
        %get3A_361 = vector.shape_cast %get3A_360 : vector<1x16xf32> to vector<16xf32>
        %mul3A_362 = arith.mulf %get3A_361, %gather3A_313 : vector<16xf32>
        %swap3A_363 = arith.index_cast %add3A_317 : i32 to index
        %swap3A_364 = arith.constant 64 : index
        %swap3A_365 = tpu.vector_load %arg12[%swap3A_363, %swap3A_364] {strides = array<i32>} : memref<80x128xf32, #tpu.memory_space<vmem>>, vector<1x16xf32>,
        %swap3A_366 = vector.shape_cast %swap3A_365 : vector<1x16xf32> to vector<16xf32>
        %swap3A_367 = vector.shape_cast %mul3A_362 : vector<16xf32> to vector<1x16xf32>
        tpu.vector_store %arg12[%swap3A_363, %swap3A_364], %swap3A_367 {strides = array<i32>} : memref<80x128xf32, #tpu.memory_space<vmem>>, vector<1x16xf32>,
        %get3A_368 = arith.index_cast %add3A_317 : i32 to index
        %get3A_369 = arith.constant 80 : index
        %get3A_370 = tpu.vector_load %arg12[%get3A_368, %get3A_369] {strides = array<i32>} : memref<80x128xf32, #tpu.memory_space<vmem>>, vector<1x16xf32>,
        %get3A_371 = vector.shape_cast %get3A_370 : vector<1x16xf32> to vector<16xf32>
        %mul3A_372 = arith.mulf %get3A_371, %gather3A_313 : vector<16xf32>
        %swap3A_373 = arith.index_cast %add3A_317 : i32 to index
        %swap3A_374 = arith.constant 80 : index
        %swap3A_375 = tpu.vector_load %arg12[%swap3A_373, %swap3A_374] {strides = array<i32>} : memref<80x128xf32, #tpu.memory_space<vmem>>, vector<1x16xf32>,
        %swap3A_376 = vector.shape_cast %swap3A_375 : vector<1x16xf32> to vector<16xf32>
        %swap3A_377 = vector.shape_cast %mul3A_372 : vector<16xf32> to vector<1x16xf32>
        tpu.vector_store %arg12[%swap3A_373, %swap3A_374], %swap3A_377 {strides = array<i32>} : memref<80x128xf32, #tpu.memory_space<vmem>>, vector<1x16xf32>,
        %get3A_378 = arith.index_cast %add3A_317 : i32 to index
        %get3A_379 = arith.constant 96 : index
        %get3A_380 = tpu.vector_load %arg12[%get3A_378, %get3A_379] {strides = array<i32>} : memref<80x128xf32, #tpu.memory_space<vmem>>, vector<1x16xf32>,
        %get3A_381 = vector.shape_cast %get3A_380 : vector<1x16xf32> to vector<16xf32>
        %mul3A_382 = arith.mulf %get3A_381, %gather3A_313 : vector<16xf32>
        %swap3A_383 = arith.index_cast %add3A_317 : i32 to index
        %swap3A_384 = arith.constant 96 : index
        %swap3A_385 = tpu.vector_load %arg12[%swap3A_383, %swap3A_384] {strides = array<i32>} : memref<80x128xf32, #tpu.memory_space<vmem>>, vector<1x16xf32>,
        %swap3A_386 = vector.shape_cast %swap3A_385 : vector<1x16xf32> to vector<16xf32>
        %swap3A_387 = vector.shape_cast %mul3A_382 : vector<16xf32> to vector<1x16xf32>
        tpu.vector_store %arg12[%swap3A_383, %swap3A_384], %swap3A_387 {strides = array<i32>} : memref<80x128xf32, #tpu.memory_space<vmem>>, vector<1x16xf32>,
        %get3A_388 = arith.index_cast %add3A_317 : i32 to index
        %get3A_389 = arith.constant 112 : index
        %get3A_390 = tpu.vector_load %arg12[%get3A_388, %get3A_389] {strides = array<i32>} : memref<80x128xf32, #tpu.memory_space<vmem>>, vector<1x16xf32>,
        %get3A_391 = vector.shape_cast %get3A_390 : vector<1x16xf32> to vector<16xf32>
        %mul3A_392 = arith.mulf %get3A_391, %gather3A_313 : vector<16xf32>
        %swap3A_393 = arith.index_cast %add3A_317 : i32 to index
        %swap3A_394 = arith.constant 112 : index
        %swap3A_395 = tpu.vector_load %arg12[%swap3A_393, %swap3A_394] {strides = array<i32>} : memref<80x128xf32, #tpu.memory_space<vmem>>, vector<1x16xf32>,
        %swap3A_396 = vector.shape_cast %swap3A_395 : vector<1x16xf32> to vector<16xf32>
        %swap3A_397 = vector.shape_cast %mul3A_392 : vector<16xf32> to vector<1x16xf32>
        tpu.vector_store %arg12[%swap3A_393, %swap3A_394], %swap3A_397 {strides = array<i32>} : memref<80x128xf32, #tpu.memory_space<vmem>>, vector<1x16xf32>,
        %broadcast_in_dim3A_398 = arith.constant 3 : i32
        %broadcast_in_dim3A_399 = vector.broadcast %broadcast_in_dim3A_398 : i32 to vector<16x1xi32>
        %gather3A_400 = vector.shape_cast %broadcast_in_dim3A_399 : vector<16x1xi32> to vector<16xi32>
        %gather3A_401 = tpu.dynamic_gather %get3A_135[%gather3A_400] in [0] : vector<16xf32>, vector<16xi32> -> vector<16xf32>
        %mul3A_402 = arith.constant 16 : i32
        %mul3A_403 = arith.muli %scan3A_131, %mul3A_402 : i32
        %add3A_404 = arith.constant 3 : i32
        %add3A_405 = arith.addi %mul3A_403, %add3A_404 : i32
        %get3A_406 = arith.index_cast %add3A_405 : i32 to index
        %get3A_407 = arith.constant 0 : index
        %get3A_408 = tpu.vector_load %arg12[%get3A_406, %get3A_407] {strides = array<i32>} : memref<80x128xf32, #tpu.memory_space<vmem>>, vector<1x16xf32>,
        %get3A_409 = vector.shape_cast %get3A_408 : vector<1x16xf32> to vector<16xf32>
        %mul3A_410 = arith.mulf %get3A_409, %gather3A_401 : vector<16xf32>
        %swap3A_411 = arith.index_cast %add3A_405 : i32 to index
        %swap3A_412 = arith.constant 0 : index
        %swap3A_413 = tpu.vector_load %arg12[%swap3A_411, %swap3A_412] {strides = array<i32>} : memref<80x128xf32, #tpu.memory_space<vmem>>, vector<1x16xf32>,
        %swap3A_414 = vector.shape_cast %swap3A_413 : vector<1x16xf32> to vector<16xf32>
        %swap3A_415 = vector.shape_cast %mul3A_410 : vector<16xf32> to vector<1x16xf32>
        tpu.vector_store %arg12[%swap3A_411, %swap3A_412], %swap3A_415 {strides = array<i32>} : memref<80x128xf32, #tpu.memory_space<vmem>>, vector<1x16xf32>,
        %get3A_416 = arith.index_cast %add3A_405 : i32 to index
        %get3A_417 = arith.constant 16 : index
        %get3A_418 = tpu.vector_load %arg12[%get3A_416, %get3A_417] {strides = array<i32>} : memref<80x128xf32, #tpu.memory_space<vmem>>, vector<1x16xf32>,
        %get3A_419 = vector.shape_cast %get3A_418 : vector<1x16xf32> to vector<16xf32>
        %mul3A_420 = arith.mulf %get3A_419, %gather3A_401 : vector<16xf32>
        %swap3A_421 = arith.index_cast %add3A_405 : i32 to index
        %swap3A_422 = arith.constant 16 : index
        %swap3A_423 = tpu.vector_load %arg12[%swap3A_421, %swap3A_422] {strides = array<i32>} : memref<80x128xf32, #tpu.memory_space<vmem>>, vector<1x16xf32>,
        %swap3A_424 = vector.shape_cast %swap3A_423 : vector<1x16xf32> to vector<16xf32>
        %swap3A_425 = vector.shape_cast %mul3A_420 : vector<16xf32> to vector<1x16xf32>
        tpu.vector_store %arg12[%swap3A_421, %swap3A_422], %swap3A_425 {strides = array<i32>} : memref<80x128xf32, #tpu.memory_space<vmem>>, vector<1x16xf32>,
        %get3A_426 = arith.index_cast %add3A_405 : i32 to index
        %get3A_427 = arith.constant 32 : index
        %get3A_428 = tpu.vector_load %arg12[%get3A_426, %get3A_427] {strides = array<i32>} : memref<80x128xf32, #tpu.memory_space<vmem>>, vector<1x16xf32>,
        %get3A_429 = vector.shape_cast %get3A_428 : vector<1x16xf32> to vector<16xf32>
        %mul3A_430 = arith.mulf %get3A_429, %gather3A_401 : vector<16xf32>
        %swap3A_431 = arith.index_cast %add3A_405 : i32 to index
        %swap3A_432 = arith.constant 32 : index
        %swap3A_433 = tpu.vector_load %arg12[%swap3A_431, %swap3A_432] {strides = array<i32>} : memref<80x128xf32, #tpu.memory_space<vmem>>, vector<1x16xf32>,
        %swap3A_434 = vector.shape_cast %swap3A_433 : vector<1x16xf32> to vector<16xf32>
        %swap3A_435 = vector.shape_cast %mul3A_430 : vector<16xf32> to vector<1x16xf32>
        tpu.vector_store %arg12[%swap3A_431, %swap3A_432], %swap3A_435 {strides = array<i32>} : memref<80x128xf32, #tpu.memory_space<vmem>>, vector<1x16xf32>,
        %get3A_436 = arith.index_cast %add3A_405 : i32 to index
        %get3A_437 = arith.constant 48 : index
        %get3A_438 = tpu.vector_load %arg12[%get3A_436, %get3A_437] {strides = array<i32>} : memref<80x128xf32, #tpu.memory_space<vmem>>, vector<1x16xf32>,
        %get3A_439 = vector.shape_cast %get3A_438 : vector<1x16xf32> to vector<16xf32>
        %mul3A_440 = arith.mulf %get3A_439, %gather3A_401 : vector<16xf32>
        %swap3A_441 = arith.index_cast %add3A_405 : i32 to index
        %swap3A_442 = arith.constant 48 : index
        %swap3A_443 = tpu.vector_load %arg12[%swap3A_441, %swap3A_442] {strides = array<i32>} : memref<80x128xf32, #tpu.memory_space<vmem>>, vector<1x16xf32>,
        %swap3A_444 = vector.shape_cast %swap3A_443 : vector<1x16xf32> to vector<16xf32>
        %swap3A_445 = vector.shape_cast %mul3A_440 : vector<16xf32> to vector<1x16xf32>
        tpu.vector_store %arg12[%swap3A_441, %swap3A_442], %swap3A_445 {strides = array<i32>} : memref<80x128xf32, #tpu.memory_space<vmem>>, vector<1x16xf32>,
        %get3A_446 = arith.index_cast %add3A_405 : i32 to index
        %get3A_447 = arith.constant 64 : index
        %get3A_448 = tpu.vector_load %arg12[%get3A_446, %get3A_447] {strides = array<i32>} : memref<80x128xf32, #tpu.memory_space<vmem>>, vector<1x16xf32>,
        %get3A_449 = vector.shape_cast %get3A_448 : vector<1x16xf32> to vector<16xf32>
        %mul3A_450 = arith.mulf %get3A_449, %gather3A_401 : vector<16xf32>
        %swap3A_451 = arith.index_cast %add3A_405 : i32 to index
        %swap3A_452 = arith.constant 64 : index
        %swap3A_453 = tpu.vector_load %arg12[%swap3A_451, %swap3A_452] {strides = array<i32>} : memref<80x128xf32, #tpu.memory_space<vmem>>, vector<1x16xf32>,
        %swap3A_454 = vector.shape_cast %swap3A_453 : vector<1x16xf32> to vector<16xf32>
        %swap3A_455 = vector.shape_cast %mul3A_450 : vector<16xf32> to vector<1x16xf32>
        tpu.vector_store %arg12[%swap3A_451, %swap3A_452], %swap3A_455 {strides = array<i32>} : memref<80x128xf32, #tpu.memory_space<vmem>>, vector<1x16xf32>,
        %get3A_456 = arith.index_cast %add3A_405 : i32 to index
        %get3A_457 = arith.constant 80 : index
        %get3A_458 = tpu.vector_load %arg12[%get3A_456, %get3A_457] {strides = array<i32>} : memref<80x128xf32, #tpu.memory_space<vmem>>, vector<1x16xf32>,
        %get3A_459 = vector.shape_cast %get3A_458 : vector<1x16xf32> to vector<16xf32>
        %mul3A_460 = arith.mulf %get3A_459, %gather3A_401 : vector<16xf32>
        %swap3A_461 = arith.index_cast %add3A_405 : i32 to index
        %swap3A_462 = arith.constant 80 : index
        %swap3A_463 = tpu.vector_load %arg12[%swap3A_461, %swap3A_462] {strides = array<i32>} : memref<80x128xf32, #tpu.memory_space<vmem>>, vector<1x16xf32>,
        %swap3A_464 = vector.shape_cast %swap3A_463 : vector<1x16xf32> to vector<16xf32>
        %swap3A_465 = vector.shape_cast %mul3A_460 : vector<16xf32> to vector<1x16xf32>
        tpu.vector_store %arg12[%swap3A_461, %swap3A_462], %swap3A_465 {strides = array<i32>} : memref<80x128xf32, #tpu.memory_space<vmem>>, vector<1x16xf32>,
        %get3A_466 = arith.index_cast %add3A_405 : i32 to index
        %get3A_467 = arith.constant 96 : index
        %get3A_468 = tpu.vector_load %arg12[%get3A_466, %get3A_467] {strides = array<i32>} : memref<80x128xf32, #tpu.memory_space<vmem>>, vector<1x16xf32>,
        %get3A_469 = vector.shape_cast %get3A_468 : vector<1x16xf32> to vector<16xf32>
        %mul3A_470 = arith.mulf %get3A_469, %gather3A_401 : vector<16xf32>
        %swap3A_471 = arith.index_cast %add3A_405 : i32 to index
        %swap3A_472 = arith.constant 96 : index
        %swap3A_473 = tpu.vector_load %arg12[%swap3A_471, %swap3A_472] {strides = array<i32>} : memref<80x128xf32, #tpu.memory_space<vmem>>, vector<1x16xf32>,
        %swap3A_474 = vector.shape_cast %swap3A_473 : vector<1x16xf32> to vector<16xf32>
        %swap3A_475 = vector.shape_cast %mul3A_470 : vector<16xf32> to vector<1x16xf32>
        tpu.vector_store %arg12[%swap3A_471, %swap3A_472], %swap3A_475 {strides = array<i32>} : memref<80x128xf32, #tpu.memory_space<vmem>>, vector<1x16xf32>,
        %get3A_476 = arith.index_cast %add3A_405 : i32 to index
        %get3A_477 = arith.constant 112 : index
        %get3A_478 = tpu.vector_load %arg12[%get3A_476, %get3A_477] {strides = array<i32>} : memref<80x128xf32, #tpu.memory_space<vmem>>, vector<1x16xf32>,
        %get3A_479 = vector.shape_cast %get3A_478 : vector<1x16xf32> to vector<16xf32>
        %mul3A_480 = arith.mulf %get3A_479, %gather3A_401 : vector<16xf32>
        %swap3A_481 = arith.index_cast %add3A_405 : i32 to index
        %swap3A_482 = arith.constant 112 : index
        %swap3A_483 = tpu.vector_load %arg12[%swap3A_481, %swap3A_482] {strides = array<i32>} : memref<80x128xf32, #tpu.memory_space<vmem>>, vector<1x16xf32>,
        %swap3A_484 = vector.shape_cast %swap3A_483 : vector<1x16xf32> to vector<16xf32>
        %swap3A_485 = vector.shape_cast %mul3A_480 : vector<16xf32> to vector<1x16xf32>
        tpu.vector_store %arg12[%swap3A_481, %swap3A_482], %swap3A_485 {strides = array<i32>} : memref<80x128xf32, #tpu.memory_space<vmem>>, vector<1x16xf32>,
        %broadcast_in_dim3A_486 = arith.constant 4 : i32
        %broadcast_in_dim3A_487 = vector.broadcast %broadcast_in_dim3A_486 : i32 to vector<16x1xi32>
        %gather3A_488 = vector.shape_cast %broadcast_in_dim3A_487 : vector<16x1xi32> to vector<16xi32>
        %gather3A_489 = tpu.dynamic_gather %get3A_135[%gather3A_488] in [0] : vector<16xf32>, vector<16xi32> -> vector<16xf32>
        %mul3A_490 = arith.constant 16 : i32
        %mul3A_491 = arith.muli %scan3A_131, %mul3A_490 : i32
        %add3A_492 = arith.constant 4 : i32
        %add3A_493 = arith.addi %mul3A_491, %add3A_492 : i32
        %get3A_494 = arith.index_cast %add3A_493 : i32 to index
        %get3A_495 = arith.constant 0 : index
        %get3A_496 = tpu.vector_load %arg12[%get3A_494, %get3A_495] {strides = array<i32>} : memref<80x128xf32, #tpu.memory_space<vmem>>, vector<1x16xf32>,
        %get3A_497 = vector.shape_cast %get3A_496 : vector<1x16xf32> to vector<16xf32>
        %mul3A_498 = arith.mulf %get3A_497, %gather3A_489 : vector<16xf32>
        %swap3A_499 = arith.index_cast %add3A_493 : i32 to index
        %swap3A_500 = arith.constant 0 : index
        %swap3A_501 = tpu.vector_load %arg12[%swap3A_499, %swap3A_500] {strides = array<i32>} : memref<80x128xf32, #tpu.memory_space<vmem>>, vector<1x16xf32>,
        %swap3A_502 = vector.shape_cast %swap3A_501 : vector<1x16xf32> to vector<16xf32>
        %swap3A_503 = vector.shape_cast %mul3A_498 : vector<16xf32> to vector<1x16xf32>
        tpu.vector_store %arg12[%swap3A_499, %swap3A_500], %swap3A_503 {strides = array<i32>} : memref<80x128xf32, #tpu.memory_space<vmem>>, vector<1x16xf32>,
        %get3A_504 = arith.index_cast %add3A_493 : i32 to index
        %get3A_505 = arith.constant 16 : index
        %get3A_506 = tpu.vector_load %arg12[%get3A_504, %get3A_505] {strides = array<i32>} : memref<80x128xf32, #tpu.memory_space<vmem>>, vector<1x16xf32>,
        %get3A_507 = vector.shape_cast %get3A_506 : vector<1x16xf32> to vector<16xf32>
        %mul3A_508 = arith.mulf %get3A_507, %gather3A_489 : vector<16xf32>
        %swap3A_509 = arith.index_cast %add3A_493 : i32 to index
        %swap3A_510 = arith.constant 16 : index
        %swap3A_511 = tpu.vector_load %arg12[%swap3A_509, %swap3A_510] {strides = array<i32>} : memref<80x128xf32, #tpu.memory_space<vmem>>, vector<1x16xf32>,
        %swap3A_512 = vector.shape_cast %swap3A_511 : vector<1x16xf32> to vector<16xf32>
        %swap3A_513 = vector.shape_cast %mul3A_508 : vector<16xf32> to vector<1x16xf32>
        tpu.vector_store %arg12[%swap3A_509, %swap3A_510], %swap3A_513 {strides = array<i32>} : memref<80x128xf32, #tpu.memory_space<vmem>>, vector<1x16xf32>,
        %get3A_514 = arith.index_cast %add3A_493 : i32 to index
        %get3A_515 = arith.constant 32 : index
        %get3A_516 = tpu.vector_load %arg12[%get3A_514, %get3A_515] {strides = array<i32>} : memref<80x128xf32, #tpu.memory_space<vmem>>, vector<1x16xf32>,
        %get3A_517 = vector.shape_cast %get3A_516 : vector<1x16xf32> to vector<16xf32>
        %mul3A_518 = arith.mulf %get3A_517, %gather3A_489 : vector<16xf32>
        %swap3A_519 = arith.index_cast %add3A_493 : i32 to index
        %swap3A_520 = arith.constant 32 : index
        %swap3A_521 = tpu.vector_load %arg12[%swap3A_519, %swap3A_520] {strides = array<i32>} : memref<80x128xf32, #tpu.memory_space<vmem>>, vector<1x16xf32>,
        %swap3A_522 = vector.shape_cast %swap3A_521 : vector<1x16xf32> to vector<16xf32>
        %swap3A_523 = vector.shape_cast %mul3A_518 : vector<16xf32> to vector<1x16xf32>
        tpu.vector_store %arg12[%swap3A_519, %swap3A_520], %swap3A_523 {strides = array<i32>} : memref<80x128xf32, #tpu.memory_space<vmem>>, vector<1x16xf32>,
        %get3A_524 = arith.index_cast %add3A_493 : i32 to index
        %get3A_525 = arith.constant 48 : index
        %get3A_526 = tpu.vector_load %arg12[%get3A_524, %get3A_525] {strides = array<i32>} : memref<80x128xf32, #tpu.memory_space<vmem>>, vector<1x16xf32>,
        %get3A_527 = vector.shape_cast %get3A_526 : vector<1x16xf32> to vector<16xf32>
        %mul3A_528 = arith.mulf %get3A_527, %gather3A_489 : vector<16xf32>
        %swap3A_529 = arith.index_cast %add3A_493 : i32 to index
        %swap3A_530 = arith.constant 48 : index
        %swap3A_531 = tpu.vector_load %arg12[%swap3A_529, %swap3A_530] {strides = array<i32>} : memref<80x128xf32, #tpu.memory_space<vmem>>, vector<1x16xf32>,
        %swap3A_532 = vector.shape_cast %swap3A_531 : vector<1x16xf32> to vector<16xf32>
        %swap3A_533 = vector.shape_cast %mul3A_528 : vector<16xf32> to vector<1x16xf32>
        tpu.vector_store %arg12[%swap3A_529, %swap3A_530], %swap3A_533 {strides = array<i32>} : memref<80x128xf32, #tpu.memory_space<vmem>>, vector<1x16xf32>,
        %get3A_534 = arith.index_cast %add3A_493 : i32 to index
        %get3A_535 = arith.constant 64 : index
        %get3A_536 = tpu.vector_load %arg12[%get3A_534, %get3A_535] {strides = array<i32>} : memref<80x128xf32, #tpu.memory_space<vmem>>, vector<1x16xf32>,
        %get3A_537 = vector.shape_cast %get3A_536 : vector<1x16xf32> to vector<16xf32>
        %mul3A_538 = arith.mulf %get3A_537, %gather3A_489 : vector<16xf32>
        %swap3A_539 = arith.index_cast %add3A_493 : i32 to index
        %swap3A_540 = arith.constant 64 : index
        %swap3A_541 = tpu.vector_load %arg12[%swap3A_539, %swap3A_540] {strides = array<i32>} : memref<80x128xf32, #tpu.memory_space<vmem>>, vector<1x16xf32>,
        %swap3A_542 = vector.shape_cast %swap3A_541 : vector<1x16xf32> to vector<16xf32>
        %swap3A_543 = vector.shape_cast %mul3A_538 : vector<16xf32> to vector<1x16xf32>
        tpu.vector_store %arg12[%swap3A_539, %swap3A_540], %swap3A_543 {strides = array<i32>} : memref<80x128xf32, #tpu.memory_space<vmem>>, vector<1x16xf32>,
        %get3A_544 = arith.index_cast %add3A_493 : i32 to index
        %get3A_545 = arith.constant 80 : index
        %get3A_546 = tpu.vector_load %arg12[%get3A_544, %get3A_545] {strides = array<i32>} : memref<80x128xf32, #tpu.memory_space<vmem>>, vector<1x16xf32>,
        %get3A_547 = vector.shape_cast %get3A_546 : vector<1x16xf32> to vector<16xf32>
        %mul3A_548 = arith.mulf %get3A_547, %gather3A_489 : vector<16xf32>
        %swap3A_549 = arith.index_cast %add3A_493 : i32 to index
        %swap3A_550 = arith.constant 80 : index
        %swap3A_551 = tpu.vector_load %arg12[%swap3A_549, %swap3A_550] {strides = array<i32>} : memref<80x128xf32, #tpu.memory_space<vmem>>, vector<1x16xf32>,
        %swap3A_552 = vector.shape_cast %swap3A_551 : vector<1x16xf32> to vector<16xf32>
        %swap3A_553 = vector.shape_cast %mul3A_548 : vector<16xf32> to vector<1x16xf32>
        tpu.vector_store %arg12[%swap3A_549, %swap3A_550], %swap3A_553 {strides = array<i32>} : memref<80x128xf32, #tpu.memory_space<vmem>>, vector<1x16xf32>,
        %get3A_554 = arith.index_cast %add3A_493 : i32 to index
        %get3A_555 = arith.constant 96 : index
        %get3A_556 = tpu.vector_load %arg12[%get3A_554, %get3A_555] {strides = array<i32>} : memref<80x128xf32, #tpu.memory_space<vmem>>, vector<1x16xf32>,
        %get3A_557 = vector.shape_cast %get3A_556 : vector<1x16xf32> to vector<16xf32>
        %mul3A_558 = arith.mulf %get3A_557, %gather3A_489 : vector<16xf32>
        %swap3A_559 = arith.index_cast %add3A_493 : i32 to index
        %swap3A_560 = arith.constant 96 : index
        %swap3A_561 = tpu.vector_load %arg12[%swap3A_559, %swap3A_560] {strides = array<i32>} : memref<80x128xf32, #tpu.memory_space<vmem>>, vector<1x16xf32>,
        %swap3A_562 = vector.shape_cast %swap3A_561 : vector<1x16xf32> to vector<16xf32>
        %swap3A_563 = vector.shape_cast %mul3A_558 : vector<16xf32> to vector<1x16xf32>
        tpu.vector_store %arg12[%swap3A_559, %swap3A_560], %swap3A_563 {strides = array<i32>} : memref<80x128xf32, #tpu.memory_space<vmem>>, vector<1x16xf32>,
        %get3A_564 = arith.index_cast %add3A_493 : i32 to index
        %get3A_565 = arith.constant 112 : index
        %get3A_566 = tpu.vector_load %arg12[%get3A_564, %get3A_565] {strides = array<i32>} : memref<80x128xf32, #tpu.memory_space<vmem>>, vector<1x16xf32>,
        %get3A_567 = vector.shape_cast %get3A_566 : vector<1x16xf32> to vector<16xf32>
        %mul3A_568 = arith.mulf %get3A_567, %gather3A_489 : vector<16xf32>
        %swap3A_569 = arith.index_cast %add3A_493 : i32 to index
        %swap3A_570 = arith.constant 112 : index
        %swap3A_571 = tpu.vector_load %arg12[%swap3A_569, %swap3A_570] {strides = array<i32>} : memref<80x128xf32, #tpu.memory_space<vmem>>, vector<1x16xf32>,
        %swap3A_572 = vector.shape_cast %swap3A_571 : vector<1x16xf32> to vector<16xf32>
        %swap3A_573 = vector.shape_cast %mul3A_568 : vector<16xf32> to vector<1x16xf32>
        tpu.vector_store %arg12[%swap3A_569, %swap3A_570], %swap3A_573 {strides = array<i32>} : memref<80x128xf32, #tpu.memory_space<vmem>>, vector<1x16xf32>,
        %broadcast_in_dim3A_574 = arith.constant 5 : i32
        %broadcast_in_dim3A_575 = vector.broadcast %broadcast_in_dim3A_574 : i32 to vector<16x1xi32>
        %gather3A_576 = vector.shape_cast %broadcast_in_dim3A_575 : vector<16x1xi32> to vector<16xi32>
        %gather3A_577 = tpu.dynamic_gather %get3A_135[%gather3A_576] in [0] : vector<16xf32>, vector<16xi32> -> vector<16xf32>
        %mul3A_578 = arith.constant 16 : i32
        %mul3A_579 = arith.muli %scan3A_131, %mul3A_578 : i32
        %add3A_580 = arith.constant 5 : i32
        %add3A_581 = arith.addi %mul3A_579, %add3A_580 : i32
        %get3A_582 = arith.index_cast %add3A_581 : i32 to index
        %get3A_583 = arith.constant 0 : index
        %get3A_584 = tpu.vector_load %arg12[%get3A_582, %get3A_583] {strides = array<i32>} : memref<80x128xf32, #tpu.memory_space<vmem>>, vector<1x16xf32>,
        %get3A_585 = vector.shape_cast %get3A_584 : vector<1x16xf32> to vector<16xf32>
        %mul3A_586 = arith.mulf %get3A_585, %gather3A_577 : vector<16xf32>
        %swap3A_587 = arith.index_cast %add3A_581 : i32 to index
        %swap3A_588 = arith.constant 0 : index
        %swap3A_589 = tpu.vector_load %arg12[%swap3A_587, %swap3A_588] {strides = array<i32>} : memref<80x128xf32, #tpu.memory_space<vmem>>, vector<1x16xf32>,
        %swap3A_590 = vector.shape_cast %swap3A_589 : vector<1x16xf32> to vector<16xf32>
        %swap3A_591 = vector.shape_cast %mul3A_586 : vector<16xf32> to vector<1x16xf32>
        tpu.vector_store %arg12[%swap3A_587, %swap3A_588], %swap3A_591 {strides = array<i32>} : memref<80x128xf32, #tpu.memory_space<vmem>>, vector<1x16xf32>,
        %get3A_592 = arith.index_cast %add3A_581 : i32 to index
        %get3A_593 = arith.constant 16 : index
        %get3A_594 = tpu.vector_load %arg12[%get3A_592, %get3A_593] {strides = array<i32>} : memref<80x128xf32, #tpu.memory_space<vmem>>, vector<1x16xf32>,
        %get3A_595 = vector.shape_cast %get3A_594 : vector<1x16xf32> to vector<16xf32>
        %mul3A_596 = arith.mulf %get3A_595, %gather3A_577 : vector<16xf32>
        %swap3A_597 = arith.index_cast %add3A_581 : i32 to index
        %swap3A_598 = arith.constant 16 : index
        %swap3A_599 = tpu.vector_load %arg12[%swap3A_597, %swap3A_598] {strides = array<i32>} : memref<80x128xf32, #tpu.memory_space<vmem>>, vector<1x16xf32>,
        %swap3A_600 = vector.shape_cast %swap3A_599 : vector<1x16xf32> to vector<16xf32>
        %swap3A_601 = vector.shape_cast %mul3A_596 : vector<16xf32> to vector<1x16xf32>
        tpu.vector_store %arg12[%swap3A_597, %swap3A_598], %swap3A_601 {strides = array<i32>} : memref<80x128xf32, #tpu.memory_space<vmem>>, vector<1x16xf32>,
        %get3A_602 = arith.index_cast %add3A_581 : i32 to index
        %get3A_603 = arith.constant 32 : index
        %get3A_604 = tpu.vector_load %arg12[%get3A_602, %get3A_603] {strides = array<i32>} : memref<80x128xf32, #tpu.memory_space<vmem>>, vector<1x16xf32>,
        %get3A_605 = vector.shape_cast %get3A_604 : vector<1x16xf32> to vector<16xf32>
        %mul3A_606 = arith.mulf %get3A_605, %gather3A_577 : vector<16xf32>
        %swap3A_607 = arith.index_cast %add3A_581 : i32 to index
        %swap3A_608 = arith.constant 32 : index
        %swap3A_609 = tpu.vector_load %arg12[%swap3A_607, %swap3A_608] {strides = array<i32>} : memref<80x128xf32, #tpu.memory_space<vmem>>, vector<1x16xf32>,
        %swap3A_610 = vector.shape_cast %swap3A_609 : vector<1x16xf32> to vector<16xf32>
        %swap3A_611 = vector.shape_cast %mul3A_606 : vector<16xf32> to vector<1x16xf32>
        tpu.vector_store %arg12[%swap3A_607, %swap3A_608], %swap3A_611 {strides = array<i32>} : memref<80x128xf32, #tpu.memory_space<vmem>>, vector<1x16xf32>,
        %get3A_612 = arith.index_cast %add3A_581 : i32 to index
        %get3A_613 = arith.constant 48 : index
        %get3A_614 = tpu.vector_load %arg12[%get3A_612, %get3A_613] {strides = array<i32>} : memref<80x128xf32, #tpu.memory_space<vmem>>, vector<1x16xf32>,
        %get3A_615 = vector.shape_cast %get3A_614 : vector<1x16xf32> to vector<16xf32>
        %mul3A_616 = arith.mulf %get3A_615, %gather3A_577 : vector<16xf32>
        %swap3A_617 = arith.index_cast %add3A_581 : i32 to index
        %swap3A_618 = arith.constant 48 : index
        %swap3A_619 = tpu.vector_load %arg12[%swap3A_617, %swap3A_618] {strides = array<i32>} : memref<80x128xf32, #tpu.memory_space<vmem>>, vector<1x16xf32>,
        %swap3A_620 = vector.shape_cast %swap3A_619 : vector<1x16xf32> to vector<16xf32>
        %swap3A_621 = vector.shape_cast %mul3A_616 : vector<16xf32> to vector<1x16xf32>
        tpu.vector_store %arg12[%swap3A_617, %swap3A_618], %swap3A_621 {strides = array<i32>} : memref<80x128xf32, #tpu.memory_space<vmem>>, vector<1x16xf32>,
        %get3A_622 = arith.index_cast %add3A_581 : i32 to index
        %get3A_623 = arith.constant 64 : index
        %get3A_624 = tpu.vector_load %arg12[%get3A_622, %get3A_623] {strides = array<i32>} : memref<80x128xf32, #tpu.memory_space<vmem>>, vector<1x16xf32>,
        %get3A_625 = vector.shape_cast %get3A_624 : vector<1x16xf32> to vector<16xf32>
        %mul3A_626 = arith.mulf %get3A_625, %gather3A_577 : vector<16xf32>
        %swap3A_627 = arith.index_cast %add3A_581 : i32 to index
        %swap3A_628 = arith.constant 64 : index
        %swap3A_629 = tpu.vector_load %arg12[%swap3A_627, %swap3A_628] {strides = array<i32>} : memref<80x128xf32, #tpu.memory_space<vmem>>, vector<1x16xf32>,
        %swap3A_630 = vector.shape_cast %swap3A_629 : vector<1x16xf32> to vector<16xf32>
        %swap3A_631 = vector.shape_cast %mul3A_626 : vector<16xf32> to vector<1x16xf32>
        tpu.vector_store %arg12[%swap3A_627, %swap3A_628], %swap3A_631 {strides = array<i32>} : memref<80x128xf32, #tpu.memory_space<vmem>>, vector<1x16xf32>,
        %get3A_632 = arith.index_cast %add3A_581 : i32 to index
        %get3A_633 = arith.constant 80 : index
        %get3A_634 = tpu.vector_load %arg12[%get3A_632, %get3A_633] {strides = array<i32>} : memref<80x128xf32, #tpu.memory_space<vmem>>, vector<1x16xf32>,
        %get3A_635 = vector.shape_cast %get3A_634 : vector<1x16xf32> to vector<16xf32>
        %mul3A_636 = arith.mulf %get3A_635, %gather3A_577 : vector<16xf32>
        %swap3A_637 = arith.index_cast %add3A_581 : i32 to index
        %swap3A_638 = arith.constant 80 : index
        %swap3A_639 = tpu.vector_load %arg12[%swap3A_637, %swap3A_638] {strides = array<i32>} : memref<80x128xf32, #tpu.memory_space<vmem>>, vector<1x16xf32>,
        %swap3A_640 = vector.shape_cast %swap3A_639 : vector<1x16xf32> to vector<16xf32>
        %swap3A_641 = vector.shape_cast %mul3A_636 : vector<16xf32> to vector<1x16xf32>
        tpu.vector_store %arg12[%swap3A_637, %swap3A_638], %swap3A_641 {strides = array<i32>} : memref<80x128xf32, #tpu.memory_space<vmem>>, vector<1x16xf32>,
        %get3A_642 = arith.index_cast %add3A_581 : i32 to index
        %get3A_643 = arith.constant 96 : index
        %get3A_644 = tpu.vector_load %arg12[%get3A_642, %get3A_643] {strides = array<i32>} : memref<80x128xf32, #tpu.memory_space<vmem>>, vector<1x16xf32>,
        %get3A_645 = vector.shape_cast %get3A_644 : vector<1x16xf32> to vector<16xf32>
        %mul3A_646 = arith.mulf %get3A_645, %gather3A_577 : vector<16xf32>
        %swap3A_647 = arith.index_cast %add3A_581 : i32 to index
        %swap3A_648 = arith.constant 96 : index
        %swap3A_649 = tpu.vector_load %arg12[%swap3A_647, %swap3A_648] {strides = array<i32>} : memref<80x128xf32, #tpu.memory_space<vmem>>, vector<1x16xf32>,
        %swap3A_650 = vector.shape_cast %swap3A_649 : vector<1x16xf32> to vector<16xf32>
        %swap3A_651 = vector.shape_cast %mul3A_646 : vector<16xf32> to vector<1x16xf32>
        tpu.vector_store %arg12[%swap3A_647, %swap3A_648], %swap3A_651 {strides = array<i32>} : memref<80x128xf32, #tpu.memory_space<vmem>>, vector<1x16xf32>,
        %get3A_652 = arith.index_cast %add3A_581 : i32 to index
        %get3A_653 = arith.constant 112 : index
        %get3A_654 = tpu.vector_load %arg12[%get3A_652, %get3A_653] {strides = array<i32>} : memref<80x128xf32, #tpu.memory_space<vmem>>, vector<1x16xf32>,
        %get3A_655 = vector.shape_cast %get3A_654 : vector<1x16xf32> to vector<16xf32>
        %mul3A_656 = arith.mulf %get3A_655, %gather3A_577 : vector<16xf32>
        %swap3A_657 = arith.index_cast %add3A_581 : i32 to index
        %swap3A_658 = arith.constant 112 : index
        %swap3A_659 = tpu.vector_load %arg12[%swap3A_657, %swap3A_658] {strides = array<i32>} : memref<80x128xf32, #tpu.memory_space<vmem>>, vector<1x16xf32>,
        %swap3A_660 = vector.shape_cast %swap3A_659 : vector<1x16xf32> to vector<16xf32>
        %swap3A_661 = vector.shape_cast %mul3A_656 : vector<16xf32> to vector<1x16xf32>
        tpu.vector_store %arg12[%swap3A_657, %swap3A_658], %swap3A_661 {strides = array<i32>} : memref<80x128xf32, #tpu.memory_space<vmem>>, vector<1x16xf32>,
        %broadcast_in_dim3A_662 = arith.constant 6 : i32
        %broadcast_in_dim3A_663 = vector.broadcast %broadcast_in_dim3A_662 : i32 to vector<16x1xi32>
        %gather3A_664 = vector.shape_cast %broadcast_in_dim3A_663 : vector<16x1xi32> to vector<16xi32>
        %gather3A_665 = tpu.dynamic_gather %get3A_135[%gather3A_664] in [0] : vector<16xf32>, vector<16xi32> -> vector<16xf32>
        %mul3A_666 = arith.constant 16 : i32
        %mul3A_667 = arith.muli %scan3A_131, %mul3A_666 : i32
        %add3A_668 = arith.constant 6 : i32
        %add3A_669 = arith.addi %mul3A_667, %add3A_668 : i32
        %get3A_670 = arith.index_cast %add3A_669 : i32 to index
        %get3A_671 = arith.constant 0 : index
        %get3A_672 = tpu.vector_load %arg12[%get3A_670, %get3A_671] {strides = array<i32>} : memref<80x128xf32, #tpu.memory_space<vmem>>, vector<1x16xf32>,
        %get3A_673 = vector.shape_cast %get3A_672 : vector<1x16xf32> to vector<16xf32>
        %mul3A_674 = arith.mulf %get3A_673, %gather3A_665 : vector<16xf32>
        %swap3A_675 = arith.index_cast %add3A_669 : i32 to index
        %swap3A_676 = arith.constant 0 : index
        %swap3A_677 = tpu.vector_load %arg12[%swap3A_675, %swap3A_676] {strides = array<i32>} : memref<80x128xf32, #tpu.memory_space<vmem>>, vector<1x16xf32>,
        %swap3A_678 = vector.shape_cast %swap3A_677 : vector<1x16xf32> to vector<16xf32>
        %swap3A_679 = vector.shape_cast %mul3A_674 : vector<16xf32> to vector<1x16xf32>
        tpu.vector_store %arg12[%swap3A_675, %swap3A_676], %swap3A_679 {strides = array<i32>} : memref<80x128xf32, #tpu.memory_space<vmem>>, vector<1x16xf32>,
        %get3A_680 = arith.index_cast %add3A_669 : i32 to index
        %get3A_681 = arith.constant 16 : index
        %get3A_682 = tpu.vector_load %arg12[%get3A_680, %get3A_681] {strides = array<i32>} : memref<80x128xf32, #tpu.memory_space<vmem>>, vector<1x16xf32>,
        %get3A_683 = vector.shape_cast %get3A_682 : vector<1x16xf32> to vector<16xf32>
        %mul3A_684 = arith.mulf %get3A_683, %gather3A_665 : vector<16xf32>
        %swap3A_685 = arith.index_cast %add3A_669 : i32 to index
        %swap3A_686 = arith.constant 16 : index
        %swap3A_687 = tpu.vector_load %arg12[%swap3A_685, %swap3A_686] {strides = array<i32>} : memref<80x128xf32, #tpu.memory_space<vmem>>, vector<1x16xf32>,
        %swap3A_688 = vector.shape_cast %swap3A_687 : vector<1x16xf32> to vector<16xf32>
        %swap3A_689 = vector.shape_cast %mul3A_684 : vector<16xf32> to vector<1x16xf32>
        tpu.vector_store %arg12[%swap3A_685, %swap3A_686], %swap3A_689 {strides = array<i32>} : memref<80x128xf32, #tpu.memory_space<vmem>>, vector<1x16xf32>,
        %get3A_690 = arith.index_cast %add3A_669 : i32 to index
        %get3A_691 = arith.constant 32 : index
        %get3A_692 = tpu.vector_load %arg12[%get3A_690, %get3A_691] {strides = array<i32>} : memref<80x128xf32, #tpu.memory_space<vmem>>, vector<1x16xf32>,
        %get3A_693 = vector.shape_cast %get3A_692 : vector<1x16xf32> to vector<16xf32>
        %mul3A_694 = arith.mulf %get3A_693, %gather3A_665 : vector<16xf32>
        %swap3A_695 = arith.index_cast %add3A_669 : i32 to index
        %swap3A_696 = arith.constant 32 : index
        %swap3A_697 = tpu.vector_load %arg12[%swap3A_695, %swap3A_696] {strides = array<i32>} : memref<80x128xf32, #tpu.memory_space<vmem>>, vector<1x16xf32>,
        %swap3A_698 = vector.shape_cast %swap3A_697 : vector<1x16xf32> to vector<16xf32>
        %swap3A_699 = vector.shape_cast %mul3A_694 : vector<16xf32> to vector<1x16xf32>
        tpu.vector_store %arg12[%swap3A_695, %swap3A_696], %swap3A_699 {strides = array<i32>} : memref<80x128xf32, #tpu.memory_space<vmem>>, vector<1x16xf32>,
        %get3A_700 = arith.index_cast %add3A_669 : i32 to index
        %get3A_701 = arith.constant 48 : index
        %get3A_702 = tpu.vector_load %arg12[%get3A_700, %get3A_701] {strides = array<i32>} : memref<80x128xf32, #tpu.memory_space<vmem>>, vector<1x16xf32>,
        %get3A_703 = vector.shape_cast %get3A_702 : vector<1x16xf32> to vector<16xf32>
        %mul3A_704 = arith.mulf %get3A_703, %gather3A_665 : vector<16xf32>
        %swap3A_705 = arith.index_cast %add3A_669 : i32 to index
        %swap3A_706 = arith.constant 48 : index
        %swap3A_707 = tpu.vector_load %arg12[%swap3A_705, %swap3A_706] {strides = array<i32>} : memref<80x128xf32, #tpu.memory_space<vmem>>, vector<1x16xf32>,
        %swap3A_708 = vector.shape_cast %swap3A_707 : vector<1x16xf32> to vector<16xf32>
        %swap3A_709 = vector.shape_cast %mul3A_704 : vector<16xf32> to vector<1x16xf32>
        tpu.vector_store %arg12[%swap3A_705, %swap3A_706], %swap3A_709 {strides = array<i32>} : memref<80x128xf32, #tpu.memory_space<vmem>>, vector<1x16xf32>,
        %get3A_710 = arith.index_cast %add3A_669 : i32 to index
        %get3A_711 = arith.constant 64 : index
        %get3A_712 = tpu.vector_load %arg12[%get3A_710, %get3A_711] {strides = array<i32>} : memref<80x128xf32, #tpu.memory_space<vmem>>, vector<1x16xf32>,
        %get3A_713 = vector.shape_cast %get3A_712 : vector<1x16xf32> to vector<16xf32>
        %mul3A_714 = arith.mulf %get3A_713, %gather3A_665 : vector<16xf32>
        %swap3A_715 = arith.index_cast %add3A_669 : i32 to index
        %swap3A_716 = arith.constant 64 : index
        %swap3A_717 = tpu.vector_load %arg12[%swap3A_715, %swap3A_716] {strides = array<i32>} : memref<80x128xf32, #tpu.memory_space<vmem>>, vector<1x16xf32>,
        %swap3A_718 = vector.shape_cast %swap3A_717 : vector<1x16xf32> to vector<16xf32>
        %swap3A_719 = vector.shape_cast %mul3A_714 : vector<16xf32> to vector<1x16xf32>
        tpu.vector_store %arg12[%swap3A_715, %swap3A_716], %swap3A_719 {strides = array<i32>} : memref<80x128xf32, #tpu.memory_space<vmem>>, vector<1x16xf32>,
        %get3A_720 = arith.index_cast %add3A_669 : i32 to index
        %get3A_721 = arith.constant 80 : index
        %get3A_722 = tpu.vector_load %arg12[%get3A_720, %get3A_721] {strides = array<i32>} : memref<80x128xf32, #tpu.memory_space<vmem>>, vector<1x16xf32>,
        %get3A_723 = vector.shape_cast %get3A_722 : vector<1x16xf32> to vector<16xf32>
        %mul3A_724 = arith.mulf %get3A_723, %gather3A_665 : vector<16xf32>
        %swap3A_725 = arith.index_cast %add3A_669 : i32 to index
        %swap3A_726 = arith.constant 80 : index
        %swap3A_727 = tpu.vector_load %arg12[%swap3A_725, %swap3A_726] {strides = array<i32>} : memref<80x128xf32, #tpu.memory_space<vmem>>, vector<1x16xf32>,
        %swap3A_728 = vector.shape_cast %swap3A_727 : vector<1x16xf32> to vector<16xf32>
        %swap3A_729 = vector.shape_cast %mul3A_724 : vector<16xf32> to vector<1x16xf32>
        tpu.vector_store %arg12[%swap3A_725, %swap3A_726], %swap3A_729 {strides = array<i32>} : memref<80x128xf32, #tpu.memory_space<vmem>>, vector<1x16xf32>,
        %get3A_730 = arith.index_cast %add3A_669 : i32 to index
        %get3A_731 = arith.constant 96 : index
        %get3A_732 = tpu.vector_load %arg12[%get3A_730, %get3A_731] {strides = array<i32>} : memref<80x128xf32, #tpu.memory_space<vmem>>, vector<1x16xf32>,
        %get3A_733 = vector.shape_cast %get3A_732 : vector<1x16xf32> to vector<16xf32>
        %mul3A_734 = arith.mulf %get3A_733, %gather3A_665 : vector<16xf32>
        %swap3A_735 = arith.index_cast %add3A_669 : i32 to index
        %swap3A_736 = arith.constant 96 : index
        %swap3A_737 = tpu.vector_load %arg12[%swap3A_735, %swap3A_736] {strides = array<i32>} : memref<80x128xf32, #tpu.memory_space<vmem>>, vector<1x16xf32>,
        %swap3A_738 = vector.shape_cast %swap3A_737 : vector<1x16xf32> to vector<16xf32>
        %swap3A_739 = vector.shape_cast %mul3A_734 : vector<16xf32> to vector<1x16xf32>
        tpu.vector_store %arg12[%swap3A_735, %swap3A_736], %swap3A_739 {strides = array<i32>} : memref<80x128xf32, #tpu.memory_space<vmem>>, vector<1x16xf32>,
        %get3A_740 = arith.index_cast %add3A_669 : i32 to index
        %get3A_741 = arith.constant 112 : index
        %get3A_742 = tpu.vector_load %arg12[%get3A_740, %get3A_741] {strides = array<i32>} : memref<80x128xf32, #tpu.memory_space<vmem>>, vector<1x16xf32>,
        %get3A_743 = vector.shape_cast %get3A_742 : vector<1x16xf32> to vector<16xf32>
        %mul3A_744 = arith.mulf %get3A_743, %gather3A_665 : vector<16xf32>
        %swap3A_745 = arith.index_cast %add3A_669 : i32 to index
        %swap3A_746 = arith.constant 112 : index
        %swap3A_747 = tpu.vector_load %arg12[%swap3A_745, %swap3A_746] {strides = array<i32>} : memref<80x128xf32, #tpu.memory_space<vmem>>, vector<1x16xf32>,
        %swap3A_748 = vector.shape_cast %swap3A_747 : vector<1x16xf32> to vector<16xf32>
        %swap3A_749 = vector.shape_cast %mul3A_744 : vector<16xf32> to vector<1x16xf32>
        tpu.vector_store %arg12[%swap3A_745, %swap3A_746], %swap3A_749 {strides = array<i32>} : memref<80x128xf32, #tpu.memory_space<vmem>>, vector<1x16xf32>,
        %broadcast_in_dim3A_750 = arith.constant 7 : i32
        %broadcast_in_dim3A_751 = vector.broadcast %broadcast_in_dim3A_750 : i32 to vector<16x1xi32>
        %gather3A_752 = vector.shape_cast %broadcast_in_dim3A_751 : vector<16x1xi32> to vector<16xi32>
        %gather3A_753 = tpu.dynamic_gather %get3A_135[%gather3A_752] in [0] : vector<16xf32>, vector<16xi32> -> vector<16xf32>
        %mul3A_754 = arith.constant 16 : i32
        %mul3A_755 = arith.muli %scan3A_131, %mul3A_754 : i32
        %add3A_756 = arith.constant 7 : i32
        %add3A_757 = arith.addi %mul3A_755, %add3A_756 : i32
        %get3A_758 = arith.index_cast %add3A_757 : i32 to index
        %get3A_759 = arith.constant 0 : index
        %get3A_760 = tpu.vector_load %arg12[%get3A_758, %get3A_759] {strides = array<i32>} : memref<80x128xf32, #tpu.memory_space<vmem>>, vector<1x16xf32>,
        %get3A_761 = vector.shape_cast %get3A_760 : vector<1x16xf32> to vector<16xf32>
        %mul3A_762 = arith.mulf %get3A_761, %gather3A_753 : vector<16xf32>
        %swap3A_763 = arith.index_cast %add3A_757 : i32 to index
        %swap3A_764 = arith.constant 0 : index
        %swap3A_765 = tpu.vector_load %arg12[%swap3A_763, %swap3A_764] {strides = array<i32>} : memref<80x128xf32, #tpu.memory_space<vmem>>, vector<1x16xf32>,
        %swap3A_766 = vector.shape_cast %swap3A_765 : vector<1x16xf32> to vector<16xf32>
        %swap3A_767 = vector.shape_cast %mul3A_762 : vector<16xf32> to vector<1x16xf32>
        tpu.vector_store %arg12[%swap3A_763, %swap3A_764], %swap3A_767 {strides = array<i32>} : memref<80x128xf32, #tpu.memory_space<vmem>>, vector<1x16xf32>,
        %get3A_768 = arith.index_cast %add3A_757 : i32 to index
        %get3A_769 = arith.constant 16 : index
        %get3A_770 = tpu.vector_load %arg12[%get3A_768, %get3A_769] {strides = array<i32>} : memref<80x128xf32, #tpu.memory_space<vmem>>, vector<1x16xf32>,
        %get3A_771 = vector.shape_cast %get3A_770 : vector<1x16xf32> to vector<16xf32>
        %mul3A_772 = arith.mulf %get3A_771, %gather3A_753 : vector<16xf32>
        %swap3A_773 = arith.index_cast %add3A_757 : i32 to index
        %swap3A_774 = arith.constant 16 : index
        %swap3A_775 = tpu.vector_load %arg12[%swap3A_773, %swap3A_774] {strides = array<i32>} : memref<80x128xf32, #tpu.memory_space<vmem>>, vector<1x16xf32>,
        %swap3A_776 = vector.shape_cast %swap3A_775 : vector<1x16xf32> to vector<16xf32>
        %swap3A_777 = vector.shape_cast %mul3A_772 : vector<16xf32> to vector<1x16xf32>
        tpu.vector_store %arg12[%swap3A_773, %swap3A_774], %swap3A_777 {strides = array<i32>} : memref<80x128xf32, #tpu.memory_space<vmem>>, vector<1x16xf32>,
        %get3A_778 = arith.index_cast %add3A_757 : i32 to index
        %get3A_779 = arith.constant 32 : index
        %get3A_780 = tpu.vector_load %arg12[%get3A_778, %get3A_779] {strides = array<i32>} : memref<80x128xf32, #tpu.memory_space<vmem>>, vector<1x16xf32>,
        %get3A_781 = vector.shape_cast %get3A_780 : vector<1x16xf32> to vector<16xf32>
        %mul3A_782 = arith.mulf %get3A_781, %gather3A_753 : vector<16xf32>
        %swap3A_783 = arith.index_cast %add3A_757 : i32 to index
        %swap3A_784 = arith.constant 32 : index
        %swap3A_785 = tpu.vector_load %arg12[%swap3A_783, %swap3A_784] {strides = array<i32>} : memref<80x128xf32, #tpu.memory_space<vmem>>, vector<1x16xf32>,
        %swap3A_786 = vector.shape_cast %swap3A_785 : vector<1x16xf32> to vector<16xf32>
        %swap3A_787 = vector.shape_cast %mul3A_782 : vector<16xf32> to vector<1x16xf32>
        tpu.vector_store %arg12[%swap3A_783, %swap3A_784], %swap3A_787 {strides = array<i32>} : memref<80x128xf32, #tpu.memory_space<vmem>>, vector<1x16xf32>,
        %get3A_788 = arith.index_cast %add3A_757 : i32 to index
        %get3A_789 = arith.constant 48 : index
        %get3A_790 = tpu.vector_load %arg12[%get3A_788, %get3A_789] {strides = array<i32>} : memref<80x128xf32, #tpu.memory_space<vmem>>, vector<1x16xf32>,
        %get3A_791 = vector.shape_cast %get3A_790 : vector<1x16xf32> to vector<16xf32>
        %mul3A_792 = arith.mulf %get3A_791, %gather3A_753 : vector<16xf32>
        %swap3A_793 = arith.index_cast %add3A_757 : i32 to index
        %swap3A_794 = arith.constant 48 : index
        %swap3A_795 = tpu.vector_load %arg12[%swap3A_793, %swap3A_794] {strides = array<i32>} : memref<80x128xf32, #tpu.memory_space<vmem>>, vector<1x16xf32>,
        %swap3A_796 = vector.shape_cast %swap3A_795 : vector<1x16xf32> to vector<16xf32>
        %swap3A_797 = vector.shape_cast %mul3A_792 : vector<16xf32> to vector<1x16xf32>
        tpu.vector_store %arg12[%swap3A_793, %swap3A_794], %swap3A_797 {strides = array<i32>} : memref<80x128xf32, #tpu.memory_space<vmem>>, vector<1x16xf32>,
        %get3A_798 = arith.index_cast %add3A_757 : i32 to index
        %get3A_799 = arith.constant 64 : index
        %get3A_800 = tpu.vector_load %arg12[%get3A_798, %get3A_799] {strides = array<i32>} : memref<80x128xf32, #tpu.memory_space<vmem>>, vector<1x16xf32>,
        %get3A_801 = vector.shape_cast %get3A_800 : vector<1x16xf32> to vector<16xf32>
        %mul3A_802 = arith.mulf %get3A_801, %gather3A_753 : vector<16xf32>
        %swap3A_803 = arith.index_cast %add3A_757 : i32 to index
        %swap3A_804 = arith.constant 64 : index
        %swap3A_805 = tpu.vector_load %arg12[%swap3A_803, %swap3A_804] {strides = array<i32>} : memref<80x128xf32, #tpu.memory_space<vmem>>, vector<1x16xf32>,
        %swap3A_806 = vector.shape_cast %swap3A_805 : vector<1x16xf32> to vector<16xf32>
        %swap3A_807 = vector.shape_cast %mul3A_802 : vector<16xf32> to vector<1x16xf32>
        tpu.vector_store %arg12[%swap3A_803, %swap3A_804], %swap3A_807 {strides = array<i32>} : memref<80x128xf32, #tpu.memory_space<vmem>>, vector<1x16xf32>,
        %get3A_808 = arith.index_cast %add3A_757 : i32 to index
        %get3A_809 = arith.constant 80 : index
        %get3A_810 = tpu.vector_load %arg12[%get3A_808, %get3A_809] {strides = array<i32>} : memref<80x128xf32, #tpu.memory_space<vmem>>, vector<1x16xf32>,
        %get3A_811 = vector.shape_cast %get3A_810 : vector<1x16xf32> to vector<16xf32>
        %mul3A_812 = arith.mulf %get3A_811, %gather3A_753 : vector<16xf32>
        %swap3A_813 = arith.index_cast %add3A_757 : i32 to index
        %swap3A_814 = arith.constant 80 : index
        %swap3A_815 = tpu.vector_load %arg12[%swap3A_813, %swap3A_814] {strides = array<i32>} : memref<80x128xf32, #tpu.memory_space<vmem>>, vector<1x16xf32>,
        %swap3A_816 = vector.shape_cast %swap3A_815 : vector<1x16xf32> to vector<16xf32>
        %swap3A_817 = vector.shape_cast %mul3A_812 : vector<16xf32> to vector<1x16xf32>
        tpu.vector_store %arg12[%swap3A_813, %swap3A_814], %swap3A_817 {strides = array<i32>} : memref<80x128xf32, #tpu.memory_space<vmem>>, vector<1x16xf32>,
        %get3A_818 = arith.index_cast %add3A_757 : i32 to index
        %get3A_819 = arith.constant 96 : index
        %get3A_820 = tpu.vector_load %arg12[%get3A_818, %get3A_819] {strides = array<i32>} : memref<80x128xf32, #tpu.memory_space<vmem>>, vector<1x16xf32>,
        %get3A_821 = vector.shape_cast %get3A_820 : vector<1x16xf32> to vector<16xf32>
        %mul3A_822 = arith.mulf %get3A_821, %gather3A_753 : vector<16xf32>
        %swap3A_823 = arith.index_cast %add3A_757 : i32 to index
        %swap3A_824 = arith.constant 96 : index
        %swap3A_825 = tpu.vector_load %arg12[%swap3A_823, %swap3A_824] {strides = array<i32>} : memref<80x128xf32, #tpu.memory_space<vmem>>, vector<1x16xf32>,
        %swap3A_826 = vector.shape_cast %swap3A_825 : vector<1x16xf32> to vector<16xf32>
        %swap3A_827 = vector.shape_cast %mul3A_822 : vector<16xf32> to vector<1x16xf32>
        tpu.vector_store %arg12[%swap3A_823, %swap3A_824], %swap3A_827 {strides = array<i32>} : memref<80x128xf32, #tpu.memory_space<vmem>>, vector<1x16xf32>,
        %get3A_828 = arith.index_cast %add3A_757 : i32 to index
        %get3A_829 = arith.constant 112 : index
        %get3A_830 = tpu.vector_load %arg12[%get3A_828, %get3A_829] {strides = array<i32>} : memref<80x128xf32, #tpu.memory_space<vmem>>, vector<1x16xf32>,
        %get3A_831 = vector.shape_cast %get3A_830 : vector<1x16xf32> to vector<16xf32>
        %mul3A_832 = arith.mulf %get3A_831, %gather3A_753 : vector<16xf32>
        %swap3A_833 = arith.index_cast %add3A_757 : i32 to index
        %swap3A_834 = arith.constant 112 : index
        %swap3A_835 = tpu.vector_load %arg12[%swap3A_833, %swap3A_834] {strides = array<i32>} : memref<80x128xf32, #tpu.memory_space<vmem>>, vector<1x16xf32>,
        %swap3A_836 = vector.shape_cast %swap3A_835 : vector<1x16xf32> to vector<16xf32>
        %swap3A_837 = vector.shape_cast %mul3A_832 : vector<16xf32> to vector<1x16xf32>
        tpu.vector_store %arg12[%swap3A_833, %swap3A_834], %swap3A_837 {strides = array<i32>} : memref<80x128xf32, #tpu.memory_space<vmem>>, vector<1x16xf32>,
        %broadcast_in_dim3A_838 = arith.constant 8 : i32
        %broadcast_in_dim3A_839 = vector.broadcast %broadcast_in_dim3A_838 : i32 to vector<16x1xi32>
        %gather3A_840 = vector.shape_cast %broadcast_in_dim3A_839 : vector<16x1xi32> to vector<16xi32>
        %gather3A_841 = tpu.dynamic_gather %get3A_135[%gather3A_840] in [0] : vector<16xf32>, vector<16xi32> -> vector<16xf32>
        %mul3A_842 = arith.constant 16 : i32
        %mul3A_843 = arith.muli %scan3A_131, %mul3A_842 : i32
        %add3A_844 = arith.constant 8 : i32
        %add3A_845 = arith.addi %mul3A_843, %add3A_844 : i32
        %get3A_846 = arith.index_cast %add3A_845 : i32 to index
        %get3A_847 = arith.constant 0 : index
        %get3A_848 = tpu.vector_load %arg12[%get3A_846, %get3A_847] {strides = array<i32>} : memref<80x128xf32, #tpu.memory_space<vmem>>, vector<1x16xf32>,
        %get3A_849 = vector.shape_cast %get3A_848 : vector<1x16xf32> to vector<16xf32>
        %mul3A_850 = arith.mulf %get3A_849, %gather3A_841 : vector<16xf32>
        %swap3A_851 = arith.index_cast %add3A_845 : i32 to index
        %swap3A_852 = arith.constant 0 : index
        %swap3A_853 = tpu.vector_load %arg12[%swap3A_851, %swap3A_852] {strides = array<i32>} : memref<80x128xf32, #tpu.memory_space<vmem>>, vector<1x16xf32>,
        %swap3A_854 = vector.shape_cast %swap3A_853 : vector<1x16xf32> to vector<16xf32>
        %swap3A_855 = vector.shape_cast %mul3A_850 : vector<16xf32> to vector<1x16xf32>
        tpu.vector_store %arg12[%swap3A_851, %swap3A_852], %swap3A_855 {strides = array<i32>} : memref<80x128xf32, #tpu.memory_space<vmem>>, vector<1x16xf32>,
        %get3A_856 = arith.index_cast %add3A_845 : i32 to index
        %get3A_857 = arith.constant 16 : index
        %get3A_858 = tpu.vector_load %arg12[%get3A_856, %get3A_857] {strides = array<i32>} : memref<80x128xf32, #tpu.memory_space<vmem>>, vector<1x16xf32>,
        %get3A_859 = vector.shape_cast %get3A_858 : vector<1x16xf32> to vector<16xf32>
        %mul3A_860 = arith.mulf %get3A_859, %gather3A_841 : vector<16xf32>
        %swap3A_861 = arith.index_cast %add3A_845 : i32 to index
        %swap3A_862 = arith.constant 16 : index
        %swap3A_863 = tpu.vector_load %arg12[%swap3A_861, %swap3A_862] {strides = array<i32>} : memref<80x128xf32, #tpu.memory_space<vmem>>, vector<1x16xf32>,
        %swap3A_864 = vector.shape_cast %swap3A_863 : vector<1x16xf32> to vector<16xf32>
        %swap3A_865 = vector.shape_cast %mul3A_860 : vector<16xf32> to vector<1x16xf32>
        tpu.vector_store %arg12[%swap3A_861, %swap3A_862], %swap3A_865 {strides = array<i32>} : memref<80x128xf32, #tpu.memory_space<vmem>>, vector<1x16xf32>,
        %get3A_866 = arith.index_cast %add3A_845 : i32 to index
        %get3A_867 = arith.constant 32 : index
        %get3A_868 = tpu.vector_load %arg12[%get3A_866, %get3A_867] {strides = array<i32>} : memref<80x128xf32, #tpu.memory_space<vmem>>, vector<1x16xf32>,
        %get3A_869 = vector.shape_cast %get3A_868 : vector<1x16xf32> to vector<16xf32>
        %mul3A_870 = arith.mulf %get3A_869, %gather3A_841 : vector<16xf32>
        %swap3A_871 = arith.index_cast %add3A_845 : i32 to index
        %swap3A_872 = arith.constant 32 : index
        %swap3A_873 = tpu.vector_load %arg12[%swap3A_871, %swap3A_872] {strides = array<i32>} : memref<80x128xf32, #tpu.memory_space<vmem>>, vector<1x16xf32>,
        %swap3A_874 = vector.shape_cast %swap3A_873 : vector<1x16xf32> to vector<16xf32>
        %swap3A_875 = vector.shape_cast %mul3A_870 : vector<16xf32> to vector<1x16xf32>
        tpu.vector_store %arg12[%swap3A_871, %swap3A_872], %swap3A_875 {strides = array<i32>} : memref<80x128xf32, #tpu.memory_space<vmem>>, vector<1x16xf32>,
        %get3A_876 = arith.index_cast %add3A_845 : i32 to index
        %get3A_877 = arith.constant 48 : index
        %get3A_878 = tpu.vector_load %arg12[%get3A_876, %get3A_877] {strides = array<i32>} : memref<80x128xf32, #tpu.memory_space<vmem>>, vector<1x16xf32>,
        %get3A_879 = vector.shape_cast %get3A_878 : vector<1x16xf32> to vector<16xf32>
        %mul3A_880 = arith.mulf %get3A_879, %gather3A_841 : vector<16xf32>
        %swap3A_881 = arith.index_cast %add3A_845 : i32 to index
        %swap3A_882 = arith.constant 48 : index
        %swap3A_883 = tpu.vector_load %arg12[%swap3A_881, %swap3A_882] {strides = array<i32>} : memref<80x128xf32, #tpu.memory_space<vmem>>, vector<1x16xf32>,
        %swap3A_884 = vector.shape_cast %swap3A_883 : vector<1x16xf32> to vector<16xf32>
        %swap3A_885 = vector.shape_cast %mul3A_880 : vector<16xf32> to vector<1x16xf32>
        tpu.vector_store %arg12[%swap3A_881, %swap3A_882], %swap3A_885 {strides = array<i32>} : memref<80x128xf32, #tpu.memory_space<vmem>>, vector<1x16xf32>,
        %get3A_886 = arith.index_cast %add3A_845 : i32 to index
        %get3A_887 = arith.constant 64 : index
        %get3A_888 = tpu.vector_load %arg12[%get3A_886, %get3A_887] {strides = array<i32>} : memref<80x128xf32, #tpu.memory_space<vmem>>, vector<1x16xf32>,
        %get3A_889 = vector.shape_cast %get3A_888 : vector<1x16xf32> to vector<16xf32>
        %mul3A_890 = arith.mulf %get3A_889, %gather3A_841 : vector<16xf32>
        %swap3A_891 = arith.index_cast %add3A_845 : i32 to index
        %swap3A_892 = arith.constant 64 : index
        %swap3A_893 = tpu.vector_load %arg12[%swap3A_891, %swap3A_892] {strides = array<i32>} : memref<80x128xf32, #tpu.memory_space<vmem>>, vector<1x16xf32>,
        %swap3A_894 = vector.shape_cast %swap3A_893 : vector<1x16xf32> to vector<16xf32>
        %swap3A_895 = vector.shape_cast %mul3A_890 : vector<16xf32> to vector<1x16xf32>
        tpu.vector_store %arg12[%swap3A_891, %swap3A_892], %swap3A_895 {strides = array<i32>} : memref<80x128xf32, #tpu.memory_space<vmem>>, vector<1x16xf32>,
        %get3A_896 = arith.index_cast %add3A_845 : i32 to index
        %get3A_897 = arith.constant 80 : index
        %get3A_898 = tpu.vector_load %arg12[%get3A_896, %get3A_897] {strides = array<i32>} : memref<80x128xf32, #tpu.memory_space<vmem>>, vector<1x16xf32>,
        %get3A_899 = vector.shape_cast %get3A_898 : vector<1x16xf32> to vector<16xf32>
        %mul3A_900 = arith.mulf %get3A_899, %gather3A_841 : vector<16xf32>
        %swap3A_901 = arith.index_cast %add3A_845 : i32 to index
        %swap3A_902 = arith.constant 80 : index
        %swap3A_903 = tpu.vector_load %arg12[%swap3A_901, %swap3A_902] {strides = array<i32>} : memref<80x128xf32, #tpu.memory_space<vmem>>, vector<1x16xf32>,
        %swap3A_904 = vector.shape_cast %swap3A_903 : vector<1x16xf32> to vector<16xf32>
        %swap3A_905 = vector.shape_cast %mul3A_900 : vector<16xf32> to vector<1x16xf32>
        tpu.vector_store %arg12[%swap3A_901, %swap3A_902], %swap3A_905 {strides = array<i32>} : memref<80x128xf32, #tpu.memory_space<vmem>>, vector<1x16xf32>,
        %get3A_906 = arith.index_cast %add3A_845 : i32 to index
        %get3A_907 = arith.constant 96 : index
        %get3A_908 = tpu.vector_load %arg12[%get3A_906, %get3A_907] {strides = array<i32>} : memref<80x128xf32, #tpu.memory_space<vmem>>, vector<1x16xf32>,
        %get3A_909 = vector.shape_cast %get3A_908 : vector<1x16xf32> to vector<16xf32>
        %mul3A_910 = arith.mulf %get3A_909, %gather3A_841 : vector<16xf32>
        %swap3A_911 = arith.index_cast %add3A_845 : i32 to index
        %swap3A_912 = arith.constant 96 : index
        %swap3A_913 = tpu.vector_load %arg12[%swap3A_911, %swap3A_912] {strides = array<i32>} : memref<80x128xf32, #tpu.memory_space<vmem>>, vector<1x16xf32>,
        %swap3A_914 = vector.shape_cast %swap3A_913 : vector<1x16xf32> to vector<16xf32>
        %swap3A_915 = vector.shape_cast %mul3A_910 : vector<16xf32> to vector<1x16xf32>
        tpu.vector_store %arg12[%swap3A_911, %swap3A_912], %swap3A_915 {strides = array<i32>} : memref<80x128xf32, #tpu.memory_space<vmem>>, vector<1x16xf32>,
        %get3A_916 = arith.index_cast %add3A_845 : i32 to index
        %get3A_917 = arith.constant 112 : index
        %get3A_918 = tpu.vector_load %arg12[%get3A_916, %get3A_917] {strides = array<i32>} : memref<80x128xf32, #tpu.memory_space<vmem>>, vector<1x16xf32>,
        %get3A_919 = vector.shape_cast %get3A_918 : vector<1x16xf32> to vector<16xf32>
        %mul3A_920 = arith.mulf %get3A_919, %gather3A_841 : vector<16xf32>
        %swap3A_921 = arith.index_cast %add3A_845 : i32 to index
        %swap3A_922 = arith.constant 112 : index
        %swap3A_923 = tpu.vector_load %arg12[%swap3A_921, %swap3A_922] {strides = array<i32>} : memref<80x128xf32, #tpu.memory_space<vmem>>, vector<1x16xf32>,
        %swap3A_924 = vector.shape_cast %swap3A_923 : vector<1x16xf32> to vector<16xf32>
        %swap3A_925 = vector.shape_cast %mul3A_920 : vector<16xf32> to vector<1x16xf32>
        tpu.vector_store %arg12[%swap3A_921, %swap3A_922], %swap3A_925 {strides = array<i32>} : memref<80x128xf32, #tpu.memory_space<vmem>>, vector<1x16xf32>,
        %broadcast_in_dim3A_926 = arith.constant 9 : i32
        %broadcast_in_dim3A_927 = vector.broadcast %broadcast_in_dim3A_926 : i32 to vector<16x1xi32>
        %gather3A_928 = vector.shape_cast %broadcast_in_dim3A_927 : vector<16x1xi32> to vector<16xi32>
        %gather3A_929 = tpu.dynamic_gather %get3A_135[%gather3A_928] in [0] : vector<16xf32>, vector<16xi32> -> vector<16xf32>
        %mul3A_930 = arith.constant 16 : i32
        %mul3A_931 = arith.muli %scan3A_131, %mul3A_930 : i32
        %add3A_932 = arith.constant 9 : i32
        %add3A_933 = arith.addi %mul3A_931, %add3A_932 : i32
        %get3A_934 = arith.index_cast %add3A_933 : i32 to index
        %get3A_935 = arith.constant 0 : index
        %get3A_936 = tpu.vector_load %arg12[%get3A_934, %get3A_935] {strides = array<i32>} : memref<80x128xf32, #tpu.memory_space<vmem>>, vector<1x16xf32>,
        %get3A_937 = vector.shape_cast %get3A_936 : vector<1x16xf32> to vector<16xf32>
        %mul3A_938 = arith.mulf %get3A_937, %gather3A_929 : vector<16xf32>
        %swap3A_939 = arith.index_cast %add3A_933 : i32 to index
        %swap3A_940 = arith.constant 0 : index
        %swap3A_941 = tpu.vector_load %arg12[%swap3A_939, %swap3A_940] {strides = array<i32>} : memref<80x128xf32, #tpu.memory_space<vmem>>, vector<1x16xf32>,
        %swap3A_942 = vector.shape_cast %swap3A_941 : vector<1x16xf32> to vector<16xf32>
        %swap3A_943 = vector.shape_cast %mul3A_938 : vector<16xf32> to vector<1x16xf32>
        tpu.vector_store %arg12[%swap3A_939, %swap3A_940], %swap3A_943 {strides = array<i32>} : memref<80x128xf32, #tpu.memory_space<vmem>>, vector<1x16xf32>,
        %get3A_944 = arith.index_cast %add3A_933 : i32 to index
        %get3A_945 = arith.constant 16 : index
        %get3A_946 = tpu.vector_load %arg12[%get3A_944, %get3A_945] {strides = array<i32>} : memref<80x128xf32, #tpu.memory_space<vmem>>, vector<1x16xf32>,
        %get3A_947 = vector.shape_cast %get3A_946 : vector<1x16xf32> to vector<16xf32>
        %mul3A_948 = arith.mulf %get3A_947, %gather3A_929 : vector<16xf32>
        %swap3A_949 = arith.index_cast %add3A_933 : i32 to index
        %swap3A_950 = arith.constant 16 : index
        %swap3A_951 = tpu.vector_load %arg12[%swap3A_949, %swap3A_950] {strides = array<i32>} : memref<80x128xf32, #tpu.memory_space<vmem>>, vector<1x16xf32>,
        %swap3A_952 = vector.shape_cast %swap3A_951 : vector<1x16xf32> to vector<16xf32>
        %swap3A_953 = vector.shape_cast %mul3A_948 : vector<16xf32> to vector<1x16xf32>
        tpu.vector_store %arg12[%swap3A_949, %swap3A_950], %swap3A_953 {strides = array<i32>} : memref<80x128xf32, #tpu.memory_space<vmem>>, vector<1x16xf32>,
        %get3A_954 = arith.index_cast %add3A_933 : i32 to index
        %get3A_955 = arith.constant 32 : index
        %get3A_956 = tpu.vector_load %arg12[%get3A_954, %get3A_955] {strides = array<i32>} : memref<80x128xf32, #tpu.memory_space<vmem>>, vector<1x16xf32>,
        %get3A_957 = vector.shape_cast %get3A_956 : vector<1x16xf32> to vector<16xf32>
        %mul3A_958 = arith.mulf %get3A_957, %gather3A_929 : vector<16xf32>
        %swap3A_959 = arith.index_cast %add3A_933 : i32 to index
        %swap3A_960 = arith.constant 32 : index
        %swap3A_961 = tpu.vector_load %arg12[%swap3A_959, %swap3A_960] {strides = array<i32>} : memref<80x128xf32, #tpu.memory_space<vmem>>, vector<1x16xf32>,
        %swap3A_962 = vector.shape_cast %swap3A_961 : vector<1x16xf32> to vector<16xf32>
        %swap3A_963 = vector.shape_cast %mul3A_958 : vector<16xf32> to vector<1x16xf32>
        tpu.vector_store %arg12[%swap3A_959, %swap3A_960], %swap3A_963 {strides = array<i32>} : memref<80x128xf32, #tpu.memory_space<vmem>>, vector<1x16xf32>,
        %get3A_964 = arith.index_cast %add3A_933 : i32 to index
        %get3A_965 = arith.constant 48 : index
        %get3A_966 = tpu.vector_load %arg12[%get3A_964, %get3A_965] {strides = array<i32>} : memref<80x128xf32, #tpu.memory_space<vmem>>, vector<1x16xf32>,
        %get3A_967 = vector.shape_cast %get3A_966 : vector<1x16xf32> to vector<16xf32>
        %mul3A_968 = arith.mulf %get3A_967, %gather3A_929 : vector<16xf32>
        %swap3A_969 = arith.index_cast %add3A_933 : i32 to index
        %swap3A_970 = arith.constant 48 : index
        %swap3A_971 = tpu.vector_load %arg12[%swap3A_969, %swap3A_970] {strides = array<i32>} : memref<80x128xf32, #tpu.memory_space<vmem>>, vector<1x16xf32>,
        %swap3A_972 = vector.shape_cast %swap3A_971 : vector<1x16xf32> to vector<16xf32>
        %swap3A_973 = vector.shape_cast %mul3A_968 : vector<16xf32> to vector<1x16xf32>
        tpu.vector_store %arg12[%swap3A_969, %swap3A_970], %swap3A_973 {strides = array<i32>} : memref<80x128xf32, #tpu.memory_space<vmem>>, vector<1x16xf32>,
        %get3A_974 = arith.index_cast %add3A_933 : i32 to index
        %get3A_975 = arith.constant 64 : index
        %get3A_976 = tpu.vector_load %arg12[%get3A_974, %get3A_975] {strides = array<i32>} : memref<80x128xf32, #tpu.memory_space<vmem>>, vector<1x16xf32>,
        %get3A_977 = vector.shape_cast %get3A_976 : vector<1x16xf32> to vector<16xf32>
        %mul3A_978 = arith.mulf %get3A_977, %gather3A_929 : vector<16xf32>
        %swap3A_979 = arith.index_cast %add3A_933 : i32 to index
        %swap3A_980 = arith.constant 64 : index
        %swap3A_981 = tpu.vector_load %arg12[%swap3A_979, %swap3A_980] {strides = array<i32>} : memref<80x128xf32, #tpu.memory_space<vmem>>, vector<1x16xf32>,
        %swap3A_982 = vector.shape_cast %swap3A_981 : vector<1x16xf32> to vector<16xf32>
        %swap3A_983 = vector.shape_cast %mul3A_978 : vector<16xf32> to vector<1x16xf32>
        tpu.vector_store %arg12[%swap3A_979, %swap3A_980], %swap3A_983 {strides = array<i32>} : memref<80x128xf32, #tpu.memory_space<vmem>>, vector<1x16xf32>,
        %get3A_984 = arith.index_cast %add3A_933 : i32 to index
        %get3A_985 = arith.constant 80 : index
        %get3A_986 = tpu.vector_load %arg12[%get3A_984, %get3A_985] {strides = array<i32>} : memref<80x128xf32, #tpu.memory_space<vmem>>, vector<1x16xf32>,
        %get3A_987 = vector.shape_cast %get3A_986 : vector<1x16xf32> to vector<16xf32>
        %mul3A_988 = arith.mulf %get3A_987, %gather3A_929 : vector<16xf32>
        %swap3A_989 = arith.index_cast %add3A_933 : i32 to index
        %swap3A_990 = arith.constant 80 : index
        %swap3A_991 = tpu.vector_load %arg12[%swap3A_989, %swap3A_990] {strides = array<i32>} : memref<80x128xf32, #tpu.memory_space<vmem>>, vector<1x16xf32>,
        %swap3A_992 = vector.shape_cast %swap3A_991 : vector<1x16xf32> to vector<16xf32>
        %swap3A_993 = vector.shape_cast %mul3A_988 : vector<16xf32> to vector<1x16xf32>
        tpu.vector_store %arg12[%swap3A_989, %swap3A_990], %swap3A_993 {strides = array<i32>} : memref<80x128xf32, #tpu.memory_space<vmem>>, vector<1x16xf32>,
        %get3A_994 = arith.index_cast %add3A_933 : i32 to index
        %get3A_995 = arith.constant 96 : index
        %get3A_996 = tpu.vector_load %arg12[%get3A_994, %get3A_995] {strides = array<i32>} : memref<80x128xf32, #tpu.memory_space<vmem>>, vector<1x16xf32>,
        %get3A_997 = vector.shape_cast %get3A_996 : vector<1x16xf32> to vector<16xf32>
        %mul3A_998 = arith.mulf %get3A_997, %gather3A_929 : vector<16xf32>
        %swap3A_999 = arith.index_cast %add3A_933 : i32 to index
        %swap3A_1000 = arith.constant 96 : index
        %swap3A_1001 = tpu.vector_load %arg12[%swap3A_999, %swap3A_1000] {strides = array<i32>} : memref<80x128xf32, #tpu.memory_space<vmem>>, vector<1x16xf32>,
        %swap3A_1002 = vector.shape_cast %swap3A_1001 : vector<1x16xf32> to vector<16xf32>
        %swap3A_1003 = vector.shape_cast %mul3A_998 : vector<16xf32> to vector<1x16xf32>
        tpu.vector_store %arg12[%swap3A_999, %swap3A_1000], %swap3A_1003 {strides = array<i32>} : memref<80x128xf32, #tpu.memory_space<vmem>>, vector<1x16xf32>,
        %get3A_1004 = arith.index_cast %add3A_933 : i32 to index
        %get3A_1005 = arith.constant 112 : index
        %get3A_1006 = tpu.vector_load %arg12[%get3A_1004, %get3A_1005] {strides = array<i32>} : memref<80x128xf32, #tpu.memory_space<vmem>>, vector<1x16xf32>,
        %get3A_1007 = vector.shape_cast %get3A_1006 : vector<1x16xf32> to vector<16xf32>
        %mul3A_1008 = arith.mulf %get3A_1007, %gather3A_929 : vector<16xf32>
        %swap3A_1009 = arith.index_cast %add3A_933 : i32 to index
        %swap3A_1010 = arith.constant 112 : index
        %swap3A_1011 = tpu.vector_load %arg12[%swap3A_1009, %swap3A_1010] {strides = array<i32>} : memref<80x128xf32, #tpu.memory_space<vmem>>, vector<1x16xf32>,
        %swap3A_1012 = vector.shape_cast %swap3A_1011 : vector<1x16xf32> to vector<16xf32>
        %swap3A_1013 = vector.shape_cast %mul3A_1008 : vector<16xf32> to vector<1x16xf32>
        tpu.vector_store %arg12[%swap3A_1009, %swap3A_1010], %swap3A_1013 {strides = array<i32>} : memref<80x128xf32, #tpu.memory_space<vmem>>, vector<1x16xf32>,
        %broadcast_in_dim3A_1014 = arith.constant 10 : i32
        %broadcast_in_dim3A_1015 = vector.broadcast %broadcast_in_dim3A_1014 : i32 to vector<16x1xi32>
        %gather3A_1016 = vector.shape_cast %broadcast_in_dim3A_1015 : vector<16x1xi32> to vector<16xi32>
        %gather3A_1017 = tpu.dynamic_gather %get3A_135[%gather3A_1016] in [0] : vector<16xf32>, vector<16xi32> -> vector<16xf32>
        %mul3A_1018 = arith.constant 16 : i32
        %mul3A_1019 = arith.muli %scan3A_131, %mul3A_1018 : i32
        %add3A_1020 = arith.constant 10 : i32
        %add3A_1021 = arith.addi %mul3A_1019, %add3A_1020 : i32
        %get3A_1022 = arith.index_cast %add3A_1021 : i32 to index
        %get3A_1023 = arith.constant 0 : index
        %get3A_1024 = tpu.vector_load %arg12[%get3A_1022, %get3A_1023] {strides = array<i32>} : memref<80x128xf32, #tpu.memory_space<vmem>>, vector<1x16xf32>,
        %get3A_1025 = vector.shape_cast %get3A_1024 : vector<1x16xf32> to vector<16xf32>
        %mul3A_1026 = arith.mulf %get3A_1025, %gather3A_1017 : vector<16xf32>
        %swap3A_1027 = arith.index_cast %add3A_1021 : i32 to index
        %swap3A_1028 = arith.constant 0 : index
        %swap3A_1029 = tpu.vector_load %arg12[%swap3A_1027, %swap3A_1028] {strides = array<i32>} : memref<80x128xf32, #tpu.memory_space<vmem>>, vector<1x16xf32>,
        %swap3A_1030 = vector.shape_cast %swap3A_1029 : vector<1x16xf32> to vector<16xf32>
        %swap3A_1031 = vector.shape_cast %mul3A_1026 : vector<16xf32> to vector<1x16xf32>
        tpu.vector_store %arg12[%swap3A_1027, %swap3A_1028], %swap3A_1031 {strides = array<i32>} : memref<80x128xf32, #tpu.memory_space<vmem>>, vector<1x16xf32>,
        %get3A_1032 = arith.index_cast %add3A_1021 : i32 to index
        %get3A_1033 = arith.constant 16 : index
        %get3A_1034 = tpu.vector_load %arg12[%get3A_1032, %get3A_1033] {strides = array<i32>} : memref<80x128xf32, #tpu.memory_space<vmem>>, vector<1x16xf32>,
        %get3A_1035 = vector.shape_cast %get3A_1034 : vector<1x16xf32> to vector<16xf32>
        %mul3A_1036 = arith.mulf %get3A_1035, %gather3A_1017 : vector<16xf32>
        %swap3A_1037 = arith.index_cast %add3A_1021 : i32 to index
        %swap3A_1038 = arith.constant 16 : index
        %swap3A_1039 = tpu.vector_load %arg12[%swap3A_1037, %swap3A_1038] {strides = array<i32>} : memref<80x128xf32, #tpu.memory_space<vmem>>, vector<1x16xf32>,
        %swap3A_1040 = vector.shape_cast %swap3A_1039 : vector<1x16xf32> to vector<16xf32>
        %swap3A_1041 = vector.shape_cast %mul3A_1036 : vector<16xf32> to vector<1x16xf32>
        tpu.vector_store %arg12[%swap3A_1037, %swap3A_1038], %swap3A_1041 {strides = array<i32>} : memref<80x128xf32, #tpu.memory_space<vmem>>, vector<1x16xf32>,
        %get3A_1042 = arith.index_cast %add3A_1021 : i32 to index
        %get3A_1043 = arith.constant 32 : index
        %get3A_1044 = tpu.vector_load %arg12[%get3A_1042, %get3A_1043] {strides = array<i32>} : memref<80x128xf32, #tpu.memory_space<vmem>>, vector<1x16xf32>,
        %get3A_1045 = vector.shape_cast %get3A_1044 : vector<1x16xf32> to vector<16xf32>
        %mul3A_1046 = arith.mulf %get3A_1045, %gather3A_1017 : vector<16xf32>
        %swap3A_1047 = arith.index_cast %add3A_1021 : i32 to index
        %swap3A_1048 = arith.constant 32 : index
        %swap3A_1049 = tpu.vector_load %arg12[%swap3A_1047, %swap3A_1048] {strides = array<i32>} : memref<80x128xf32, #tpu.memory_space<vmem>>, vector<1x16xf32>,
        %swap3A_1050 = vector.shape_cast %swap3A_1049 : vector<1x16xf32> to vector<16xf32>
        %swap3A_1051 = vector.shape_cast %mul3A_1046 : vector<16xf32> to vector<1x16xf32>
        tpu.vector_store %arg12[%swap3A_1047, %swap3A_1048], %swap3A_1051 {strides = array<i32>} : memref<80x128xf32, #tpu.memory_space<vmem>>, vector<1x16xf32>,
        %get3A_1052 = arith.index_cast %add3A_1021 : i32 to index
        %get3A_1053 = arith.constant 48 : index
        %get3A_1054 = tpu.vector_load %arg12[%get3A_1052, %get3A_1053] {strides = array<i32>} : memref<80x128xf32, #tpu.memory_space<vmem>>, vector<1x16xf32>,
        %get3A_1055 = vector.shape_cast %get3A_1054 : vector<1x16xf32> to vector<16xf32>
        %mul3A_1056 = arith.mulf %get3A_1055, %gather3A_1017 : vector<16xf32>
        %swap3A_1057 = arith.index_cast %add3A_1021 : i32 to index
        %swap3A_1058 = arith.constant 48 : index
        %swap3A_1059 = tpu.vector_load %arg12[%swap3A_1057, %swap3A_1058] {strides = array<i32>} : memref<80x128xf32, #tpu.memory_space<vmem>>, vector<1x16xf32>,
        %swap3A_1060 = vector.shape_cast %swap3A_1059 : vector<1x16xf32> to vector<16xf32>
        %swap3A_1061 = vector.shape_cast %mul3A_1056 : vector<16xf32> to vector<1x16xf32>
        tpu.vector_store %arg12[%swap3A_1057, %swap3A_1058], %swap3A_1061 {strides = array<i32>} : memref<80x128xf32, #tpu.memory_space<vmem>>, vector<1x16xf32>,
        %get3A_1062 = arith.index_cast %add3A_1021 : i32 to index
        %get3A_1063 = arith.constant 64 : index
        %get3A_1064 = tpu.vector_load %arg12[%get3A_1062, %get3A_1063] {strides = array<i32>} : memref<80x128xf32, #tpu.memory_space<vmem>>, vector<1x16xf32>,
        %get3A_1065 = vector.shape_cast %get3A_1064 : vector<1x16xf32> to vector<16xf32>
        %mul3A_1066 = arith.mulf %get3A_1065, %gather3A_1017 : vector<16xf32>
        %swap3A_1067 = arith.index_cast %add3A_1021 : i32 to index
        %swap3A_1068 = arith.constant 64 : index
        %swap3A_1069 = tpu.vector_load %arg12[%swap3A_1067, %swap3A_1068] {strides = array<i32>} : memref<80x128xf32, #tpu.memory_space<vmem>>, vector<1x16xf32>,
        %swap3A_1070 = vector.shape_cast %swap3A_1069 : vector<1x16xf32> to vector<16xf32>
        %swap3A_1071 = vector.shape_cast %mul3A_1066 : vector<16xf32> to vector<1x16xf32>
        tpu.vector_store %arg12[%swap3A_1067, %swap3A_1068], %swap3A_1071 {strides = array<i32>} : memref<80x128xf32, #tpu.memory_space<vmem>>, vector<1x16xf32>,
        %get3A_1072 = arith.index_cast %add3A_1021 : i32 to index
        %get3A_1073 = arith.constant 80 : index
        %get3A_1074 = tpu.vector_load %arg12[%get3A_1072, %get3A_1073] {strides = array<i32>} : memref<80x128xf32, #tpu.memory_space<vmem>>, vector<1x16xf32>,
        %get3A_1075 = vector.shape_cast %get3A_1074 : vector<1x16xf32> to vector<16xf32>
        %mul3A_1076 = arith.mulf %get3A_1075, %gather3A_1017 : vector<16xf32>
        %swap3A_1077 = arith.index_cast %add3A_1021 : i32 to index
        %swap3A_1078 = arith.constant 80 : index
        %swap3A_1079 = tpu.vector_load %arg12[%swap3A_1077, %swap3A_1078] {strides = array<i32>} : memref<80x128xf32, #tpu.memory_space<vmem>>, vector<1x16xf32>,
        %swap3A_1080 = vector.shape_cast %swap3A_1079 : vector<1x16xf32> to vector<16xf32>
        %swap3A_1081 = vector.shape_cast %mul3A_1076 : vector<16xf32> to vector<1x16xf32>
        tpu.vector_store %arg12[%swap3A_1077, %swap3A_1078], %swap3A_1081 {strides = array<i32>} : memref<80x128xf32, #tpu.memory_space<vmem>>, vector<1x16xf32>,
        %get3A_1082 = arith.index_cast %add3A_1021 : i32 to index
        %get3A_1083 = arith.constant 96 : index
        %get3A_1084 = tpu.vector_load %arg12[%get3A_1082, %get3A_1083] {strides = array<i32>} : memref<80x128xf32, #tpu.memory_space<vmem>>, vector<1x16xf32>,
        %get3A_1085 = vector.shape_cast %get3A_1084 : vector<1x16xf32> to vector<16xf32>
        %mul3A_1086 = arith.mulf %get3A_1085, %gather3A_1017 : vector<16xf32>
        %swap3A_1087 = arith.index_cast %add3A_1021 : i32 to index
        %swap3A_1088 = arith.constant 96 : index
        %swap3A_1089 = tpu.vector_load %arg12[%swap3A_1087, %swap3A_1088] {strides = array<i32>} : memref<80x128xf32, #tpu.memory_space<vmem>>, vector<1x16xf32>,
        %swap3A_1090 = vector.shape_cast %swap3A_1089 : vector<1x16xf32> to vector<16xf32>
        %swap3A_1091 = vector.shape_cast %mul3A_1086 : vector<16xf32> to vector<1x16xf32>
        tpu.vector_store %arg12[%swap3A_1087, %swap3A_1088], %swap3A_1091 {strides = array<i32>} : memref<80x128xf32, #tpu.memory_space<vmem>>, vector<1x16xf32>,
        %get3A_1092 = arith.index_cast %add3A_1021 : i32 to index
        %get3A_1093 = arith.constant 112 : index
        %get3A_1094 = tpu.vector_load %arg12[%get3A_1092, %get3A_1093] {strides = array<i32>} : memref<80x128xf32, #tpu.memory_space<vmem>>, vector<1x16xf32>,
        %get3A_1095 = vector.shape_cast %get3A_1094 : vector<1x16xf32> to vector<16xf32>
        %mul3A_1096 = arith.mulf %get3A_1095, %gather3A_1017 : vector<16xf32>
        %swap3A_1097 = arith.index_cast %add3A_1021 : i32 to index
        %swap3A_1098 = arith.constant 112 : index
        %swap3A_1099 = tpu.vector_load %arg12[%swap3A_1097, %swap3A_1098] {strides = array<i32>} : memref<80x128xf32, #tpu.memory_space<vmem>>, vector<1x16xf32>,
        %swap3A_1100 = vector.shape_cast %swap3A_1099 : vector<1x16xf32> to vector<16xf32>
        %swap3A_1101 = vector.shape_cast %mul3A_1096 : vector<16xf32> to vector<1x16xf32>
        tpu.vector_store %arg12[%swap3A_1097, %swap3A_1098], %swap3A_1101 {strides = array<i32>} : memref<80x128xf32, #tpu.memory_space<vmem>>, vector<1x16xf32>,
        %broadcast_in_dim3A_1102 = arith.constant 11 : i32
        %broadcast_in_dim3A_1103 = vector.broadcast %broadcast_in_dim3A_1102 : i32 to vector<16x1xi32>
        %gather3A_1104 = vector.shape_cast %broadcast_in_dim3A_1103 : vector<16x1xi32> to vector<16xi32>
        %gather3A_1105 = tpu.dynamic_gather %get3A_135[%gather3A_1104] in [0] : vector<16xf32>, vector<16xi32> -> vector<16xf32>
        %mul3A_1106 = arith.constant 16 : i32
        %mul3A_1107 = arith.muli %scan3A_131, %mul3A_1106 : i32
        %add3A_1108 = arith.constant 11 : i32
        %add3A_1109 = arith.addi %mul3A_1107, %add3A_1108 : i32
        %get3A_1110 = arith.index_cast %add3A_1109 : i32 to index
        %get3A_1111 = arith.constant 0 : index
        %get3A_1112 = tpu.vector_load %arg12[%get3A_1110, %get3A_1111] {strides = array<i32>} : memref<80x128xf32, #tpu.memory_space<vmem>>, vector<1x16xf32>,
        %get3A_1113 = vector.shape_cast %get3A_1112 : vector<1x16xf32> to vector<16xf32>
        %mul3A_1114 = arith.mulf %get3A_1113, %gather3A_1105 : vector<16xf32>
        %swap3A_1115 = arith.index_cast %add3A_1109 : i32 to index
        %swap3A_1116 = arith.constant 0 : index
        %swap3A_1117 = tpu.vector_load %arg12[%swap3A_1115, %swap3A_1116] {strides = array<i32>} : memref<80x128xf32, #tpu.memory_space<vmem>>, vector<1x16xf32>,
        %swap3A_1118 = vector.shape_cast %swap3A_1117 : vector<1x16xf32> to vector<16xf32>
        %swap3A_1119 = vector.shape_cast %mul3A_1114 : vector<16xf32> to vector<1x16xf32>
        tpu.vector_store %arg12[%swap3A_1115, %swap3A_1116], %swap3A_1119 {strides = array<i32>} : memref<80x128xf32, #tpu.memory_space<vmem>>, vector<1x16xf32>,
        %get3A_1120 = arith.index_cast %add3A_1109 : i32 to index
        %get3A_1121 = arith.constant 16 : index
        %get3A_1122 = tpu.vector_load %arg12[%get3A_1120, %get3A_1121] {strides = array<i32>} : memref<80x128xf32, #tpu.memory_space<vmem>>, vector<1x16xf32>,
        %get3A_1123 = vector.shape_cast %get3A_1122 : vector<1x16xf32> to vector<16xf32>
        %mul3A_1124 = arith.mulf %get3A_1123, %gather3A_1105 : vector<16xf32>
        %swap3A_1125 = arith.index_cast %add3A_1109 : i32 to index
        %swap3A_1126 = arith.constant 16 : index
        %swap3A_1127 = tpu.vector_load %arg12[%swap3A_1125, %swap3A_1126] {strides = array<i32>} : memref<80x128xf32, #tpu.memory_space<vmem>>, vector<1x16xf32>,
        %swap3A_1128 = vector.shape_cast %swap3A_1127 : vector<1x16xf32> to vector<16xf32>
        %swap3A_1129 = vector.shape_cast %mul3A_1124 : vector<16xf32> to vector<1x16xf32>
        tpu.vector_store %arg12[%swap3A_1125, %swap3A_1126], %swap3A_1129 {strides = array<i32>} : memref<80x128xf32, #tpu.memory_space<vmem>>, vector<1x16xf32>,
        %get3A_1130 = arith.index_cast %add3A_1109 : i32 to index
        %get3A_1131 = arith.constant 32 : index
        %get3A_1132 = tpu.vector_load %arg12[%get3A_1130, %get3A_1131] {strides = array<i32>} : memref<80x128xf32, #tpu.memory_space<vmem>>, vector<1x16xf32>,
        %get3A_1133 = vector.shape_cast %get3A_1132 : vector<1x16xf32> to vector<16xf32>
        %mul3A_1134 = arith.mulf %get3A_1133, %gather3A_1105 : vector<16xf32>
        %swap3A_1135 = arith.index_cast %add3A_1109 : i32 to index
        %swap3A_1136 = arith.constant 32 : index
        %swap3A_1137 = tpu.vector_load %arg12[%swap3A_1135, %swap3A_1136] {strides = array<i32>} : memref<80x128xf32, #tpu.memory_space<vmem>>, vector<1x16xf32>,
        %swap3A_1138 = vector.shape_cast %swap3A_1137 : vector<1x16xf32> to vector<16xf32>
        %swap3A_1139 = vector.shape_cast %mul3A_1134 : vector<16xf32> to vector<1x16xf32>
        tpu.vector_store %arg12[%swap3A_1135, %swap3A_1136], %swap3A_1139 {strides = array<i32>} : memref<80x128xf32, #tpu.memory_space<vmem>>, vector<1x16xf32>,
        %get3A_1140 = arith.index_cast %add3A_1109 : i32 to index
        %get3A_1141 = arith.constant 48 : index
        %get3A_1142 = tpu.vector_load %arg12[%get3A_1140, %get3A_1141] {strides = array<i32>} : memref<80x128xf32, #tpu.memory_space<vmem>>, vector<1x16xf32>,
        %get3A_1143 = vector.shape_cast %get3A_1142 : vector<1x16xf32> to vector<16xf32>
        %mul3A_1144 = arith.mulf %get3A_1143, %gather3A_1105 : vector<16xf32>
        %swap3A_1145 = arith.index_cast %add3A_1109 : i32 to index
        %swap3A_1146 = arith.constant 48 : index
        %swap3A_1147 = tpu.vector_load %arg12[%swap3A_1145, %swap3A_1146] {strides = array<i32>} : memref<80x128xf32, #tpu.memory_space<vmem>>, vector<1x16xf32>,
        %swap3A_1148 = vector.shape_cast %swap3A_1147 : vector<1x16xf32> to vector<16xf32>
        %swap3A_1149 = vector.shape_cast %mul3A_1144 : vector<16xf32> to vector<1x16xf32>
        tpu.vector_store %arg12[%swap3A_1145, %swap3A_1146], %swap3A_1149 {strides = array<i32>} : memref<80x128xf32, #tpu.memory_space<vmem>>, vector<1x16xf32>,
        %get3A_1150 = arith.index_cast %add3A_1109 : i32 to index
        %get3A_1151 = arith.constant 64 : index
        %get3A_1152 = tpu.vector_load %arg12[%get3A_1150, %get3A_1151] {strides = array<i32>} : memref<80x128xf32, #tpu.memory_space<vmem>>, vector<1x16xf32>,
        %get3A_1153 = vector.shape_cast %get3A_1152 : vector<1x16xf32> to vector<16xf32>
        %mul3A_1154 = arith.mulf %get3A_1153, %gather3A_1105 : vector<16xf32>
        %swap3A_1155 = arith.index_cast %add3A_1109 : i32 to index
        %swap3A_1156 = arith.constant 64 : index
        %swap3A_1157 = tpu.vector_load %arg12[%swap3A_1155, %swap3A_1156] {strides = array<i32>} : memref<80x128xf32, #tpu.memory_space<vmem>>, vector<1x16xf32>,
        %swap3A_1158 = vector.shape_cast %swap3A_1157 : vector<1x16xf32> to vector<16xf32>
        %swap3A_1159 = vector.shape_cast %mul3A_1154 : vector<16xf32> to vector<1x16xf32>
        tpu.vector_store %arg12[%swap3A_1155, %swap3A_1156], %swap3A_1159 {strides = array<i32>} : memref<80x128xf32, #tpu.memory_space<vmem>>, vector<1x16xf32>,
        %get3A_1160 = arith.index_cast %add3A_1109 : i32 to index
        %get3A_1161 = arith.constant 80 : index
        %get3A_1162 = tpu.vector_load %arg12[%get3A_1160, %get3A_1161] {strides = array<i32>} : memref<80x128xf32, #tpu.memory_space<vmem>>, vector<1x16xf32>,
        %get3A_1163 = vector.shape_cast %get3A_1162 : vector<1x16xf32> to vector<16xf32>
        %mul3A_1164 = arith.mulf %get3A_1163, %gather3A_1105 : vector<16xf32>
        %swap3A_1165 = arith.index_cast %add3A_1109 : i32 to index
        %swap3A_1166 = arith.constant 80 : index
        %swap3A_1167 = tpu.vector_load %arg12[%swap3A_1165, %swap3A_1166] {strides = array<i32>} : memref<80x128xf32, #tpu.memory_space<vmem>>, vector<1x16xf32>,
        %swap3A_1168 = vector.shape_cast %swap3A_1167 : vector<1x16xf32> to vector<16xf32>
        %swap3A_1169 = vector.shape_cast %mul3A_1164 : vector<16xf32> to vector<1x16xf32>
        tpu.vector_store %arg12[%swap3A_1165, %swap3A_1166], %swap3A_1169 {strides = array<i32>} : memref<80x128xf32, #tpu.memory_space<vmem>>, vector<1x16xf32>,
        %get3A_1170 = arith.index_cast %add3A_1109 : i32 to index
        %get3A_1171 = arith.constant 96 : index
        %get3A_1172 = tpu.vector_load %arg12[%get3A_1170, %get3A_1171] {strides = array<i32>} : memref<80x128xf32, #tpu.memory_space<vmem>>, vector<1x16xf32>,
        %get3A_1173 = vector.shape_cast %get3A_1172 : vector<1x16xf32> to vector<16xf32>
        %mul3A_1174 = arith.mulf %get3A_1173, %gather3A_1105 : vector<16xf32>
        %swap3A_1175 = arith.index_cast %add3A_1109 : i32 to index
        %swap3A_1176 = arith.constant 96 : index
        %swap3A_1177 = tpu.vector_load %arg12[%swap3A_1175, %swap3A_1176] {strides = array<i32>} : memref<80x128xf32, #tpu.memory_space<vmem>>, vector<1x16xf32>,
        %swap3A_1178 = vector.shape_cast %swap3A_1177 : vector<1x16xf32> to vector<16xf32>
        %swap3A_1179 = vector.shape_cast %mul3A_1174 : vector<16xf32> to vector<1x16xf32>
        tpu.vector_store %arg12[%swap3A_1175, %swap3A_1176], %swap3A_1179 {strides = array<i32>} : memref<80x128xf32, #tpu.memory_space<vmem>>, vector<1x16xf32>,
        %get3A_1180 = arith.index_cast %add3A_1109 : i32 to index
        %get3A_1181 = arith.constant 112 : index
        %get3A_1182 = tpu.vector_load %arg12[%get3A_1180, %get3A_1181] {strides = array<i32>} : memref<80x128xf32, #tpu.memory_space<vmem>>, vector<1x16xf32>,
        %get3A_1183 = vector.shape_cast %get3A_1182 : vector<1x16xf32> to vector<16xf32>
        %mul3A_1184 = arith.mulf %get3A_1183, %gather3A_1105 : vector<16xf32>
        %swap3A_1185 = arith.index_cast %add3A_1109 : i32 to index
        %swap3A_1186 = arith.constant 112 : index
        %swap3A_1187 = tpu.vector_load %arg12[%swap3A_1185, %swap3A_1186] {strides = array<i32>} : memref<80x128xf32, #tpu.memory_space<vmem>>, vector<1x16xf32>,
        %swap3A_1188 = vector.shape_cast %swap3A_1187 : vector<1x16xf32> to vector<16xf32>
        %swap3A_1189 = vector.shape_cast %mul3A_1184 : vector<16xf32> to vector<1x16xf32>
        tpu.vector_store %arg12[%swap3A_1185, %swap3A_1186], %swap3A_1189 {strides = array<i32>} : memref<80x128xf32, #tpu.memory_space<vmem>>, vector<1x16xf32>,
        %broadcast_in_dim3A_1190 = arith.constant 12 : i32
        %broadcast_in_dim3A_1191 = vector.broadcast %broadcast_in_dim3A_1190 : i32 to vector<16x1xi32>
        %gather3A_1192 = vector.shape_cast %broadcast_in_dim3A_1191 : vector<16x1xi32> to vector<16xi32>
        %gather3A_1193 = tpu.dynamic_gather %get3A_135[%gather3A_1192] in [0] : vector<16xf32>, vector<16xi32> -> vector<16xf32>
        %mul3A_1194 = arith.constant 16 : i32
        %mul3A_1195 = arith.muli %scan3A_131, %mul3A_1194 : i32
        %add3A_1196 = arith.constant 12 : i32
        %add3A_1197 = arith.addi %mul3A_1195, %add3A_1196 : i32
        %get3A_1198 = arith.index_cast %add3A_1197 : i32 to index
        %get3A_1199 = arith.constant 0 : index
        %get3A_1200 = tpu.vector_load %arg12[%get3A_1198, %get3A_1199] {strides = array<i32>} : memref<80x128xf32, #tpu.memory_space<vmem>>, vector<1x16xf32>,
        %get3A_1201 = vector.shape_cast %get3A_1200 : vector<1x16xf32> to vector<16xf32>
        %mul3A_1202 = arith.mulf %get3A_1201, %gather3A_1193 : vector<16xf32>
        %swap3A_1203 = arith.index_cast %add3A_1197 : i32 to index
        %swap3A_1204 = arith.constant 0 : index
        %swap3A_1205 = tpu.vector_load %arg12[%swap3A_1203, %swap3A_1204] {strides = array<i32>} : memref<80x128xf32, #tpu.memory_space<vmem>>, vector<1x16xf32>,
        %swap3A_1206 = vector.shape_cast %swap3A_1205 : vector<1x16xf32> to vector<16xf32>
        %swap3A_1207 = vector.shape_cast %mul3A_1202 : vector<16xf32> to vector<1x16xf32>
        tpu.vector_store %arg12[%swap3A_1203, %swap3A_1204], %swap3A_1207 {strides = array<i32>} : memref<80x128xf32, #tpu.memory_space<vmem>>, vector<1x16xf32>,
        %get3A_1208 = arith.index_cast %add3A_1197 : i32 to index
        %get3A_1209 = arith.constant 16 : index
        %get3A_1210 = tpu.vector_load %arg12[%get3A_1208, %get3A_1209] {strides = array<i32>} : memref<80x128xf32, #tpu.memory_space<vmem>>, vector<1x16xf32>,
        %get3A_1211 = vector.shape_cast %get3A_1210 : vector<1x16xf32> to vector<16xf32>
        %mul3A_1212 = arith.mulf %get3A_1211, %gather3A_1193 : vector<16xf32>
        %swap3A_1213 = arith.index_cast %add3A_1197 : i32 to index
        %swap3A_1214 = arith.constant 16 : index
        %swap3A_1215 = tpu.vector_load %arg12[%swap3A_1213, %swap3A_1214] {strides = array<i32>} : memref<80x128xf32, #tpu.memory_space<vmem>>, vector<1x16xf32>,
        %swap3A_1216 = vector.shape_cast %swap3A_1215 : vector<1x16xf32> to vector<16xf32>
        %swap3A_1217 = vector.shape_cast %mul3A_1212 : vector<16xf32> to vector<1x16xf32>
        tpu.vector_store %arg12[%swap3A_1213, %swap3A_1214], %swap3A_1217 {strides = array<i32>} : memref<80x128xf32, #tpu.memory_space<vmem>>, vector<1x16xf32>,
        %get3A_1218 = arith.index_cast %add3A_1197 : i32 to index
        %get3A_1219 = arith.constant 32 : index
        %get3A_1220 = tpu.vector_load %arg12[%get3A_1218, %get3A_1219] {strides = array<i32>} : memref<80x128xf32, #tpu.memory_space<vmem>>, vector<1x16xf32>,
        %get3A_1221 = vector.shape_cast %get3A_1220 : vector<1x16xf32> to vector<16xf32>
        %mul3A_1222 = arith.mulf %get3A_1221, %gather3A_1193 : vector<16xf32>
        %swap3A_1223 = arith.index_cast %add3A_1197 : i32 to index
        %swap3A_1224 = arith.constant 32 : index
        %swap3A_1225 = tpu.vector_load %arg12[%swap3A_1223, %swap3A_1224] {strides = array<i32>} : memref<80x128xf32, #tpu.memory_space<vmem>>, vector<1x16xf32>,
        %swap3A_1226 = vector.shape_cast %swap3A_1225 : vector<1x16xf32> to vector<16xf32>
        %swap3A_1227 = vector.shape_cast %mul3A_1222 : vector<16xf32> to vector<1x16xf32>
        tpu.vector_store %arg12[%swap3A_1223, %swap3A_1224], %swap3A_1227 {strides = array<i32>} : memref<80x128xf32, #tpu.memory_space<vmem>>, vector<1x16xf32>,
        %get3A_1228 = arith.index_cast %add3A_1197 : i32 to index
        %get3A_1229 = arith.constant 48 : index
        %get3A_1230 = tpu.vector_load %arg12[%get3A_1228, %get3A_1229] {strides = array<i32>} : memref<80x128xf32, #tpu.memory_space<vmem>>, vector<1x16xf32>,
        %get3A_1231 = vector.shape_cast %get3A_1230 : vector<1x16xf32> to vector<16xf32>
        %mul3A_1232 = arith.mulf %get3A_1231, %gather3A_1193 : vector<16xf32>
        %swap3A_1233 = arith.index_cast %add3A_1197 : i32 to index
        %swap3A_1234 = arith.constant 48 : index
        %swap3A_1235 = tpu.vector_load %arg12[%swap3A_1233, %swap3A_1234] {strides = array<i32>} : memref<80x128xf32, #tpu.memory_space<vmem>>, vector<1x16xf32>,
        %swap3A_1236 = vector.shape_cast %swap3A_1235 : vector<1x16xf32> to vector<16xf32>
        %swap3A_1237 = vector.shape_cast %mul3A_1232 : vector<16xf32> to vector<1x16xf32>
        tpu.vector_store %arg12[%swap3A_1233, %swap3A_1234], %swap3A_1237 {strides = array<i32>} : memref<80x128xf32, #tpu.memory_space<vmem>>, vector<1x16xf32>,
        %get3A_1238 = arith.index_cast %add3A_1197 : i32 to index
        %get3A_1239 = arith.constant 64 : index
        %get3A_1240 = tpu.vector_load %arg12[%get3A_1238, %get3A_1239] {strides = array<i32>} : memref<80x128xf32, #tpu.memory_space<vmem>>, vector<1x16xf32>,
        %get3A_1241 = vector.shape_cast %get3A_1240 : vector<1x16xf32> to vector<16xf32>
        %mul3A_1242 = arith.mulf %get3A_1241, %gather3A_1193 : vector<16xf32>
        %swap3A_1243 = arith.index_cast %add3A_1197 : i32 to index
        %swap3A_1244 = arith.constant 64 : index
        %swap3A_1245 = tpu.vector_load %arg12[%swap3A_1243, %swap3A_1244] {strides = array<i32>} : memref<80x128xf32, #tpu.memory_space<vmem>>, vector<1x16xf32>,
        %swap3A_1246 = vector.shape_cast %swap3A_1245 : vector<1x16xf32> to vector<16xf32>
        %swap3A_1247 = vector.shape_cast %mul3A_1242 : vector<16xf32> to vector<1x16xf32>
        tpu.vector_store %arg12[%swap3A_1243, %swap3A_1244], %swap3A_1247 {strides = array<i32>} : memref<80x128xf32, #tpu.memory_space<vmem>>, vector<1x16xf32>,
        %get3A_1248 = arith.index_cast %add3A_1197 : i32 to index
        %get3A_1249 = arith.constant 80 : index
        %get3A_1250 = tpu.vector_load %arg12[%get3A_1248, %get3A_1249] {strides = array<i32>} : memref<80x128xf32, #tpu.memory_space<vmem>>, vector<1x16xf32>,
        %get3A_1251 = vector.shape_cast %get3A_1250 : vector<1x16xf32> to vector<16xf32>
        %mul3A_1252 = arith.mulf %get3A_1251, %gather3A_1193 : vector<16xf32>
        %swap3A_1253 = arith.index_cast %add3A_1197 : i32 to index
        %swap3A_1254 = arith.constant 80 : index
        %swap3A_1255 = tpu.vector_load %arg12[%swap3A_1253, %swap3A_1254] {strides = array<i32>} : memref<80x128xf32, #tpu.memory_space<vmem>>, vector<1x16xf32>,
        %swap3A_1256 = vector.shape_cast %swap3A_1255 : vector<1x16xf32> to vector<16xf32>
        %swap3A_1257 = vector.shape_cast %mul3A_1252 : vector<16xf32> to vector<1x16xf32>
        tpu.vector_store %arg12[%swap3A_1253, %swap3A_1254], %swap3A_1257 {strides = array<i32>} : memref<80x128xf32, #tpu.memory_space<vmem>>, vector<1x16xf32>,
        %get3A_1258 = arith.index_cast %add3A_1197 : i32 to index
        %get3A_1259 = arith.constant 96 : index
        %get3A_1260 = tpu.vector_load %arg12[%get3A_1258, %get3A_1259] {strides = array<i32>} : memref<80x128xf32, #tpu.memory_space<vmem>>, vector<1x16xf32>,
        %get3A_1261 = vector.shape_cast %get3A_1260 : vector<1x16xf32> to vector<16xf32>
        %mul3A_1262 = arith.mulf %get3A_1261, %gather3A_1193 : vector<16xf32>
        %swap3A_1263 = arith.index_cast %add3A_1197 : i32 to index
        %swap3A_1264 = arith.constant 96 : index
        %swap3A_1265 = tpu.vector_load %arg12[%swap3A_1263, %swap3A_1264] {strides = array<i32>} : memref<80x128xf32, #tpu.memory_space<vmem>>, vector<1x16xf32>,
        %swap3A_1266 = vector.shape_cast %swap3A_1265 : vector<1x16xf32> to vector<16xf32>
        %swap3A_1267 = vector.shape_cast %mul3A_1262 : vector<16xf32> to vector<1x16xf32>
        tpu.vector_store %arg12[%swap3A_1263, %swap3A_1264], %swap3A_1267 {strides = array<i32>} : memref<80x128xf32, #tpu.memory_space<vmem>>, vector<1x16xf32>,
        %get3A_1268 = arith.index_cast %add3A_1197 : i32 to index
        %get3A_1269 = arith.constant 112 : index
        %get3A_1270 = tpu.vector_load %arg12[%get3A_1268, %get3A_1269] {strides = array<i32>} : memref<80x128xf32, #tpu.memory_space<vmem>>, vector<1x16xf32>,
        %get3A_1271 = vector.shape_cast %get3A_1270 : vector<1x16xf32> to vector<16xf32>
        %mul3A_1272 = arith.mulf %get3A_1271, %gather3A_1193 : vector<16xf32>
        %swap3A_1273 = arith.index_cast %add3A_1197 : i32 to index
        %swap3A_1274 = arith.constant 112 : index
        %swap3A_1275 = tpu.vector_load %arg12[%swap3A_1273, %swap3A_1274] {strides = array<i32>} : memref<80x128xf32, #tpu.memory_space<vmem>>, vector<1x16xf32>,
        %swap3A_1276 = vector.shape_cast %swap3A_1275 : vector<1x16xf32> to vector<16xf32>
        %swap3A_1277 = vector.shape_cast %mul3A_1272 : vector<16xf32> to vector<1x16xf32>
        tpu.vector_store %arg12[%swap3A_1273, %swap3A_1274], %swap3A_1277 {strides = array<i32>} : memref<80x128xf32, #tpu.memory_space<vmem>>, vector<1x16xf32>,
        %broadcast_in_dim3A_1278 = arith.constant 13 : i32
        %broadcast_in_dim3A_1279 = vector.broadcast %broadcast_in_dim3A_1278 : i32 to vector<16x1xi32>
        %gather3A_1280 = vector.shape_cast %broadcast_in_dim3A_1279 : vector<16x1xi32> to vector<16xi32>
        %gather3A_1281 = tpu.dynamic_gather %get3A_135[%gather3A_1280] in [0] : vector<16xf32>, vector<16xi32> -> vector<16xf32>
        %mul3A_1282 = arith.constant 16 : i32
        %mul3A_1283 = arith.muli %scan3A_131, %mul3A_1282 : i32
        %add3A_1284 = arith.constant 13 : i32
        %add3A_1285 = arith.addi %mul3A_1283, %add3A_1284 : i32
        %get3A_1286 = arith.index_cast %add3A_1285 : i32 to index
        %get3A_1287 = arith.constant 0 : index
        %get3A_1288 = tpu.vector_load %arg12[%get3A_1286, %get3A_1287] {strides = array<i32>} : memref<80x128xf32, #tpu.memory_space<vmem>>, vector<1x16xf32>,
        %get3A_1289 = vector.shape_cast %get3A_1288 : vector<1x16xf32> to vector<16xf32>
        %mul3A_1290 = arith.mulf %get3A_1289, %gather3A_1281 : vector<16xf32>
        %swap3A_1291 = arith.index_cast %add3A_1285 : i32 to index
        %swap3A_1292 = arith.constant 0 : index
        %swap3A_1293 = tpu.vector_load %arg12[%swap3A_1291, %swap3A_1292] {strides = array<i32>} : memref<80x128xf32, #tpu.memory_space<vmem>>, vector<1x16xf32>,
        %swap3A_1294 = vector.shape_cast %swap3A_1293 : vector<1x16xf32> to vector<16xf32>
        %swap3A_1295 = vector.shape_cast %mul3A_1290 : vector<16xf32> to vector<1x16xf32>
        tpu.vector_store %arg12[%swap3A_1291, %swap3A_1292], %swap3A_1295 {strides = array<i32>} : memref<80x128xf32, #tpu.memory_space<vmem>>, vector<1x16xf32>,
        %get3A_1296 = arith.index_cast %add3A_1285 : i32 to index
        %get3A_1297 = arith.constant 16 : index
        %get3A_1298 = tpu.vector_load %arg12[%get3A_1296, %get3A_1297] {strides = array<i32>} : memref<80x128xf32, #tpu.memory_space<vmem>>, vector<1x16xf32>,
        %get3A_1299 = vector.shape_cast %get3A_1298 : vector<1x16xf32> to vector<16xf32>
        %mul3A_1300 = arith.mulf %get3A_1299, %gather3A_1281 : vector<16xf32>
        %swap3A_1301 = arith.index_cast %add3A_1285 : i32 to index
        %swap3A_1302 = arith.constant 16 : index
        %swap3A_1303 = tpu.vector_load %arg12[%swap3A_1301, %swap3A_1302] {strides = array<i32>} : memref<80x128xf32, #tpu.memory_space<vmem>>, vector<1x16xf32>,
        %swap3A_1304 = vector.shape_cast %swap3A_1303 : vector<1x16xf32> to vector<16xf32>
        %swap3A_1305 = vector.shape_cast %mul3A_1300 : vector<16xf32> to vector<1x16xf32>
        tpu.vector_store %arg12[%swap3A_1301, %swap3A_1302], %swap3A_1305 {strides = array<i32>} : memref<80x128xf32, #tpu.memory_space<vmem>>, vector<1x16xf32>,
        %get3A_1306 = arith.index_cast %add3A_1285 : i32 to index
        %get3A_1307 = arith.constant 32 : index
        %get3A_1308 = tpu.vector_load %arg12[%get3A_1306, %get3A_1307] {strides = array<i32>} : memref<80x128xf32, #tpu.memory_space<vmem>>, vector<1x16xf32>,
        %get3A_1309 = vector.shape_cast %get3A_1308 : vector<1x16xf32> to vector<16xf32>
        %mul3A_1310 = arith.mulf %get3A_1309, %gather3A_1281 : vector<16xf32>
        %swap3A_1311 = arith.index_cast %add3A_1285 : i32 to index
        %swap3A_1312 = arith.constant 32 : index
        %swap3A_1313 = tpu.vector_load %arg12[%swap3A_1311, %swap3A_1312] {strides = array<i32>} : memref<80x128xf32, #tpu.memory_space<vmem>>, vector<1x16xf32>,
        %swap3A_1314 = vector.shape_cast %swap3A_1313 : vector<1x16xf32> to vector<16xf32>
        %swap3A_1315 = vector.shape_cast %mul3A_1310 : vector<16xf32> to vector<1x16xf32>
        tpu.vector_store %arg12[%swap3A_1311, %swap3A_1312], %swap3A_1315 {strides = array<i32>} : memref<80x128xf32, #tpu.memory_space<vmem>>, vector<1x16xf32>,
        %get3A_1316 = arith.index_cast %add3A_1285 : i32 to index
        %get3A_1317 = arith.constant 48 : index
        %get3A_1318 = tpu.vector_load %arg12[%get3A_1316, %get3A_1317] {strides = array<i32>} : memref<80x128xf32, #tpu.memory_space<vmem>>, vector<1x16xf32>,
        %get3A_1319 = vector.shape_cast %get3A_1318 : vector<1x16xf32> to vector<16xf32>
        %mul3A_1320 = arith.mulf %get3A_1319, %gather3A_1281 : vector<16xf32>
        %swap3A_1321 = arith.index_cast %add3A_1285 : i32 to index
        %swap3A_1322 = arith.constant 48 : index
        %swap3A_1323 = tpu.vector_load %arg12[%swap3A_1321, %swap3A_1322] {strides = array<i32>} : memref<80x128xf32, #tpu.memory_space<vmem>>, vector<1x16xf32>,
        %swap3A_1324 = vector.shape_cast %swap3A_1323 : vector<1x16xf32> to vector<16xf32>
        %swap3A_1325 = vector.shape_cast %mul3A_1320 : vector<16xf32> to vector<1x16xf32>
        tpu.vector_store %arg12[%swap3A_1321, %swap3A_1322], %swap3A_1325 {strides = array<i32>} : memref<80x128xf32, #tpu.memory_space<vmem>>, vector<1x16xf32>,
        %get3A_1326 = arith.index_cast %add3A_1285 : i32 to index
        %get3A_1327 = arith.constant 64 : index
        %get3A_1328 = tpu.vector_load %arg12[%get3A_1326, %get3A_1327] {strides = array<i32>} : memref<80x128xf32, #tpu.memory_space<vmem>>, vector<1x16xf32>,
        %get3A_1329 = vector.shape_cast %get3A_1328 : vector<1x16xf32> to vector<16xf32>
        %mul3A_1330 = arith.mulf %get3A_1329, %gather3A_1281 : vector<16xf32>
        %swap3A_1331 = arith.index_cast %add3A_1285 : i32 to index
        %swap3A_1332 = arith.constant 64 : index
        %swap3A_1333 = tpu.vector_load %arg12[%swap3A_1331, %swap3A_1332] {strides = array<i32>} : memref<80x128xf32, #tpu.memory_space<vmem>>, vector<1x16xf32>,
        %swap3A_1334 = vector.shape_cast %swap3A_1333 : vector<1x16xf32> to vector<16xf32>
        %swap3A_1335 = vector.shape_cast %mul3A_1330 : vector<16xf32> to vector<1x16xf32>
        tpu.vector_store %arg12[%swap3A_1331, %swap3A_1332], %swap3A_1335 {strides = array<i32>} : memref<80x128xf32, #tpu.memory_space<vmem>>, vector<1x16xf32>,
        %get3A_1336 = arith.index_cast %add3A_1285 : i32 to index
        %get3A_1337 = arith.constant 80 : index
        %get3A_1338 = tpu.vector_load %arg12[%get3A_1336, %get3A_1337] {strides = array<i32>} : memref<80x128xf32, #tpu.memory_space<vmem>>, vector<1x16xf32>,
        %get3A_1339 = vector.shape_cast %get3A_1338 : vector<1x16xf32> to vector<16xf32>
        %mul3A_1340 = arith.mulf %get3A_1339, %gather3A_1281 : vector<16xf32>
        %swap3A_1341 = arith.index_cast %add3A_1285 : i32 to index
        %swap3A_1342 = arith.constant 80 : index
        %swap3A_1343 = tpu.vector_load %arg12[%swap3A_1341, %swap3A_1342] {strides = array<i32>} : memref<80x128xf32, #tpu.memory_space<vmem>>, vector<1x16xf32>,
        %swap3A_1344 = vector.shape_cast %swap3A_1343 : vector<1x16xf32> to vector<16xf32>
        %swap3A_1345 = vector.shape_cast %mul3A_1340 : vector<16xf32> to vector<1x16xf32>
        tpu.vector_store %arg12[%swap3A_1341, %swap3A_1342], %swap3A_1345 {strides = array<i32>} : memref<80x128xf32, #tpu.memory_space<vmem>>, vector<1x16xf32>,
        %get3A_1346 = arith.index_cast %add3A_1285 : i32 to index
        %get3A_1347 = arith.constant 96 : index
        %get3A_1348 = tpu.vector_load %arg12[%get3A_1346, %get3A_1347] {strides = array<i32>} : memref<80x128xf32, #tpu.memory_space<vmem>>, vector<1x16xf32>,
        %get3A_1349 = vector.shape_cast %get3A_1348 : vector<1x16xf32> to vector<16xf32>
        %mul3A_1350 = arith.mulf %get3A_1349, %gather3A_1281 : vector<16xf32>
        %swap3A_1351 = arith.index_cast %add3A_1285 : i32 to index
        %swap3A_1352 = arith.constant 96 : index
        %swap3A_1353 = tpu.vector_load %arg12[%swap3A_1351, %swap3A_1352] {strides = array<i32>} : memref<80x128xf32, #tpu.memory_space<vmem>>, vector<1x16xf32>,
        %swap3A_1354 = vector.shape_cast %swap3A_1353 : vector<1x16xf32> to vector<16xf32>
        %swap3A_1355 = vector.shape_cast %mul3A_1350 : vector<16xf32> to vector<1x16xf32>
        tpu.vector_store %arg12[%swap3A_1351, %swap3A_1352], %swap3A_1355 {strides = array<i32>} : memref<80x128xf32, #tpu.memory_space<vmem>>, vector<1x16xf32>,
        %get3A_1356 = arith.index_cast %add3A_1285 : i32 to index
        %get3A_1357 = arith.constant 112 : index
        %get3A_1358 = tpu.vector_load %arg12[%get3A_1356, %get3A_1357] {strides = array<i32>} : memref<80x128xf32, #tpu.memory_space<vmem>>, vector<1x16xf32>,
        %get3A_1359 = vector.shape_cast %get3A_1358 : vector<1x16xf32> to vector<16xf32>
        %mul3A_1360 = arith.mulf %get3A_1359, %gather3A_1281 : vector<16xf32>
        %swap3A_1361 = arith.index_cast %add3A_1285 : i32 to index
        %swap3A_1362 = arith.constant 112 : index
        %swap3A_1363 = tpu.vector_load %arg12[%swap3A_1361, %swap3A_1362] {strides = array<i32>} : memref<80x128xf32, #tpu.memory_space<vmem>>, vector<1x16xf32>,
        %swap3A_1364 = vector.shape_cast %swap3A_1363 : vector<1x16xf32> to vector<16xf32>
        %swap3A_1365 = vector.shape_cast %mul3A_1360 : vector<16xf32> to vector<1x16xf32>
        tpu.vector_store %arg12[%swap3A_1361, %swap3A_1362], %swap3A_1365 {strides = array<i32>} : memref<80x128xf32, #tpu.memory_space<vmem>>, vector<1x16xf32>,
        %broadcast_in_dim3A_1366 = arith.constant 14 : i32
        %broadcast_in_dim3A_1367 = vector.broadcast %broadcast_in_dim3A_1366 : i32 to vector<16x1xi32>
        %gather3A_1368 = vector.shape_cast %broadcast_in_dim3A_1367 : vector<16x1xi32> to vector<16xi32>
        %gather3A_1369 = tpu.dynamic_gather %get3A_135[%gather3A_1368] in [0] : vector<16xf32>, vector<16xi32> -> vector<16xf32>
        %mul3A_1370 = arith.constant 16 : i32
        %mul3A_1371 = arith.muli %scan3A_131, %mul3A_1370 : i32
        %add3A_1372 = arith.constant 14 : i32
        %add3A_1373 = arith.addi %mul3A_1371, %add3A_1372 : i32
        %get3A_1374 = arith.index_cast %add3A_1373 : i32 to index
        %get3A_1375 = arith.constant 0 : index
        %get3A_1376 = tpu.vector_load %arg12[%get3A_1374, %get3A_1375] {strides = array<i32>} : memref<80x128xf32, #tpu.memory_space<vmem>>, vector<1x16xf32>,
        %get3A_1377 = vector.shape_cast %get3A_1376 : vector<1x16xf32> to vector<16xf32>
        %mul3A_1378 = arith.mulf %get3A_1377, %gather3A_1369 : vector<16xf32>
        %swap3A_1379 = arith.index_cast %add3A_1373 : i32 to index
        %swap3A_1380 = arith.constant 0 : index
        %swap3A_1381 = tpu.vector_load %arg12[%swap3A_1379, %swap3A_1380] {strides = array<i32>} : memref<80x128xf32, #tpu.memory_space<vmem>>, vector<1x16xf32>,
        %swap3A_1382 = vector.shape_cast %swap3A_1381 : vector<1x16xf32> to vector<16xf32>
        %swap3A_1383 = vector.shape_cast %mul3A_1378 : vector<16xf32> to vector<1x16xf32>
        tpu.vector_store %arg12[%swap3A_1379, %swap3A_1380], %swap3A_1383 {strides = array<i32>} : memref<80x128xf32, #tpu.memory_space<vmem>>, vector<1x16xf32>,
        %get3A_1384 = arith.index_cast %add3A_1373 : i32 to index
        %get3A_1385 = arith.constant 16 : index
        %get3A_1386 = tpu.vector_load %arg12[%get3A_1384, %get3A_1385] {strides = array<i32>} : memref<80x128xf32, #tpu.memory_space<vmem>>, vector<1x16xf32>,
        %get3A_1387 = vector.shape_cast %get3A_1386 : vector<1x16xf32> to vector<16xf32>
        %mul3A_1388 = arith.mulf %get3A_1387, %gather3A_1369 : vector<16xf32>
        %swap3A_1389 = arith.index_cast %add3A_1373 : i32 to index
        %swap3A_1390 = arith.constant 16 : index
        %swap3A_1391 = tpu.vector_load %arg12[%swap3A_1389, %swap3A_1390] {strides = array<i32>} : memref<80x128xf32, #tpu.memory_space<vmem>>, vector<1x16xf32>,
        %swap3A_1392 = vector.shape_cast %swap3A_1391 : vector<1x16xf32> to vector<16xf32>
        %swap3A_1393 = vector.shape_cast %mul3A_1388 : vector<16xf32> to vector<1x16xf32>
        tpu.vector_store %arg12[%swap3A_1389, %swap3A_1390], %swap3A_1393 {strides = array<i32>} : memref<80x128xf32, #tpu.memory_space<vmem>>, vector<1x16xf32>,
        %get3A_1394 = arith.index_cast %add3A_1373 : i32 to index
        %get3A_1395 = arith.constant 32 : index
        %get3A_1396 = tpu.vector_load %arg12[%get3A_1394, %get3A_1395] {strides = array<i32>} : memref<80x128xf32, #tpu.memory_space<vmem>>, vector<1x16xf32>,
        %get3A_1397 = vector.shape_cast %get3A_1396 : vector<1x16xf32> to vector<16xf32>
        %mul3A_1398 = arith.mulf %get3A_1397, %gather3A_1369 : vector<16xf32>
        %swap3A_1399 = arith.index_cast %add3A_1373 : i32 to index
        %swap3A_1400 = arith.constant 32 : index
        %swap3A_1401 = tpu.vector_load %arg12[%swap3A_1399, %swap3A_1400] {strides = array<i32>} : memref<80x128xf32, #tpu.memory_space<vmem>>, vector<1x16xf32>,
        %swap3A_1402 = vector.shape_cast %swap3A_1401 : vector<1x16xf32> to vector<16xf32>
        %swap3A_1403 = vector.shape_cast %mul3A_1398 : vector<16xf32> to vector<1x16xf32>
        tpu.vector_store %arg12[%swap3A_1399, %swap3A_1400], %swap3A_1403 {strides = array<i32>} : memref<80x128xf32, #tpu.memory_space<vmem>>, vector<1x16xf32>,
        %get3A_1404 = arith.index_cast %add3A_1373 : i32 to index
        %get3A_1405 = arith.constant 48 : index
        %get3A_1406 = tpu.vector_load %arg12[%get3A_1404, %get3A_1405] {strides = array<i32>} : memref<80x128xf32, #tpu.memory_space<vmem>>, vector<1x16xf32>,
        %get3A_1407 = vector.shape_cast %get3A_1406 : vector<1x16xf32> to vector<16xf32>
        %mul3A_1408 = arith.mulf %get3A_1407, %gather3A_1369 : vector<16xf32>
        %swap3A_1409 = arith.index_cast %add3A_1373 : i32 to index
        %swap3A_1410 = arith.constant 48 : index
        %swap3A_1411 = tpu.vector_load %arg12[%swap3A_1409, %swap3A_1410] {strides = array<i32>} : memref<80x128xf32, #tpu.memory_space<vmem>>, vector<1x16xf32>,
        %swap3A_1412 = vector.shape_cast %swap3A_1411 : vector<1x16xf32> to vector<16xf32>
        %swap3A_1413 = vector.shape_cast %mul3A_1408 : vector<16xf32> to vector<1x16xf32>
        tpu.vector_store %arg12[%swap3A_1409, %swap3A_1410], %swap3A_1413 {strides = array<i32>} : memref<80x128xf32, #tpu.memory_space<vmem>>, vector<1x16xf32>,
        %get3A_1414 = arith.index_cast %add3A_1373 : i32 to index
        %get3A_1415 = arith.constant 64 : index
        %get3A_1416 = tpu.vector_load %arg12[%get3A_1414, %get3A_1415] {strides = array<i32>} : memref<80x128xf32, #tpu.memory_space<vmem>>, vector<1x16xf32>,
        %get3A_1417 = vector.shape_cast %get3A_1416 : vector<1x16xf32> to vector<16xf32>
        %mul3A_1418 = arith.mulf %get3A_1417, %gather3A_1369 : vector<16xf32>
        %swap3A_1419 = arith.index_cast %add3A_1373 : i32 to index
        %swap3A_1420 = arith.constant 64 : index
        %swap3A_1421 = tpu.vector_load %arg12[%swap3A_1419, %swap3A_1420] {strides = array<i32>} : memref<80x128xf32, #tpu.memory_space<vmem>>, vector<1x16xf32>,
        %swap3A_1422 = vector.shape_cast %swap3A_1421 : vector<1x16xf32> to vector<16xf32>
        %swap3A_1423 = vector.shape_cast %mul3A_1418 : vector<16xf32> to vector<1x16xf32>
        tpu.vector_store %arg12[%swap3A_1419, %swap3A_1420], %swap3A_1423 {strides = array<i32>} : memref<80x128xf32, #tpu.memory_space<vmem>>, vector<1x16xf32>,
        %get3A_1424 = arith.index_cast %add3A_1373 : i32 to index
        %get3A_1425 = arith.constant 80 : index
        %get3A_1426 = tpu.vector_load %arg12[%get3A_1424, %get3A_1425] {strides = array<i32>} : memref<80x128xf32, #tpu.memory_space<vmem>>, vector<1x16xf32>,
        %get3A_1427 = vector.shape_cast %get3A_1426 : vector<1x16xf32> to vector<16xf32>
        %mul3A_1428 = arith.mulf %get3A_1427, %gather3A_1369 : vector<16xf32>
        %swap3A_1429 = arith.index_cast %add3A_1373 : i32 to index
        %swap3A_1430 = arith.constant 80 : index
        %swap3A_1431 = tpu.vector_load %arg12[%swap3A_1429, %swap3A_1430] {strides = array<i32>} : memref<80x128xf32, #tpu.memory_space<vmem>>, vector<1x16xf32>,
        %swap3A_1432 = vector.shape_cast %swap3A_1431 : vector<1x16xf32> to vector<16xf32>
        %swap3A_1433 = vector.shape_cast %mul3A_1428 : vector<16xf32> to vector<1x16xf32>
        tpu.vector_store %arg12[%swap3A_1429, %swap3A_1430], %swap3A_1433 {strides = array<i32>} : memref<80x128xf32, #tpu.memory_space<vmem>>, vector<1x16xf32>,
        %get3A_1434 = arith.index_cast %add3A_1373 : i32 to index
        %get3A_1435 = arith.constant 96 : index
        %get3A_1436 = tpu.vector_load %arg12[%get3A_1434, %get3A_1435] {strides = array<i32>} : memref<80x128xf32, #tpu.memory_space<vmem>>, vector<1x16xf32>,
        %get3A_1437 = vector.shape_cast %get3A_1436 : vector<1x16xf32> to vector<16xf32>
        %mul3A_1438 = arith.mulf %get3A_1437, %gather3A_1369 : vector<16xf32>
        %swap3A_1439 = arith.index_cast %add3A_1373 : i32 to index
        %swap3A_1440 = arith.constant 96 : index
        %swap3A_1441 = tpu.vector_load %arg12[%swap3A_1439, %swap3A_1440] {strides = array<i32>} : memref<80x128xf32, #tpu.memory_space<vmem>>, vector<1x16xf32>,
        %swap3A_1442 = vector.shape_cast %swap3A_1441 : vector<1x16xf32> to vector<16xf32>
        %swap3A_1443 = vector.shape_cast %mul3A_1438 : vector<16xf32> to vector<1x16xf32>
        tpu.vector_store %arg12[%swap3A_1439, %swap3A_1440], %swap3A_1443 {strides = array<i32>} : memref<80x128xf32, #tpu.memory_space<vmem>>, vector<1x16xf32>,
        %get3A_1444 = arith.index_cast %add3A_1373 : i32 to index
        %get3A_1445 = arith.constant 112 : index
        %get3A_1446 = tpu.vector_load %arg12[%get3A_1444, %get3A_1445] {strides = array<i32>} : memref<80x128xf32, #tpu.memory_space<vmem>>, vector<1x16xf32>,
        %get3A_1447 = vector.shape_cast %get3A_1446 : vector<1x16xf32> to vector<16xf32>
        %mul3A_1448 = arith.mulf %get3A_1447, %gather3A_1369 : vector<16xf32>
        %swap3A_1449 = arith.index_cast %add3A_1373 : i32 to index
        %swap3A_1450 = arith.constant 112 : index
        %swap3A_1451 = tpu.vector_load %arg12[%swap3A_1449, %swap3A_1450] {strides = array<i32>} : memref<80x128xf32, #tpu.memory_space<vmem>>, vector<1x16xf32>,
        %swap3A_1452 = vector.shape_cast %swap3A_1451 : vector<1x16xf32> to vector<16xf32>
        %swap3A_1453 = vector.shape_cast %mul3A_1448 : vector<16xf32> to vector<1x16xf32>
        tpu.vector_store %arg12[%swap3A_1449, %swap3A_1450], %swap3A_1453 {strides = array<i32>} : memref<80x128xf32, #tpu.memory_space<vmem>>, vector<1x16xf32>,
        %broadcast_in_dim3A_1454 = arith.constant 15 : i32
        %broadcast_in_dim3A_1455 = vector.broadcast %broadcast_in_dim3A_1454 : i32 to vector<16x1xi32>
        %gather3A_1456 = vector.shape_cast %broadcast_in_dim3A_1455 : vector<16x1xi32> to vector<16xi32>
        %gather3A_1457 = tpu.dynamic_gather %get3A_135[%gather3A_1456] in [0] : vector<16xf32>, vector<16xi32> -> vector<16xf32>
        %mul3A_1458 = arith.constant 16 : i32
        %mul3A_1459 = arith.muli %scan3A_131, %mul3A_1458 : i32
        %add3A_1460 = arith.constant 15 : i32
        %add3A_1461 = arith.addi %mul3A_1459, %add3A_1460 : i32
        %get3A_1462 = arith.index_cast %add3A_1461 : i32 to index
        %get3A_1463 = arith.constant 0 : index
        %get3A_1464 = tpu.vector_load %arg12[%get3A_1462, %get3A_1463] {strides = array<i32>} : memref<80x128xf32, #tpu.memory_space<vmem>>, vector<1x16xf32>,
        %get3A_1465 = vector.shape_cast %get3A_1464 : vector<1x16xf32> to vector<16xf32>
        %mul3A_1466 = arith.mulf %get3A_1465, %gather3A_1457 : vector<16xf32>
        %swap3A_1467 = arith.index_cast %add3A_1461 : i32 to index
        %swap3A_1468 = arith.constant 0 : index
        %swap3A_1469 = tpu.vector_load %arg12[%swap3A_1467, %swap3A_1468] {strides = array<i32>} : memref<80x128xf32, #tpu.memory_space<vmem>>, vector<1x16xf32>,
        %swap3A_1470 = vector.shape_cast %swap3A_1469 : vector<1x16xf32> to vector<16xf32>
        %swap3A_1471 = vector.shape_cast %mul3A_1466 : vector<16xf32> to vector<1x16xf32>
        tpu.vector_store %arg12[%swap3A_1467, %swap3A_1468], %swap3A_1471 {strides = array<i32>} : memref<80x128xf32, #tpu.memory_space<vmem>>, vector<1x16xf32>,
        %get3A_1472 = arith.index_cast %add3A_1461 : i32 to index
        %get3A_1473 = arith.constant 16 : index
        %get3A_1474 = tpu.vector_load %arg12[%get3A_1472, %get3A_1473] {strides = array<i32>} : memref<80x128xf32, #tpu.memory_space<vmem>>, vector<1x16xf32>,
        %get3A_1475 = vector.shape_cast %get3A_1474 : vector<1x16xf32> to vector<16xf32>
        %mul3A_1476 = arith.mulf %get3A_1475, %gather3A_1457 : vector<16xf32>
        %swap3A_1477 = arith.index_cast %add3A_1461 : i32 to index
        %swap3A_1478 = arith.constant 16 : index
        %swap3A_1479 = tpu.vector_load %arg12[%swap3A_1477, %swap3A_1478] {strides = array<i32>} : memref<80x128xf32, #tpu.memory_space<vmem>>, vector<1x16xf32>,
        %swap3A_1480 = vector.shape_cast %swap3A_1479 : vector<1x16xf32> to vector<16xf32>
        %swap3A_1481 = vector.shape_cast %mul3A_1476 : vector<16xf32> to vector<1x16xf32>
        tpu.vector_store %arg12[%swap3A_1477, %swap3A_1478], %swap3A_1481 {strides = array<i32>} : memref<80x128xf32, #tpu.memory_space<vmem>>, vector<1x16xf32>,
        %get3A_1482 = arith.index_cast %add3A_1461 : i32 to index
        %get3A_1483 = arith.constant 32 : index
        %get3A_1484 = tpu.vector_load %arg12[%get3A_1482, %get3A_1483] {strides = array<i32>} : memref<80x128xf32, #tpu.memory_space<vmem>>, vector<1x16xf32>,
        %get3A_1485 = vector.shape_cast %get3A_1484 : vector<1x16xf32> to vector<16xf32>
        %mul3A_1486 = arith.mulf %get3A_1485, %gather3A_1457 : vector<16xf32>
        %swap3A_1487 = arith.index_cast %add3A_1461 : i32 to index
        %swap3A_1488 = arith.constant 32 : index
        %swap3A_1489 = tpu.vector_load %arg12[%swap3A_1487, %swap3A_1488] {strides = array<i32>} : memref<80x128xf32, #tpu.memory_space<vmem>>, vector<1x16xf32>,
        %swap3A_1490 = vector.shape_cast %swap3A_1489 : vector<1x16xf32> to vector<16xf32>
        %swap3A_1491 = vector.shape_cast %mul3A_1486 : vector<16xf32> to vector<1x16xf32>
        tpu.vector_store %arg12[%swap3A_1487, %swap3A_1488], %swap3A_1491 {strides = array<i32>} : memref<80x128xf32, #tpu.memory_space<vmem>>, vector<1x16xf32>,
        %get3A_1492 = arith.index_cast %add3A_1461 : i32 to index
        %get3A_1493 = arith.constant 48 : index
        %get3A_1494 = tpu.vector_load %arg12[%get3A_1492, %get3A_1493] {strides = array<i32>} : memref<80x128xf32, #tpu.memory_space<vmem>>, vector<1x16xf32>,
        %get3A_1495 = vector.shape_cast %get3A_1494 : vector<1x16xf32> to vector<16xf32>
        %mul3A_1496 = arith.mulf %get3A_1495, %gather3A_1457 : vector<16xf32>
        %swap3A_1497 = arith.index_cast %add3A_1461 : i32 to index
        %swap3A_1498 = arith.constant 48 : index
        %swap3A_1499 = tpu.vector_load %arg12[%swap3A_1497, %swap3A_1498] {strides = array<i32>} : memref<80x128xf32, #tpu.memory_space<vmem>>, vector<1x16xf32>,
        %swap3A_1500 = vector.shape_cast %swap3A_1499 : vector<1x16xf32> to vector<16xf32>
        %swap3A_1501 = vector.shape_cast %mul3A_1496 : vector<16xf32> to vector<1x16xf32>
        tpu.vector_store %arg12[%swap3A_1497, %swap3A_1498], %swap3A_1501 {strides = array<i32>} : memref<80x128xf32, #tpu.memory_space<vmem>>, vector<1x16xf32>,
        %get3A_1502 = arith.index_cast %add3A_1461 : i32 to index
        %get3A_1503 = arith.constant 64 : index
        %get3A_1504 = tpu.vector_load %arg12[%get3A_1502, %get3A_1503] {strides = array<i32>} : memref<80x128xf32, #tpu.memory_space<vmem>>, vector<1x16xf32>,
        %get3A_1505 = vector.shape_cast %get3A_1504 : vector<1x16xf32> to vector<16xf32>
        %mul3A_1506 = arith.mulf %get3A_1505, %gather3A_1457 : vector<16xf32>
        %swap3A_1507 = arith.index_cast %add3A_1461 : i32 to index
        %swap3A_1508 = arith.constant 64 : index
        %swap3A_1509 = tpu.vector_load %arg12[%swap3A_1507, %swap3A_1508] {strides = array<i32>} : memref<80x128xf32, #tpu.memory_space<vmem>>, vector<1x16xf32>,
        %swap3A_1510 = vector.shape_cast %swap3A_1509 : vector<1x16xf32> to vector<16xf32>
        %swap3A_1511 = vector.shape_cast %mul3A_1506 : vector<16xf32> to vector<1x16xf32>
        tpu.vector_store %arg12[%swap3A_1507, %swap3A_1508], %swap3A_1511 {strides = array<i32>} : memref<80x128xf32, #tpu.memory_space<vmem>>, vector<1x16xf32>,
        %get3A_1512 = arith.index_cast %add3A_1461 : i32 to index
        %get3A_1513 = arith.constant 80 : index
        %get3A_1514 = tpu.vector_load %arg12[%get3A_1512, %get3A_1513] {strides = array<i32>} : memref<80x128xf32, #tpu.memory_space<vmem>>, vector<1x16xf32>,
        %get3A_1515 = vector.shape_cast %get3A_1514 : vector<1x16xf32> to vector<16xf32>
        %mul3A_1516 = arith.mulf %get3A_1515, %gather3A_1457 : vector<16xf32>
        %swap3A_1517 = arith.index_cast %add3A_1461 : i32 to index
        %swap3A_1518 = arith.constant 80 : index
        %swap3A_1519 = tpu.vector_load %arg12[%swap3A_1517, %swap3A_1518] {strides = array<i32>} : memref<80x128xf32, #tpu.memory_space<vmem>>, vector<1x16xf32>,
        %swap3A_1520 = vector.shape_cast %swap3A_1519 : vector<1x16xf32> to vector<16xf32>
        %swap3A_1521 = vector.shape_cast %mul3A_1516 : vector<16xf32> to vector<1x16xf32>
        tpu.vector_store %arg12[%swap3A_1517, %swap3A_1518], %swap3A_1521 {strides = array<i32>} : memref<80x128xf32, #tpu.memory_space<vmem>>, vector<1x16xf32>,
        %get3A_1522 = arith.index_cast %add3A_1461 : i32 to index
        %get3A_1523 = arith.constant 96 : index
        %get3A_1524 = tpu.vector_load %arg12[%get3A_1522, %get3A_1523] {strides = array<i32>} : memref<80x128xf32, #tpu.memory_space<vmem>>, vector<1x16xf32>,
        %get3A_1525 = vector.shape_cast %get3A_1524 : vector<1x16xf32> to vector<16xf32>
        %mul3A_1526 = arith.mulf %get3A_1525, %gather3A_1457 : vector<16xf32>
        %swap3A_1527 = arith.index_cast %add3A_1461 : i32 to index
        %swap3A_1528 = arith.constant 96 : index
        %swap3A_1529 = tpu.vector_load %arg12[%swap3A_1527, %swap3A_1528] {strides = array<i32>} : memref<80x128xf32, #tpu.memory_space<vmem>>, vector<1x16xf32>,
        %swap3A_1530 = vector.shape_cast %swap3A_1529 : vector<1x16xf32> to vector<16xf32>
        %swap3A_1531 = vector.shape_cast %mul3A_1526 : vector<16xf32> to vector<1x16xf32>
        tpu.vector_store %arg12[%swap3A_1527, %swap3A_1528], %swap3A_1531 {strides = array<i32>} : memref<80x128xf32, #tpu.memory_space<vmem>>, vector<1x16xf32>,
        %get3A_1532 = arith.index_cast %add3A_1461 : i32 to index
        %get3A_1533 = arith.constant 112 : index
        %get3A_1534 = tpu.vector_load %arg12[%get3A_1532, %get3A_1533] {strides = array<i32>} : memref<80x128xf32, #tpu.memory_space<vmem>>, vector<1x16xf32>,
        %get3A_1535 = vector.shape_cast %get3A_1534 : vector<1x16xf32> to vector<16xf32>
        %mul3A_1536 = arith.mulf %get3A_1535, %gather3A_1457 : vector<16xf32>
        %swap3A_1537 = arith.index_cast %add3A_1461 : i32 to index
        %swap3A_1538 = arith.constant 112 : index
        %swap3A_1539 = tpu.vector_load %arg12[%swap3A_1537, %swap3A_1538] {strides = array<i32>} : memref<80x128xf32, #tpu.memory_space<vmem>>, vector<1x16xf32>,
        %swap3A_1540 = vector.shape_cast %swap3A_1539 : vector<1x16xf32> to vector<16xf32>
        %swap3A_1541 = vector.shape_cast %mul3A_1536 : vector<16xf32> to vector<1x16xf32>
        tpu.vector_store %arg12[%swap3A_1537, %swap3A_1538], %swap3A_1541 {strides = array<i32>} : memref<80x128xf32, #tpu.memory_space<vmem>>, vector<1x16xf32>,
      }
      %scan3A_130 = arith.constant 5 : i32
      "tpu.region"() ({
        %run_scoped3A = tpu.sem_alloc : memref<!tpu.dma_semaphore, #tpu.memory_space<semaphore_mem>>
        %dma_start3A_131 = arith.constant 0 : i32
        %dma_start3A_132 = tpu.memref_slice %arg8[%add3A_124, %dma_start3A_131] : memref<126x80xi32, #tpu.memory_space<vmem>> -> memref<1x80xi32, #tpu.memory_space<vmem>>
        %dma_start3A_133 = tpu.memref_squeeze %dma_start3A_132 : memref<1x80xi32, #tpu.memory_space<vmem>> -> memref<80xi32, #tpu.memory_space<vmem>>
        %dma_start3A_134 = arith.constant 0 : i32
        %dma_start3A_135 = arith.constant 0 : i32
        %dma_start3A_136 = tpu.memref_slice %arg13[%dma_start3A_134, %dma_start3A_135] : memref<10240x128xf32, #tpu.memory_space<vmem_shared>> -> memref<10240x128xf32, #tpu.memory_space<vmem_shared>>
        tpu.enqueue_indirect_dma source(%arg12 : memref<80x128xf32, #tpu.memory_space<vmem>>) target(%dma_start3A_136 : memref<10240x128xf32, #tpu.memory_space<vmem_shared>>) offsets(%dma_start3A_133 : memref<80xi32, #tpu.memory_space<vmem>>) semaphore(%run_scoped3A : memref<!tpu.dma_semaphore, #tpu.memory_space<semaphore_mem>>) {add = true}
        %dma_wait3A_137 = arith.constant 0 : i32
        %dma_wait3A_138 = tpu.memref_slice %arg8[%add3A_124, %dma_wait3A_137] : memref<126x80xi32, #tpu.memory_space<vmem>> -> memref<1x80xi32, #tpu.memory_space<vmem>>
        %dma_wait3A_139 = tpu.memref_squeeze %dma_wait3A_138 : memref<1x80xi32, #tpu.memory_space<vmem>> -> memref<80xi32, #tpu.memory_space<vmem>>
        %dma_wait3A_140 = arith.constant 0 : i32
        %dma_wait3A_141 = arith.constant 0 : i32
        %dma_wait3A_142 = tpu.memref_slice %arg13[%dma_wait3A_140, %dma_wait3A_141] : memref<10240x128xf32, #tpu.memory_space<vmem_shared>> -> memref<10240x128xf32, #tpu.memory_space<vmem_shared>>
        tpu.wait_indirect_dma semaphore(%run_scoped3A : memref<!tpu.dma_semaphore, #tpu.memory_space<semaphore_mem>>) src(%arg12 : memref<80x128xf32, #tpu.memory_space<vmem>>) dst(%dma_wait3A_142 : memref<10240x128xf32, #tpu.memory_space<vmem_shared>>)
        tpu.yield
      }) : () -> ()
    }
    %scan3A_54 = arith.constant 63 : i32
    %barrier3A_55 = arith.constant 0 : index
    tpu.barrier barrier_id(%barrier3A_55)
    %mul3A_56 = arith.constant 640 : i32
    %mul3A_57 = arith.muli %arg1, %mul3A_56 : i32
    %add3A_58 = arith.constant 0 : i32
    %add3A_59 = arith.addi %mul3A_57, %add3A_58 : i32
    "tpu.region"() ({
      %run_scoped3A = tpu.sem_alloc : memref<!tpu.dma_semaphore, #tpu.memory_space<semaphore_mem>>
      %dma_start3A_76 = arith.constant 0 : i32
      %dma_start3A_77 = tpu.memref_slice %arg6[%arg0, %add3A_59, %dma_start3A_76] : memref<2x10240x128xf32, #tpu.memory_space<hbm>> -> memref<1x128x128xf32, #tpu.memory_space<hbm>>
      %dma_start3A_78 = tpu.memref_squeeze %dma_start3A_77 : memref<1x128x128xf32, #tpu.memory_space<hbm>> -> memref<128x128xf32, #tpu.memory_space<hbm>>
      %dma_start3A_79 = arith.constant 0 : i32
      %dma_start3A_80 = tpu.memref_slice %arg13[%add3A_59, %dma_start3A_79] : memref<10240x128xf32, #tpu.memory_space<vmem_shared>> -> memref<128x128xf32, #tpu.memory_space<vmem_shared>>
      tpu.enqueue_dma source(%dma_start3A_80 : memref<128x128xf32, #tpu.memory_space<vmem_shared>>) target(%dma_start3A_78 : memref<128x128xf32, #tpu.memory_space<hbm>>) target_semaphore(%run_scoped3A : memref<!tpu.dma_semaphore, #tpu.memory_space<semaphore_mem>>)
      %dma_wait3A = arith.constant 0 : i32
      %dma_wait3A_81 = tpu.memref_slice %arg6[%arg0, %add3A_59, %dma_wait3A] : memref<2x10240x128xf32, #tpu.memory_space<hbm>> -> memref<1x128x128xf32, #tpu.memory_space<hbm>>
      %dma_wait3A_82 = tpu.memref_squeeze %dma_wait3A_81 : memref<1x128x128xf32, #tpu.memory_space<hbm>> -> memref<128x128xf32, #tpu.memory_space<hbm>>
      %dma_wait3A_83 = arith.constant 0 : i32
      %dma_wait3A_84 = tpu.memref_slice %arg13[%add3A_59, %dma_wait3A_83] : memref<10240x128xf32, #tpu.memory_space<vmem_shared>> -> memref<128x128xf32, #tpu.memory_space<vmem_shared>>
      tpu.wait_dma2 semaphore(%run_scoped3A : memref<!tpu.dma_semaphore, #tpu.memory_space<semaphore_mem>>) src(%dma_wait3A_84 : memref<128x128xf32, #tpu.memory_space<vmem_shared>>) dst(%dma_wait3A_82 : memref<128x128xf32, #tpu.memory_space<hbm>>)
      tpu.yield
    }) : () -> ()
    %mul3A_60 = arith.constant 640 : i32
    %mul3A_61 = arith.muli %arg1, %mul3A_60 : i32
    %add3A_62 = arith.constant 128 : i32
    %add3A_63 = arith.addi %mul3A_61, %add3A_62 : i32
    "tpu.region"() ({
      %run_scoped3A = tpu.sem_alloc : memref<!tpu.dma_semaphore, #tpu.memory_space<semaphore_mem>>
      %dma_start3A_76 = arith.constant 0 : i32
      %dma_start3A_77 = tpu.memref_slice %arg6[%arg0, %add3A_63, %dma_start3A_76] : memref<2x10240x128xf32, #tpu.memory_space<hbm>> -> memref<1x128x128xf32, #tpu.memory_space<hbm>>
      %dma_start3A_78 = tpu.memref_squeeze %dma_start3A_77 : memref<1x128x128xf32, #tpu.memory_space<hbm>> -> memref<128x128xf32, #tpu.memory_space<hbm>>
      %dma_start3A_79 = arith.constant 0 : i32
      %dma_start3A_80 = tpu.memref_slice %arg13[%add3A_63, %dma_start3A_79] : memref<10240x128xf32, #tpu.memory_space<vmem_shared>> -> memref<128x128xf32, #tpu.memory_space<vmem_shared>>
      tpu.enqueue_dma source(%dma_start3A_80 : memref<128x128xf32, #tpu.memory_space<vmem_shared>>) target(%dma_start3A_78 : memref<128x128xf32, #tpu.memory_space<hbm>>) target_semaphore(%run_scoped3A : memref<!tpu.dma_semaphore, #tpu.memory_space<semaphore_mem>>)
      %dma_wait3A = arith.constant 0 : i32
      %dma_wait3A_81 = tpu.memref_slice %arg6[%arg0, %add3A_63, %dma_wait3A] : memref<2x10240x128xf32, #tpu.memory_space<hbm>> -> memref<1x128x128xf32, #tpu.memory_space<hbm>>
      %dma_wait3A_82 = tpu.memref_squeeze %dma_wait3A_81 : memref<1x128x128xf32, #tpu.memory_space<hbm>> -> memref<128x128xf32, #tpu.memory_space<hbm>>
      %dma_wait3A_83 = arith.constant 0 : i32
      %dma_wait3A_84 = tpu.memref_slice %arg13[%add3A_63, %dma_wait3A_83] : memref<10240x128xf32, #tpu.memory_space<vmem_shared>> -> memref<128x128xf32, #tpu.memory_space<vmem_shared>>
      tpu.wait_dma2 semaphore(%run_scoped3A : memref<!tpu.dma_semaphore, #tpu.memory_space<semaphore_mem>>) src(%dma_wait3A_84 : memref<128x128xf32, #tpu.memory_space<vmem_shared>>) dst(%dma_wait3A_82 : memref<128x128xf32, #tpu.memory_space<hbm>>)
      tpu.yield
    }) : () -> ()
    %mul3A_64 = arith.constant 640 : i32
    %mul3A_65 = arith.muli %arg1, %mul3A_64 : i32
    %add3A_66 = arith.constant 256 : i32
    %add3A_67 = arith.addi %mul3A_65, %add3A_66 : i32
    "tpu.region"() ({
      %run_scoped3A = tpu.sem_alloc : memref<!tpu.dma_semaphore, #tpu.memory_space<semaphore_mem>>
      %dma_start3A_76 = arith.constant 0 : i32
      %dma_start3A_77 = tpu.memref_slice %arg6[%arg0, %add3A_67, %dma_start3A_76] : memref<2x10240x128xf32, #tpu.memory_space<hbm>> -> memref<1x128x128xf32, #tpu.memory_space<hbm>>
      %dma_start3A_78 = tpu.memref_squeeze %dma_start3A_77 : memref<1x128x128xf32, #tpu.memory_space<hbm>> -> memref<128x128xf32, #tpu.memory_space<hbm>>
      %dma_start3A_79 = arith.constant 0 : i32
      %dma_start3A_80 = tpu.memref_slice %arg13[%add3A_67, %dma_start3A_79] : memref<10240x128xf32, #tpu.memory_space<vmem_shared>> -> memref<128x128xf32, #tpu.memory_space<vmem_shared>>
      tpu.enqueue_dma source(%dma_start3A_80 : memref<128x128xf32, #tpu.memory_space<vmem_shared>>) target(%dma_start3A_78 : memref<128x128xf32, #tpu.memory_space<hbm>>) target_semaphore(%run_scoped3A : memref<!tpu.dma_semaphore, #tpu.memory_space<semaphore_mem>>)
      %dma_wait3A = arith.constant 0 : i32
      %dma_wait3A_81 = tpu.memref_slice %arg6[%arg0, %add3A_67, %dma_wait3A] : memref<2x10240x128xf32, #tpu.memory_space<hbm>> -> memref<1x128x128xf32, #tpu.memory_space<hbm>>
      %dma_wait3A_82 = tpu.memref_squeeze %dma_wait3A_81 : memref<1x128x128xf32, #tpu.memory_space<hbm>> -> memref<128x128xf32, #tpu.memory_space<hbm>>
      %dma_wait3A_83 = arith.constant 0 : i32
      %dma_wait3A_84 = tpu.memref_slice %arg13[%add3A_67, %dma_wait3A_83] : memref<10240x128xf32, #tpu.memory_space<vmem_shared>> -> memref<128x128xf32, #tpu.memory_space<vmem_shared>>
      tpu.wait_dma2 semaphore(%run_scoped3A : memref<!tpu.dma_semaphore, #tpu.memory_space<semaphore_mem>>) src(%dma_wait3A_84 : memref<128x128xf32, #tpu.memory_space<vmem_shared>>) dst(%dma_wait3A_82 : memref<128x128xf32, #tpu.memory_space<hbm>>)
      tpu.yield
    }) : () -> ()
    %mul3A_68 = arith.constant 640 : i32
    %mul3A_69 = arith.muli %arg1, %mul3A_68 : i32
    %add3A_70 = arith.constant 384 : i32
    %add3A_71 = arith.addi %mul3A_69, %add3A_70 : i32
    "tpu.region"() ({
      %run_scoped3A = tpu.sem_alloc : memref<!tpu.dma_semaphore, #tpu.memory_space<semaphore_mem>>
      %dma_start3A_76 = arith.constant 0 : i32
      %dma_start3A_77 = tpu.memref_slice %arg6[%arg0, %add3A_71, %dma_start3A_76] : memref<2x10240x128xf32, #tpu.memory_space<hbm>> -> memref<1x128x128xf32, #tpu.memory_space<hbm>>
      %dma_start3A_78 = tpu.memref_squeeze %dma_start3A_77 : memref<1x128x128xf32, #tpu.memory_space<hbm>> -> memref<128x128xf32, #tpu.memory_space<hbm>>
      %dma_start3A_79 = arith.constant 0 : i32
      %dma_start3A_80 = tpu.memref_slice %arg13[%add3A_71, %dma_start3A_79] : memref<10240x128xf32, #tpu.memory_space<vmem_shared>> -> memref<128x128xf32, #tpu.memory_space<vmem_shared>>
      tpu.enqueue_dma source(%dma_start3A_80 : memref<128x128xf32, #tpu.memory_space<vmem_shared>>) target(%dma_start3A_78 : memref<128x128xf32, #tpu.memory_space<hbm>>) target_semaphore(%run_scoped3A : memref<!tpu.dma_semaphore, #tpu.memory_space<semaphore_mem>>)
      %dma_wait3A = arith.constant 0 : i32
      %dma_wait3A_81 = tpu.memref_slice %arg6[%arg0, %add3A_71, %dma_wait3A] : memref<2x10240x128xf32, #tpu.memory_space<hbm>> -> memref<1x128x128xf32, #tpu.memory_space<hbm>>
      %dma_wait3A_82 = tpu.memref_squeeze %dma_wait3A_81 : memref<1x128x128xf32, #tpu.memory_space<hbm>> -> memref<128x128xf32, #tpu.memory_space<hbm>>
      %dma_wait3A_83 = arith.constant 0 : i32
      %dma_wait3A_84 = tpu.memref_slice %arg13[%add3A_71, %dma_wait3A_83] : memref<10240x128xf32, #tpu.memory_space<vmem_shared>> -> memref<128x128xf32, #tpu.memory_space<vmem_shared>>
      tpu.wait_dma2 semaphore(%run_scoped3A : memref<!tpu.dma_semaphore, #tpu.memory_space<semaphore_mem>>) src(%dma_wait3A_84 : memref<128x128xf32, #tpu.memory_space<vmem_shared>>) dst(%dma_wait3A_82 : memref<128x128xf32, #tpu.memory_space<hbm>>)
      tpu.yield
    }) : () -> ()
    %mul3A_72 = arith.constant 640 : i32
    %mul3A_73 = arith.muli %arg1, %mul3A_72 : i32
    %add3A_74 = arith.constant 512 : i32
    %add3A_75 = arith.addi %mul3A_73, %add3A_74 : i32
    "tpu.region"() ({
      %run_scoped3A = tpu.sem_alloc : memref<!tpu.dma_semaphore, #tpu.memory_space<semaphore_mem>>
      %dma_start3A_76 = arith.constant 0 : i32
      %dma_start3A_77 = tpu.memref_slice %arg6[%arg0, %add3A_75, %dma_start3A_76] : memref<2x10240x128xf32, #tpu.memory_space<hbm>> -> memref<1x128x128xf32, #tpu.memory_space<hbm>>
      %dma_start3A_78 = tpu.memref_squeeze %dma_start3A_77 : memref<1x128x128xf32, #tpu.memory_space<hbm>> -> memref<128x128xf32, #tpu.memory_space<hbm>>
      %dma_start3A_79 = arith.constant 0 : i32
      %dma_start3A_80 = tpu.memref_slice %arg13[%add3A_75, %dma_start3A_79] : memref<10240x128xf32, #tpu.memory_space<vmem_shared>> -> memref<128x128xf32, #tpu.memory_space<vmem_shared>>
      tpu.enqueue_dma source(%dma_start3A_80 : memref<128x128xf32, #tpu.memory_space<vmem_shared>>) target(%dma_start3A_78 : memref<128x128xf32, #tpu.memory_space<hbm>>) target_semaphore(%run_scoped3A : memref<!tpu.dma_semaphore, #tpu.memory_space<semaphore_mem>>)
      %dma_wait3A = arith.constant 0 : i32
      %dma_wait3A_81 = tpu.memref_slice %arg6[%arg0, %add3A_75, %dma_wait3A] : memref<2x10240x128xf32, #tpu.memory_space<hbm>> -> memref<1x128x128xf32, #tpu.memory_space<hbm>>
      %dma_wait3A_82 = tpu.memref_squeeze %dma_wait3A_81 : memref<1x128x128xf32, #tpu.memory_space<hbm>> -> memref<128x128xf32, #tpu.memory_space<hbm>>
      %dma_wait3A_83 = arith.constant 0 : i32
      %dma_wait3A_84 = tpu.memref_slice %arg13[%add3A_75, %dma_wait3A_83] : memref<10240x128xf32, #tpu.memory_space<vmem_shared>> -> memref<128x128xf32, #tpu.memory_space<vmem_shared>>
      tpu.wait_dma2 semaphore(%run_scoped3A : memref<!tpu.dma_semaphore, #tpu.memory_space<semaphore_mem>>) src(%dma_wait3A_84 : memref<128x128xf32, #tpu.memory_space<vmem_shared>>) dst(%dma_wait3A_82 : memref<128x128xf32, #tpu.memory_space<hbm>>)
      tpu.yield
    }) : () -> ()
    return
  }
}

module attributes {stable_mosaic.version = 14 : i64} {
  func.func @_mm_body(%arg0: i32, %arg1: memref<1000x128xf32, #tpu.memory_space<vmem>>, %arg2: memref<128x128xf32, #tpu.memory_space<vmem>>, %arg3: memref<1000x128xf32, #tpu.memory_space<vmem>>) attributes {dimension_semantics = [#tpu.dimension_semantics<arbitrary>], iteration_bounds = array<i64: 10>, scalar_prefetch = 0 : i64, scratch_operands = 0 : i64, tpu.core_type = #tpu.core_type<tc>, window_params = [{transform_indices = @transform_0, window_bounds = array<i64: 1000, 128>}, {pipeline_mode = #tpu.pipeline_mode<synchronous>, transform_indices = @transform_1, window_bounds = array<i64: 128, 128>}, {transform_indices = @transform_2, window_bounds = array<i64: 1000, 128>}]} {
    %get3A = arith.constant 0 : index
    %get3A_0 = arith.constant 0 : index
    %get3A_1 = vector.load %arg1[%get3A, %get3A_0] : memref<1000x128xf32, #tpu.memory_space<vmem>>, vector<1000x128xf32>
    %get3A_2 = arith.constant 0 : index
    %get3A_3 = arith.constant 0 : index
    %get3A_4 = vector.load %arg2[%get3A_2, %get3A_3] : memref<128x128xf32, #tpu.memory_space<vmem>>, vector<128x128xf32>
    %dot_general3A = arith.constant dense<0.000000e+00> : vector<1000x128xf32>
    %dot_general3A_5 = tpu.matmul %get3A_1, %get3A_4, %dot_general3A {dimension_numbers = #tpu.dot_dimension_numbers<[1], [0], [0], [1], [0, 0, 1, 1], [], []>, transpose_lhs_hint = false} : vector<1000x128xf32>, vector<128x128xf32>, vector<1000x128xf32> -> vector<1000x128xf32>
    %swap3A = arith.constant 0 : index
    %swap3A_6 = arith.constant 0 : index
    %swap3A_7 = vector.load %arg3[%swap3A, %swap3A_6] : memref<1000x128xf32, #tpu.memory_space<vmem>>, vector<1000x128xf32>
    tpu.vector_store %arg3[%swap3A, %swap3A_6], %dot_general3A_5 {strides = array<i32>} : memref<1000x128xf32, #tpu.memory_space<vmem>>, vector<1000x128xf32>,
    return
  }
  func.func @transform_0(%arg0: i32) -> (i32, i32) {
    %c0_i32 = arith.constant 0 : i32
    %c0_i32_0 = arith.constant 0 : i32
    return %arg0, %c0_i32 : i32, i32
  }
  func.func @transform_1(%arg0: i32) -> (i32, i32) {
    %c0_i32 = arith.constant 0 : i32
    %c0_i32_0 = arith.constant 0 : i32
    %c0_i32_1 = arith.constant 0 : i32
    return %c0_i32, %c0_i32_0 : i32, i32
  }
  func.func @transform_2(%arg0: i32) -> (i32, i32) {
    %c0_i32 = arith.constant 0 : i32
    %c0_i32_0 = arith.constant 0 : i32
    return %arg0, %c0_i32 : i32, i32
  }
}

module attributes {stable_mosaic.version = 14 : i64} {
  func.func @_fin_body(%arg0: i32, %arg1: memref<2x1000x128xf32, #tpu.memory_space<vmem>>, %arg2: memref<1xf32, #tpu.memory_space<smem>>, %arg3: memref<1000x128xf32, #tpu.memory_space<vmem>>) attributes {dimension_semantics = [#tpu.dimension_semantics<arbitrary>], iteration_bounds = array<i64: 10>, scalar_prefetch = 0 : i64, scratch_operands = 0 : i64, tpu.core_type = #tpu.core_type<tc>, window_params = [{transform_indices = @transform_0, window_bounds = array<i64: 2, 1000, 128>}, {transform_indices = @transform_1, window_bounds = array<i64: 1>}, {transform_indices = @transform_2, window_bounds = array<i64: 1000, 128>}]} {
    %get3A = arith.constant 0 : index
    %get3A_0 = arith.constant 0 : index
    %get3A_1 = arith.constant 0 : index
    %get3A_2 = vector.load %arg1[%get3A, %get3A_0, %get3A_1] : memref<2x1000x128xf32, #tpu.memory_space<vmem>>, vector<1x1000x128xf32>
    %get3A_3 = vector.shape_cast %get3A_2 : vector<1x1000x128xf32> to vector<1000x128xf32>
    %get3A_4 = arith.constant 1 : index
    %get3A_5 = arith.constant 0 : index
    %get3A_6 = arith.constant 0 : index
    %get3A_7 = vector.load %arg1[%get3A_4, %get3A_5, %get3A_6] : memref<2x1000x128xf32, #tpu.memory_space<vmem>>, vector<1x1000x128xf32>
    %get3A_8 = vector.shape_cast %get3A_7 : vector<1x1000x128xf32> to vector<1000x128xf32>
    %add3A = arith.addf %get3A_3, %get3A_8 : vector<1000x128xf32>
    %get3A_9 = arith.constant 0 : index
    %get3A_10 = memref.load %arg2[%get3A_9] : memref<1xf32, #tpu.memory_space<smem>>
    %ge3A = arith.constant 0.000000e+00 : f32
    %ge3A_11 = vector.broadcast %ge3A : f32 to vector<1000x128xf32>
    %ge3A_12 = arith.cmpf oge, %add3A, %ge3A_11 : vector<1000x128xf32>
    %mul3A = vector.broadcast %get3A_10 : f32 to vector<1000x128xf32>
    %mul3A_13 = arith.mulf %mul3A, %add3A : vector<1000x128xf32>
    %select_n3A = arith.select %ge3A_12, %add3A, %mul3A_13 : vector<1000x128xi1>, vector<1000x128xf32>
    %swap3A = arith.constant 0 : index
    %swap3A_14 = arith.constant 0 : index
    %swap3A_15 = vector.load %arg3[%swap3A, %swap3A_14] : memref<1000x128xf32, #tpu.memory_space<vmem>>, vector<1000x128xf32>
    tpu.vector_store %arg3[%swap3A, %swap3A_14], %select_n3A {strides = array<i32>} : memref<1000x128xf32, #tpu.memory_space<vmem>>, vector<1000x128xf32>,
    return
  }
  func.func @transform_0(%arg0: i32) -> (i32, i32, i32) {
    %c0_i32 = arith.constant 0 : i32
    %c0_i32_0 = arith.constant 0 : i32
    %c0_i32_1 = arith.constant 0 : i32
    return %c0_i32, %arg0, %c0_i32_0 : i32, i32, i32
  }
  func.func @transform_1(%arg0: i32) -> i32 {
    %c0_i32 = arith.constant 0 : i32
    %c0_i32_0 = arith.constant 0 : i32
    return %c0_i32 : i32
  }
  func.func @transform_2(%arg0: i32) -> (i32, i32) {
    %c0_i32 = arith.constant 0 : i32
    %c0_i32_0 = arith.constant 0 : i32
    return %arg0, %c0_i32 : i32, i32
  }
}

</mosaic_0001>

<sc_bundles>
// kernel: kernel.5.cloned.1.call-start
scs
__scs_entry_jumppad:
0x0: {  	(pc) =	sbr.rel $0x88, $3  }
0x1: {  	(tag) =	ssettag $0x0;
	lr =	simm.s32 $0x1  }
0x2: {  	[smem:$0x3F9C] =	sst lr;
	_ =	strace $0xD0000000  }
0x3: {  	_ = 	snop  }
0x4: {  	_ = 	snop  }
0x5: {  	_ = 	snop  }
0x6: {  	_ = 	snop  }
0x7: {  	_ = 	snop  }
__scs_overlays_trampoline_lowered:
0x8: {  	[smem:$0x3FAB] =	sst s0  }
0x9: {  	[smem:$0x3FAC] =	sst s1  }
0xa: {  	[smem:$0x3FAD] =	sst s2  }
0xb: {  	[smem:$0x3FAE] =	sst s3  }
0xc: {  	[smem:$0x3FAF] =	sst s4  }
0xd: {  	[smem:$0x3FB0] =	sst s5  }
0xe: {  	[smem:$0x3FB1] =	sst s6  }
0xf: {  	[smem:$0x3FB2] =	sst s7  }
0x10: {  	[smem:$0x3FB3] =	sst s8  }
0x11: {  	[smem:$0x3FB4] =	sst s9;
	s0 =	simm.s32 @!p0 $0x0  }
0x12: {  	s1 =	sld [smem:$0x3F9A];
	s0 =	simm.s32 @p0 $0x1  }
0x13: {  	[smem:$0x3FB5] =	sst s0;
	s0 =	simm.s32 @!p1 $0x0  }
0x14: {  	s2 =	sld [smem:$0x3F99];
	s0 =	simm.s32 @p1 $0x1  }
0x15: {  	[smem:$0x3FB6] =	sst s0;
	s0 =	simm.s32 @!p2 $0x0  }
0x16: {  	s3 =	sld [smem:$0x3FDB];
	s0 =	simm.s32 @p2 $0x1  }
0x17: {  	s4 =	simm.s32 $0x1BF5;
	[smem:$0x3FB8] =	sst s0  }
0x18: {  	s0 =	sld [smem:$0x3F9B];
	_ =	swait.ge [sflag:s4], $0x0  }
0x19: {  	s7 =	sld [smem:$0x3F9C]  }
0x1a: {  	s8 =	sadd.s32 $0xFFFFE003, lr  }
0x1b: {  	s9 =	sadd.s32 $0xFFFFFEF7, lr;
	s5 =	simm.s32 $0xFFFFFFFF;
	p2 =	slt.u32 s8, $0xFFFFF086  }
0x1c: {  	p1 =	slt.u32 s9, $0xF7A;
	s5 =	simm.s32 @!p2 $0x0  }
0x1d: {  	s5 =	simm.s32 @p1 $0x1;
	p0 =	seq.s32 s7, s2  }
0x1e: {  	s7 =	smul.u32 @!p0 $0xF7A, s2;
	p2 =	seq.s32 @!p0 s5, $0x0  }
0x1f: {  	s9 =	smul.u32 $0xF7A, s1;
	s8 =	simm.s32 @!p0 $0x1BF5;
	p2 =	por !p2, p0  }
0x20: {  	[sflag:s8] =	ssyncset.s32 @!p0 $0xFFFFF086;
	s6 =	sadd.s32 @!p0 s3, s7;
	s7 =	simm.s32 @!p0 $0x108  }
0x21: {  	s3 =	sadd.s32 s3, s9;
	s6 =	sadd.s32 @!p0 $0x88, s6;
	s7 =	simm.s32 @p2 $0x1082  }
0x22: {  	[simem:s7], [sflag:s8] =	dma.local @!p0 [hbm:s6], $0xF7A  }
0x23: {  	s9 =	sor.u32 $0xD0000000, s2;
	s6 =	simm.s32 $0x108;
	_ =	swait.ge @!p0 [sflag:s8], $0x0  }
0x24: {  	s3 =	sadd.s32 $0x88, s3;
	s6 =	simm.s32 @!p1 $0x1082;
	[sflag:s4] =	ssyncset.s32 $0xFFFFF086  }
0x25: {  	[simem:s6], [sflag:s4] =	dma.local [hbm:s3], $0xF7A  }
0x26: {  	[smem:$0x3F9C] =	sst s1;
	(tag) =	ssettag s2;
	_ =	strace s9  }
0x27: {  	s1 =	sld [smem:$0x3FAC]  }
0x28: {  	s2 =	sld [smem:$0x3FAD]  }
0x29: {  	s4 =	sld [smem:$0x3FAF]  }
0x2a: {  	p0 =	seq.s32 s5, $0x0;
	s5 =	sld [smem:$0x3FB0]  }
0x2b: {  	s6 =	sld [smem:$0x3FB1]  }
0x2c: {  	s7 =	sld [smem:$0x3FB2]  }
0x2d: {  	s3 =	simm.s32 $0x108;
	s8 =	sld [smem:$0x3FB3]  }
0x2e: {  	s3 =	simm.s32 @!p0 $0x1082;
	s9 =	sld [smem:$0x3FB4]  }
0x2f: {  	lr =	sadd.s32 s0, s3;
	s0 =	sld [smem:$0x3FAB]  }
0x30: {  	s3 =	sld [smem:$0x3FAE]  }
0x31: {  	[smem:$0x3FB7] =	sst s10  }
0x32: {  	s10 =	sld [smem:$0x3FB5];
	_ =	sdelay $0x3  }
0x33: {  	p0 =	seq.s32 s10, $0x1;
	s10 =	sld [smem:$0x3FB7];
	_ =	sdelay $0x3  }
0x34: {  	[smem:$0x3FB7] =	sst s10  }
0x35: {  	s10 =	sld [smem:$0x3FB6];
	_ =	sdelay $0x3  }
0x36: {  	p1 =	seq.s32 s10, $0x1;
	s10 =	sld [smem:$0x3FB7];
	_ =	sdelay $0x3  }
0x37: {  	[smem:$0x3FB7] =	sst s10  }
0x38: {  	s10 =	sld [smem:$0x3FB8]  }
0x39: {  	_ = 	snop;
	(pc) =	sbr.ind lr, $3  }
0x3a: {  	_ = 	snop  }
0x3b: {  	_ = 	snop  }
0x3c: {  	p2 =	seq.s32 s10, $0x1;
	s10 =	sld [smem:$0x3FB7]  }
0x3d: {  	_ =	shalt  }
0x3e: {  	_ =	shalt  }
0x3f: {  	_ =	shalt  }
0x40: {  	_ =	shalt  }
0x41: {  	_ =	shalt  }
0x42: {  	_ =	shalt  }
0x43: {  	_ =	shalt  }
0x44: {  	_ =	shalt  }
0x45: {  	_ =	shalt  }
0x46: {  	_ =	shalt  }
0x47: {  	_ =	shalt  }
0x48: {  	_ =	shalt  }
0x49: {  	_ =	shalt  }
0x4a: {  	_ =	shalt  }
0x4b: {  	_ =	shalt  }
0x4c: {  	_ =	shalt  }
0x4d: {  	_ =	shalt  }
0x4e: {  	_ =	shalt  }
0x4f: {  	_ =	shalt  }
0x50: {  	_ =	shalt  }
0x51: {  	_ =	shalt  }
0x52: {  	_ =	shalt  }
0x53: {  	_ =	shalt  }
0x54: {  	_ =	shalt  }
0x55: {  	_ =	shalt  }
0x56: {  	_ =	shalt  }
0x57: {  	_ =	shalt  }
0x58: {  	_ =	shalt  }
0x59: {  	_ =	shalt  }
0x5a: {  	_ =	shalt  }
0x5b: {  	_ =	shalt  }
0x5c: {  	_ =	shalt  }
0x5d: {  	_ =	shalt  }
0x5e: {  	_ =	shalt  }
0x5f: {  	_ =	shalt  }
0x60: {  	_ =	shalt  }
0x61: {  	_ =	shalt  }
0x62: {  	_ =	shalt  }
0x63: {  	_ =	shalt  }
0x64: {  	_ =	shalt  }
0x65: {  	_ =	shalt  }
0x66: {  	_ =	shalt  }
0x67: {  	_ =	shalt  }
0x68: {  	_ =	shalt  }
0x69: {  	_ =	shalt  }
0x6a: {  	_ =	shalt  }
0x6b: {  	_ =	shalt  }
0x6c: {  	_ =	shalt  }
0x6d: {  	_ =	shalt  }
0x6e: {  	_ =	shalt  }
0x6f: {  	_ =	shalt  }
0x70: {  	_ =	shalt  }
0x71: {  	_ =	shalt  }
0x72: {  	_ =	shalt  }
0x73: {  	_ =	shalt  }
0x74: {  	_ =	shalt  }
0x75: {  	_ =	shalt  }
0x76: {  	_ =	shalt  }
0x77: {  	_ =	shalt  }
0x78: {  	_ =	shalt  }
0x79: {  	_ =	shalt  }
0x7a: {  	_ =	shalt  }
0x7b: {  	_ =	shalt  }
0x7c: {  	_ =	shalt  }
0x7d: {  	_ =	shalt  }
0x7e: {  	_ =	shalt  }
0x7f: {  	_ =	shalt  }
0x80: {  	_ =	shalt  }
0x81: {  	_ =	shalt  }
0x82: {  	_ =	shalt  }
0x83: {  	_ =	shalt  }
0x84: {  	_ =	shalt  }
0x85: {  	_ =	shalt  }
0x86: {  	_ =	shalt  }
0x87: {  	_ =	shalt  }
.Lfunc_end0:
.L_simem_size_0:
called_computation_lowered:
.L_overlay_start_0:
0x88: {  	s2 =	sld [smem:$0x3FD9]  }
0x89: {  	s3 =	sld [smem:$0x3FFE];
	_ =	sdelay $0x1  }
0x8a: {  	s1 =	srdreg.scid  }
0x8b: {  	s0 =	sand.u32 $0x1, s1  }
0x8c: {  	s17 =	sshll.u32 s0, $0xA;
	s2 =	sadd.s32 s3, s2  }
0x8d: {  	s2 =	sadd.s32 s2, s17  }
0x8e: {  	[smem:$0x3FC3] =	sst s2  }
0x8f: {  	_ = 	snop  }
0x90: {  	s2 =	sld [smem:$0x3FD0];
	(tm) =	ssettm $0x1  }
0x91: {  	s18 =	sld [smem:$0x3FFB];
	_ =	sdelay $0x3  }
0x92: {  	_ =	strace s18  }
0x93: {  	s3 =	sld [smem:$0x3FFC];
	_ =	sdelay $0x3  }
0x94: {  	_ =	strace s3  }
0x95: {  	s3 =	sld [smem:$0x3FFD];
	_ =	sdelay $0x3  }
0x96: {  	_ =	strace s3  }
0x97: {  	_ =	strace $0x8FFFFFFF  }
0x98: {  	s19 =	sld [smem:$0x3FDB];
	_ =	sdelay $0x1  }
0x99: {  	s4 =	simm.s32 $_scs_section_size  }
0x9a: {  	s5 =	simm.s32 $_size__tile_overlayer_lowered;
	s6 =	simm.s32 $_tile_overlayer_lowered  }
0x9b: {  	s22 =	simm.s32 $0x1BFF;
	s21 =	sshll.u32 s6, $0x1;
	s3 =	sadd.s32 s4, s19  }
0x9c: {  	s7 =	simm.s32 $0x0;
	s20 =	sshll.u32 s5, $0x1;
	s5 =	sadd.s32 s21, s3  }
0x9d: {  	[timem:s7], [sflag:s22] =	dma.local [hbm:s5], s20  }
0x9e: {  	_ =	swait.ge [sflag:s22], s20  }
0x9f: {  	s4 =	ssub.s32 $0x0, s20;
	[sflag:s22] =	ssyncset.done $0x0  }
0xa0: {  	[sflag:s22] =	ssyncadd.s32 s4;
	_ =	sdelay $0x1  }
0xa1: {  	s23 =	simm.s32 $0x1B8B  }
0xa2: {  	_ =	swait.ge [sflag:s23], $0x1  }
0xa3: {  	[sflag:s23] =	ssyncset.done $0x0  }
0xa4: {  	s25 =	simm.s32 $0x1B8E;
	s24 =	sld [smem:$0x3FFE];
	[sflag:s23] =	ssyncadd.s32 $0xFFFFFFFF  }
0xa5: {  	s26 =	simm.s32 $execute0_lowered;
	[smem:$0x3FD2] =	sst s25  }
0xa6: {  	s5 =	sshll.u32 s26, $0x1;
	_ =	strace $0x80000046;
	[dreg:$0x1] =	wrdreg $0xFFFFFFFF  }
0xa7: {  	s28 =	simm.s32 $_size_execute0_lowered;
	s3 =	sadd.s32 s3, s5;
	[dreg:$0x0] =	wrdreg $0x0  }
0xa8: {  	s5 =	sshll.u32 s28, $0x1;
	[dreg:$0x2] =	wrdreg s3  }
0xa9: {  	[dreg:$0x3] =	wrdreg s5  }
0xaa: {  	[dreg:$0x4] =	wrdreg $0xC0  }
0xab: {  	_ =	task [dreg:s7], $0x5FFFF  }
0xac: {  	[dreg:$0x1] =	wrdreg $0xFFFFFFFF  }
0xad: {  	[dreg:$0x0] =	wrdreg $0x60  }
0xae: {  	[dreg:$0x2] =	wrdreg s2  }
0xaf: {  	[dreg:$0x3] =	wrdreg s24  }
0xb0: {  	[dreg:$0x4] =	wrdreg $0xB8800  }
0xb1: {  	[dreg:$0x5] =	wrdreg $0x9  }
0xb2: {  	_ =	task.clear_ibuf [dreg:s7], $0x6FFFF;
	_ =	strace $0x90000046  }
0xb3: {  	s29 =	simm.s32 $0x9;
	_ =	strace $0x80000048  }
0xb4: {  	_ =	swait.ge [sflag:s29], $0x1  }
0xb5: {  	[sflag:s29] =	ssyncadd.s32 $0xFFFFFFFF  }
0xb6: {  	_ =	strace $0x90000048  }
0xb7: {  	_ =	sfence  }
0xb8: {  	s30 =	sld [smem:$0x0];
	_ =	sdelay $0x2  }
0xb9: {  	s31 =	sshll.u32 s1, $0xD;
	s1 =	sshrl.u32 s1, $0x2  }
0xba: {  	s3 =	sand.u32 $0x4000, s31;
	s1 =	sadd.s32 s1, s30  }
0xbb: {  	s0 =	sor.u32 s3, s0;
	s1 =	sshll.u32 s1, $0x11  }
0xbc: {  	s0 =	sor.u32 s1, s0  }
0xbd: {  	s0 =	sadd.s32 $0x8F2B, s0  }
0xbe: {  	[sflag:s0] =	ssyncadd.remote.s32 $0x1  }
0xbf: {  	_ =	sfence.sel $0xFFFF  }
0xc0: {  	[dreg:$0x0] =	wrdreg $0xFFFFFFFF;
	(pc) =	sbr.abs _section_cstart, $3  }
0xc1: {  	[dreg:$0x1] =	wrdreg $0xFFFFFFFF  }
0xc2: {  	_ =	task.clear_ibuf [dreg:s7], $0x2FFFF;
	_ =	strace $0x9FFFFFFF  }
0xc3: {  	(tm) =	ssettm $0x7FFFFFFF  }
tec
execute0_lowered:
.L_overlay_start_1:
0x0: {  	(tag) =	ssettag $0x1  }
0x1: {  	s1 =	rddreg [dreg:$0x0]  }
0x2: {  	s0 =	srdreg.scid;
	s2 =	rddreg [dreg:$0x1]  }
0x3: {  	s12 =	stileid.u32;
	s3 =	rddreg [dreg:$0x2]  }
0x4: {  	s6 =	simm.s32 $0x0;
	s29 =	simm.s32 $0x3;
	s31 =	simm.s32 $0x6880  }
0x5: {  	s30 =	simm.s32 $0x9080;
	s0 =	sand.u32 $0x1, s0;
	s7 =	smul.u32 $0x50000, s12  }
0x6: {  	[smem:$0x7FF] =	sst s6;
	s6 =	sadd.s32 $0x1A800, s2;
	s20 =	smul.u32 $0x14000, s12  }
0x7: {  	s4 =	sshll.u32 s0, $0x4;
	_ =	strace $0x80000047;
	s10 =	ssub.s32 $0x2, s0  }
0x8: {  	s0 =	smul.u32 $0x140000, s0;
	s4 =	sor.u32 s12, s4;
	s11 =	sshrl.u32 s10, $0x1  }
0x9: {  	s7 =	sshrl.u32 s7, $0x2;
	s24 =	sadd.s32 $0x4000, s20;
	s15 =	sadd.s32 $0x8000, s20  }
0xa: {  	s5 =	smul.u32 $0x2760, s4;
	s4 =	sshll.u32 s4, $0xB;
	s10 =	ssub.s32 s10, s11  }
0xb: {  	s7 =	sadd.s32 s7, s3;
	s23 =	sadd.s32 s20, s0;
	s26 =	sadd.s32 s0, s24  }
0xc: {  	s11 =	sadd.s32 $0x10000, s20;
	s4 =	sadd.s32 s4, s2;
	s21 =	sadd.s32 $0x2800, s7  }
0xd: {  	s22 =	sadd.s32 $0x5000, s7;
	s25 =	sadd.s32 $0x7800, s7;
	s13 =	sadd.s32 $0xA000, s7  }
0xe: {  	s14 =	sshrl.u32 s26, $0x3;
	s19 =	sadd.s32 $0xC800, s7;
	[dreg:$0x6] =	wrdreg s21  }
0xf: {  	s26 =	sadd.s32 s11, s3;
	s28 =	sadd.s32 $0x11800, s7;
	[dreg:$0x7] =	wrdreg s22  }
0x10: {  	s8 =	sshrl.u32 s5, $0x3;
	s4 =	sadd.s32 $0xA00, s4;
	[dreg:$0x8] =	wrdreg s25  }
0x11: {  	[dreg:$0x9] =	wrdreg s13;
	s21 =	sadd.s32 $0xC000, s20;
	s22 =	sadd.s32 s0, s15  }
0x12: {  	s9 =	sadd.s32 s8, s2;
	s2 =	sadd.s32 $0x24600, s2;
	[dreg:$0x5] =	wrdreg s4  }
0x13: {  	s4 =	sshrl.u32 s23, $0x3;
	s13 =	sshrl.u32 s22, $0x3;
	s20 =	sadd.s32 s6, s8  }
0x14: {  	s23 =	sadd.s32 s24, s3;
	s24 =	sadd.s32 s15, s3;
	s25 =	sadd.s32 s21, s3  }
0x15: {  	s8 =	simm.s32 $0x2;
	s9 =	sadd.s32 $0x10A00, s9;
	s4 =	sadd.s32 s2, s4  }
0x16: {  	s16 =	sadd.s32 s2, s13;
	s22 =	sshrl.u32 s23, $0x3;
	s23 =	sshrl.u32 s24, $0x3  }
0x17: {  	v0 =	vimm.f32 $0.0e+00;
	v1 =	vimm.s32 $0x0;
	s24 =	sshrl.u32 s25, $0x3;
	s25 =	sshrl.u32 s26, $0x3;
	[dreg:$0x4] =	wrdreg s9  }
0x18: {  	v2 =	vimm.s32 $0x1;
	v3 =	vimm.s32 $0x2;
	v4 =	vimm.s32 $0x3;
	s26 =	sadd.s32 $0xF000, s7;
	[dreg:$0xa] =	wrdreg s4;
	s4 =	sadd.s32 s2, s14  }
0x19: {  	v5 =	vimm.s32 $0x4;
	v6 =	vimm.s32 $0x5;
	v7 =	vimm.s32 $0x6;
	s14 =	sadd.s32 s0, s21;
	s0 =	sadd.s32 s0, s11;
	s21 =	smax.u32 s10, $0x1  }
0x1a: {  	v8 =	vimm.s32 $0x7;
	v9 =	vimm.s32 $0x8;
	v10 =	vimm.s32 $0x9;
	s9 =	simm.s32 $0x0;
	[dreg:$0xb] =	wrdreg s4;
	s14 =	sshrl.u32 s14, $0x3  }
0x1b: {  	v11 =	vimm.s32 $0xA;
	v12 =	vimm.s32 $0xB;
	v13 =	vimm.s32 $0xC;
	s0 =	sshrl.u32 s0, $0x3;
	s4 =	simm.s32 $0x1;
	s17 =	sadd.s32 s2, s14  }
0x1c: {  	v14 =	vimm.s32 $0xD;
	v15 =	vimm.s32 $0xE;
	v16 =	vimm.s32 $0xF;
	s18 =	sadd.s32 s2, s0;
	s2 =	simm.s32 $0x50;
	s0 =	simm.s32 $0x6800  }
.LBB2_1:
0x1d: {  	s10 =	simm.s32 $0x0;
	s11 =	rddreg [dreg:$0x4]  }
0x1e: {  	[tilespmem:s10], [sflag:$0x3] =	stream.linear.gather [hbm4b:s11+s10], $0x2760, $0x38;
	[tilespmem:$0x1F880] =	vst v63  }
0x1f: {  	_ =	swait.ge [sflag:s29], $0x2760  }
0x20: {  	[sflag:s29] =	ssyncset.done $0x0  }
0x21: {  	s12 =	simm.s32 $0x2780;
	s15 =	rddreg [dreg:$0x5];
	[sflag:s29] =	ssyncadd.s32 $0xFFFFD8A0  }
0x22: {  	[tilespmem:s12], [sflag:$0x3] =	stream.linear.gather [hbm4b:s15+s10], $0x3F00, $0x38;
	[tilespmem:$0x1F880] =	vst v63  }
0x23: {  	_ =	swait.ge [sflag:s29], $0x3F00  }
0x24: {  	[sflag:s29] =	ssyncset.done $0x0  }
0x25: {  	s11 =	simm.s32 $0x200;
	s10 =	simm.s32 $0x0;
	[sflag:s29] =	ssyncadd.s32 $0xFFFFC100  }
.LBB2_2:
0x26: {  	p0 =	sne.s32 s11, $0x9E00;
	[tilespmem:s10+$0x68F0] =	vst v0  }
0x27: {  	[tilespmem:s10+$0x6880] =	vst v0  }
0x28: {  	[tilespmem:s10+$0x6890] =	vst v0  }
.Ltmp0:
0x29: {  	[tilespmem:s10+$0x68A0] =	vst v0;
	(pc) =	sbr.rel @p0 .LBB2_2-.Ltmp0, $4  }
0x2a: {  	[tilespmem:s10+$0x68B0] =	vst v0  }
0x2b: {  	[tilespmem:s10+$0x68C0] =	vst v0  }
0x2c: {  	[tilespmem:s10+$0x68D0] =	vst v0  }
0x2d: {  	[tilespmem:s10+$0x68E0] =	vst v0;
	s10 =	sshra.s32 s11, $0x2;
	s11 =	sadd.s32 $0x200, s11  }
0x2e: {  	[tilespmem:s10+$0x68F0] =	vst v0  }
0x2f: {  	[tilespmem:s10+$0x6880] =	vst v0  }
0x30: {  	[tilespmem:s10+$0x6890] =	vst v0  }
0x31: {  	[tilespmem:s10+$0x68A0] =	vst v0  }
0x32: {  	[tilespmem:s10+$0x68B0] =	vst v0  }
0x33: {  	[tilespmem:s10+$0x68C0] =	vst v0  }
0x34: {  	[tilespmem:s10+$0x68D0] =	vst v0  }
0x35: {  	[tilespmem:s10+$0x68E0] =	vst v0  }
0x36: {  	[spmem:s7] =	stream.linear.scatter [tilespmem:s31], [sflag:$0x3], $0x2800, $0x38;
	[tilespmem:$0x1F880] =	vst v63  }
0x37: {  	_ =	swait.ge [sflag:s29], $0x2800  }
0x38: {  	[sflag:s29] =	ssyncset.done $0x0  }
0x39: {  	s12 =	rddreg [dreg:$0x6];
	[sflag:s29] =	ssyncadd.s32 $0xFFFFD800  }
0x3a: {  	[spmem:s12] =	stream.linear.scatter [tilespmem:s31], [sflag:$0x3], $0x2800, $0x38;
	[tilespmem:$0x1F880] =	vst v63  }
0x3b: {  	_ =	swait.ge [sflag:s29], $0x2800  }
0x3c: {  	[sflag:s29] =	ssyncset.done $0x0  }
0x3d: {  	s13 =	rddreg [dreg:$0x7];
	[sflag:s29] =	ssyncadd.s32 $0xFFFFD800  }
0x3e: {  	[spmem:s13] =	stream.linear.scatter [tilespmem:s31], [sflag:$0x3], $0x2800, $0x38;
	[tilespmem:$0x1F880] =	vst v63  }
0x3f: {  	_ =	swait.ge [sflag:s29], $0x2800  }
0x40: {  	[sflag:s29] =	ssyncset.done $0x0  }
0x41: {  	s14 =	rddreg [dreg:$0x8];
	[sflag:s29] =	ssyncadd.s32 $0xFFFFD800  }
0x42: {  	[spmem:s14] =	stream.linear.scatter [tilespmem:s31], [sflag:$0x3], $0x2800, $0x38;
	[tilespmem:$0x1F880] =	vst v63  }
0x43: {  	_ =	swait.ge [sflag:s29], $0x2800  }
0x44: {  	[sflag:s29] =	ssyncset.done $0x0  }
0x45: {  	s15 =	rddreg [dreg:$0x9];
	[sflag:s29] =	ssyncadd.s32 $0xFFFFD800  }
0x46: {  	[spmem:s15] =	stream.linear.scatter [tilespmem:s31], [sflag:$0x3], $0x2800, $0x38;
	[tilespmem:$0x1F880] =	vst v63  }
0x47: {  	_ =	swait.ge [sflag:s29], $0x2800  }
0x48: {  	[sflag:s29] =	ssyncset.done $0x0  }
0x49: {  	[sflag:s29] =	ssyncadd.s32 $0xFFFFD800  }
0x4a: {  	[spmem:s19] =	stream.linear.scatter [tilespmem:s31], [sflag:$0x3], $0x2800, $0x38;
	[tilespmem:$0x1F880] =	vst v63  }
0x4b: {  	_ =	swait.ge [sflag:s29], $0x2800  }
0x4c: {  	[sflag:s29] =	ssyncset.done $0x0  }
0x4d: {  	[sflag:s29] =	ssyncadd.s32 $0xFFFFD800  }
0x4e: {  	[spmem:s26] =	stream.linear.scatter [tilespmem:s31], [sflag:$0x3], $0x2800, $0x38;
	[tilespmem:$0x1F880] =	vst v63  }
0x4f: {  	_ =	swait.ge [sflag:s29], $0x2800  }
0x50: {  	[sflag:s29] =	ssyncset.done $0x0  }
0x51: {  	[sflag:s29] =	ssyncadd.s32 $0xFFFFD800  }
0x52: {  	[spmem:s28] =	stream.linear.scatter [tilespmem:s31], [sflag:$0x3], $0x2800, $0x38;
	[tilespmem:$0x1F880] =	vst v63  }
0x53: {  	_ =	swait.ge [sflag:s29], $0x2800  }
0x54: {  	[sflag:s29] =	ssyncset.done $0x0  }
0x55: {  	[sflag:s29] =	ssyncadd.s32 $0xFFFFD800  }
0x56: {  	s10 =	simm.s32 $0x0;
	[bflag:$0x0] =	sbarrier.arrive $0xFFFF  }
0x57: {  	[tilespmem:s31], [sflag:$0x1] =	stream.indirect.gather [hbm4b:s1+s2], $0x80, s10, s2, $0xb8;
	[tilespmem:$0x1F880] =	vst v63  }
0x58: {  	s11 =	simm.s32 $0x6780  }
0x59: {  	[tilespmem:s11], [sflag:$0x1] =	stream.linear.gather [hbm4b:s20+s10], $0x50, $0x38;
	[tilespmem:$0x1F880] =	vst v63  }
0x5a: {  	s11 =	simm.s32 $0x0  }
.LBB2_4:
0x5b: {  	s12 =	sshllo.u32 s11, $0x1  }
0x5c: {  	s13 =	smul.u32 $0x50, s12;
	_ =	sdelay $0x1  }
0x5d: {  	[tilespmem:s30], [sflag:$0x2] =	stream.indirect.gather [hbm4b:s1+s2], $0x80, s13, s2, $0xb8;
	[tilespmem:$0x1F880] =	vst v63  }
0x5e: {  	s13 =	sadd.s32 s5, s13  }
0x5f: {  	s13 =	sshrl.u32 s13, $0x3  }
0x60: {  	s13 =	sadd.s32 s6, s13  }
0x61: {  	[tilespmem:s0], [sflag:$0x2] =	stream.linear.gather [hbm4b:s13+s10], $0x50, $0x38;
	[tilespmem:$0x1F880] =	vst v63  }
0x62: {  	_ =	swait.ge [sflag:s4], $0x2800  }
0x63: {  	[sflag:s4] =	ssyncset.done $0x0  }
0x64: {  	[sflag:s4] =	ssyncadd.s32 $0xFFFFD800  }
0x65: {  	_ =	swait.ge [sflag:s4], $0x50  }
0x66: {  	[sflag:s4] =	ssyncset.done $0x0  }
0x67: {  	s13 =	simm.s32 $0x0;
	[sflag:s4] =	ssyncadd.s32 $0xFFFFFFB0  }
.LBB2_5:
0x68: {  	s14 =	sshll.u32 s13, $0x4  }
0x69: {  	s14 =	sand.u32 $0x3FFFFFF0, s14  }
0x6a: {  	s15 =	sshll.u32 s13, $0xB;
	v17 =	vld [tilespmem:s14+$0x6780]  }
0x6b: {  	s14 =	sand.u32 $0x3FFFF800, s15  }
0x6c: {  	v18 =	vld [tilespmem:s14+$0x6880]  }
0x6d: {  	v19 =	vld [tilespmem:s14+$0x6890]  }
0x6e: {  	v20 =	vld [tilespmem:s14+$0x68A0]  }
0x6f: {  	v22 =	vld [tilespmem:s14+$0x68B0];
	v21 =	vperm.xlane v17, v1  }
0x70: {  	v23 =	vld [tilespmem:s14+$0x68C0]  }
0x71: {  	v24 =	vld [tilespmem:s14+$0x68D0];
	v18 =	vmul.f32 v18, v21  }
0x72: {  	v25 =	vld [tilespmem:s14+$0x68E0];
	v19 =	vmul.f32 v19, v21  }
0x73: {  	v38 =	vld [tilespmem:s14+$0x68F0];
	[tilespmem:s14+$0x6880] =	vst v18;
	v18 =	vmul.f32 v20, v21  }
0x74: {  	v39 =	vld [tilespmem:s14+$0x6900];
	[tilespmem:s14+$0x6890] =	vst v19;
	v19 =	vmul.f32 v22, v21  }
0x75: {  	v40 =	vld [tilespmem:s14+$0x6910];
	[tilespmem:s14+$0x68A0] =	vst v18;
	v18 =	vmul.f32 v23, v21  }
0x76: {  	v41 =	vld [tilespmem:s14+$0x6920];
	[tilespmem:s14+$0x68B0] =	vst v19;
	v19 =	vmul.f32 v24, v21  }
0x77: {  	v26 =	vld [tilespmem:s14+$0x6930];
	v42 =	vperm.xlane v17, v2;
	[tilespmem:s14+$0x68C0] =	vst v18;
	v18 =	vmul.f32 v25, v21  }
0x78: {  	v43 =	vld [tilespmem:s14+$0x6940];
	[tilespmem:s14+$0x68D0] =	vst v19;
	v19 =	vmul.f32 v38, v21  }
0x79: {  	v44 =	vld [tilespmem:s14+$0x6950];
	[tilespmem:s14+$0x68E0] =	vst v18;
	v18 =	vmul.f32 v39, v42  }
0x7a: {  	v45 =	vld [tilespmem:s14+$0x6960];
	[tilespmem:s14+$0x68F0] =	vst v19;
	v19 =	vmul.f32 v40, v42  }
0x7b: {  	v46 =	vld [tilespmem:s14+$0x6970];
	[tilespmem:s14+$0x6900] =	vst v18;
	v18 =	vmul.f32 v41, v42  }
0x7c: {  	v47 =	vld [tilespmem:s14+$0x6980];
	[tilespmem:s14+$0x6910] =	vst v19;
	v19 =	vmul.f32 v26, v42  }
0x7d: {  	v48 =	vld [tilespmem:s14+$0x6990];
	[tilespmem:s14+$0x6920] =	vst v18;
	v18 =	vmul.f32 v43, v42  }
0x7e: {  	v49 =	vld [tilespmem:s14+$0x69A0];
	[tilespmem:s14+$0x6930] =	vst v19;
	v19 =	vmul.f32 v44, v42  }
0x7f: {  	v51 =	vld [tilespmem:s14+$0x69B0];
	v50 =	vperm.xlane v17, v3;
	[tilespmem:s14+$0x6940] =	vst v18;
	v18 =	vmul.f32 v45, v42  }
0x80: {  	v52 =	vld [tilespmem:s14+$0x69C0];
	[tilespmem:s14+$0x6950] =	vst v19;
	v19 =	vmul.f32 v46, v42  }
0x81: {  	v53 =	vld [tilespmem:s14+$0x69D0];
	[tilespmem:s14+$0x6960] =	vst v18;
	v18 =	vmul.f32 v47, v50  }
0x82: {  	v54 =	vld [tilespmem:s14+$0x69E0];
	[tilespmem:s14+$0x6970] =	vst v19;
	v19 =	vmul.f32 v48, v50  }
0x83: {  	v55 =	vld [tilespmem:s14+$0x69F0];
	[tilespmem:s14+$0x6980] =	vst v18;
	v18 =	vmul.f32 v49, v50  }
0x84: {  	v56 =	vld [tilespmem:s14+$0x6A00];
	[tilespmem:s14+$0x6990] =	vst v19;
	v19 =	vmul.f32 v51, v50  }
0x85: {  	v57 =	vld [tilespmem:s14+$0x6A10];
	[tilespmem:s14+$0x69A0] =	vst v18;
	v18 =	vmul.f32 v52, v50  }
0x86: {  	v58 =	vld [tilespmem:s14+$0x6A20];
	[tilespmem:s14+$0x69B0] =	vst v19;
	v19 =	vmul.f32 v53, v50  }
0x87: {  	v60 =	vld [tilespmem:s14+$0x6A30];
	v59 =	vperm.xlane v17, v4;
	[tilespmem:s14+$0x69C0] =	vst v18;
	v18 =	vmul.f32 v54, v50  }
0x88: {  	v61 =	vld [tilespmem:s14+$0x6A40];
	[tilespmem:s14+$0x69D0] =	vst v19;
	v19 =	vmul.f32 v55, v50  }
0x89: {  	v62 =	vld [tilespmem:s14+$0x6A50];
	[tilespmem:s14+$0x69E0] =	vst v18;
	v18 =	vmul.f32 v56, v59  }
0x8a: {  	v63 =	vld [tilespmem:s14+$0x6A60];
	[tilespmem:s14+$0x69F0] =	vst v19;
	v19 =	vmul.f32 v57, v59  }
0x8b: {  	v28 =	vld [tilespmem:s14+$0x6A70];
	[tilespmem:s14+$0x6A00] =	vst v18;
	v18 =	vmul.f32 v58, v59  }
0x8c: {  	v29 =	vld [tilespmem:s14+$0x6A80];
	[tilespmem:s14+$0x6A10] =	vst v19;
	v19 =	vmul.f32 v60, v59  }
0x8d: {  	v30 =	vld [tilespmem:s14+$0x6A90];
	[tilespmem:s14+$0x6A20] =	vst v18;
	v18 =	vmul.f32 v61, v59  }
0x8e: {  	v31 =	vld [tilespmem:s14+$0x6AA0];
	[tilespmem:s14+$0x6A30] =	vst v19;
	v19 =	vmul.f32 v62, v59  }
0x8f: {  	v33 =	vld [tilespmem:s14+$0x6AB0];
	v32 =	vperm.xlane v17, v5;
	[tilespmem:s14+$0x6A40] =	vst v18;
	v18 =	vmul.f32 v63, v59  }
0x90: {  	v34 =	vld [tilespmem:s14+$0x6AC0];
	[tilespmem:s14+$0x6A50] =	vst v19;
	v19 =	vmul.f32 v28, v59  }
0x91: {  	v35 =	vld [tilespmem:s14+$0x6AD0];
	[tilespmem:s14+$0x6A60] =	vst v18;
	v18 =	vmul.f32 v29, v32  }
0x92: {  	v36 =	vld [tilespmem:s14+$0x6AE0];
	[tilespmem:s14+$0x6A70] =	vst v19;
	v19 =	vmul.f32 v30, v32  }
0x93: {  	v37 =	vld [tilespmem:s14+$0x6AF0];
	[tilespmem:s14+$0x6A80] =	vst v18;
	v18 =	vmul.f32 v31, v32  }
0x94: {  	v38 =	vld [tilespmem:s14+$0x6B00];
	[tilespmem:s14+$0x6A90] =	vst v19;
	v19 =	vmul.f32 v33, v32  }
0x95: {  	v39 =	vld [tilespmem:s14+$0x6B10];
	[tilespmem:s14+$0x6AA0] =	vst v18;
	v18 =	vmul.f32 v34, v32  }
0x96: {  	v40 =	vld [tilespmem:s14+$0x6B20];
	[tilespmem:s14+$0x6AB0] =	vst v19;
	v19 =	vmul.f32 v35, v32  }
0x97: {  	v41 =	vperm.xlane v17, v6;
	v42 =	vld [tilespmem:s14+$0x6B30];
	[tilespmem:s14+$0x6AC0] =	vst v18;
	v18 =	vmul.f32 v36, v32  }
0x98: {  	v43 =	vld [tilespmem:s14+$0x6B40];
	[tilespmem:s14+$0x6AD0] =	vst v19;
	v19 =	vmul.f32 v37, v32  }
0x99: {  	v44 =	vld [tilespmem:s14+$0x6B50];
	[tilespmem:s14+$0x6AE0] =	vst v18;
	v18 =	vmul.f32 v38, v41  }
0x9a: {  	v45 =	vld [tilespmem:s14+$0x6B60];
	[tilespmem:s14+$0x6AF0] =	vst v19;
	v19 =	vmul.f32 v39, v41  }
0x9b: {  	v46 =	vld [tilespmem:s14+$0x6B70];
	[tilespmem:s14+$0x6B00] =	vst v18;
	v18 =	vmul.f32 v40, v41  }
0x9c: {  	v47 =	vld [tilespmem:s14+$0x6B80];
	[tilespmem:s14+$0x6B10] =	vst v19;
	v19 =	vmul.f32 v42, v41  }
0x9d: {  	v48 =	vld [tilespmem:s14+$0x6B90];
	[tilespmem:s14+$0x6B20] =	vst v18;
	v18 =	vmul.f32 v43, v41  }
0x9e: {  	v49 =	vld [tilespmem:s14+$0x6BA0];
	[tilespmem:s14+$0x6B30] =	vst v19;
	v19 =	vmul.f32 v44, v41  }
0x9f: {  	v51 =	vld [tilespmem:s14+$0x6BB0];
	v50 =	vperm.xlane v17, v7;
	[tilespmem:s14+$0x6B40] =	vst v18;
	v18 =	vmul.f32 v45, v41  }
0xa0: {  	v52 =	vld [tilespmem:s14+$0x6BC0];
	[tilespmem:s14+$0x6B50] =	vst v19;
	v19 =	vmul.f32 v46, v41  }
0xa1: {  	v53 =	vld [tilespmem:s14+$0x6BD0];
	[tilespmem:s14+$0x6B60] =	vst v18;
	v18 =	vmul.f32 v47, v50  }
0xa2: {  	v54 =	vld [tilespmem:s14+$0x6BE0];
	[tilespmem:s14+$0x6B70] =	vst v19;
	v19 =	vmul.f32 v48, v50  }
0xa3: {  	v55 =	vld [tilespmem:s14+$0x6BF0];
	[tilespmem:s14+$0x6B80] =	vst v18;
	v18 =	vmul.f32 v49, v50  }
0xa4: {  	v56 =	vld [tilespmem:s14+$0x6C00];
	[tilespmem:s14+$0x6B90] =	vst v19;
	v19 =	vmul.f32 v51, v50  }
0xa5: {  	v57 =	vld [tilespmem:s14+$0x6C10];
	[tilespmem:s14+$0x6BA0] =	vst v18;
	v18 =	vmul.f32 v52, v50  }
0xa6: {  	v58 =	vld [tilespmem:s14+$0x6C20];
	[tilespmem:s14+$0x6BB0] =	vst v19;
	v19 =	vmul.f32 v53, v50  }
0xa7: {  	v60 =	vld [tilespmem:s14+$0x6C30];
	v59 =	vperm.xlane v17, v8;
	[tilespmem:s14+$0x6BC0] =	vst v18;
	v18 =	vmul.f32 v54, v50  }
0xa8: {  	v61 =	vld [tilespmem:s14+$0x6C40];
	[tilespmem:s14+$0x6BD0] =	vst v19;
	v19 =	vmul.f32 v55, v50  }
0xa9: {  	v62 =	vld [tilespmem:s14+$0x6C50];
	[tilespmem:s14+$0x6BE0] =	vst v18;
	v18 =	vmul.f32 v56, v59  }
0xaa: {  	v63 =	vld [tilespmem:s14+$0x6C60];
	[tilespmem:s14+$0x6BF0] =	vst v19;
	v19 =	vmul.f32 v57, v59  }
0xab: {  	v28 =	vld [tilespmem:s14+$0x6C70];
	[tilespmem:s14+$0x6C00] =	vst v18;
	v18 =	vmul.f32 v58, v59  }
0xac: {  	v29 =	vld [tilespmem:s14+$0x6C80];
	[tilespmem:s14+$0x6C10] =	vst v19;
	v19 =	vmul.f32 v60, v59  }
0xad: {  	v30 =	vld [tilespmem:s14+$0x6C90];
	[tilespmem:s14+$0x6C20] =	vst v18;
	v18 =	vmul.f32 v61, v59  }
0xae: {  	v31 =	vld [tilespmem:s14+$0x6CA0];
	[tilespmem:s14+$0x6C30] =	vst v19;
	v19 =	vmul.f32 v62, v59  }
0xaf: {  	v33 =	vld [tilespmem:s14+$0x6CB0];
	v32 =	vperm.xlane v17, v9;
	[tilespmem:s14+$0x6C40] =	vst v18;
	v18 =	vmul.f32 v63, v59  }
0xb0: {  	v34 =	vld [tilespmem:s14+$0x6CC0];
	[tilespmem:s14+$0x6C50] =	vst v19;
	v19 =	vmul.f32 v28, v59  }
0xb1: {  	v35 =	vld [tilespmem:s14+$0x6CD0];
	[tilespmem:s14+$0x6C60] =	vst v18;
	v18 =	vmul.f32 v29, v32  }
0xb2: {  	v36 =	vld [tilespmem:s14+$0x6CE0];
	[tilespmem:s14+$0x6C70] =	vst v19;
	v19 =	vmul.f32 v30, v32  }
0xb3: {  	v37 =	vld [tilespmem:s14+$0x6CF0];
	[tilespmem:s14+$0x6C80] =	vst v18;
	v18 =	vmul.f32 v31, v32  }
0xb4: {  	v38 =	vld [tilespmem:s14+$0x6D00];
	[tilespmem:s14+$0x6C90] =	vst v19;
	v19 =	vmul.f32 v33, v32  }
0xb5: {  	v39 =	vld [tilespmem:s14+$0x6D10];
	[tilespmem:s14+$0x6CA0] =	vst v18;
	v18 =	vmul.f32 v34, v32  }
0xb6: {  	v40 =	vld [tilespmem:s14+$0x6D20];
	[tilespmem:s14+$0x6CB0] =	vst v19;
	v19 =	vmul.f32 v35, v32  }
0xb7: {  	v42 =	vld [tilespmem:s14+$0x6D30];
	v41 =	vperm.xlane v17, v10;
	[tilespmem:s14+$0x6CC0] =	vst v18;
	v18 =	vmul.f32 v36, v32  }
0xb8: {  	v43 =	vld [tilespmem:s14+$0x6D40];
	[tilespmem:s14+$0x6CD0] =	vst v19;
	v19 =	vmul.f32 v37, v32  }
0xb9: {  	v44 =	vld [tilespmem:s14+$0x6D50];
	[tilespmem:s14+$0x6CE0] =	vst v18;
	v18 =	vmul.f32 v38, v41  }
0xba: {  	v45 =	vld [tilespmem:s14+$0x6D60];
	[tilespmem:s14+$0x6CF0] =	vst v19;
	v19 =	vmul.f32 v39, v41  }
0xbb: {  	v46 =	vld [tilespmem:s14+$0x6D70];
	[tilespmem:s14+$0x6D00] =	vst v18;
	v18 =	vmul.f32 v40, v41  }
0xbc: {  	v47 =	vld [tilespmem:s14+$0x6D80];
	[tilespmem:s14+$0x6D10] =	vst v19;
	v19 =	vmul.f32 v42, v41  }
0xbd: {  	v48 =	vld [tilespmem:s14+$0x6D90];
	[tilespmem:s14+$0x6D20] =	vst v18;
	v18 =	vmul.f32 v43, v41  }
0xbe: {  	v49 =	vld [tilespmem:s14+$0x6DA0];
	[tilespmem:s14+$0x6D30] =	vst v19;
	v19 =	vmul.f32 v44, v41  }
0xbf: {  	v51 =	vld [tilespmem:s14+$0x6DB0];
	v50 =	vperm.xlane v17, v11;
	[tilespmem:s14+$0x6D40] =	vst v18;
	v18 =	vmul.f32 v45, v41  }
0xc0: {  	v52 =	vld [tilespmem:s14+$0x6DC0];
	[tilespmem:s14+$0x6D50] =	vst v19;
	v19 =	vmul.f32 v46, v41  }
0xc1: {  	v53 =	vld [tilespmem:s14+$0x6DD0];
	[tilespmem:s14+$0x6D60] =	vst v18;
	v18 =	vmul.f32 v47, v50  }
0xc2: {  	v54 =	vld [tilespmem:s14+$0x6DE0];
	[tilespmem:s14+$0x6D70] =	vst v19;
	v19 =	vmul.f32 v48, v50  }
0xc3: {  	v55 =	vld [tilespmem:s14+$0x6DF0];
	[tilespmem:s14+$0x6D80] =	vst v18;
	v18 =	vmul.f32 v49, v50  }
0xc4: {  	v56 =	vld [tilespmem:s14+$0x6E00];
	[tilespmem:s14+$0x6D90] =	vst v19;
	v19 =	vmul.f32 v51, v50  }
0xc5: {  	v57 =	vld [tilespmem:s14+$0x6E10];
	[tilespmem:s14+$0x6DA0] =	vst v18;
	v18 =	vmul.f32 v52, v50  }
0xc6: {  	v58 =	vld [tilespmem:s14+$0x6E20];
	[tilespmem:s14+$0x6DB0] =	vst v19;
	v19 =	vmul.f32 v53, v50  }
0xc7: {  	v60 =	vld [tilespmem:s14+$0x6E30];
	v59 =	vperm.xlane v17, v12;
	[tilespmem:s14+$0x6DC0] =	vst v18;
	v18 =	vmul.f32 v54, v50  }
0xc8: {  	v61 =	vld [tilespmem:s14+$0x6E40];
	[tilespmem:s14+$0x6DD0] =	vst v19;
	v19 =	vmul.f32 v55, v50  }
0xc9: {  	v62 =	vld [tilespmem:s14+$0x6E50];
	[tilespmem:s14+$0x6DE0] =	vst v18;
	v18 =	vmul.f32 v56, v59  }
0xca: {  	v63 =	vld [tilespmem:s14+$0x6E60];
	[tilespmem:s14+$0x6DF0] =	vst v19;
	v19 =	vmul.f32 v57, v59  }
0xcb: {  	v28 =	vld [tilespmem:s14+$0x6E70];
	[tilespmem:s14+$0x6E00] =	vst v18;
	v18 =	vmul.f32 v58, v59  }
0xcc: {  	v29 =	vld [tilespmem:s14+$0x6E80];
	[tilespmem:s14+$0x6E10] =	vst v19;
	v19 =	vmul.f32 v60, v59  }
0xcd: {  	v30 =	vld [tilespmem:s14+$0x6E90];
	[tilespmem:s14+$0x6E20] =	vst v18;
	v18 =	vmul.f32 v61, v59  }
0xce: {  	v31 =	vld [tilespmem:s14+$0x6EA0];
	[tilespmem:s14+$0x6E30] =	vst v19;
	v19 =	vmul.f32 v62, v59  }
0xcf: {  	v33 =	vld [tilespmem:s14+$0x6EB0];
	v32 =	vperm.xlane v17, v13;
	[tilespmem:s14+$0x6E40] =	vst v18;
	v18 =	vmul.f32 v63, v59  }
0xd0: {  	v34 =	vld [tilespmem:s14+$0x6EC0];
	[tilespmem:s14+$0x6E50] =	vst v19;
	v19 =	vmul.f32 v28, v59  }
0xd1: {  	v35 =	vld [tilespmem:s14+$0x6ED0];
	[tilespmem:s14+$0x6E60] =	vst v18;
	v18 =	vmul.f32 v29, v32  }
0xd2: {  	v36 =	vld [tilespmem:s14+$0x6EE0];
	[tilespmem:s14+$0x6E70] =	vst v19;
	v19 =	vmul.f32 v30, v32  }
0xd3: {  	v37 =	vld [tilespmem:s14+$0x6EF0];
	[tilespmem:s14+$0x6E80] =	vst v18;
	v18 =	vmul.f32 v31, v32  }
0xd4: {  	v38 =	vld [tilespmem:s14+$0x6F00];
	[tilespmem:s14+$0x6E90] =	vst v19;
	v19 =	vmul.f32 v33, v32  }
0xd5: {  	v39 =	vld [tilespmem:s14+$0x6F10];
	[tilespmem:s14+$0x6EA0] =	vst v18;
	v18 =	vmul.f32 v34, v32  }
0xd6: {  	v40 =	vld [tilespmem:s14+$0x6F20];
	[tilespmem:s14+$0x6EB0] =	vst v19;
	v19 =	vmul.f32 v35, v32  }
0xd7: {  	v42 =	vld [tilespmem:s14+$0x6F30];
	v41 =	vperm.xlane v17, v14;
	[tilespmem:s14+$0x6EC0] =	vst v18;
	v18 =	vmul.f32 v36, v32  }
0xd8: {  	v43 =	vld [tilespmem:s14+$0x6F40];
	[tilespmem:s14+$0x6ED0] =	vst v19;
	v19 =	vmul.f32 v37, v32  }
0xd9: {  	v44 =	vld [tilespmem:s14+$0x6F50];
	[tilespmem:s14+$0x6EE0] =	vst v18;
	v18 =	vmul.f32 v38, v41  }
0xda: {  	v45 =	vld [tilespmem:s14+$0x6F60];
	[tilespmem:s14+$0x6EF0] =	vst v19;
	v19 =	vmul.f32 v39, v41  }
0xdb: {  	v46 =	vld [tilespmem:s14+$0x6F70];
	[tilespmem:s14+$0x6F00] =	vst v18;
	v18 =	vmul.f32 v40, v41  }
0xdc: {  	v47 =	vld [tilespmem:s14+$0x6F80];
	[tilespmem:s14+$0x6F10] =	vst v19;
	v19 =	vmul.f32 v42, v41  }
0xdd: {  	v48 =	vld [tilespmem:s14+$0x6F90];
	[tilespmem:s14+$0x6F20] =	vst v18;
	v18 =	vmul.f32 v43, v41  }
0xde: {  	v49 =	vld [tilespmem:s14+$0x6FA0];
	[tilespmem:s14+$0x6F30] =	vst v19;
	v19 =	vmul.f32 v44, v41  }
0xdf: {  	v51 =	vld [tilespmem:s14+$0x6FB0];
	v50 =	vperm.xlane v17, v15;
	[tilespmem:s14+$0x6F40] =	vst v18;
	v18 =	vmul.f32 v45, v41  }
0xe0: {  	v52 =	vld [tilespmem:s14+$0x6FC0];
	[tilespmem:s14+$0x6F50] =	vst v19;
	v19 =	vmul.f32 v46, v41  }
0xe1: {  	v53 =	vld [tilespmem:s14+$0x6FD0];
	[tilespmem:s14+$0x6F60] =	vst v18;
	v18 =	vmul.f32 v47, v50  }
0xe2: {  	v54 =	vld [tilespmem:s14+$0x6FE0];
	[tilespmem:s14+$0x6F70] =	vst v19;
	v19 =	vmul.f32 v48, v50  }
0xe3: {  	v55 =	vld [tilespmem:s14+$0x6FF0];
	[tilespmem:s14+$0x6F80] =	vst v18;
	v18 =	vmul.f32 v49, v50  }
0xe4: {  	v56 =	vld [tilespmem:s14+$0x7000];
	[tilespmem:s14+$0x6F90] =	vst v19;
	v19 =	vmul.f32 v51, v50  }
0xe5: {  	v57 =	vld [tilespmem:s14+$0x7010];
	[tilespmem:s14+$0x6FA0] =	vst v18;
	v18 =	vmul.f32 v52, v50  }
0xe6: {  	v58 =	vld [tilespmem:s14+$0x7020];
	[tilespmem:s14+$0x6FB0] =	vst v19;
	v19 =	vmul.f32 v53, v50  }
0xe7: {  	v17 =	vperm.xlane v17, v16;
	v59 =	vld [tilespmem:s14+$0x7030];
	[tilespmem:s14+$0x6FC0] =	vst v18;
	v18 =	vmul.f32 v54, v50  }
0xe8: {  	v60 =	vld [tilespmem:s14+$0x7040];
	[tilespmem:s14+$0x6FD0] =	vst v19;
	v19 =	vmul.f32 v55, v50  }
0xe9: {  	v61 =	vld [tilespmem:s14+$0x7050];
	[tilespmem:s14+$0x6FE0] =	vst v18;
	v18 =	vmul.f32 v56, v17  }
0xea: {  	v62 =	vld [tilespmem:s14+$0x7060];
	[tilespmem:s14+$0x6FF0] =	vst v19;
	v19 =	vmul.f32 v57, v17  }
0xeb: {  	v63 =	vld [tilespmem:s14+$0x7070];
	[tilespmem:s14+$0x7000] =	vst v18;
	v18 =	vmul.f32 v58, v17  }
0xec: {  	[tilespmem:s14+$0x7010] =	vst v19;
	v19 =	vmul.f32 v59, v17  }
0xed: {  	p0 =	sne.s32 s13, $0x4;
	[tilespmem:s14+$0x7020] =	vst v18;
	v18 =	vmul.f32 v60, v17  }
.Ltmp1:
0xee: {  	[tilespmem:s14+$0x7030] =	vst v19;
	v19 =	vmul.f32 v61, v17;
	(pc) =	sbr.rel @p0 .LBB2_5-.Ltmp1, $4  }
0xef: {  	[tilespmem:s14+$0x7040] =	vst v18;
	v18 =	vmul.f32 v62, v17  }
0xf0: {  	[tilespmem:s14+$0x7050] =	vst v19;
	v17 =	vmul.f32 v63, v17  }
0xf1: {  	[tilespmem:s14+$0x7060] =	vst v18  }
0xf2: {  	s13 =	sadd.s32 $0x1, s13;
	[tilespmem:s14+$0x7070] =	vst v17  }
0xf3: {  	s13 =	sshll.u32 s11, $0x8  }
0xf4: {  	s13 =	sand.u32 $0x3FFFFF00, s13  }
0xf5: {  	p0 =	seq.s32 s11, $0x3E;
	s13 =	sadd.s32 $0x2780, s13  }
0xf6: {  	[spmem:s3] =	stream.indirect.scatter.add.f32 [tilespmem:s31], [sflag:$0x3], $0x80, s13, s2, $0xb8;
	[tilespmem:$0x1F880] =	vst v63  }
0xf7: {  	s13 =	smul.u32 @!p0 $0xA0, s11;
	_ =	swait.ge [sflag:s29], $0x2800  }
0xf8: {  	s14 =	simm.s32 @!p0 $0x50;
	[sflag:s29] =	ssyncset.done $0x0  }
0xf9: {  	s15 =	simm.s32 @!p0 $0x6880;
	s13 =	sadd.s32 @!p0 $0xA0, s13;
	[sflag:s29] =	ssyncadd.s32 $0xFFFFD800  }
0xfa: {  	[tilespmem:s15], [sflag:$0x1] =	stream.indirect.gather @!p0 [hbm4b:s1+s14], $0x80, s13, s14, $0xb8;
	[tilespmem:$0x1F880] =	vst v63  }
0xfb: {  	s13 =	sadd.s32 @!p0 s5, s13  }
0xfc: {  	s13 =	sshrl.u32 @!p0 s13, $0x3  }
0xfd: {  	s14 =	simm.s32 @!p0 $0x0;
	s15 =	simm.s32 @!p0 $0x6780;
	s13 =	sadd.s32 @!p0 s6, s13  }
0xfe: {  	[tilespmem:s15], [sflag:$0x1] =	stream.linear.gather @!p0 [hbm4b:s13+s14], $0x50, $0x38;
	[tilespmem:$0x1F880] =	vst v63  }
0xff: {  	_ =	swait.ge [sflag:s8], $0x2800  }
0x100: {  	[sflag:s8] =	ssyncset.done $0x0  }
0x101: {  	[sflag:s8] =	ssyncadd.s32 $0xFFFFD800  }
0x102: {  	_ =	swait.ge [sflag:s8], $0x50  }
0x103: {  	[sflag:s8] =	ssyncset.done $0x0  }
0x104: {  	s13 =	simm.s32 $0x0;
	[sflag:s8] =	ssyncadd.s32 $0xFFFFFFB0  }
.LBB2_7:
0x105: {  	s14 =	sshll.u32 s13, $0x4  }
0x106: {  	s14 =	sand.u32 $0x3FFFFFF0, s14  }
0x107: {  	s15 =	sshll.u32 s13, $0xB;
	v17 =	vld [tilespmem:s14+$0x6800]  }
0x108: {  	s14 =	sand.u32 $0x3FFFF800, s15  }
0x109: {  	v18 =	vld [tilespmem:s14+$0x9080]  }
0x10a: {  	v19 =	vld [tilespmem:s14+$0x9090]  }
0x10b: {  	v20 =	vld [tilespmem:s14+$0x90A0]  }
0x10c: {  	v22 =	vld [tilespmem:s14+$0x90B0];
	v21 =	vperm.xlane v17, v1  }
0x10d: {  	v23 =	vld [tilespmem:s14+$0x90C0]  }
0x10e: {  	v24 =	vld [tilespmem:s14+$0x90D0];
	v18 =	vmul.f32 v18, v21  }
0x10f: {  	v25 =	vld [tilespmem:s14+$0x90E0];
	v19 =	vmul.f32 v19, v21  }
0x110: {  	v38 =	vld [tilespmem:s14+$0x90F0];
	[tilespmem:s14+$0x9080] =	vst v18;
	v18 =	vmul.f32 v20, v21  }
0x111: {  	v39 =	vld [tilespmem:s14+$0x9100];
	[tilespmem:s14+$0x9090] =	vst v19;
	v19 =	vmul.f32 v22, v21  }
0x112: {  	v40 =	vld [tilespmem:s14+$0x9110];
	[tilespmem:s14+$0x90A0] =	vst v18;
	v18 =	vmul.f32 v23, v21  }
0x113: {  	v41 =	vld [tilespmem:s14+$0x9120];
	[tilespmem:s14+$0x90B0] =	vst v19;
	v19 =	vmul.f32 v24, v21  }
0x114: {  	v26 =	vld [tilespmem:s14+$0x9130];
	v42 =	vperm.xlane v17, v2;
	[tilespmem:s14+$0x90C0] =	vst v18;
	v18 =	vmul.f32 v25, v21  }
0x115: {  	v43 =	vld [tilespmem:s14+$0x9140];
	[tilespmem:s14+$0x90D0] =	vst v19;
	v19 =	vmul.f32 v38, v21  }
0x116: {  	v44 =	vld [tilespmem:s14+$0x9150];
	[tilespmem:s14+$0x90E0] =	vst v18;
	v18 =	vmul.f32 v39, v42  }
0x117: {  	v45 =	vld [tilespmem:s14+$0x9160];
	[tilespmem:s14+$0x90F0] =	vst v19;
	v19 =	vmul.f32 v40, v42  }
0x118: {  	v46 =	vld [tilespmem:s14+$0x9170];
	[tilespmem:s14+$0x9100] =	vst v18;
	v18 =	vmul.f32 v41, v42  }
0x119: {  	v47 =	vld [tilespmem:s14+$0x9180];
	[tilespmem:s14+$0x9110] =	vst v19;
	v19 =	vmul.f32 v26, v42  }
0x11a: {  	v48 =	vld [tilespmem:s14+$0x9190];
	[tilespmem:s14+$0x9120] =	vst v18;
	v18 =	vmul.f32 v43, v42  }
0x11b: {  	v49 =	vld [tilespmem:s14+$0x91A0];
	[tilespmem:s14+$0x9130] =	vst v19;
	v19 =	vmul.f32 v44, v42  }
0x11c: {  	v51 =	vld [tilespmem:s14+$0x91B0];
	v50 =	vperm.xlane v17, v3;
	[tilespmem:s14+$0x9140] =	vst v18;
	v18 =	vmul.f32 v45, v42  }
0x11d: {  	v52 =	vld [tilespmem:s14+$0x91C0];
	[tilespmem:s14+$0x9150] =	vst v19;
	v19 =	vmul.f32 v46, v42  }
0x11e: {  	v53 =	vld [tilespmem:s14+$0x91D0];
	[tilespmem:s14+$0x9160] =	vst v18;
	v18 =	vmul.f32 v47, v50  }
0x11f: {  	v54 =	vld [tilespmem:s14+$0x91E0];
	[tilespmem:s14+$0x9170] =	vst v19;
	v19 =	vmul.f32 v48, v50  }
0x120: {  	v55 =	vld [tilespmem:s14+$0x91F0];
	[tilespmem:s14+$0x9180] =	vst v18;
	v18 =	vmul.f32 v49, v50  }
0x121: {  	v56 =	vld [tilespmem:s14+$0x9200];
	[tilespmem:s14+$0x9190] =	vst v19;
	v19 =	vmul.f32 v51, v50  }
0x122: {  	v57 =	vld [tilespmem:s14+$0x9210];
	[tilespmem:s14+$0x91A0] =	vst v18;
	v18 =	vmul.f32 v52, v50  }
0x123: {  	v58 =	vld [tilespmem:s14+$0x9220];
	[tilespmem:s14+$0x91B0] =	vst v19;
	v19 =	vmul.f32 v53, v50  }
0x124: {  	v60 =	vld [tilespmem:s14+$0x9230];
	v59 =	vperm.xlane v17, v4;
	[tilespmem:s14+$0x91C0] =	vst v18;
	v18 =	vmul.f32 v54, v50  }
0x125: {  	v61 =	vld [tilespmem:s14+$0x9240];
	[tilespmem:s14+$0x91D0] =	vst v19;
	v19 =	vmul.f32 v55, v50  }
0x126: {  	v62 =	vld [tilespmem:s14+$0x9250];
	[tilespmem:s14+$0x91E0] =	vst v18;
	v18 =	vmul.f32 v56, v59  }
0x127: {  	v63 =	vld [tilespmem:s14+$0x9260];
	[tilespmem:s14+$0x91F0] =	vst v19;
	v19 =	vmul.f32 v57, v59  }
0x128: {  	v28 =	vld [tilespmem:s14+$0x9270];
	[tilespmem:s14+$0x9200] =	vst v18;
	v18 =	vmul.f32 v58, v59  }
0x129: {  	v29 =	vld [tilespmem:s14+$0x9280];
	[tilespmem:s14+$0x9210] =	vst v19;
	v19 =	vmul.f32 v60, v59  }
0x12a: {  	v30 =	vld [tilespmem:s14+$0x9290];
	[tilespmem:s14+$0x9220] =	vst v18;
	v18 =	vmul.f32 v61, v59  }
0x12b: {  	v31 =	vld [tilespmem:s14+$0x92A0];
	[tilespmem:s14+$0x9230] =	vst v19;
	v19 =	vmul.f32 v62, v59  }
0x12c: {  	v33 =	vld [tilespmem:s14+$0x92B0];
	v32 =	vperm.xlane v17, v5;
	[tilespmem:s14+$0x9240] =	vst v18;
	v18 =	vmul.f32 v63, v59  }
0x12d: {  	v34 =	vld [tilespmem:s14+$0x92C0];
	[tilespmem:s14+$0x9250] =	vst v19;
	v19 =	vmul.f32 v28, v59  }
0x12e: {  	v35 =	vld [tilespmem:s14+$0x92D0];
	[tilespmem:s14+$0x9260] =	vst v18;
	v18 =	vmul.f32 v29, v32  }
0x12f: {  	v36 =	vld [tilespmem:s14+$0x92E0];
	[tilespmem:s14+$0x9270] =	vst v19;
	v19 =	vmul.f32 v30, v32  }
0x130: {  	v37 =	vld [tilespmem:s14+$0x92F0];
	[tilespmem:s14+$0x9280] =	vst v18;
	v18 =	vmul.f32 v31, v32  }
0x131: {  	v38 =	vld [tilespmem:s14+$0x9300];
	[tilespmem:s14+$0x9290] =	vst v19;
	v19 =	vmul.f32 v33, v32  }
0x132: {  	v39 =	vld [tilespmem:s14+$0x9310];
	[tilespmem:s14+$0x92A0] =	vst v18;
	v18 =	vmul.f32 v34, v32  }
0x133: {  	v40 =	vld [tilespmem:s14+$0x9320];
	[tilespmem:s14+$0x92B0] =	vst v19;
	v19 =	vmul.f32 v35, v32  }
0x134: {  	v41 =	vperm.xlane v17, v6;
	v42 =	vld [tilespmem:s14+$0x9330];
	[tilespmem:s14+$0x92C0] =	vst v18;
	v18 =	vmul.f32 v36, v32  }
0x135: {  	v43 =	vld [tilespmem:s14+$0x9340];
	[tilespmem:s14+$0x92D0] =	vst v19;
	v19 =	vmul.f32 v37, v32  }
0x136: {  	v44 =	vld [tilespmem:s14+$0x9350];
	[tilespmem:s14+$0x92E0] =	vst v18;
	v18 =	vmul.f32 v38, v41  }
0x137: {  	v45 =	vld [tilespmem:s14+$0x9360];
	[tilespmem:s14+$0x92F0] =	vst v19;
	v19 =	vmul.f32 v39, v41  }
0x138: {  	v46 =	vld [tilespmem:s14+$0x9370];
	[tilespmem:s14+$0x9300] =	vst v18;
	v18 =	vmul.f32 v40, v41  }
0x139: {  	v47 =	vld [tilespmem:s14+$0x9380];
	[tilespmem:s14+$0x9310] =	vst v19;
	v19 =	vmul.f32 v42, v41  }
0x13a: {  	v48 =	vld [tilespmem:s14+$0x9390];
	[tilespmem:s14+$0x9320] =	vst v18;
	v18 =	vmul.f32 v43, v41  }
0x13b: {  	v49 =	vld [tilespmem:s14+$0x93A0];
	[tilespmem:s14+$0x9330] =	vst v19;
	v19 =	vmul.f32 v44, v41  }
0x13c: {  	v51 =	vld [tilespmem:s14+$0x93B0];
	v50 =	vperm.xlane v17, v7;
	[tilespmem:s14+$0x9340] =	vst v18;
	v18 =	vmul.f32 v45, v41  }
0x13d: {  	v52 =	vld [tilespmem:s14+$0x93C0];
	[tilespmem:s14+$0x9350] =	vst v19;
	v19 =	vmul.f32 v46, v41  }
0x13e: {  	v53 =	vld [tilespmem:s14+$0x93D0];
	[tilespmem:s14+$0x9360] =	vst v18;
	v18 =	vmul.f32 v47, v50  }
0x13f: {  	v54 =	vld [tilespmem:s14+$0x93E0];
	[tilespmem:s14+$0x9370] =	vst v19;
	v19 =	vmul.f32 v48, v50  }
0x140: {  	v55 =	vld [tilespmem:s14+$0x93F0];
	[tilespmem:s14+$0x9380] =	vst v18;
	v18 =	vmul.f32 v49, v50  }
0x141: {  	v56 =	vld [tilespmem:s14+$0x9400];
	[tilespmem:s14+$0x9390] =	vst v19;
	v19 =	vmul.f32 v51, v50  }
0x142: {  	v57 =	vld [tilespmem:s14+$0x9410];
	[tilespmem:s14+$0x93A0] =	vst v18;
	v18 =	vmul.f32 v52, v50  }
0x143: {  	v58 =	vld [tilespmem:s14+$0x9420];
	[tilespmem:s14+$0x93B0] =	vst v19;
	v19 =	vmul.f32 v53, v50  }
0x144: {  	v60 =	vld [tilespmem:s14+$0x9430];
	v59 =	vperm.xlane v17, v8;
	[tilespmem:s14+$0x93C0] =	vst v18;
	v18 =	vmul.f32 v54, v50  }
0x145: {  	v61 =	vld [tilespmem:s14+$0x9440];
	[tilespmem:s14+$0x93D0] =	vst v19;
	v19 =	vmul.f32 v55, v50  }
0x146: {  	v62 =	vld [tilespmem:s14+$0x9450];
	[tilespmem:s14+$0x93E0] =	vst v18;
	v18 =	vmul.f32 v56, v59  }
0x147: {  	v63 =	vld [tilespmem:s14+$0x9460];
	[tilespmem:s14+$0x93F0] =	vst v19;
	v19 =	vmul.f32 v57, v59  }
0x148: {  	v28 =	vld [tilespmem:s14+$0x9470];
	[tilespmem:s14+$0x9400] =	vst v18;
	v18 =	vmul.f32 v58, v59  }
0x149: {  	v29 =	vld [tilespmem:s14+$0x9480];
	[tilespmem:s14+$0x9410] =	vst v19;
	v19 =	vmul.f32 v60, v59  }
0x14a: {  	v30 =	vld [tilespmem:s14+$0x9490];
	[tilespmem:s14+$0x9420] =	vst v18;
	v18 =	vmul.f32 v61, v59  }
0x14b: {  	v31 =	vld [tilespmem:s14+$0x94A0];
	[tilespmem:s14+$0x9430] =	vst v19;
	v19 =	vmul.f32 v62, v59  }
0x14c: {  	v33 =	vld [tilespmem:s14+$0x94B0];
	v32 =	vperm.xlane v17, v9;
	[tilespmem:s14+$0x9440] =	vst v18;
	v18 =	vmul.f32 v63, v59  }
0x14d: {  	v34 =	vld [tilespmem:s14+$0x94C0];
	[tilespmem:s14+$0x9450] =	vst v19;
	v19 =	vmul.f32 v28, v59  }
0x14e: {  	v35 =	vld [tilespmem:s14+$0x94D0];
	[tilespmem:s14+$0x9460] =	vst v18;
	v18 =	vmul.f32 v29, v32  }
0x14f: {  	v36 =	vld [tilespmem:s14+$0x94E0];
	[tilespmem:s14+$0x9470] =	vst v19;
	v19 =	vmul.f32 v30, v32  }
0x150: {  	v37 =	vld [tilespmem:s14+$0x94F0];
	[tilespmem:s14+$0x9480] =	vst v18;
	v18 =	vmul.f32 v31, v32  }
0x151: {  	v38 =	vld [tilespmem:s14+$0x9500];
	[tilespmem:s14+$0x9490] =	vst v19;
	v19 =	vmul.f32 v33, v32  }
0x152: {  	v39 =	vld [tilespmem:s14+$0x9510];
	[tilespmem:s14+$0x94A0] =	vst v18;
	v18 =	vmul.f32 v34, v32  }
0x153: {  	v40 =	vld [tilespmem:s14+$0x9520];
	[tilespmem:s14+$0x94B0] =	vst v19;
	v19 =	vmul.f32 v35, v32  }
0x154: {  	v42 =	vld [tilespmem:s14+$0x9530];
	v41 =	vperm.xlane v17, v10;
	[tilespmem:s14+$0x94C0] =	vst v18;
	v18 =	vmul.f32 v36, v32  }
0x155: {  	v43 =	vld [tilespmem:s14+$0x9540];
	[tilespmem:s14+$0x94D0] =	vst v19;
	v19 =	vmul.f32 v37, v32  }
0x156: {  	v44 =	vld [tilespmem:s14+$0x9550];
	[tilespmem:s14+$0x94E0] =	vst v18;
	v18 =	vmul.f32 v38, v41  }
0x157: {  	v45 =	vld [tilespmem:s14+$0x9560];
	[tilespmem:s14+$0x94F0] =	vst v19;
	v19 =	vmul.f32 v39, v41  }
0x158: {  	v46 =	vld [tilespmem:s14+$0x9570];
	[tilespmem:s14+$0x9500] =	vst v18;
	v18 =	vmul.f32 v40, v41  }
0x159: {  	v47 =	vld [tilespmem:s14+$0x9580];
	[tilespmem:s14+$0x9510] =	vst v19;
	v19 =	vmul.f32 v42, v41  }
0x15a: {  	v48 =	vld [tilespmem:s14+$0x9590];
	[tilespmem:s14+$0x9520] =	vst v18;
	v18 =	vmul.f32 v43, v41  }
0x15b: {  	v49 =	vld [tilespmem:s14+$0x95A0];
	[tilespmem:s14+$0x9530] =	vst v19;
	v19 =	vmul.f32 v44, v41  }
0x15c: {  	v51 =	vld [tilespmem:s14+$0x95B0];
	v50 =	vperm.xlane v17, v11;
	[tilespmem:s14+$0x9540] =	vst v18;
	v18 =	vmul.f32 v45, v41  }
0x15d: {  	v52 =	vld [tilespmem:s14+$0x95C0];
	[tilespmem:s14+$0x9550] =	vst v19;
	v19 =	vmul.f32 v46, v41  }
0x15e: {  	v53 =	vld [tilespmem:s14+$0x95D0];
	[tilespmem:s14+$0x9560] =	vst v18;
	v18 =	vmul.f32 v47, v50  }
0x15f: {  	v54 =	vld [tilespmem:s14+$0x95E0];
	[tilespmem:s14+$0x9570] =	vst v19;
	v19 =	vmul.f32 v48, v50  }
0x160: {  	v55 =	vld [tilespmem:s14+$0x95F0];
	[tilespmem:s14+$0x9580] =	vst v18;
	v18 =	vmul.f32 v49, v50  }
0x161: {  	v56 =	vld [tilespmem:s14+$0x9600];
	[tilespmem:s14+$0x9590] =	vst v19;
	v19 =	vmul.f32 v51, v50  }
0x162: {  	v57 =	vld [tilespmem:s14+$0x9610];
	[tilespmem:s14+$0x95A0] =	vst v18;
	v18 =	vmul.f32 v52, v50  }
0x163: {  	v58 =	vld [tilespmem:s14+$0x9620];
	[tilespmem:s14+$0x95B0] =	vst v19;
	v19 =	vmul.f32 v53, v50  }
0x164: {  	v60 =	vld [tilespmem:s14+$0x9630];
	v59 =	vperm.xlane v17, v12;
	[tilespmem:s14+$0x95C0] =	vst v18;
	v18 =	vmul.f32 v54, v50  }
0x165: {  	v61 =	vld [tilespmem:s14+$0x9640];
	[tilespmem:s14+$0x95D0] =	vst v19;
	v19 =	vmul.f32 v55, v50  }
0x166: {  	v62 =	vld [tilespmem:s14+$0x9650];
	[tilespmem:s14+$0x95E0] =	vst v18;
	v18 =	vmul.f32 v56, v59  }
0x167: {  	v63 =	vld [tilespmem:s14+$0x9660];
	[tilespmem:s14+$0x95F0] =	vst v19;
	v19 =	vmul.f32 v57, v59  }
0x168: {  	v28 =	vld [tilespmem:s14+$0x9670];
	[tilespmem:s14+$0x9600] =	vst v18;
	v18 =	vmul.f32 v58, v59  }
0x169: {  	v29 =	vld [tilespmem:s14+$0x9680];
	[tilespmem:s14+$0x9610] =	vst v19;
	v19 =	vmul.f32 v60, v59  }
0x16a: {  	v30 =	vld [tilespmem:s14+$0x9690];
	[tilespmem:s14+$0x9620] =	vst v18;
	v18 =	vmul.f32 v61, v59  }
0x16b: {  	v31 =	vld [tilespmem:s14+$0x96A0];
	[tilespmem:s14+$0x9630] =	vst v19;
	v19 =	vmul.f32 v62, v59  }
0x16c: {  	v33 =	vld [tilespmem:s14+$0x96B0];
	v32 =	vperm.xlane v17, v13;
	[tilespmem:s14+$0x9640] =	vst v18;
	v18 =	vmul.f32 v63, v59  }
0x16d: {  	v34 =	vld [tilespmem:s14+$0x96C0];
	[tilespmem:s14+$0x9650] =	vst v19;
	v19 =	vmul.f32 v28, v59  }
0x16e: {  	v35 =	vld [tilespmem:s14+$0x96D0];
	[tilespmem:s14+$0x9660] =	vst v18;
	v18 =	vmul.f32 v29, v32  }
0x16f: {  	v36 =	vld [tilespmem:s14+$0x96E0];
	[tilespmem:s14+$0x9670] =	vst v19;
	v19 =	vmul.f32 v30, v32  }
0x170: {  	v37 =	vld [tilespmem:s14+$0x96F0];
	[tilespmem:s14+$0x9680] =	vst v18;
	v18 =	vmul.f32 v31, v32  }
0x171: {  	v38 =	vld [tilespmem:s14+$0x9700];
	[tilespmem:s14+$0x9690] =	vst v19;
	v19 =	vmul.f32 v33, v32  }
0x172: {  	v39 =	vld [tilespmem:s14+$0x9710];
	[tilespmem:s14+$0x96A0] =	vst v18;
	v18 =	vmul.f32 v34, v32  }
0x173: {  	v40 =	vld [tilespmem:s14+$0x9720];
	[tilespmem:s14+$0x96B0] =	vst v19;
	v19 =	vmul.f32 v35, v32  }
0x174: {  	v42 =	vld [tilespmem:s14+$0x9730];
	v41 =	vperm.xlane v17, v14;
	[tilespmem:s14+$0x96C0] =	vst v18;
	v18 =	vmul.f32 v36, v32  }
0x175: {  	v43 =	vld [tilespmem:s14+$0x9740];
	[tilespmem:s14+$0x96D0] =	vst v19;
	v19 =	vmul.f32 v37, v32  }
0x176: {  	v44 =	vld [tilespmem:s14+$0x9750];
	[tilespmem:s14+$0x96E0] =	vst v18;
	v18 =	vmul.f32 v38, v41  }
0x177: {  	v45 =	vld [tilespmem:s14+$0x9760];
	[tilespmem:s14+$0x96F0] =	vst v19;
	v19 =	vmul.f32 v39, v41  }
0x178: {  	v46 =	vld [tilespmem:s14+$0x9770];
	[tilespmem:s14+$0x9700] =	vst v18;
	v18 =	vmul.f32 v40, v41  }
0x179: {  	v47 =	vld [tilespmem:s14+$0x9780];
	[tilespmem:s14+$0x9710] =	vst v19;
	v19 =	vmul.f32 v42, v41  }
0x17a: {  	v48 =	vld [tilespmem:s14+$0x9790];
	[tilespmem:s14+$0x9720] =	vst v18;
	v18 =	vmul.f32 v43, v41  }
0x17b: {  	v49 =	vld [tilespmem:s14+$0x97A0];
	[tilespmem:s14+$0x9730] =	vst v19;
	v19 =	vmul.f32 v44, v41  }
0x17c: {  	v51 =	vld [tilespmem:s14+$0x97B0];
	v50 =	vperm.xlane v17, v15;
	[tilespmem:s14+$0x9740] =	vst v18;
	v18 =	vmul.f32 v45, v41  }
0x17d: {  	v52 =	vld [tilespmem:s14+$0x97C0];
	[tilespmem:s14+$0x9750] =	vst v19;
	v19 =	vmul.f32 v46, v41  }
0x17e: {  	v53 =	vld [tilespmem:s14+$0x97D0];
	[tilespmem:s14+$0x9760] =	vst v18;
	v18 =	vmul.f32 v47, v50  }
0x17f: {  	v54 =	vld [tilespmem:s14+$0x97E0];
	[tilespmem:s14+$0x9770] =	vst v19;
	v19 =	vmul.f32 v48, v50  }
0x180: {  	v55 =	vld [tilespmem:s14+$0x97F0];
	[tilespmem:s14+$0x9780] =	vst v18;
	v18 =	vmul.f32 v49, v50  }
0x181: {  	v56 =	vld [tilespmem:s14+$0x9800];
	[tilespmem:s14+$0x9790] =	vst v19;
	v19 =	vmul.f32 v51, v50  }
0x182: {  	v57 =	vld [tilespmem:s14+$0x9810];
	[tilespmem:s14+$0x97A0] =	vst v18;
	v18 =	vmul.f32 v52, v50  }
0x183: {  	v58 =	vld [tilespmem:s14+$0x9820];
	[tilespmem:s14+$0x97B0] =	vst v19;
	v19 =	vmul.f32 v53, v50  }
0x184: {  	v17 =	vperm.xlane v17, v16;
	v59 =	vld [tilespmem:s14+$0x9830];
	[tilespmem:s14+$0x97C0] =	vst v18;
	v18 =	vmul.f32 v54, v50  }
0x185: {  	v60 =	vld [tilespmem:s14+$0x9840];
	[tilespmem:s14+$0x97D0] =	vst v19;
	v19 =	vmul.f32 v55, v50  }
0x186: {  	v61 =	vld [tilespmem:s14+$0x9850];
	[tilespmem:s14+$0x97E0] =	vst v18;
	v18 =	vmul.f32 v56, v17  }
0x187: {  	v62 =	vld [tilespmem:s14+$0x9860];
	[tilespmem:s14+$0x97F0] =	vst v19;
	v19 =	vmul.f32 v57, v17  }
0x188: {  	v63 =	vld [tilespmem:s14+$0x9870];
	[tilespmem:s14+$0x9800] =	vst v18;
	v18 =	vmul.f32 v58, v17  }
0x189: {  	[tilespmem:s14+$0x9810] =	vst v19;
	v19 =	vmul.f32 v59, v17  }
0x18a: {  	p0 =	sne.s32 s13, $0x4;
	[tilespmem:s14+$0x9820] =	vst v18;
	v18 =	vmul.f32 v60, v17  }
.Ltmp2:
0x18b: {  	[tilespmem:s14+$0x9830] =	vst v19;
	v19 =	vmul.f32 v61, v17;
	(pc) =	sbr.rel @p0 .LBB2_7-.Ltmp2, $4  }
0x18c: {  	[tilespmem:s14+$0x9840] =	vst v18;
	v18 =	vmul.f32 v62, v17  }
0x18d: {  	[tilespmem:s14+$0x9850] =	vst v19;
	v17 =	vmul.f32 v63, v17  }
0x18e: {  	[tilespmem:s14+$0x9860] =	vst v18  }
0x18f: {  	s13 =	sadd.s32 $0x1, s13;
	[tilespmem:s14+$0x9870] =	vst v17  }
0x190: {  	s12 =	sshll.u32 s12, $0x7;
	s11 =	sadd.s32 $0x1, s11  }
0x191: {  	s12 =	sand.u32 $0x3FFFFF80, s12;
	p0 =	sne.s32 s11, $0x3F  }
.Ltmp3:
0x192: {  	s12 =	sadd.s32 $0x2780, s12;
	(pc) =	sbr.rel @p0 .LBB2_4-.Ltmp3, $4  }
0x193: {  	[spmem:s3] =	stream.indirect.scatter.add.f32 [tilespmem:s30], [sflag:$0x3], $0x80, s12, s2, $0xb8;
	[tilespmem:$0x1F880] =	vst v63  }
0x194: {  	_ =	swait.ge [sflag:s29], $0x2800  }
0x195: {  	[sflag:s29] =	ssyncset.done $0x0  }
0x196: {  	[sflag:s29] =	ssyncadd.s32 $0xFFFFD800  }
0x197: {  	s10 =	stileid.u32  }
0x198: {  	[bflag:$0x0] =	sbarrier.arrive $0xFFFF;
	s10 =	sshll.u32 s10, $0x6  }
0x199: {  	s11 =	sshrl.u32 s7, $0x3;
	s12 =	rddreg [dreg:$0xa];
	s10 =	sor.u32 $0x1C03, s10  }
0x19a: {  	[hbm:s12], [sflag:s10] =	dma.local [spmem:s11], $0x800  }
0x19b: {  	_ =	swait.ge [sflag:s29], $0x800  }
0x19c: {  	[sflag:s29] =	ssyncset.done $0x0  }
0x19d: {  	s15 =	rddreg [dreg:$0xb];
	[sflag:s29] =	ssyncadd.s32 $0xFFFFF800  }
0x19e: {  	[hbm:s15], [sflag:s10] =	dma.local [spmem:s22], $0x800  }
0x19f: {  	_ =	swait.ge [sflag:s29], $0x800  }
0x1a0: {  	[sflag:s29] =	ssyncset.done $0x0  }
0x1a1: {  	[sflag:s29] =	ssyncadd.s32 $0xFFFFF800  }
0x1a2: {  	[hbm:s16], [sflag:s10] =	dma.local [spmem:s23], $0x800  }
0x1a3: {  	_ =	swait.ge [sflag:s29], $0x800  }
0x1a4: {  	[sflag:s29] =	ssyncset.done $0x0  }
0x1a5: {  	[sflag:s29] =	ssyncadd.s32 $0xFFFFF800  }
0x1a6: {  	[hbm:s17], [sflag:s10] =	dma.local [spmem:s24], $0x800  }
0x1a7: {  	s9 =	sadd.s32 $0x1, s9;
	_ =	swait.ge [sflag:s29], $0x800  }
0x1a8: {  	p0 =	sne.s32 s9, s21;
	[sflag:s29] =	ssyncset.done $0x0  }
.Ltmp4:
0x1a9: {  	[sflag:s29] =	ssyncadd.s32 $0xFFFFF800;
	(pc) =	sbr.rel @p0 .LBB2_1-.Ltmp4, $4  }
0x1aa: {  	[hbm:s18], [sflag:s10] =	dma.local [spmem:s25], $0x800  }
0x1ab: {  	_ =	swait.ge [sflag:s29], $0x800  }
0x1ac: {  	[sflag:s29] =	ssyncset.done $0x0  }
0x1ad: {  	[sflag:s29] =	ssyncadd.s32 $0xFFFFF800  }
0x1ae: {  	_ =	sfence.sel $0x180000  }
0x1af: {  	[bflag:$0x0] =	sbarrier.arrive $0xFFFF  }
0x1b0: {  	_ =	strace $0x90000047  }
0x1b1: {  	s0 =	stileid.u32;
	[bflag:$0x2] =	sbarrier.arrive $0xFFFF  }
0x1b2: {  	p0 =	sne.s32 s0, $0x0;
	s0 =	rddreg [dreg:$0x3]  }
0x1b3: {  	s0 =	sadd.s32 @!p0 $0x100000, s0  }
0x1b4: {  	[sflag:s0] =	ssyncadd.tile.s32 @!p0 $0x1;
	_ =	shalt  }
.Lfunc_end2:
_tile_overlayer_lowered:
.L_overlay_start_2:
0x1b5: {  	(tag) =	ssettag $0x2  }
0x1b6: {  	s0 =	rddreg [dreg:$0x0];
	s2 =	stileid.u32  }
0x1b7: {  	s1 =	rddreg [dreg:$0x1];
	p0 =	sne.s32 s2, $0x0  }
0x1b8: {  	s3 =	rddreg [dreg:$0x2];
	[bflag:$0x3] =	sbarrier.arrive $0xFFFF;
	s2 =	simm.s32 @!p0 $0x1C03  }
0x1b9: {  	[timem:s3], [sflag:s2] =	dma.local @!p0 [hbm:s0], s1  }
0x1ba: {  	s0 =	simm.s32 @!p0 $0x3  }
0x1bb: {  	_ =	swait.ge @!p0 [sflag:s0], s1  }
0x1bc: {  	s1 =	ssub.s32 @!p0 $0x0, s1;
	[sflag:s0] =	ssyncset.done @!p0 $0x0  }
0x1bd: {  	[sflag:s0] =	ssyncadd.s32 @!p0 s1  }
0x1be: {  	[bflag:$0x3] =	sbarrier.arrive $0xFFFF  }
0x1bf: {  	_ =	shalt  }

</sc_bundles>
